<compile_context>
chip_gen: v7x
topology: tpu7x:2x2x1
jax: 0.10.2.dev20260603
libtpu: 0.0.44.dev20260713+nightly
codegen_flags: <defaults>
</compile_context>

<pallas_src>
import functools

import numpy as np
import jax
import jax.numpy as jnp
from jax import lax
from jax.experimental import pallas as pl
from jax.experimental.pallas import tpu as pltpu
from jax.experimental.pallas import tpu_sc as plsc

_A = float(np.arctanh(1.0 - 1e-4))

_NS, _LANES = 16, 16
_R = 256
_G = 64
_G2 = 128
_CK = 64
_GG = 16
_NB = 5


def _clip_norm(t):
    n = jnp.sqrt(jnp.sum(t * t, axis=-1, keepdims=True))
    return t * jnp.where(n > _A, _A / n, 1.0)



def _in_body(x_ref, wi_ref, bi_ref, w0_ref, b0_ref, degp_ref, h_ref, degc_ref):
    t = jnp.dot(x_ref[...], wi_ref[...], preferred_element_type=jnp.float32)
    t = _clip_norm(t + bi_ref[...])
    h_ref[...] = jnp.dot(t, w0_ref[...], preferred_element_type=jnp.float32) + b0_ref[...]
    degc_ref[...] = jnp.maximum(jnp.sum(degp_ref[...], axis=0), 1.0)[:, None]


def _layer_body(p_ref, degc_ref, w_ref, b_ref, h_ref):
    v = jax.nn.relu(p_ref[...] / degc_ref[...])
    t = _clip_norm(v)
    h_ref[...] = jnp.dot(t, w_ref[...], preferred_element_type=jnp.float32) + b_ref[...]


def _out_body(p_ref, degc_ref, batch_ref, wc_ref, bc_ref, out_ref, sums_ref, cnts_ref):
    i = pl.program_id(0)

    @pl.when(i == 0)
    def _():
        sums_ref[...] = jnp.zeros_like(sums_ref)
        cnts_ref[...] = jnp.zeros_like(cnts_ref)

    v = jax.nn.relu(p_ref[...] / degc_ref[...])
    t = _clip_norm(v)
    gids = lax.broadcasted_iota(jnp.int32, (_R, _G2), 1)
    onehot = (batch_ref[...] == gids).astype(jnp.float32)
    dn = (((0,), (0,)), ((), ()))
    sums_ref[...] += lax.dot_general(onehot, t, dn, preferred_element_type=jnp.float32)
    cnts_ref[...] += lax.dot_general(
        onehot, jnp.ones(t.shape, jnp.float32), dn, preferred_element_type=jnp.float32)

    @pl.when(i == pl.num_programs(0) - 1)
    def _():
        g = sums_ref[...] / jnp.maximum(cnts_ref[...], 1.0)
        g = _clip_norm(g)
        o = jnp.dot(g, wc_ref[...], preferred_element_type=jnp.float32) + bc_ref[...]
        out_ref[...] = jax.nn.sigmoid(o[:_G, :])



def _deg_body(ch, dst_hbm, zn_hbm, out_hbm, didx, hist):
    s = lax.axis_index("s")
    pltpu.sync_copy(dst_hbm.at[s], didx)
    pltpu.sync_copy(zn_hbm, hist)
    ones16 = jnp.ones((_LANES,), jnp.float32)

    def body(j, carry):
        for k in range(128 // _LANES):
            idx = didx[j, pl.ds(k * _LANES, _LANES)]
            plsc.addupdate_scatter(hist, [idx], ones16)
        return carry

    lax.fori_loop(0, ch, body, 0)
    pltpu.sync_copy(hist, out_hbm.at[s])


def _part_body(cap, npad, src_hbm, dst_hbm, elist_hbm, sin_s, sin_d, ls2, ld2):
    s = lax.axis_index("s")
    bs = npad // 4
    pltpu.sync_copy(src_hbm.at[s], sin_s)
    pltpu.sync_copy(dst_hbm.at[s], sin_d)

    def cbody(i, carry):
        c0, c1, c2 = carry
        sv = sin_s[pl.ds(i * _LANES, _LANES)]
        m0 = sv < bs
        m1 = jnp.logical_and(jnp.logical_not(m0), sv < 2 * bs)
        m2 = jnp.logical_and(sv >= 2 * bs, sv < 3 * bs)
        n0 = jnp.max(plsc.all_reduce_population_count(m0))
        n1 = jnp.max(plsc.all_reduce_population_count(m1))
        n2 = jnp.max(plsc.all_reduce_population_count(m2))
        return (c0 + n0, c1 + n1, c2 + n2)

    z = jnp.int32(0)
    c0, c1, c2 = lax.fori_loop(0, cap // _LANES, cbody, (z, z, z))
    b1, b2, b3 = c0, c0 + c1, c0 + c1 + c2

    def sbody(i, carry):
        o0, o1, o2, o3 = carry
        sv = sin_s[pl.ds(i * _LANES, _LANES)]
        dv = sin_d[pl.ds(i * _LANES, _LANES)]
        m0 = sv < bs
        m01 = sv < 2 * bs
        m012 = sv < 3 * bs
        m1 = jnp.logical_and(jnp.logical_not(m0), m01)
        m2 = jnp.logical_and(jnp.logical_not(m01), m012)
        cum0 = plsc.cumsum(m0.astype(jnp.int32))
        cum1 = plsc.cumsum(m1.astype(jnp.int32))
        cum2 = plsc.cumsum(m2.astype(jnp.int32))
        cum3 = plsc.cumsum(jnp.logical_not(m012).astype(jnp.int32))
        pos = jnp.where(
            m0, o0 + cum0 - 1,
            jnp.where(m1, b1 + o1 + cum1 - 1,
                      jnp.where(m2, b2 + o2 + cum2 - 1, b3 + o3 + cum3 - 1)))
        plsc.store_scatter(ls2, [pos], sv)
        plsc.store_scatter(ld2, [pos], dv)
        return (o0 + jnp.max(cum0), o1 + jnp.max(cum1),
                o2 + jnp.max(cum2), o3 + jnp.max(cum3))

    lax.fori_loop(0, cap // _LANES, sbody, (z, z, z, z))
    pltpu.sync_copy(ls2, elist_hbm.at[s, 0])
    pltpu.sync_copy(ld2, elist_hbm.at[s, 1])


def _edge_body(ch, npad, h_hbm, els_hbm, eld_hbm, zblk_hbm, out_hbm,
               estS, estD, bufs, acc, gsems, ssems, esemS, esemD):
    s = lax.axis_index("s")
    nb = len(bufs)
    ng = ch // _GG
    rows_per_sub = npad // _NS
    base = s * rows_per_sub
    for k in range(rows_per_sub // 128):
        pltpu.sync_copy(zblk_hbm, acc.at[pl.ds(base + k * 128, 128)])
    plsc.subcore_barrier()

    zi = jnp.int32(0)
    pltpu.async_copy(els_hbm.at[s, zi], estS.at[0], esemS)
    pltpu.async_copy(eld_hbm.at[s, zi], estD.at[0], esemD)

    def body(g, carry):
        p = g & 1
        pltpu.make_async_copy(els_hbm.at[s, g], estS.at[p], esemS).wait()
        pltpu.make_async_copy(eld_hbm.at[s, g], estD.at[p], esemD).wait()

        def fire_gather(k):
            return pltpu.async_copy(
                h_hbm.at[estS.at[p, k]], bufs[k % nb], gsems[k % nb])

        gcp = [None] * _GG
        scp = [None] * _GG
        for k in range(nb - 1):
            gcp[k] = fire_gather(k)
        for k in range(_GG):
            b = k % nb
            gcp[k].wait()
            scp[k] = pltpu.async_copy(
                bufs[b], acc.at[estD.at[p, k]], ssems[b], add=True)
            nk = k + nb - 1
            if nk < _GG:
                if nk - nb >= 0:
                    scp[nk - nb].wait()
                gcp[nk] = fire_gather(nk)
        @pl.when(g + 1 < ng)
        def _():
            pltpu.async_copy(els_hbm.at[s, g + 1], estS.at[1 - p], esemS)
            pltpu.async_copy(eld_hbm.at[s, g + 1], estD.at[1 - p], esemD)
        for k in range(_GG - nb, _GG):
            if k >= 0 and scp[k] is not None:
                scp[k].wait()
        return carry

    lax.fori_loop(0, ng, body, 0)
    plsc.subcore_barrier()
    pltpu.sync_copy(acc.at[pl.ds(base, rows_per_sub)],
                    out_hbm.at[pl.ds(base, rows_per_sub)])



def _sc_mesh():
    return plsc.VectorSubcoreMesh(
        core_axis_name="c", subcore_axis_name="s", num_cores=1)


def _tc_specs(npad, hdim):
    row = pl.BlockSpec((_R, hdim), lambda i: (i, 0))
    col1 = pl.BlockSpec((_R, 1), lambda i: (i, 0))
    wmat = pl.BlockSpec((hdim, hdim), lambda i: (0, 0))
    brow = pl.BlockSpec((1, hdim), lambda i: (0, 0))
    return row, col1, wmat, brow


def _run_in(xp, w_in, b_in2, w0, b02, degp, npad, hdim):
    row, col1, wmat, brow = _tc_specs(npad, hdim)
    degp_spec = pl.BlockSpec((_NS, _R), lambda i: (0, i))
    return pl.pallas_call(
        _in_body,
        grid=(npad // _R,),
        in_specs=[row, wmat, brow, wmat, brow, degp_spec],
        out_specs=[row, col1],
        out_shape=[
            jax.ShapeDtypeStruct((npad, hdim), jnp.float32),
            jax.ShapeDtypeStruct((npad, 1), jnp.float32),
        ],
    )(xp, w_in, b_in2, w0, b02, degp)


def _run_layer(p, degc, w, b2, npad, hdim):
    row, col1, wmat, brow = _tc_specs(npad, hdim)
    return pl.pallas_call(
        _layer_body,
        grid=(npad // _R,),
        in_specs=[row, col1, wmat, brow],
        out_specs=row,
        out_shape=jax.ShapeDtypeStruct((npad, hdim), jnp.float32),
    )(p, degc, w, b2)


def _run_out(p, degc, batchp, w_cls, b_cls2, npad, hdim, odim):
    row, col1, _, _ = _tc_specs(npad, hdim)
    bt_spec = pl.BlockSpec((_R, 1), lambda i: (i, 0))
    wc_spec = pl.BlockSpec((hdim, odim), lambda i: (0, 0))
    bc_spec = pl.BlockSpec((1, odim), lambda i: (0, 0))
    out_spec = pl.BlockSpec((_G, odim), lambda i: (0, 0))
    return pl.pallas_call(
        _out_body,
        grid=(npad // _R,),
        in_specs=[row, col1, bt_spec, wc_spec, bc_spec],
        out_specs=out_spec,
        out_shape=jax.ShapeDtypeStruct((_G, odim), jnp.float32),
        scratch_shapes=[
            pltpu.VMEM((_G2, hdim), jnp.float32),
            pltpu.VMEM((_G2, hdim), jnp.float32),
        ],
    )(p, degc, batchp, w_cls, b_cls2)


def _run_deg(dst3, zn, ch, npad):
    body = functools.partial(_deg_body, ch)
    return pl.kernel(
        body,
        out_type=jax.ShapeDtypeStruct((_NS, npad), jnp.float32),
        mesh=_sc_mesh(),
        compiler_params=pltpu.CompilerParams(needs_layout_passes=False),
        scratch_types=[
            pltpu.VMEM((ch, 128), jnp.int32),
            pltpu.VMEM((npad,), jnp.float32),
        ],
    )(dst3, zn)


def _run_part(srcf, dstf, cap, npad):
    body = functools.partial(_part_body, cap, npad)
    return pl.kernel(
        body,
        out_type=jax.ShapeDtypeStruct((_NS, 2, cap), jnp.int32),
        mesh=_sc_mesh(),
        compiler_params=pltpu.CompilerParams(needs_layout_passes=False),
        scratch_types=[pltpu.VMEM((cap,), jnp.int32) for _ in range(4)],
    )(srcf, dstf)


def _run_edges(h, elist, zblk, ch, npad, hdim):
    cap = ch * _CK
    ng = cap // (_GG * _CK)
    els = elist[:, 0].reshape(_NS, ng, _GG, _CK)
    eld = elist[:, 1].reshape(_NS, ng, _GG, _CK)

    def body(h_hbm, els_hbm, eld_hbm, zblk_hbm, out_hbm, estS, estD,
             b0, b1, b2, b3, b4, acc, g0, g1, g2, g3, g4,
             s0, s1, s2, s3, s4, eS, eD):
        _edge_body(ch, npad, h_hbm, els_hbm, eld_hbm, zblk_hbm, out_hbm,
                   estS, estD, (b0, b1, b2, b3, b4), acc,
                   (g0, g1, g2, g3, g4), (s0, s1, s2, s3, s4), eS, eD)

    return pl.kernel(
        body,
        out_type=jax.ShapeDtypeStruct((npad, hdim), jnp.float32),
        mesh=_sc_mesh(),
        scratch_types=(
            [pltpu.VMEM((2, _GG, _CK), jnp.int32),
             pltpu.VMEM((2, _GG, _CK), jnp.int32)]
            + [pltpu.VMEM((_CK, hdim), jnp.float32) for _ in range(_NB)]
            + [pltpu.VMEM_SHARED((npad, hdim), jnp.float32)]
            + [pltpu.SemaphoreType.DMA for _ in range(2 * _NB + 2)]
        ),
    )(h, els, eld, zblk)



def kernel(x, edge_index, batch, W_in, b_in, W0, b0, W1, b1, W2, b2,
           W_cls, b_cls):
    n, _ = x.shape
    hdim = W0.shape[0]
    odim = W_cls.shape[1]
    e = edge_index.shape[1]

    npad = -(-n // (_NS * 128)) * (_NS * 128)
    ch = -(-e // (_NS * _CK * _GG)) * _GG
    ep = _NS * ch * _CK
    chd = -(-e // (_NS * 128 * 4)) * 4
    epd = _NS * chd * 128

    src = jnp.concatenate([edge_index[0], jnp.zeros((ep - e,), jnp.int32)])
    dst = jnp.concatenate([edge_index[1], jnp.full((ep - e,), n, jnp.int32)])
    dstd = jnp.concatenate([edge_index[1], jnp.full((epd - e,), n, jnp.int32)])
    dst3 = dstd.reshape(_NS, chd, 128)
    cap = ch * _CK
    srcf = src.reshape(_NS, cap)
    dstf = dst.reshape(_NS, cap)

    xp = jnp.pad(x, ((0, npad - n), (0, 0)))
    batchp = jnp.pad(batch, (0, npad - n), constant_values=_G)[:, None]
    zblk = jnp.zeros((128, hdim), jnp.float32)
    zn = jnp.zeros((npad,), jnp.float32)
    b_in2 = b_in[None, :]
    b02 = b0[None, :]
    b12 = b1[None, :]
    b22 = b2[None, :]
    b_cls2 = b_cls[None, :]

    elist = _run_part(srcf, dstf, cap, npad)
    degp = _run_deg(dst3, zn, chd, npad)
    h, degc = _run_in(xp, W_in, b_in2, W0, b02, degp, npad, hdim)
    for w, b2w in ((W1, b12), (W2, b22)):
        p = _run_edges(h, elist, zblk, ch, npad, hdim)
        h = _run_layer(p, degc, w, b2w, npad, hdim)
    p = _run_edges(h, elist, zblk, ch, npad, hdim)
    return _run_out(p, degc, batchp, W_cls, b_cls2, npad, hdim, odim)

# --- scband reference (transcript-rebuilt; emitter-appended) ---
"""Pipeline reference for scband-fgh-2001454760520 (READ-ONLY COPY).

The authoritative reference and input builder live on the scoring server;
editing this copy changes nothing except your own understanding.
"""

import jax, jax.numpy as jnp
import numpy as np

C = 1.0
EPS = 1e-6
NUM_GRAPHS = 64


def _expmap0(v, c=C):
    sqrt_c = jnp.sqrt(c)
    norm = jnp.clip(jnp.linalg.norm(v, axis=-1, keepdims=True), EPS, None)
    return jnp.tanh(sqrt_c * norm) * v / (sqrt_c * norm)


def _logmap0(y, c=C):
    sqrt_c = jnp.sqrt(c)
    norm = jnp.linalg.norm(y, axis=-1, keepdims=True)
    norm = jnp.clip(norm, EPS, (1.0 - 1e-4) / sqrt_c)
    return jnp.arctanh(sqrt_c * norm) * y / (sqrt_c * norm)


def setup_inputs(seed: int = 0):
    key = jax.random.key(seed)
    ks = jax.random.split(key, 12)
    N, D, H, O, E = 10000, 128, 128, 1, 320000
    x = jax.random.normal(ks[0], (N, D), jnp.float32) * 0.1
    edge_index = jax.random.randint(ks[1], (2, E), 0, N, jnp.int32)
    batch = jnp.sort(jax.random.randint(ks[2], (N,), 0, NUM_GRAPHS, jnp.int32))
    def lin(k, fi, fo):
        return jax.random.normal(k, (fi, fo), jnp.float32) * (1.0 / np.sqrt(fi))
    return {
        'x': x,
        'edge_index': edge_index,
        'batch': batch,
        'W_in': lin(ks[3], D, H), 'b_in': jnp.zeros((H,), jnp.float32),
        'W0': lin(ks[4], H, H), 'b0': jnp.zeros((H,), jnp.float32),
        'W1': lin(ks[5], H, H), 'b1': jnp.zeros((H,), jnp.float32),
        'W2': lin(ks[6], H, H), 'b2': jnp.zeros((H,), jnp.float32),
        'W_cls': lin(ks[7], H, O), 'b_cls': jnp.zeros((O,), jnp.float32),
    }


def reference(x, edge_index, batch, W_in, b_in, W0, b0, W1, b1, W2, b2, W_cls, b_cls):
    N = x.shape[0]
    src, dst = edge_index[0], edge_index[1]
    # to_hyperbolic + expmap0
    x_tan = x @ W_in + b_in
    x_hyp = _expmap0(x_tan)
    # precompute in-degree for mean aggregation
    deg = jax.ops.segment_sum(jnp.ones((src.shape[0],), jnp.float32), dst, num_segments=N)
    deg = jnp.clip(deg, 1.0, None)[:, None]
    # hyperbolic graph conv layers: logmap0 -> linear -> mean-aggregate -> relu -> expmap0
    for W, b in ((W0, b0), (W1, b1), (W2, b2)):
        t = _logmap0(x_hyp)
        h = t @ W + b
        agg = jax.ops.segment_sum(h[src], dst, num_segments=N) / deg
        x_hyp = _expmap0(jax.nn.relu(agg))
    # readout
    x_tan_r = _logmap0(x_hyp)
    sums = jax.ops.segment_sum(x_tan_r, batch, num_segments=NUM_GRAPHS)
    cnts = jax.ops.segment_sum(jnp.ones((N,), jnp.float32), batch, num_segments=NUM_GRAPHS)
    cnts = jnp.clip(cnts, 1.0, None)[:, None]
    g_tan = sums / cnts
    g_final_tan = _logmap0(_expmap0(g_tan))
    out = jax.nn.sigmoid(g_final_tan @ W_cls + b_cls)
    return out

if __name__ == "__main__":
    import jax
    _d = setup_inputs()
    print(jax.jit(kernel)(*tuple(_d.values())))

</pallas_src>

<mosaic_0001>
#map = affine_map<(d0, d1) -> (0, 0)>
#map1 = affine_map<(d0, d1) -> (0, 0, 0, 0)>
module attributes {stable_mosaic.version = 14 : i64} {
  func.func @body(%arg0: i32, %arg1: i32, %arg2: memref<10240x128xf32, #tpu.memory_space<hbm>>, %arg3: memref<16x20x16x64xi32, #tpu.memory_space<hbm>>, %arg4: memref<16x20x16x64xi32, #tpu.memory_space<hbm>>, %arg5: memref<128x128xf32, #tpu.memory_space<hbm>>, %arg6: memref<10240x128xf32, #tpu.memory_space<hbm>>, %arg7: memref<2x16x64xi32, #tpu.memory_space<vmem>>, %arg8: memref<2x16x64xi32, #tpu.memory_space<vmem>>, %arg9: memref<64x128xf32, #tpu.memory_space<vmem>>, %arg10: memref<64x128xf32, #tpu.memory_space<vmem>>, %arg11: memref<64x128xf32, #tpu.memory_space<vmem>>, %arg12: memref<64x128xf32, #tpu.memory_space<vmem>>, %arg13: memref<64x128xf32, #tpu.memory_space<vmem>>, %arg14: memref<10240x128xf32, #tpu.memory_space<vmem_shared>>, %arg15: memref<!tpu.dma_semaphore, #tpu.memory_space<semaphore_mem>>, %arg16: memref<!tpu.dma_semaphore, #tpu.memory_space<semaphore_mem>>, %arg17: memref<!tpu.dma_semaphore, #tpu.memory_space<semaphore_mem>>, %arg18: memref<!tpu.dma_semaphore, #tpu.memory_space<semaphore_mem>>, %arg19: memref<!tpu.dma_semaphore, #tpu.memory_space<semaphore_mem>>, %arg20: memref<!tpu.dma_semaphore, #tpu.memory_space<semaphore_mem>>, %arg21: memref<!tpu.dma_semaphore, #tpu.memory_space<semaphore_mem>>, %arg22: memref<!tpu.dma_semaphore, #tpu.memory_space<semaphore_mem>>, %arg23: memref<!tpu.dma_semaphore, #tpu.memory_space<semaphore_mem>>, %arg24: memref<!tpu.dma_semaphore, #tpu.memory_space<semaphore_mem>>, %arg25: memref<!tpu.dma_semaphore, #tpu.memory_space<semaphore_mem>>, %arg26: memref<!tpu.dma_semaphore, #tpu.memory_space<semaphore_mem>>) attributes {dimension_semantics = [#tpu.dimension_semantics<core_parallel>, #tpu.dimension_semantics<subcore_parallel>], iteration_bounds = array<i64: 1, 16>, scalar_prefetch = 0 : i64, scratch_operands = 20 : i64, tpu.core_type = #tpu.core_type<sc_vector_subcore>, window_params = [{transform_indices = #map}, {transform_indices = #map1}, {transform_indices = #map1}, {transform_indices = #map}, {transform_indices = #map}]} {
    %mul3A = arith.constant 640 : i32
    %mul3A_0 = arith.muli %arg1, %mul3A : i32
    %add3A = arith.constant 0 : i32
    %add3A_1 = arith.addi %mul3A_0, %add3A : i32
    "tpu.region"() ({
      %run_scoped3A = tpu.sem_alloc : memref<!tpu.dma_semaphore, #tpu.memory_space<semaphore_mem>>
      %dma_start3A_51 = arith.constant 0 : i32
      %dma_start3A_52 = tpu.memref_slice %arg14[%add3A_1, %dma_start3A_51] : memref<10240x128xf32, #tpu.memory_space<vmem_shared>> -> memref<128x128xf32, #tpu.memory_space<vmem_shared>>
      tpu.enqueue_dma source(%arg5 : memref<128x128xf32, #tpu.memory_space<hbm>>) target(%dma_start3A_52 : memref<128x128xf32, #tpu.memory_space<vmem_shared>>) target_semaphore(%run_scoped3A : memref<!tpu.dma_semaphore, #tpu.memory_space<semaphore_mem>>)
      %dma_wait3A = arith.constant 0 : i32
      %dma_wait3A_53 = tpu.memref_slice %arg14[%add3A_1, %dma_wait3A] : memref<10240x128xf32, #tpu.memory_space<vmem_shared>> -> memref<128x128xf32, #tpu.memory_space<vmem_shared>>
      tpu.wait_dma2 semaphore(%run_scoped3A : memref<!tpu.dma_semaphore, #tpu.memory_space<semaphore_mem>>) src(%arg5 : memref<128x128xf32, #tpu.memory_space<hbm>>) dst(%dma_wait3A_53 : memref<128x128xf32, #tpu.memory_space<vmem_shared>>)
      tpu.yield
    }) : () -> ()
    %add3A_2 = arith.constant 128 : i32
    %add3A_3 = arith.addi %mul3A_0, %add3A_2 : i32
    "tpu.region"() ({
      %run_scoped3A = tpu.sem_alloc : memref<!tpu.dma_semaphore, #tpu.memory_space<semaphore_mem>>
      %dma_start3A_51 = arith.constant 0 : i32
      %dma_start3A_52 = tpu.memref_slice %arg14[%add3A_3, %dma_start3A_51] : memref<10240x128xf32, #tpu.memory_space<vmem_shared>> -> memref<128x128xf32, #tpu.memory_space<vmem_shared>>
      tpu.enqueue_dma source(%arg5 : memref<128x128xf32, #tpu.memory_space<hbm>>) target(%dma_start3A_52 : memref<128x128xf32, #tpu.memory_space<vmem_shared>>) target_semaphore(%run_scoped3A : memref<!tpu.dma_semaphore, #tpu.memory_space<semaphore_mem>>)
      %dma_wait3A = arith.constant 0 : i32
      %dma_wait3A_53 = tpu.memref_slice %arg14[%add3A_3, %dma_wait3A] : memref<10240x128xf32, #tpu.memory_space<vmem_shared>> -> memref<128x128xf32, #tpu.memory_space<vmem_shared>>
      tpu.wait_dma2 semaphore(%run_scoped3A : memref<!tpu.dma_semaphore, #tpu.memory_space<semaphore_mem>>) src(%arg5 : memref<128x128xf32, #tpu.memory_space<hbm>>) dst(%dma_wait3A_53 : memref<128x128xf32, #tpu.memory_space<vmem_shared>>)
      tpu.yield
    }) : () -> ()
    %add3A_4 = arith.constant 256 : i32
    %add3A_5 = arith.addi %mul3A_0, %add3A_4 : i32
    "tpu.region"() ({
      %run_scoped3A = tpu.sem_alloc : memref<!tpu.dma_semaphore, #tpu.memory_space<semaphore_mem>>
      %dma_start3A_51 = arith.constant 0 : i32
      %dma_start3A_52 = tpu.memref_slice %arg14[%add3A_5, %dma_start3A_51] : memref<10240x128xf32, #tpu.memory_space<vmem_shared>> -> memref<128x128xf32, #tpu.memory_space<vmem_shared>>
      tpu.enqueue_dma source(%arg5 : memref<128x128xf32, #tpu.memory_space<hbm>>) target(%dma_start3A_52 : memref<128x128xf32, #tpu.memory_space<vmem_shared>>) target_semaphore(%run_scoped3A : memref<!tpu.dma_semaphore, #tpu.memory_space<semaphore_mem>>)
      %dma_wait3A = arith.constant 0 : i32
      %dma_wait3A_53 = tpu.memref_slice %arg14[%add3A_5, %dma_wait3A] : memref<10240x128xf32, #tpu.memory_space<vmem_shared>> -> memref<128x128xf32, #tpu.memory_space<vmem_shared>>
      tpu.wait_dma2 semaphore(%run_scoped3A : memref<!tpu.dma_semaphore, #tpu.memory_space<semaphore_mem>>) src(%arg5 : memref<128x128xf32, #tpu.memory_space<hbm>>) dst(%dma_wait3A_53 : memref<128x128xf32, #tpu.memory_space<vmem_shared>>)
      tpu.yield
    }) : () -> ()
    %add3A_6 = arith.constant 384 : i32
    %add3A_7 = arith.addi %mul3A_0, %add3A_6 : i32
    "tpu.region"() ({
      %run_scoped3A = tpu.sem_alloc : memref<!tpu.dma_semaphore, #tpu.memory_space<semaphore_mem>>
      %dma_start3A_51 = arith.constant 0 : i32
      %dma_start3A_52 = tpu.memref_slice %arg14[%add3A_7, %dma_start3A_51] : memref<10240x128xf32, #tpu.memory_space<vmem_shared>> -> memref<128x128xf32, #tpu.memory_space<vmem_shared>>
      tpu.enqueue_dma source(%arg5 : memref<128x128xf32, #tpu.memory_space<hbm>>) target(%dma_start3A_52 : memref<128x128xf32, #tpu.memory_space<vmem_shared>>) target_semaphore(%run_scoped3A : memref<!tpu.dma_semaphore, #tpu.memory_space<semaphore_mem>>)
      %dma_wait3A = arith.constant 0 : i32
      %dma_wait3A_53 = tpu.memref_slice %arg14[%add3A_7, %dma_wait3A] : memref<10240x128xf32, #tpu.memory_space<vmem_shared>> -> memref<128x128xf32, #tpu.memory_space<vmem_shared>>
      tpu.wait_dma2 semaphore(%run_scoped3A : memref<!tpu.dma_semaphore, #tpu.memory_space<semaphore_mem>>) src(%arg5 : memref<128x128xf32, #tpu.memory_space<hbm>>) dst(%dma_wait3A_53 : memref<128x128xf32, #tpu.memory_space<vmem_shared>>)
      tpu.yield
    }) : () -> ()
    %add3A_8 = arith.constant 512 : i32
    %add3A_9 = arith.addi %mul3A_0, %add3A_8 : i32
    "tpu.region"() ({
      %run_scoped3A = tpu.sem_alloc : memref<!tpu.dma_semaphore, #tpu.memory_space<semaphore_mem>>
      %dma_start3A_51 = arith.constant 0 : i32
      %dma_start3A_52 = tpu.memref_slice %arg14[%add3A_9, %dma_start3A_51] : memref<10240x128xf32, #tpu.memory_space<vmem_shared>> -> memref<128x128xf32, #tpu.memory_space<vmem_shared>>
      tpu.enqueue_dma source(%arg5 : memref<128x128xf32, #tpu.memory_space<hbm>>) target(%dma_start3A_52 : memref<128x128xf32, #tpu.memory_space<vmem_shared>>) target_semaphore(%run_scoped3A : memref<!tpu.dma_semaphore, #tpu.memory_space<semaphore_mem>>)
      %dma_wait3A = arith.constant 0 : i32
      %dma_wait3A_53 = tpu.memref_slice %arg14[%add3A_9, %dma_wait3A] : memref<10240x128xf32, #tpu.memory_space<vmem_shared>> -> memref<128x128xf32, #tpu.memory_space<vmem_shared>>
      tpu.wait_dma2 semaphore(%run_scoped3A : memref<!tpu.dma_semaphore, #tpu.memory_space<semaphore_mem>>) src(%arg5 : memref<128x128xf32, #tpu.memory_space<hbm>>) dst(%dma_wait3A_53 : memref<128x128xf32, #tpu.memory_space<vmem_shared>>)
      tpu.yield
    }) : () -> ()
    %barrier3A = arith.constant 0 : index
    tpu.barrier barrier_id(%barrier3A)
    %dma_start3A = arith.constant 0 : i32
    %dma_start3A_10 = arith.constant 0 : i32
    %dma_start3A_11 = arith.constant 0 : i32
    %dma_start3A_12 = arith.constant 0 : i32
    %dma_start3A_13 = tpu.memref_slice %arg7[%dma_start3A_10, %dma_start3A_11, %dma_start3A_12] : memref<2x16x64xi32, #tpu.memory_space<vmem>> -> memref<1x16x64xi32, #tpu.memory_space<vmem>>
    %dma_start3A_14 = tpu.memref_squeeze %dma_start3A_13 : memref<1x16x64xi32, #tpu.memory_space<vmem>> -> memref<16x64xi32, #tpu.memory_space<vmem>>
    %dma_start3A_15 = arith.constant 0 : i32
    %dma_start3A_16 = arith.constant 0 : i32
    %dma_start3A_17 = tpu.memref_slice %arg3[%arg1, %dma_start3A, %dma_start3A_15, %dma_start3A_16] : memref<16x20x16x64xi32, #tpu.memory_space<hbm>> -> memref<1x1x16x64xi32, #tpu.memory_space<hbm>>
    %dma_start3A_18 = tpu.memref_squeeze %dma_start3A_17 : memref<1x1x16x64xi32, #tpu.memory_space<hbm>> -> memref<16x64xi32, #tpu.memory_space<hbm>>
    %dma_start3A_19 = arith.constant 0 : i32
    %dma_start3A_20 = arith.constant 0 : i32
    %dma_start3A_21 = tpu.memref_slice %arg7[%dma_start3A_10, %dma_start3A_19, %dma_start3A_20] : memref<2x16x64xi32, #tpu.memory_space<vmem>> -> memref<1x16x64xi32, #tpu.memory_space<vmem>>
    %dma_start3A_22 = tpu.memref_squeeze %dma_start3A_21 : memref<1x16x64xi32, #tpu.memory_space<vmem>> -> memref<16x64xi32, #tpu.memory_space<vmem>>
    %dma_start3A_23 = arith.constant 0 : i32
    %dma_start3A_24 = arith.constant 0 : i32
    %dma_start3A_25 = tpu.memref_slice %arg3[%arg1, %dma_start3A, %dma_start3A_23, %dma_start3A_24] : memref<16x20x16x64xi32, #tpu.memory_space<hbm>> -> memref<1x1x16x64xi32, #tpu.memory_space<hbm>>
    %dma_start3A_26 = tpu.memref_squeeze %dma_start3A_25 : memref<1x1x16x64xi32, #tpu.memory_space<hbm>> -> memref<16x64xi32, #tpu.memory_space<hbm>>
    tpu.enqueue_dma source(%dma_start3A_26 : memref<16x64xi32, #tpu.memory_space<hbm>>) target(%dma_start3A_22 : memref<16x64xi32, #tpu.memory_space<vmem>>) target_semaphore(%arg25 : memref<!tpu.dma_semaphore, #tpu.memory_space<semaphore_mem>>)
    %dma_start3A_27 = arith.constant 0 : i32
    %dma_start3A_28 = arith.constant 0 : i32
    %dma_start3A_29 = arith.constant 0 : i32
    %dma_start3A_30 = arith.constant 0 : i32
    %dma_start3A_31 = tpu.memref_slice %arg8[%dma_start3A_28, %dma_start3A_29, %dma_start3A_30] : memref<2x16x64xi32, #tpu.memory_space<vmem>> -> memref<1x16x64xi32, #tpu.memory_space<vmem>>
    %dma_start3A_32 = tpu.memref_squeeze %dma_start3A_31 : memref<1x16x64xi32, #tpu.memory_space<vmem>> -> memref<16x64xi32, #tpu.memory_space<vmem>>
    %dma_start3A_33 = arith.constant 0 : i32
    %dma_start3A_34 = arith.constant 0 : i32
    %dma_start3A_35 = tpu.memref_slice %arg4[%arg1, %dma_start3A_27, %dma_start3A_33, %dma_start3A_34] : memref<16x20x16x64xi32, #tpu.memory_space<hbm>> -> memref<1x1x16x64xi32, #tpu.memory_space<hbm>>
    %dma_start3A_36 = tpu.memref_squeeze %dma_start3A_35 : memref<1x1x16x64xi32, #tpu.memory_space<hbm>> -> memref<16x64xi32, #tpu.memory_space<hbm>>
    %dma_start3A_37 = arith.constant 0 : i32
    %dma_start3A_38 = arith.constant 0 : i32
    %dma_start3A_39 = tpu.memref_slice %arg8[%dma_start3A_28, %dma_start3A_37, %dma_start3A_38] : memref<2x16x64xi32, #tpu.memory_space<vmem>> -> memref<1x16x64xi32, #tpu.memory_space<vmem>>
    %dma_start3A_40 = tpu.memref_squeeze %dma_start3A_39 : memref<1x16x64xi32, #tpu.memory_space<vmem>> -> memref<16x64xi32, #tpu.memory_space<vmem>>
    %dma_start3A_41 = arith.constant 0 : i32
    %dma_start3A_42 = arith.constant 0 : i32
    %dma_start3A_43 = tpu.memref_slice %arg4[%arg1, %dma_start3A_27, %dma_start3A_41, %dma_start3A_42] : memref<16x20x16x64xi32, #tpu.memory_space<hbm>> -> memref<1x1x16x64xi32, #tpu.memory_space<hbm>>
    %dma_start3A_44 = tpu.memref_squeeze %dma_start3A_43 : memref<1x1x16x64xi32, #tpu.memory_space<hbm>> -> memref<16x64xi32, #tpu.memory_space<hbm>>
    tpu.enqueue_dma source(%dma_start3A_44 : memref<16x64xi32, #tpu.memory_space<hbm>>) target(%dma_start3A_40 : memref<16x64xi32, #tpu.memory_space<vmem>>) target_semaphore(%arg26 : memref<!tpu.dma_semaphore, #tpu.memory_space<semaphore_mem>>)
    %scan3A = arith.constant 0 : i32
    %scan3A_45 = arith.constant 0 : i32
    %scan3A_46 = arith.constant 20 : i32
    %scan3A_47 = arith.addi %scan3A_45, %scan3A_46 : i32
    %scan3A_48 = arith.constant 1 : i32
    scf.for %scan3A_51 = %scan3A_45 to %scan3A_47 step %scan3A_48  : i32 {
      %and3A = arith.constant 1 : i32
      %and3A_52 = arith.andi %scan3A_51, %and3A : i32
      %dma_wait3A = arith.constant 0 : i32
      %dma_wait3A_53 = arith.constant 0 : i32
      %dma_wait3A_54 = tpu.memref_slice %arg7[%and3A_52, %dma_wait3A, %dma_wait3A_53] : memref<2x16x64xi32, #tpu.memory_space<vmem>> -> memref<1x16x64xi32, #tpu.memory_space<vmem>>
      %dma_wait3A_55 = tpu.memref_squeeze %dma_wait3A_54 : memref<1x16x64xi32, #tpu.memory_space<vmem>> -> memref<16x64xi32, #tpu.memory_space<vmem>>
      %dma_wait3A_56 = arith.constant 0 : i32
      %dma_wait3A_57 = arith.constant 0 : i32
      %dma_wait3A_58 = tpu.memref_slice %arg3[%arg1, %scan3A_51, %dma_wait3A_56, %dma_wait3A_57] : memref<16x20x16x64xi32, #tpu.memory_space<hbm>> -> memref<1x1x16x64xi32, #tpu.memory_space<hbm>>
      %dma_wait3A_59 = tpu.memref_squeeze %dma_wait3A_58 : memref<1x1x16x64xi32, #tpu.memory_space<hbm>> -> memref<16x64xi32, #tpu.memory_space<hbm>>
      %dma_wait3A_60 = arith.constant 0 : i32
      %dma_wait3A_61 = arith.constant 0 : i32
      %dma_wait3A_62 = tpu.memref_slice %arg7[%and3A_52, %dma_wait3A_60, %dma_wait3A_61] : memref<2x16x64xi32, #tpu.memory_space<vmem>> -> memref<1x16x64xi32, #tpu.memory_space<vmem>>
      %dma_wait3A_63 = tpu.memref_squeeze %dma_wait3A_62 : memref<1x16x64xi32, #tpu.memory_space<vmem>> -> memref<16x64xi32, #tpu.memory_space<vmem>>
      %dma_wait3A_64 = arith.constant 0 : i32
      %dma_wait3A_65 = arith.constant 0 : i32
      %dma_wait3A_66 = tpu.memref_slice %arg3[%arg1, %scan3A_51, %dma_wait3A_64, %dma_wait3A_65] : memref<16x20x16x64xi32, #tpu.memory_space<hbm>> -> memref<1x1x16x64xi32, #tpu.memory_space<hbm>>
      %dma_wait3A_67 = tpu.memref_squeeze %dma_wait3A_66 : memref<1x1x16x64xi32, #tpu.memory_space<hbm>> -> memref<16x64xi32, #tpu.memory_space<hbm>>
      tpu.wait_dma2 semaphore(%arg25 : memref<!tpu.dma_semaphore, #tpu.memory_space<semaphore_mem>>) src(%dma_wait3A_67 : memref<16x64xi32, #tpu.memory_space<hbm>>) dst(%dma_wait3A_63 : memref<16x64xi32, #tpu.memory_space<vmem>>)
      %dma_wait3A_68 = arith.constant 0 : i32
      %dma_wait3A_69 = arith.constant 0 : i32
      %dma_wait3A_70 = tpu.memref_slice %arg8[%and3A_52, %dma_wait3A_68, %dma_wait3A_69] : memref<2x16x64xi32, #tpu.memory_space<vmem>> -> memref<1x16x64xi32, #tpu.memory_space<vmem>>
      %dma_wait3A_71 = tpu.memref_squeeze %dma_wait3A_70 : memref<1x16x64xi32, #tpu.memory_space<vmem>> -> memref<16x64xi32, #tpu.memory_space<vmem>>
      %dma_wait3A_72 = arith.constant 0 : i32
      %dma_wait3A_73 = arith.constant 0 : i32
      %dma_wait3A_74 = tpu.memref_slice %arg4[%arg1, %scan3A_51, %dma_wait3A_72, %dma_wait3A_73] : memref<16x20x16x64xi32, #tpu.memory_space<hbm>> -> memref<1x1x16x64xi32, #tpu.memory_space<hbm>>
      %dma_wait3A_75 = tpu.memref_squeeze %dma_wait3A_74 : memref<1x1x16x64xi32, #tpu.memory_space<hbm>> -> memref<16x64xi32, #tpu.memory_space<hbm>>
      %dma_wait3A_76 = arith.constant 0 : i32
      %dma_wait3A_77 = arith.constant 0 : i32
      %dma_wait3A_78 = tpu.memref_slice %arg8[%and3A_52, %dma_wait3A_76, %dma_wait3A_77] : memref<2x16x64xi32, #tpu.memory_space<vmem>> -> memref<1x16x64xi32, #tpu.memory_space<vmem>>
      %dma_wait3A_79 = tpu.memref_squeeze %dma_wait3A_78 : memref<1x16x64xi32, #tpu.memory_space<vmem>> -> memref<16x64xi32, #tpu.memory_space<vmem>>
      %dma_wait3A_80 = arith.constant 0 : i32
      %dma_wait3A_81 = arith.constant 0 : i32
      %dma_wait3A_82 = tpu.memref_slice %arg4[%arg1, %scan3A_51, %dma_wait3A_80, %dma_wait3A_81] : memref<16x20x16x64xi32, #tpu.memory_space<hbm>> -> memref<1x1x16x64xi32, #tpu.memory_space<hbm>>
      %dma_wait3A_83 = tpu.memref_squeeze %dma_wait3A_82 : memref<1x1x16x64xi32, #tpu.memory_space<hbm>> -> memref<16x64xi32, #tpu.memory_space<hbm>>
      tpu.wait_dma2 semaphore(%arg26 : memref<!tpu.dma_semaphore, #tpu.memory_space<semaphore_mem>>) src(%dma_wait3A_83 : memref<16x64xi32, #tpu.memory_space<hbm>>) dst(%dma_wait3A_79 : memref<16x64xi32, #tpu.memory_space<vmem>>)
      %dma_start3A_84 = arith.constant 0 : i32
      %dma_start3A_85 = arith.constant 0 : i32
      %dma_start3A_86 = tpu.memref_slice %arg7[%and3A_52, %dma_start3A_84, %dma_start3A_85] : memref<2x16x64xi32, #tpu.memory_space<vmem>> -> memref<1x1x64xi32, #tpu.memory_space<vmem>>
      %dma_start3A_87 = tpu.memref_squeeze %dma_start3A_86 : memref<1x1x64xi32, #tpu.memory_space<vmem>> -> memref<64xi32, #tpu.memory_space<vmem>>
      %dma_start3A_88 = arith.constant 0 : i32
      %dma_start3A_89 = arith.constant 0 : i32
      %dma_start3A_90 = tpu.memref_slice %arg2[%dma_start3A_88, %dma_start3A_89] : memref<10240x128xf32, #tpu.memory_space<hbm>> -> memref<10240x128xf32, #tpu.memory_space<hbm>>
      tpu.enqueue_indirect_dma source(%dma_start3A_90 : memref<10240x128xf32, #tpu.memory_space<hbm>>) target(%arg9 : memref<64x128xf32, #tpu.memory_space<vmem>>) offsets(%dma_start3A_87 : memref<64xi32, #tpu.memory_space<vmem>>) semaphore(%arg15 : memref<!tpu.dma_semaphore, #tpu.memory_space<semaphore_mem>>)
      %dma_start3A_91 = arith.constant 1 : i32
      %dma_start3A_92 = arith.constant 0 : i32
      %dma_start3A_93 = tpu.memref_slice %arg7[%and3A_52, %dma_start3A_91, %dma_start3A_92] : memref<2x16x64xi32, #tpu.memory_space<vmem>> -> memref<1x1x64xi32, #tpu.memory_space<vmem>>
      %dma_start3A_94 = tpu.memref_squeeze %dma_start3A_93 : memref<1x1x64xi32, #tpu.memory_space<vmem>> -> memref<64xi32, #tpu.memory_space<vmem>>
      %dma_start3A_95 = arith.constant 0 : i32
      %dma_start3A_96 = arith.constant 0 : i32
      %dma_start3A_97 = tpu.memref_slice %arg2[%dma_start3A_95, %dma_start3A_96] : memref<10240x128xf32, #tpu.memory_space<hbm>> -> memref<10240x128xf32, #tpu.memory_space<hbm>>
      tpu.enqueue_indirect_dma source(%dma_start3A_97 : memref<10240x128xf32, #tpu.memory_space<hbm>>) target(%arg10 : memref<64x128xf32, #tpu.memory_space<vmem>>) offsets(%dma_start3A_94 : memref<64xi32, #tpu.memory_space<vmem>>) semaphore(%arg16 : memref<!tpu.dma_semaphore, #tpu.memory_space<semaphore_mem>>)
      %dma_start3A_98 = arith.constant 2 : i32
      %dma_start3A_99 = arith.constant 0 : i32
      %dma_start3A_100 = tpu.memref_slice %arg7[%and3A_52, %dma_start3A_98, %dma_start3A_99] : memref<2x16x64xi32, #tpu.memory_space<vmem>> -> memref<1x1x64xi32, #tpu.memory_space<vmem>>
      %dma_start3A_101 = tpu.memref_squeeze %dma_start3A_100 : memref<1x1x64xi32, #tpu.memory_space<vmem>> -> memref<64xi32, #tpu.memory_space<vmem>>
      %dma_start3A_102 = arith.constant 0 : i32
      %dma_start3A_103 = arith.constant 0 : i32
      %dma_start3A_104 = tpu.memref_slice %arg2[%dma_start3A_102, %dma_start3A_103] : memref<10240x128xf32, #tpu.memory_space<hbm>> -> memref<10240x128xf32, #tpu.memory_space<hbm>>
      tpu.enqueue_indirect_dma source(%dma_start3A_104 : memref<10240x128xf32, #tpu.memory_space<hbm>>) target(%arg11 : memref<64x128xf32, #tpu.memory_space<vmem>>) offsets(%dma_start3A_101 : memref<64xi32, #tpu.memory_space<vmem>>) semaphore(%arg17 : memref<!tpu.dma_semaphore, #tpu.memory_space<semaphore_mem>>)
      %dma_start3A_105 = arith.constant 3 : i32
      %dma_start3A_106 = arith.constant 0 : i32
      %dma_start3A_107 = tpu.memref_slice %arg7[%and3A_52, %dma_start3A_105, %dma_start3A_106] : memref<2x16x64xi32, #tpu.memory_space<vmem>> -> memref<1x1x64xi32, #tpu.memory_space<vmem>>
      %dma_start3A_108 = tpu.memref_squeeze %dma_start3A_107 : memref<1x1x64xi32, #tpu.memory_space<vmem>> -> memref<64xi32, #tpu.memory_space<vmem>>
      %dma_start3A_109 = arith.constant 0 : i32
      %dma_start3A_110 = arith.constant 0 : i32
      %dma_start3A_111 = tpu.memref_slice %arg2[%dma_start3A_109, %dma_start3A_110] : memref<10240x128xf32, #tpu.memory_space<hbm>> -> memref<10240x128xf32, #tpu.memory_space<hbm>>
      tpu.enqueue_indirect_dma source(%dma_start3A_111 : memref<10240x128xf32, #tpu.memory_space<hbm>>) target(%arg12 : memref<64x128xf32, #tpu.memory_space<vmem>>) offsets(%dma_start3A_108 : memref<64xi32, #tpu.memory_space<vmem>>) semaphore(%arg18 : memref<!tpu.dma_semaphore, #tpu.memory_space<semaphore_mem>>)
      %dma_wait3A_112 = arith.constant 0 : i32
      %dma_wait3A_113 = arith.constant 0 : i32
      %dma_wait3A_114 = tpu.memref_slice %arg7[%and3A_52, %dma_wait3A_112, %dma_wait3A_113] : memref<2x16x64xi32, #tpu.memory_space<vmem>> -> memref<1x1x64xi32, #tpu.memory_space<vmem>>
      %dma_wait3A_115 = tpu.memref_squeeze %dma_wait3A_114 : memref<1x1x64xi32, #tpu.memory_space<vmem>> -> memref<64xi32, #tpu.memory_space<vmem>>
      %dma_wait3A_116 = arith.constant 0 : i32
      %dma_wait3A_117 = arith.constant 0 : i32
      %dma_wait3A_118 = tpu.memref_slice %arg2[%dma_wait3A_116, %dma_wait3A_117] : memref<10240x128xf32, #tpu.memory_space<hbm>> -> memref<10240x128xf32, #tpu.memory_space<hbm>>
      tpu.wait_indirect_dma semaphore(%arg15 : memref<!tpu.dma_semaphore, #tpu.memory_space<semaphore_mem>>) src(%dma_wait3A_118 : memref<10240x128xf32, #tpu.memory_space<hbm>>) dst(%arg9 : memref<64x128xf32, #tpu.memory_space<vmem>>)
      %dma_start3A_119 = arith.constant 0 : i32
      %dma_start3A_120 = arith.constant 0 : i32
      %dma_start3A_121 = tpu.memref_slice %arg8[%and3A_52, %dma_start3A_119, %dma_start3A_120] : memref<2x16x64xi32, #tpu.memory_space<vmem>> -> memref<1x1x64xi32, #tpu.memory_space<vmem>>
      %dma_start3A_122 = tpu.memref_squeeze %dma_start3A_121 : memref<1x1x64xi32, #tpu.memory_space<vmem>> -> memref<64xi32, #tpu.memory_space<vmem>>
      %dma_start3A_123 = arith.constant 0 : i32
      %dma_start3A_124 = arith.constant 0 : i32
      %dma_start3A_125 = tpu.memref_slice %arg14[%dma_start3A_123, %dma_start3A_124] : memref<10240x128xf32, #tpu.memory_space<vmem_shared>> -> memref<10240x128xf32, #tpu.memory_space<vmem_shared>>
      tpu.enqueue_indirect_dma source(%arg9 : memref<64x128xf32, #tpu.memory_space<vmem>>) target(%dma_start3A_125 : memref<10240x128xf32, #tpu.memory_space<vmem_shared>>) offsets(%dma_start3A_122 : memref<64xi32, #tpu.memory_space<vmem>>) semaphore(%arg20 : memref<!tpu.dma_semaphore, #tpu.memory_space<semaphore_mem>>) {add = true}
      %dma_start3A_126 = arith.constant 4 : i32
      %dma_start3A_127 = arith.constant 0 : i32
      %dma_start3A_128 = tpu.memref_slice %arg7[%and3A_52, %dma_start3A_126, %dma_start3A_127] : memref<2x16x64xi32, #tpu.memory_space<vmem>> -> memref<1x1x64xi32, #tpu.memory_space<vmem>>
      %dma_start3A_129 = tpu.memref_squeeze %dma_start3A_128 : memref<1x1x64xi32, #tpu.memory_space<vmem>> -> memref<64xi32, #tpu.memory_space<vmem>>
      %dma_start3A_130 = arith.constant 0 : i32
      %dma_start3A_131 = arith.constant 0 : i32
      %dma_start3A_132 = tpu.memref_slice %arg2[%dma_start3A_130, %dma_start3A_131] : memref<10240x128xf32, #tpu.memory_space<hbm>> -> memref<10240x128xf32, #tpu.memory_space<hbm>>
      tpu.enqueue_indirect_dma source(%dma_start3A_132 : memref<10240x128xf32, #tpu.memory_space<hbm>>) target(%arg13 : memref<64x128xf32, #tpu.memory_space<vmem>>) offsets(%dma_start3A_129 : memref<64xi32, #tpu.memory_space<vmem>>) semaphore(%arg19 : memref<!tpu.dma_semaphore, #tpu.memory_space<semaphore_mem>>)
      %dma_wait3A_133 = arith.constant 1 : i32
      %dma_wait3A_134 = arith.constant 0 : i32
      %dma_wait3A_135 = tpu.memref_slice %arg7[%and3A_52, %dma_wait3A_133, %dma_wait3A_134] : memref<2x16x64xi32, #tpu.memory_space<vmem>> -> memref<1x1x64xi32, #tpu.memory_space<vmem>>
      %dma_wait3A_136 = tpu.memref_squeeze %dma_wait3A_135 : memref<1x1x64xi32, #tpu.memory_space<vmem>> -> memref<64xi32, #tpu.memory_space<vmem>>
      %dma_wait3A_137 = arith.constant 0 : i32
      %dma_wait3A_138 = arith.constant 0 : i32
      %dma_wait3A_139 = tpu.memref_slice %arg2[%dma_wait3A_137, %dma_wait3A_138] : memref<10240x128xf32, #tpu.memory_space<hbm>> -> memref<10240x128xf32, #tpu.memory_space<hbm>>
      tpu.wait_indirect_dma semaphore(%arg16 : memref<!tpu.dma_semaphore, #tpu.memory_space<semaphore_mem>>) src(%dma_wait3A_139 : memref<10240x128xf32, #tpu.memory_space<hbm>>) dst(%arg10 : memref<64x128xf32, #tpu.memory_space<vmem>>)
      %dma_start3A_140 = arith.constant 1 : i32
      %dma_start3A_141 = arith.constant 0 : i32
      %dma_start3A_142 = tpu.memref_slice %arg8[%and3A_52, %dma_start3A_140, %dma_start3A_141] : memref<2x16x64xi32, #tpu.memory_space<vmem>> -> memref<1x1x64xi32, #tpu.memory_space<vmem>>
      %dma_start3A_143 = tpu.memref_squeeze %dma_start3A_142 : memref<1x1x64xi32, #tpu.memory_space<vmem>> -> memref<64xi32, #tpu.memory_space<vmem>>
      %dma_start3A_144 = arith.constant 0 : i32
      %dma_start3A_145 = arith.constant 0 : i32
      %dma_start3A_146 = tpu.memref_slice %arg14[%dma_start3A_144, %dma_start3A_145] : memref<10240x128xf32, #tpu.memory_space<vmem_shared>> -> memref<10240x128xf32, #tpu.memory_space<vmem_shared>>
      tpu.enqueue_indirect_dma source(%arg10 : memref<64x128xf32, #tpu.memory_space<vmem>>) target(%dma_start3A_146 : memref<10240x128xf32, #tpu.memory_space<vmem_shared>>) offsets(%dma_start3A_143 : memref<64xi32, #tpu.memory_space<vmem>>) semaphore(%arg21 : memref<!tpu.dma_semaphore, #tpu.memory_space<semaphore_mem>>) {add = true}
      %dma_wait3A_147 = arith.constant 0 : i32
      %dma_wait3A_148 = arith.constant 0 : i32
      %dma_wait3A_149 = tpu.memref_slice %arg8[%and3A_52, %dma_wait3A_147, %dma_wait3A_148] : memref<2x16x64xi32, #tpu.memory_space<vmem>> -> memref<1x1x64xi32, #tpu.memory_space<vmem>>
      %dma_wait3A_150 = tpu.memref_squeeze %dma_wait3A_149 : memref<1x1x64xi32, #tpu.memory_space<vmem>> -> memref<64xi32, #tpu.memory_space<vmem>>
      %dma_wait3A_151 = arith.constant 0 : i32
      %dma_wait3A_152 = arith.constant 0 : i32
      %dma_wait3A_153 = tpu.memref_slice %arg14[%dma_wait3A_151, %dma_wait3A_152] : memref<10240x128xf32, #tpu.memory_space<vmem_shared>> -> memref<10240x128xf32, #tpu.memory_space<vmem_shared>>
      tpu.wait_indirect_dma semaphore(%arg20 : memref<!tpu.dma_semaphore, #tpu.memory_space<semaphore_mem>>) src(%arg9 : memref<64x128xf32, #tpu.memory_space<vmem>>) dst(%dma_wait3A_153 : memref<10240x128xf32, #tpu.memory_space<vmem_shared>>)
      %dma_start3A_154 = arith.constant 5 : i32
      %dma_start3A_155 = arith.constant 0 : i32
      %dma_start3A_156 = tpu.memref_slice %arg7[%and3A_52, %dma_start3A_154, %dma_start3A_155] : memref<2x16x64xi32, #tpu.memory_space<vmem>> -> memref<1x1x64xi32, #tpu.memory_space<vmem>>
      %dma_start3A_157 = tpu.memref_squeeze %dma_start3A_156 : memref<1x1x64xi32, #tpu.memory_space<vmem>> -> memref<64xi32, #tpu.memory_space<vmem>>
      %dma_start3A_158 = arith.constant 0 : i32
      %dma_start3A_159 = arith.constant 0 : i32
      %dma_start3A_160 = tpu.memref_slice %arg2[%dma_start3A_158, %dma_start3A_159] : memref<10240x128xf32, #tpu.memory_space<hbm>> -> memref<10240x128xf32, #tpu.memory_space<hbm>>
      tpu.enqueue_indirect_dma source(%dma_start3A_160 : memref<10240x128xf32, #tpu.memory_space<hbm>>) target(%arg9 : memref<64x128xf32, #tpu.memory_space<vmem>>) offsets(%dma_start3A_157 : memref<64xi32, #tpu.memory_space<vmem>>) semaphore(%arg15 : memref<!tpu.dma_semaphore, #tpu.memory_space<semaphore_mem>>)
      %dma_wait3A_161 = arith.constant 2 : i32
      %dma_wait3A_162 = arith.constant 0 : i32
      %dma_wait3A_163 = tpu.memref_slice %arg7[%and3A_52, %dma_wait3A_161, %dma_wait3A_162] : memref<2x16x64xi32, #tpu.memory_space<vmem>> -> memref<1x1x64xi32, #tpu.memory_space<vmem>>
      %dma_wait3A_164 = tpu.memref_squeeze %dma_wait3A_163 : memref<1x1x64xi32, #tpu.memory_space<vmem>> -> memref<64xi32, #tpu.memory_space<vmem>>
      %dma_wait3A_165 = arith.constant 0 : i32
      %dma_wait3A_166 = arith.constant 0 : i32
      %dma_wait3A_167 = tpu.memref_slice %arg2[%dma_wait3A_165, %dma_wait3A_166] : memref<10240x128xf32, #tpu.memory_space<hbm>> -> memref<10240x128xf32, #tpu.memory_space<hbm>>
      tpu.wait_indirect_dma semaphore(%arg17 : memref<!tpu.dma_semaphore, #tpu.memory_space<semaphore_mem>>) src(%dma_wait3A_167 : memref<10240x128xf32, #tpu.memory_space<hbm>>) dst(%arg11 : memref<64x128xf32, #tpu.memory_space<vmem>>)
      %dma_start3A_168 = arith.constant 2 : i32
      %dma_start3A_169 = arith.constant 0 : i32
      %dma_start3A_170 = tpu.memref_slice %arg8[%and3A_52, %dma_start3A_168, %dma_start3A_169] : memref<2x16x64xi32, #tpu.memory_space<vmem>> -> memref<1x1x64xi32, #tpu.memory_space<vmem>>
      %dma_start3A_171 = tpu.memref_squeeze %dma_start3A_170 : memref<1x1x64xi32, #tpu.memory_space<vmem>> -> memref<64xi32, #tpu.memory_space<vmem>>
      %dma_start3A_172 = arith.constant 0 : i32
      %dma_start3A_173 = arith.constant 0 : i32
      %dma_start3A_174 = tpu.memref_slice %arg14[%dma_start3A_172, %dma_start3A_173] : memref<10240x128xf32, #tpu.memory_space<vmem_shared>> -> memref<10240x128xf32, #tpu.memory_space<vmem_shared>>
      tpu.enqueue_indirect_dma source(%arg11 : memref<64x128xf32, #tpu.memory_space<vmem>>) target(%dma_start3A_174 : memref<10240x128xf32, #tpu.memory_space<vmem_shared>>) offsets(%dma_start3A_171 : memref<64xi32, #tpu.memory_space<vmem>>) semaphore(%arg22 : memref<!tpu.dma_semaphore, #tpu.memory_space<semaphore_mem>>) {add = true}
      %dma_wait3A_175 = arith.constant 1 : i32
      %dma_wait3A_176 = arith.constant 0 : i32
      %dma_wait3A_177 = tpu.memref_slice %arg8[%and3A_52, %dma_wait3A_175, %dma_wait3A_176] : memref<2x16x64xi32, #tpu.memory_space<vmem>> -> memref<1x1x64xi32, #tpu.memory_space<vmem>>
      %dma_wait3A_178 = tpu.memref_squeeze %dma_wait3A_177 : memref<1x1x64xi32, #tpu.memory_space<vmem>> -> memref<64xi32, #tpu.memory_space<vmem>>
      %dma_wait3A_179 = arith.constant 0 : i32
      %dma_wait3A_180 = arith.constant 0 : i32
      %dma_wait3A_181 = tpu.memref_slice %arg14[%dma_wait3A_179, %dma_wait3A_180] : memref<10240x128xf32, #tpu.memory_space<vmem_shared>> -> memref<10240x128xf32, #tpu.memory_space<vmem_shared>>
      tpu.wait_indirect_dma semaphore(%arg21 : memref<!tpu.dma_semaphore, #tpu.memory_space<semaphore_mem>>) src(%arg10 : memref<64x128xf32, #tpu.memory_space<vmem>>) dst(%dma_wait3A_181 : memref<10240x128xf32, #tpu.memory_space<vmem_shared>>)
      %dma_start3A_182 = arith.constant 6 : i32
      %dma_start3A_183 = arith.constant 0 : i32
      %dma_start3A_184 = tpu.memref_slice %arg7[%and3A_52, %dma_start3A_182, %dma_start3A_183] : memref<2x16x64xi32, #tpu.memory_space<vmem>> -> memref<1x1x64xi32, #tpu.memory_space<vmem>>
      %dma_start3A_185 = tpu.memref_squeeze %dma_start3A_184 : memref<1x1x64xi32, #tpu.memory_space<vmem>> -> memref<64xi32, #tpu.memory_space<vmem>>
      %dma_start3A_186 = arith.constant 0 : i32
      %dma_start3A_187 = arith.constant 0 : i32
      %dma_start3A_188 = tpu.memref_slice %arg2[%dma_start3A_186, %dma_start3A_187] : memref<10240x128xf32, #tpu.memory_space<hbm>> -> memref<10240x128xf32, #tpu.memory_space<hbm>>
      tpu.enqueue_indirect_dma source(%dma_start3A_188 : memref<10240x128xf32, #tpu.memory_space<hbm>>) target(%arg10 : memref<64x128xf32, #tpu.memory_space<vmem>>) offsets(%dma_start3A_185 : memref<64xi32, #tpu.memory_space<vmem>>) semaphore(%arg16 : memref<!tpu.dma_semaphore, #tpu.memory_space<semaphore_mem>>)
      %dma_wait3A_189 = arith.constant 3 : i32
      %dma_wait3A_190 = arith.constant 0 : i32
      %dma_wait3A_191 = tpu.memref_slice %arg7[%and3A_52, %dma_wait3A_189, %dma_wait3A_190] : memref<2x16x64xi32, #tpu.memory_space<vmem>> -> memref<1x1x64xi32, #tpu.memory_space<vmem>>
      %dma_wait3A_192 = tpu.memref_squeeze %dma_wait3A_191 : memref<1x1x64xi32, #tpu.memory_space<vmem>> -> memref<64xi32, #tpu.memory_space<vmem>>
      %dma_wait3A_193 = arith.constant 0 : i32
      %dma_wait3A_194 = arith.constant 0 : i32
      %dma_wait3A_195 = tpu.memref_slice %arg2[%dma_wait3A_193, %dma_wait3A_194] : memref<10240x128xf32, #tpu.memory_space<hbm>> -> memref<10240x128xf32, #tpu.memory_space<hbm>>
      tpu.wait_indirect_dma semaphore(%arg18 : memref<!tpu.dma_semaphore, #tpu.memory_space<semaphore_mem>>) src(%dma_wait3A_195 : memref<10240x128xf32, #tpu.memory_space<hbm>>) dst(%arg12 : memref<64x128xf32, #tpu.memory_space<vmem>>)
      %dma_start3A_196 = arith.constant 3 : i32
      %dma_start3A_197 = arith.constant 0 : i32
      %dma_start3A_198 = tpu.memref_slice %arg8[%and3A_52, %dma_start3A_196, %dma_start3A_197] : memref<2x16x64xi32, #tpu.memory_space<vmem>> -> memref<1x1x64xi32, #tpu.memory_space<vmem>>
      %dma_start3A_199 = tpu.memref_squeeze %dma_start3A_198 : memref<1x1x64xi32, #tpu.memory_space<vmem>> -> memref<64xi32, #tpu.memory_space<vmem>>
      %dma_start3A_200 = arith.constant 0 : i32
      %dma_start3A_201 = arith.constant 0 : i32
      %dma_start3A_202 = tpu.memref_slice %arg14[%dma_start3A_200, %dma_start3A_201] : memref<10240x128xf32, #tpu.memory_space<vmem_shared>> -> memref<10240x128xf32, #tpu.memory_space<vmem_shared>>
      tpu.enqueue_indirect_dma source(%arg12 : memref<64x128xf32, #tpu.memory_space<vmem>>) target(%dma_start3A_202 : memref<10240x128xf32, #tpu.memory_space<vmem_shared>>) offsets(%dma_start3A_199 : memref<64xi32, #tpu.memory_space<vmem>>) semaphore(%arg23 : memref<!tpu.dma_semaphore, #tpu.memory_space<semaphore_mem>>) {add = true}
      %dma_wait3A_203 = arith.constant 2 : i32
      %dma_wait3A_204 = arith.constant 0 : i32
      %dma_wait3A_205 = tpu.memref_slice %arg8[%and3A_52, %dma_wait3A_203, %dma_wait3A_204] : memref<2x16x64xi32, #tpu.memory_space<vmem>> -> memref<1x1x64xi32, #tpu.memory_space<vmem>>
      %dma_wait3A_206 = tpu.memref_squeeze %dma_wait3A_205 : memref<1x1x64xi32, #tpu.memory_space<vmem>> -> memref<64xi32, #tpu.memory_space<vmem>>
      %dma_wait3A_207 = arith.constant 0 : i32
      %dma_wait3A_208 = arith.constant 0 : i32
      %dma_wait3A_209 = tpu.memref_slice %arg14[%dma_wait3A_207, %dma_wait3A_208] : memref<10240x128xf32, #tpu.memory_space<vmem_shared>> -> memref<10240x128xf32, #tpu.memory_space<vmem_shared>>
      tpu.wait_indirect_dma semaphore(%arg22 : memref<!tpu.dma_semaphore, #tpu.memory_space<semaphore_mem>>) src(%arg11 : memref<64x128xf32, #tpu.memory_space<vmem>>) dst(%dma_wait3A_209 : memref<10240x128xf32, #tpu.memory_space<vmem_shared>>)
      %dma_start3A_210 = arith.constant 7 : i32
      %dma_start3A_211 = arith.constant 0 : i32
      %dma_start3A_212 = tpu.memref_slice %arg7[%and3A_52, %dma_start3A_210, %dma_start3A_211] : memref<2x16x64xi32, #tpu.memory_space<vmem>> -> memref<1x1x64xi32, #tpu.memory_space<vmem>>
      %dma_start3A_213 = tpu.memref_squeeze %dma_start3A_212 : memref<1x1x64xi32, #tpu.memory_space<vmem>> -> memref<64xi32, #tpu.memory_space<vmem>>
      %dma_start3A_214 = arith.constant 0 : i32
      %dma_start3A_215 = arith.constant 0 : i32
      %dma_start3A_216 = tpu.memref_slice %arg2[%dma_start3A_214, %dma_start3A_215] : memref<10240x128xf32, #tpu.memory_space<hbm>> -> memref<10240x128xf32, #tpu.memory_space<hbm>>
      tpu.enqueue_indirect_dma source(%dma_start3A_216 : memref<10240x128xf32, #tpu.memory_space<hbm>>) target(%arg11 : memref<64x128xf32, #tpu.memory_space<vmem>>) offsets(%dma_start3A_213 : memref<64xi32, #tpu.memory_space<vmem>>) semaphore(%arg17 : memref<!tpu.dma_semaphore, #tpu.memory_space<semaphore_mem>>)
      %dma_wait3A_217 = arith.constant 4 : i32
      %dma_wait3A_218 = arith.constant 0 : i32
      %dma_wait3A_219 = tpu.memref_slice %arg7[%and3A_52, %dma_wait3A_217, %dma_wait3A_218] : memref<2x16x64xi32, #tpu.memory_space<vmem>> -> memref<1x1x64xi32, #tpu.memory_space<vmem>>
      %dma_wait3A_220 = tpu.memref_squeeze %dma_wait3A_219 : memref<1x1x64xi32, #tpu.memory_space<vmem>> -> memref<64xi32, #tpu.memory_space<vmem>>
      %dma_wait3A_221 = arith.constant 0 : i32
      %dma_wait3A_222 = arith.constant 0 : i32
      %dma_wait3A_223 = tpu.memref_slice %arg2[%dma_wait3A_221, %dma_wait3A_222] : memref<10240x128xf32, #tpu.memory_space<hbm>> -> memref<10240x128xf32, #tpu.memory_space<hbm>>
      tpu.wait_indirect_dma semaphore(%arg19 : memref<!tpu.dma_semaphore, #tpu.memory_space<semaphore_mem>>) src(%dma_wait3A_223 : memref<10240x128xf32, #tpu.memory_space<hbm>>) dst(%arg13 : memref<64x128xf32, #tpu.memory_space<vmem>>)
      %dma_start3A_224 = arith.constant 4 : i32
      %dma_start3A_225 = arith.constant 0 : i32
      %dma_start3A_226 = tpu.memref_slice %arg8[%and3A_52, %dma_start3A_224, %dma_start3A_225] : memref<2x16x64xi32, #tpu.memory_space<vmem>> -> memref<1x1x64xi32, #tpu.memory_space<vmem>>
      %dma_start3A_227 = tpu.memref_squeeze %dma_start3A_226 : memref<1x1x64xi32, #tpu.memory_space<vmem>> -> memref<64xi32, #tpu.memory_space<vmem>>
      %dma_start3A_228 = arith.constant 0 : i32
      %dma_start3A_229 = arith.constant 0 : i32
      %dma_start3A_230 = tpu.memref_slice %arg14[%dma_start3A_228, %dma_start3A_229] : memref<10240x128xf32, #tpu.memory_space<vmem_shared>> -> memref<10240x128xf32, #tpu.memory_space<vmem_shared>>
      tpu.enqueue_indirect_dma source(%arg13 : memref<64x128xf32, #tpu.memory_space<vmem>>) target(%dma_start3A_230 : memref<10240x128xf32, #tpu.memory_space<vmem_shared>>) offsets(%dma_start3A_227 : memref<64xi32, #tpu.memory_space<vmem>>) semaphore(%arg24 : memref<!tpu.dma_semaphore, #tpu.memory_space<semaphore_mem>>) {add = true}
      %dma_wait3A_231 = arith.constant 3 : i32
      %dma_wait3A_232 = arith.constant 0 : i32
      %dma_wait3A_233 = tpu.memref_slice %arg8[%and3A_52, %dma_wait3A_231, %dma_wait3A_232] : memref<2x16x64xi32, #tpu.memory_space<vmem>> -> memref<1x1x64xi32, #tpu.memory_space<vmem>>
      %dma_wait3A_234 = tpu.memref_squeeze %dma_wait3A_233 : memref<1x1x64xi32, #tpu.memory_space<vmem>> -> memref<64xi32, #tpu.memory_space<vmem>>
      %dma_wait3A_235 = arith.constant 0 : i32
      %dma_wait3A_236 = arith.constant 0 : i32
      %dma_wait3A_237 = tpu.memref_slice %arg14[%dma_wait3A_235, %dma_wait3A_236] : memref<10240x128xf32, #tpu.memory_space<vmem_shared>> -> memref<10240x128xf32, #tpu.memory_space<vmem_shared>>
      tpu.wait_indirect_dma semaphore(%arg23 : memref<!tpu.dma_semaphore, #tpu.memory_space<semaphore_mem>>) src(%arg12 : memref<64x128xf32, #tpu.memory_space<vmem>>) dst(%dma_wait3A_237 : memref<10240x128xf32, #tpu.memory_space<vmem_shared>>)
      %dma_start3A_238 = arith.constant 8 : i32
      %dma_start3A_239 = arith.constant 0 : i32
      %dma_start3A_240 = tpu.memref_slice %arg7[%and3A_52, %dma_start3A_238, %dma_start3A_239] : memref<2x16x64xi32, #tpu.memory_space<vmem>> -> memref<1x1x64xi32, #tpu.memory_space<vmem>>
      %dma_start3A_241 = tpu.memref_squeeze %dma_start3A_240 : memref<1x1x64xi32, #tpu.memory_space<vmem>> -> memref<64xi32, #tpu.memory_space<vmem>>
      %dma_start3A_242 = arith.constant 0 : i32
      %dma_start3A_243 = arith.constant 0 : i32
      %dma_start3A_244 = tpu.memref_slice %arg2[%dma_start3A_242, %dma_start3A_243] : memref<10240x128xf32, #tpu.memory_space<hbm>> -> memref<10240x128xf32, #tpu.memory_space<hbm>>
      tpu.enqueue_indirect_dma source(%dma_start3A_244 : memref<10240x128xf32, #tpu.memory_space<hbm>>) target(%arg12 : memref<64x128xf32, #tpu.memory_space<vmem>>) offsets(%dma_start3A_241 : memref<64xi32, #tpu.memory_space<vmem>>) semaphore(%arg18 : memref<!tpu.dma_semaphore, #tpu.memory_space<semaphore_mem>>)
      %dma_wait3A_245 = arith.constant 5 : i32
      %dma_wait3A_246 = arith.constant 0 : i32
      %dma_wait3A_247 = tpu.memref_slice %arg7[%and3A_52, %dma_wait3A_245, %dma_wait3A_246] : memref<2x16x64xi32, #tpu.memory_space<vmem>> -> memref<1x1x64xi32, #tpu.memory_space<vmem>>
      %dma_wait3A_248 = tpu.memref_squeeze %dma_wait3A_247 : memref<1x1x64xi32, #tpu.memory_space<vmem>> -> memref<64xi32, #tpu.memory_space<vmem>>
      %dma_wait3A_249 = arith.constant 0 : i32
      %dma_wait3A_250 = arith.constant 0 : i32
      %dma_wait3A_251 = tpu.memref_slice %arg2[%dma_wait3A_249, %dma_wait3A_250] : memref<10240x128xf32, #tpu.memory_space<hbm>> -> memref<10240x128xf32, #tpu.memory_space<hbm>>
      tpu.wait_indirect_dma semaphore(%arg15 : memref<!tpu.dma_semaphore, #tpu.memory_space<semaphore_mem>>) src(%dma_wait3A_251 : memref<10240x128xf32, #tpu.memory_space<hbm>>) dst(%arg9 : memref<64x128xf32, #tpu.memory_space<vmem>>)
      %dma_start3A_252 = arith.constant 5 : i32
      %dma_start3A_253 = arith.constant 0 : i32
      %dma_start3A_254 = tpu.memref_slice %arg8[%and3A_52, %dma_start3A_252, %dma_start3A_253] : memref<2x16x64xi32, #tpu.memory_space<vmem>> -> memref<1x1x64xi32, #tpu.memory_space<vmem>>
      %dma_start3A_255 = tpu.memref_squeeze %dma_start3A_254 : memref<1x1x64xi32, #tpu.memory_space<vmem>> -> memref<64xi32, #tpu.memory_space<vmem>>
      %dma_start3A_256 = arith.constant 0 : i32
      %dma_start3A_257 = arith.constant 0 : i32
      %dma_start3A_258 = tpu.memref_slice %arg14[%dma_start3A_256, %dma_start3A_257] : memref<10240x128xf32, #tpu.memory_space<vmem_shared>> -> memref<10240x128xf32, #tpu.memory_space<vmem_shared>>
      tpu.enqueue_indirect_dma source(%arg9 : memref<64x128xf32, #tpu.memory_space<vmem>>) target(%dma_start3A_258 : memref<10240x128xf32, #tpu.memory_space<vmem_shared>>) offsets(%dma_start3A_255 : memref<64xi32, #tpu.memory_space<vmem>>) semaphore(%arg20 : memref<!tpu.dma_semaphore, #tpu.memory_space<semaphore_mem>>) {add = true}
      %dma_wait3A_259 = arith.constant 4 : i32
      %dma_wait3A_260 = arith.constant 0 : i32
      %dma_wait3A_261 = tpu.memref_slice %arg8[%and3A_52, %dma_wait3A_259, %dma_wait3A_260] : memref<2x16x64xi32, #tpu.memory_space<vmem>> -> memref<1x1x64xi32, #tpu.memory_space<vmem>>
      %dma_wait3A_262 = tpu.memref_squeeze %dma_wait3A_261 : memref<1x1x64xi32, #tpu.memory_space<vmem>> -> memref<64xi32, #tpu.memory_space<vmem>>
      %dma_wait3A_263 = arith.constant 0 : i32
      %dma_wait3A_264 = arith.constant 0 : i32
      %dma_wait3A_265 = tpu.memref_slice %arg14[%dma_wait3A_263, %dma_wait3A_264] : memref<10240x128xf32, #tpu.memory_space<vmem_shared>> -> memref<10240x128xf32, #tpu.memory_space<vmem_shared>>
      tpu.wait_indirect_dma semaphore(%arg24 : memref<!tpu.dma_semaphore, #tpu.memory_space<semaphore_mem>>) src(%arg13 : memref<64x128xf32, #tpu.memory_space<vmem>>) dst(%dma_wait3A_265 : memref<10240x128xf32, #tpu.memory_space<vmem_shared>>)
      %dma_start3A_266 = arith.constant 9 : i32
      %dma_start3A_267 = arith.constant 0 : i32
      %dma_start3A_268 = tpu.memref_slice %arg7[%and3A_52, %dma_start3A_266, %dma_start3A_267] : memref<2x16x64xi32, #tpu.memory_space<vmem>> -> memref<1x1x64xi32, #tpu.memory_space<vmem>>
      %dma_start3A_269 = tpu.memref_squeeze %dma_start3A_268 : memref<1x1x64xi32, #tpu.memory_space<vmem>> -> memref<64xi32, #tpu.memory_space<vmem>>
      %dma_start3A_270 = arith.constant 0 : i32
      %dma_start3A_271 = arith.constant 0 : i32
      %dma_start3A_272 = tpu.memref_slice %arg2[%dma_start3A_270, %dma_start3A_271] : memref<10240x128xf32, #tpu.memory_space<hbm>> -> memref<10240x128xf32, #tpu.memory_space<hbm>>
      tpu.enqueue_indirect_dma source(%dma_start3A_272 : memref<10240x128xf32, #tpu.memory_space<hbm>>) target(%arg13 : memref<64x128xf32, #tpu.memory_space<vmem>>) offsets(%dma_start3A_269 : memref<64xi32, #tpu.memory_space<vmem>>) semaphore(%arg19 : memref<!tpu.dma_semaphore, #tpu.memory_space<semaphore_mem>>)
      %dma_wait3A_273 = arith.constant 6 : i32
      %dma_wait3A_274 = arith.constant 0 : i32
      %dma_wait3A_275 = tpu.memref_slice %arg7[%and3A_52, %dma_wait3A_273, %dma_wait3A_274] : memref<2x16x64xi32, #tpu.memory_space<vmem>> -> memref<1x1x64xi32, #tpu.memory_space<vmem>>
      %dma_wait3A_276 = tpu.memref_squeeze %dma_wait3A_275 : memref<1x1x64xi32, #tpu.memory_space<vmem>> -> memref<64xi32, #tpu.memory_space<vmem>>
      %dma_wait3A_277 = arith.constant 0 : i32
      %dma_wait3A_278 = arith.constant 0 : i32
      %dma_wait3A_279 = tpu.memref_slice %arg2[%dma_wait3A_277, %dma_wait3A_278] : memref<10240x128xf32, #tpu.memory_space<hbm>> -> memref<10240x128xf32, #tpu.memory_space<hbm>>
      tpu.wait_indirect_dma semaphore(%arg16 : memref<!tpu.dma_semaphore, #tpu.memory_space<semaphore_mem>>) src(%dma_wait3A_279 : memref<10240x128xf32, #tpu.memory_space<hbm>>) dst(%arg10 : memref<64x128xf32, #tpu.memory_space<vmem>>)
      %dma_start3A_280 = arith.constant 6 : i32
      %dma_start3A_281 = arith.constant 0 : i32
      %dma_start3A_282 = tpu.memref_slice %arg8[%and3A_52, %dma_start3A_280, %dma_start3A_281] : memref<2x16x64xi32, #tpu.memory_space<vmem>> -> memref<1x1x64xi32, #tpu.memory_space<vmem>>
      %dma_start3A_283 = tpu.memref_squeeze %dma_start3A_282 : memref<1x1x64xi32, #tpu.memory_space<vmem>> -> memref<64xi32, #tpu.memory_space<vmem>>
      %dma_start3A_284 = arith.constant 0 : i32
      %dma_start3A_285 = arith.constant 0 : i32
      %dma_start3A_286 = tpu.memref_slice %arg14[%dma_start3A_284, %dma_start3A_285] : memref<10240x128xf32, #tpu.memory_space<vmem_shared>> -> memref<10240x128xf32, #tpu.memory_space<vmem_shared>>
      tpu.enqueue_indirect_dma source(%arg10 : memref<64x128xf32, #tpu.memory_space<vmem>>) target(%dma_start3A_286 : memref<10240x128xf32, #tpu.memory_space<vmem_shared>>) offsets(%dma_start3A_283 : memref<64xi32, #tpu.memory_space<vmem>>) semaphore(%arg21 : memref<!tpu.dma_semaphore, #tpu.memory_space<semaphore_mem>>) {add = true}
      %dma_wait3A_287 = arith.constant 5 : i32
      %dma_wait3A_288 = arith.constant 0 : i32
      %dma_wait3A_289 = tpu.memref_slice %arg8[%and3A_52, %dma_wait3A_287, %dma_wait3A_288] : memref<2x16x64xi32, #tpu.memory_space<vmem>> -> memref<1x1x64xi32, #tpu.memory_space<vmem>>
      %dma_wait3A_290 = tpu.memref_squeeze %dma_wait3A_289 : memref<1x1x64xi32, #tpu.memory_space<vmem>> -> memref<64xi32, #tpu.memory_space<vmem>>
      %dma_wait3A_291 = arith.constant 0 : i32
      %dma_wait3A_292 = arith.constant 0 : i32
      %dma_wait3A_293 = tpu.memref_slice %arg14[%dma_wait3A_291, %dma_wait3A_292] : memref<10240x128xf32, #tpu.memory_space<vmem_shared>> -> memref<10240x128xf32, #tpu.memory_space<vmem_shared>>
      tpu.wait_indirect_dma semaphore(%arg20 : memref<!tpu.dma_semaphore, #tpu.memory_space<semaphore_mem>>) src(%arg9 : memref<64x128xf32, #tpu.memory_space<vmem>>) dst(%dma_wait3A_293 : memref<10240x128xf32, #tpu.memory_space<vmem_shared>>)
      %dma_start3A_294 = arith.constant 10 : i32
      %dma_start3A_295 = arith.constant 0 : i32
      %dma_start3A_296 = tpu.memref_slice %arg7[%and3A_52, %dma_start3A_294, %dma_start3A_295] : memref<2x16x64xi32, #tpu.memory_space<vmem>> -> memref<1x1x64xi32, #tpu.memory_space<vmem>>
      %dma_start3A_297 = tpu.memref_squeeze %dma_start3A_296 : memref<1x1x64xi32, #tpu.memory_space<vmem>> -> memref<64xi32, #tpu.memory_space<vmem>>
      %dma_start3A_298 = arith.constant 0 : i32
      %dma_start3A_299 = arith.constant 0 : i32
      %dma_start3A_300 = tpu.memref_slice %arg2[%dma_start3A_298, %dma_start3A_299] : memref<10240x128xf32, #tpu.memory_space<hbm>> -> memref<10240x128xf32, #tpu.memory_space<hbm>>
      tpu.enqueue_indirect_dma source(%dma_start3A_300 : memref<10240x128xf32, #tpu.memory_space<hbm>>) target(%arg9 : memref<64x128xf32, #tpu.memory_space<vmem>>) offsets(%dma_start3A_297 : memref<64xi32, #tpu.memory_space<vmem>>) semaphore(%arg15 : memref<!tpu.dma_semaphore, #tpu.memory_space<semaphore_mem>>)
      %dma_wait3A_301 = arith.constant 7 : i32
      %dma_wait3A_302 = arith.constant 0 : i32
      %dma_wait3A_303 = tpu.memref_slice %arg7[%and3A_52, %dma_wait3A_301, %dma_wait3A_302] : memref<2x16x64xi32, #tpu.memory_space<vmem>> -> memref<1x1x64xi32, #tpu.memory_space<vmem>>
      %dma_wait3A_304 = tpu.memref_squeeze %dma_wait3A_303 : memref<1x1x64xi32, #tpu.memory_space<vmem>> -> memref<64xi32, #tpu.memory_space<vmem>>
      %dma_wait3A_305 = arith.constant 0 : i32
      %dma_wait3A_306 = arith.constant 0 : i32
      %dma_wait3A_307 = tpu.memref_slice %arg2[%dma_wait3A_305, %dma_wait3A_306] : memref<10240x128xf32, #tpu.memory_space<hbm>> -> memref<10240x128xf32, #tpu.memory_space<hbm>>
      tpu.wait_indirect_dma semaphore(%arg17 : memref<!tpu.dma_semaphore, #tpu.memory_space<semaphore_mem>>) src(%dma_wait3A_307 : memref<10240x128xf32, #tpu.memory_space<hbm>>) dst(%arg11 : memref<64x128xf32, #tpu.memory_space<vmem>>)
      %dma_start3A_308 = arith.constant 7 : i32
      %dma_start3A_309 = arith.constant 0 : i32
      %dma_start3A_310 = tpu.memref_slice %arg8[%and3A_52, %dma_start3A_308, %dma_start3A_309] : memref<2x16x64xi32, #tpu.memory_space<vmem>> -> memref<1x1x64xi32, #tpu.memory_space<vmem>>
      %dma_start3A_311 = tpu.memref_squeeze %dma_start3A_310 : memref<1x1x64xi32, #tpu.memory_space<vmem>> -> memref<64xi32, #tpu.memory_space<vmem>>
      %dma_start3A_312 = arith.constant 0 : i32
      %dma_start3A_313 = arith.constant 0 : i32
      %dma_start3A_314 = tpu.memref_slice %arg14[%dma_start3A_312, %dma_start3A_313] : memref<10240x128xf32, #tpu.memory_space<vmem_shared>> -> memref<10240x128xf32, #tpu.memory_space<vmem_shared>>
      tpu.enqueue_indirect_dma source(%arg11 : memref<64x128xf32, #tpu.memory_space<vmem>>) target(%dma_start3A_314 : memref<10240x128xf32, #tpu.memory_space<vmem_shared>>) offsets(%dma_start3A_311 : memref<64xi32, #tpu.memory_space<vmem>>) semaphore(%arg22 : memref<!tpu.dma_semaphore, #tpu.memory_space<semaphore_mem>>) {add = true}
      %dma_wait3A_315 = arith.constant 6 : i32
      %dma_wait3A_316 = arith.constant 0 : i32
      %dma_wait3A_317 = tpu.memref_slice %arg8[%and3A_52, %dma_wait3A_315, %dma_wait3A_316] : memref<2x16x64xi32, #tpu.memory_space<vmem>> -> memref<1x1x64xi32, #tpu.memory_space<vmem>>
      %dma_wait3A_318 = tpu.memref_squeeze %dma_wait3A_317 : memref<1x1x64xi32, #tpu.memory_space<vmem>> -> memref<64xi32, #tpu.memory_space<vmem>>
      %dma_wait3A_319 = arith.constant 0 : i32
      %dma_wait3A_320 = arith.constant 0 : i32
      %dma_wait3A_321 = tpu.memref_slice %arg14[%dma_wait3A_319, %dma_wait3A_320] : memref<10240x128xf32, #tpu.memory_space<vmem_shared>> -> memref<10240x128xf32, #tpu.memory_space<vmem_shared>>
      tpu.wait_indirect_dma semaphore(%arg21 : memref<!tpu.dma_semaphore, #tpu.memory_space<semaphore_mem>>) src(%arg10 : memref<64x128xf32, #tpu.memory_space<vmem>>) dst(%dma_wait3A_321 : memref<10240x128xf32, #tpu.memory_space<vmem_shared>>)
      %dma_start3A_322 = arith.constant 11 : i32
      %dma_start3A_323 = arith.constant 0 : i32
      %dma_start3A_324 = tpu.memref_slice %arg7[%and3A_52, %dma_start3A_322, %dma_start3A_323] : memref<2x16x64xi32, #tpu.memory_space<vmem>> -> memref<1x1x64xi32, #tpu.memory_space<vmem>>
      %dma_start3A_325 = tpu.memref_squeeze %dma_start3A_324 : memref<1x1x64xi32, #tpu.memory_space<vmem>> -> memref<64xi32, #tpu.memory_space<vmem>>
      %dma_start3A_326 = arith.constant 0 : i32
      %dma_start3A_327 = arith.constant 0 : i32
      %dma_start3A_328 = tpu.memref_slice %arg2[%dma_start3A_326, %dma_start3A_327] : memref<10240x128xf32, #tpu.memory_space<hbm>> -> memref<10240x128xf32, #tpu.memory_space<hbm>>
      tpu.enqueue_indirect_dma source(%dma_start3A_328 : memref<10240x128xf32, #tpu.memory_space<hbm>>) target(%arg10 : memref<64x128xf32, #tpu.memory_space<vmem>>) offsets(%dma_start3A_325 : memref<64xi32, #tpu.memory_space<vmem>>) semaphore(%arg16 : memref<!tpu.dma_semaphore, #tpu.memory_space<semaphore_mem>>)
      %dma_wait3A_329 = arith.constant 8 : i32
      %dma_wait3A_330 = arith.constant 0 : i32
      %dma_wait3A_331 = tpu.memref_slice %arg7[%and3A_52, %dma_wait3A_329, %dma_wait3A_330] : memref<2x16x64xi32, #tpu.memory_space<vmem>> -> memref<1x1x64xi32, #tpu.memory_space<vmem>>
      %dma_wait3A_332 = tpu.memref_squeeze %dma_wait3A_331 : memref<1x1x64xi32, #tpu.memory_space<vmem>> -> memref<64xi32, #tpu.memory_space<vmem>>
      %dma_wait3A_333 = arith.constant 0 : i32
      %dma_wait3A_334 = arith.constant 0 : i32
      %dma_wait3A_335 = tpu.memref_slice %arg2[%dma_wait3A_333, %dma_wait3A_334] : memref<10240x128xf32, #tpu.memory_space<hbm>> -> memref<10240x128xf32, #tpu.memory_space<hbm>>
      tpu.wait_indirect_dma semaphore(%arg18 : memref<!tpu.dma_semaphore, #tpu.memory_space<semaphore_mem>>) src(%dma_wait3A_335 : memref<10240x128xf32, #tpu.memory_space<hbm>>) dst(%arg12 : memref<64x128xf32, #tpu.memory_space<vmem>>)
      %dma_start3A_336 = arith.constant 8 : i32
      %dma_start3A_337 = arith.constant 0 : i32
      %dma_start3A_338 = tpu.memref_slice %arg8[%and3A_52, %dma_start3A_336, %dma_start3A_337] : memref<2x16x64xi32, #tpu.memory_space<vmem>> -> memref<1x1x64xi32, #tpu.memory_space<vmem>>
      %dma_start3A_339 = tpu.memref_squeeze %dma_start3A_338 : memref<1x1x64xi32, #tpu.memory_space<vmem>> -> memref<64xi32, #tpu.memory_space<vmem>>
      %dma_start3A_340 = arith.constant 0 : i32
      %dma_start3A_341 = arith.constant 0 : i32
      %dma_start3A_342 = tpu.memref_slice %arg14[%dma_start3A_340, %dma_start3A_341] : memref<10240x128xf32, #tpu.memory_space<vmem_shared>> -> memref<10240x128xf32, #tpu.memory_space<vmem_shared>>
      tpu.enqueue_indirect_dma source(%arg12 : memref<64x128xf32, #tpu.memory_space<vmem>>) target(%dma_start3A_342 : memref<10240x128xf32, #tpu.memory_space<vmem_shared>>) offsets(%dma_start3A_339 : memref<64xi32, #tpu.memory_space<vmem>>) semaphore(%arg23 : memref<!tpu.dma_semaphore, #tpu.memory_space<semaphore_mem>>) {add = true}
      %dma_wait3A_343 = arith.constant 7 : i32
      %dma_wait3A_344 = arith.constant 0 : i32
      %dma_wait3A_345 = tpu.memref_slice %arg8[%and3A_52, %dma_wait3A_343, %dma_wait3A_344] : memref<2x16x64xi32, #tpu.memory_space<vmem>> -> memref<1x1x64xi32, #tpu.memory_space<vmem>>
      %dma_wait3A_346 = tpu.memref_squeeze %dma_wait3A_345 : memref<1x1x64xi32, #tpu.memory_space<vmem>> -> memref<64xi32, #tpu.memory_space<vmem>>
      %dma_wait3A_347 = arith.constant 0 : i32
      %dma_wait3A_348 = arith.constant 0 : i32
      %dma_wait3A_349 = tpu.memref_slice %arg14[%dma_wait3A_347, %dma_wait3A_348] : memref<10240x128xf32, #tpu.memory_space<vmem_shared>> -> memref<10240x128xf32, #tpu.memory_space<vmem_shared>>
      tpu.wait_indirect_dma semaphore(%arg22 : memref<!tpu.dma_semaphore, #tpu.memory_space<semaphore_mem>>) src(%arg11 : memref<64x128xf32, #tpu.memory_space<vmem>>) dst(%dma_wait3A_349 : memref<10240x128xf32, #tpu.memory_space<vmem_shared>>)
      %dma_start3A_350 = arith.constant 12 : i32
      %dma_start3A_351 = arith.constant 0 : i32
      %dma_start3A_352 = tpu.memref_slice %arg7[%and3A_52, %dma_start3A_350, %dma_start3A_351] : memref<2x16x64xi32, #tpu.memory_space<vmem>> -> memref<1x1x64xi32, #tpu.memory_space<vmem>>
      %dma_start3A_353 = tpu.memref_squeeze %dma_start3A_352 : memref<1x1x64xi32, #tpu.memory_space<vmem>> -> memref<64xi32, #tpu.memory_space<vmem>>
      %dma_start3A_354 = arith.constant 0 : i32
      %dma_start3A_355 = arith.constant 0 : i32
      %dma_start3A_356 = tpu.memref_slice %arg2[%dma_start3A_354, %dma_start3A_355] : memref<10240x128xf32, #tpu.memory_space<hbm>> -> memref<10240x128xf32, #tpu.memory_space<hbm>>
      tpu.enqueue_indirect_dma source(%dma_start3A_356 : memref<10240x128xf32, #tpu.memory_space<hbm>>) target(%arg11 : memref<64x128xf32, #tpu.memory_space<vmem>>) offsets(%dma_start3A_353 : memref<64xi32, #tpu.memory_space<vmem>>) semaphore(%arg17 : memref<!tpu.dma_semaphore, #tpu.memory_space<semaphore_mem>>)
      %dma_wait3A_357 = arith.constant 9 : i32
      %dma_wait3A_358 = arith.constant 0 : i32
      %dma_wait3A_359 = tpu.memref_slice %arg7[%and3A_52, %dma_wait3A_357, %dma_wait3A_358] : memref<2x16x64xi32, #tpu.memory_space<vmem>> -> memref<1x1x64xi32, #tpu.memory_space<vmem>>
      %dma_wait3A_360 = tpu.memref_squeeze %dma_wait3A_359 : memref<1x1x64xi32, #tpu.memory_space<vmem>> -> memref<64xi32, #tpu.memory_space<vmem>>
      %dma_wait3A_361 = arith.constant 0 : i32
      %dma_wait3A_362 = arith.constant 0 : i32
      %dma_wait3A_363 = tpu.memref_slice %arg2[%dma_wait3A_361, %dma_wait3A_362] : memref<10240x128xf32, #tpu.memory_space<hbm>> -> memref<10240x128xf32, #tpu.memory_space<hbm>>
      tpu.wait_indirect_dma semaphore(%arg19 : memref<!tpu.dma_semaphore, #tpu.memory_space<semaphore_mem>>) src(%dma_wait3A_363 : memref<10240x128xf32, #tpu.memory_space<hbm>>) dst(%arg13 : memref<64x128xf32, #tpu.memory_space<vmem>>)
      %dma_start3A_364 = arith.constant 9 : i32
      %dma_start3A_365 = arith.constant 0 : i32
      %dma_start3A_366 = tpu.memref_slice %arg8[%and3A_52, %dma_start3A_364, %dma_start3A_365] : memref<2x16x64xi32, #tpu.memory_space<vmem>> -> memref<1x1x64xi32, #tpu.memory_space<vmem>>
      %dma_start3A_367 = tpu.memref_squeeze %dma_start3A_366 : memref<1x1x64xi32, #tpu.memory_space<vmem>> -> memref<64xi32, #tpu.memory_space<vmem>>
      %dma_start3A_368 = arith.constant 0 : i32
      %dma_start3A_369 = arith.constant 0 : i32
      %dma_start3A_370 = tpu.memref_slice %arg14[%dma_start3A_368, %dma_start3A_369] : memref<10240x128xf32, #tpu.memory_space<vmem_shared>> -> memref<10240x128xf32, #tpu.memory_space<vmem_shared>>
      tpu.enqueue_indirect_dma source(%arg13 : memref<64x128xf32, #tpu.memory_space<vmem>>) target(%dma_start3A_370 : memref<10240x128xf32, #tpu.memory_space<vmem_shared>>) offsets(%dma_start3A_367 : memref<64xi32, #tpu.memory_space<vmem>>) semaphore(%arg24 : memref<!tpu.dma_semaphore, #tpu.memory_space<semaphore_mem>>) {add = true}
      %dma_wait3A_371 = arith.constant 8 : i32
      %dma_wait3A_372 = arith.constant 0 : i32
      %dma_wait3A_373 = tpu.memref_slice %arg8[%and3A_52, %dma_wait3A_371, %dma_wait3A_372] : memref<2x16x64xi32, #tpu.memory_space<vmem>> -> memref<1x1x64xi32, #tpu.memory_space<vmem>>
      %dma_wait3A_374 = tpu.memref_squeeze %dma_wait3A_373 : memref<1x1x64xi32, #tpu.memory_space<vmem>> -> memref<64xi32, #tpu.memory_space<vmem>>
      %dma_wait3A_375 = arith.constant 0 : i32
      %dma_wait3A_376 = arith.constant 0 : i32
      %dma_wait3A_377 = tpu.memref_slice %arg14[%dma_wait3A_375, %dma_wait3A_376] : memref<10240x128xf32, #tpu.memory_space<vmem_shared>> -> memref<10240x128xf32, #tpu.memory_space<vmem_shared>>
      tpu.wait_indirect_dma semaphore(%arg23 : memref<!tpu.dma_semaphore, #tpu.memory_space<semaphore_mem>>) src(%arg12 : memref<64x128xf32, #tpu.memory_space<vmem>>) dst(%dma_wait3A_377 : memref<10240x128xf32, #tpu.memory_space<vmem_shared>>)
      %dma_start3A_378 = arith.constant 13 : i32
      %dma_start3A_379 = arith.constant 0 : i32
      %dma_start3A_380 = tpu.memref_slice %arg7[%and3A_52, %dma_start3A_378, %dma_start3A_379] : memref<2x16x64xi32, #tpu.memory_space<vmem>> -> memref<1x1x64xi32, #tpu.memory_space<vmem>>
      %dma_start3A_381 = tpu.memref_squeeze %dma_start3A_380 : memref<1x1x64xi32, #tpu.memory_space<vmem>> -> memref<64xi32, #tpu.memory_space<vmem>>
      %dma_start3A_382 = arith.constant 0 : i32
      %dma_start3A_383 = arith.constant 0 : i32
      %dma_start3A_384 = tpu.memref_slice %arg2[%dma_start3A_382, %dma_start3A_383] : memref<10240x128xf32, #tpu.memory_space<hbm>> -> memref<10240x128xf32, #tpu.memory_space<hbm>>
      tpu.enqueue_indirect_dma source(%dma_start3A_384 : memref<10240x128xf32, #tpu.memory_space<hbm>>) target(%arg12 : memref<64x128xf32, #tpu.memory_space<vmem>>) offsets(%dma_start3A_381 : memref<64xi32, #tpu.memory_space<vmem>>) semaphore(%arg18 : memref<!tpu.dma_semaphore, #tpu.memory_space<semaphore_mem>>)
      %dma_wait3A_385 = arith.constant 10 : i32
      %dma_wait3A_386 = arith.constant 0 : i32
      %dma_wait3A_387 = tpu.memref_slice %arg7[%and3A_52, %dma_wait3A_385, %dma_wait3A_386] : memref<2x16x64xi32, #tpu.memory_space<vmem>> -> memref<1x1x64xi32, #tpu.memory_space<vmem>>
      %dma_wait3A_388 = tpu.memref_squeeze %dma_wait3A_387 : memref<1x1x64xi32, #tpu.memory_space<vmem>> -> memref<64xi32, #tpu.memory_space<vmem>>
      %dma_wait3A_389 = arith.constant 0 : i32
      %dma_wait3A_390 = arith.constant 0 : i32
      %dma_wait3A_391 = tpu.memref_slice %arg2[%dma_wait3A_389, %dma_wait3A_390] : memref<10240x128xf32, #tpu.memory_space<hbm>> -> memref<10240x128xf32, #tpu.memory_space<hbm>>
      tpu.wait_indirect_dma semaphore(%arg15 : memref<!tpu.dma_semaphore, #tpu.memory_space<semaphore_mem>>) src(%dma_wait3A_391 : memref<10240x128xf32, #tpu.memory_space<hbm>>) dst(%arg9 : memref<64x128xf32, #tpu.memory_space<vmem>>)
      %dma_start3A_392 = arith.constant 10 : i32
      %dma_start3A_393 = arith.constant 0 : i32
      %dma_start3A_394 = tpu.memref_slice %arg8[%and3A_52, %dma_start3A_392, %dma_start3A_393] : memref<2x16x64xi32, #tpu.memory_space<vmem>> -> memref<1x1x64xi32, #tpu.memory_space<vmem>>
      %dma_start3A_395 = tpu.memref_squeeze %dma_start3A_394 : memref<1x1x64xi32, #tpu.memory_space<vmem>> -> memref<64xi32, #tpu.memory_space<vmem>>
      %dma_start3A_396 = arith.constant 0 : i32
      %dma_start3A_397 = arith.constant 0 : i32
      %dma_start3A_398 = tpu.memref_slice %arg14[%dma_start3A_396, %dma_start3A_397] : memref<10240x128xf32, #tpu.memory_space<vmem_shared>> -> memref<10240x128xf32, #tpu.memory_space<vmem_shared>>
      tpu.enqueue_indirect_dma source(%arg9 : memref<64x128xf32, #tpu.memory_space<vmem>>) target(%dma_start3A_398 : memref<10240x128xf32, #tpu.memory_space<vmem_shared>>) offsets(%dma_start3A_395 : memref<64xi32, #tpu.memory_space<vmem>>) semaphore(%arg20 : memref<!tpu.dma_semaphore, #tpu.memory_space<semaphore_mem>>) {add = true}
      %dma_wait3A_399 = arith.constant 9 : i32
      %dma_wait3A_400 = arith.constant 0 : i32
      %dma_wait3A_401 = tpu.memref_slice %arg8[%and3A_52, %dma_wait3A_399, %dma_wait3A_400] : memref<2x16x64xi32, #tpu.memory_space<vmem>> -> memref<1x1x64xi32, #tpu.memory_space<vmem>>
      %dma_wait3A_402 = tpu.memref_squeeze %dma_wait3A_401 : memref<1x1x64xi32, #tpu.memory_space<vmem>> -> memref<64xi32, #tpu.memory_space<vmem>>
      %dma_wait3A_403 = arith.constant 0 : i32
      %dma_wait3A_404 = arith.constant 0 : i32
      %dma_wait3A_405 = tpu.memref_slice %arg14[%dma_wait3A_403, %dma_wait3A_404] : memref<10240x128xf32, #tpu.memory_space<vmem_shared>> -> memref<10240x128xf32, #tpu.memory_space<vmem_shared>>
      tpu.wait_indirect_dma semaphore(%arg24 : memref<!tpu.dma_semaphore, #tpu.memory_space<semaphore_mem>>) src(%arg13 : memref<64x128xf32, #tpu.memory_space<vmem>>) dst(%dma_wait3A_405 : memref<10240x128xf32, #tpu.memory_space<vmem_shared>>)
      %dma_start3A_406 = arith.constant 14 : i32
      %dma_start3A_407 = arith.constant 0 : i32
      %dma_start3A_408 = tpu.memref_slice %arg7[%and3A_52, %dma_start3A_406, %dma_start3A_407] : memref<2x16x64xi32, #tpu.memory_space<vmem>> -> memref<1x1x64xi32, #tpu.memory_space<vmem>>
      %dma_start3A_409 = tpu.memref_squeeze %dma_start3A_408 : memref<1x1x64xi32, #tpu.memory_space<vmem>> -> memref<64xi32, #tpu.memory_space<vmem>>
      %dma_start3A_410 = arith.constant 0 : i32
      %dma_start3A_411 = arith.constant 0 : i32
      %dma_start3A_412 = tpu.memref_slice %arg2[%dma_start3A_410, %dma_start3A_411] : memref<10240x128xf32, #tpu.memory_space<hbm>> -> memref<10240x128xf32, #tpu.memory_space<hbm>>
      tpu.enqueue_indirect_dma source(%dma_start3A_412 : memref<10240x128xf32, #tpu.memory_space<hbm>>) target(%arg13 : memref<64x128xf32, #tpu.memory_space<vmem>>) offsets(%dma_start3A_409 : memref<64xi32, #tpu.memory_space<vmem>>) semaphore(%arg19 : memref<!tpu.dma_semaphore, #tpu.memory_space<semaphore_mem>>)
      %dma_wait3A_413 = arith.constant 11 : i32
      %dma_wait3A_414 = arith.constant 0 : i32
      %dma_wait3A_415 = tpu.memref_slice %arg7[%and3A_52, %dma_wait3A_413, %dma_wait3A_414] : memref<2x16x64xi32, #tpu.memory_space<vmem>> -> memref<1x1x64xi32, #tpu.memory_space<vmem>>
      %dma_wait3A_416 = tpu.memref_squeeze %dma_wait3A_415 : memref<1x1x64xi32, #tpu.memory_space<vmem>> -> memref<64xi32, #tpu.memory_space<vmem>>
      %dma_wait3A_417 = arith.constant 0 : i32
      %dma_wait3A_418 = arith.constant 0 : i32
      %dma_wait3A_419 = tpu.memref_slice %arg2[%dma_wait3A_417, %dma_wait3A_418] : memref<10240x128xf32, #tpu.memory_space<hbm>> -> memref<10240x128xf32, #tpu.memory_space<hbm>>
      tpu.wait_indirect_dma semaphore(%arg16 : memref<!tpu.dma_semaphore, #tpu.memory_space<semaphore_mem>>) src(%dma_wait3A_419 : memref<10240x128xf32, #tpu.memory_space<hbm>>) dst(%arg10 : memref<64x128xf32, #tpu.memory_space<vmem>>)
      %dma_start3A_420 = arith.constant 11 : i32
      %dma_start3A_421 = arith.constant 0 : i32
      %dma_start3A_422 = tpu.memref_slice %arg8[%and3A_52, %dma_start3A_420, %dma_start3A_421] : memref<2x16x64xi32, #tpu.memory_space<vmem>> -> memref<1x1x64xi32, #tpu.memory_space<vmem>>
      %dma_start3A_423 = tpu.memref_squeeze %dma_start3A_422 : memref<1x1x64xi32, #tpu.memory_space<vmem>> -> memref<64xi32, #tpu.memory_space<vmem>>
      %dma_start3A_424 = arith.constant 0 : i32
      %dma_start3A_425 = arith.constant 0 : i32
      %dma_start3A_426 = tpu.memref_slice %arg14[%dma_start3A_424, %dma_start3A_425] : memref<10240x128xf32, #tpu.memory_space<vmem_shared>> -> memref<10240x128xf32, #tpu.memory_space<vmem_shared>>
      tpu.enqueue_indirect_dma source(%arg10 : memref<64x128xf32, #tpu.memory_space<vmem>>) target(%dma_start3A_426 : memref<10240x128xf32, #tpu.memory_space<vmem_shared>>) offsets(%dma_start3A_423 : memref<64xi32, #tpu.memory_space<vmem>>) semaphore(%arg21 : memref<!tpu.dma_semaphore, #tpu.memory_space<semaphore_mem>>) {add = true}
      %dma_wait3A_427 = arith.constant 10 : i32
      %dma_wait3A_428 = arith.constant 0 : i32
      %dma_wait3A_429 = tpu.memref_slice %arg8[%and3A_52, %dma_wait3A_427, %dma_wait3A_428] : memref<2x16x64xi32, #tpu.memory_space<vmem>> -> memref<1x1x64xi32, #tpu.memory_space<vmem>>
      %dma_wait3A_430 = tpu.memref_squeeze %dma_wait3A_429 : memref<1x1x64xi32, #tpu.memory_space<vmem>> -> memref<64xi32, #tpu.memory_space<vmem>>
      %dma_wait3A_431 = arith.constant 0 : i32
      %dma_wait3A_432 = arith.constant 0 : i32
      %dma_wait3A_433 = tpu.memref_slice %arg14[%dma_wait3A_431, %dma_wait3A_432] : memref<10240x128xf32, #tpu.memory_space<vmem_shared>> -> memref<10240x128xf32, #tpu.memory_space<vmem_shared>>
      tpu.wait_indirect_dma semaphore(%arg20 : memref<!tpu.dma_semaphore, #tpu.memory_space<semaphore_mem>>) src(%arg9 : memref<64x128xf32, #tpu.memory_space<vmem>>) dst(%dma_wait3A_433 : memref<10240x128xf32, #tpu.memory_space<vmem_shared>>)
      %dma_start3A_434 = arith.constant 15 : i32
      %dma_start3A_435 = arith.constant 0 : i32
      %dma_start3A_436 = tpu.memref_slice %arg7[%and3A_52, %dma_start3A_434, %dma_start3A_435] : memref<2x16x64xi32, #tpu.memory_space<vmem>> -> memref<1x1x64xi32, #tpu.memory_space<vmem>>
      %dma_start3A_437 = tpu.memref_squeeze %dma_start3A_436 : memref<1x1x64xi32, #tpu.memory_space<vmem>> -> memref<64xi32, #tpu.memory_space<vmem>>
      %dma_start3A_438 = arith.constant 0 : i32
      %dma_start3A_439 = arith.constant 0 : i32
      %dma_start3A_440 = tpu.memref_slice %arg2[%dma_start3A_438, %dma_start3A_439] : memref<10240x128xf32, #tpu.memory_space<hbm>> -> memref<10240x128xf32, #tpu.memory_space<hbm>>
      tpu.enqueue_indirect_dma source(%dma_start3A_440 : memref<10240x128xf32, #tpu.memory_space<hbm>>) target(%arg9 : memref<64x128xf32, #tpu.memory_space<vmem>>) offsets(%dma_start3A_437 : memref<64xi32, #tpu.memory_space<vmem>>) semaphore(%arg15 : memref<!tpu.dma_semaphore, #tpu.memory_space<semaphore_mem>>)
      %dma_wait3A_441 = arith.constant 12 : i32
      %dma_wait3A_442 = arith.constant 0 : i32
      %dma_wait3A_443 = tpu.memref_slice %arg7[%and3A_52, %dma_wait3A_441, %dma_wait3A_442] : memref<2x16x64xi32, #tpu.memory_space<vmem>> -> memref<1x1x64xi32, #tpu.memory_space<vmem>>
      %dma_wait3A_444 = tpu.memref_squeeze %dma_wait3A_443 : memref<1x1x64xi32, #tpu.memory_space<vmem>> -> memref<64xi32, #tpu.memory_space<vmem>>
      %dma_wait3A_445 = arith.constant 0 : i32
      %dma_wait3A_446 = arith.constant 0 : i32
      %dma_wait3A_447 = tpu.memref_slice %arg2[%dma_wait3A_445, %dma_wait3A_446] : memref<10240x128xf32, #tpu.memory_space<hbm>> -> memref<10240x128xf32, #tpu.memory_space<hbm>>
      tpu.wait_indirect_dma semaphore(%arg17 : memref<!tpu.dma_semaphore, #tpu.memory_space<semaphore_mem>>) src(%dma_wait3A_447 : memref<10240x128xf32, #tpu.memory_space<hbm>>) dst(%arg11 : memref<64x128xf32, #tpu.memory_space<vmem>>)
      %dma_start3A_448 = arith.constant 12 : i32
      %dma_start3A_449 = arith.constant 0 : i32
      %dma_start3A_450 = tpu.memref_slice %arg8[%and3A_52, %dma_start3A_448, %dma_start3A_449] : memref<2x16x64xi32, #tpu.memory_space<vmem>> -> memref<1x1x64xi32, #tpu.memory_space<vmem>>
      %dma_start3A_451 = tpu.memref_squeeze %dma_start3A_450 : memref<1x1x64xi32, #tpu.memory_space<vmem>> -> memref<64xi32, #tpu.memory_space<vmem>>
      %dma_start3A_452 = arith.constant 0 : i32
      %dma_start3A_453 = arith.constant 0 : i32
      %dma_start3A_454 = tpu.memref_slice %arg14[%dma_start3A_452, %dma_start3A_453] : memref<10240x128xf32, #tpu.memory_space<vmem_shared>> -> memref<10240x128xf32, #tpu.memory_space<vmem_shared>>
      tpu.enqueue_indirect_dma source(%arg11 : memref<64x128xf32, #tpu.memory_space<vmem>>) target(%dma_start3A_454 : memref<10240x128xf32, #tpu.memory_space<vmem_shared>>) offsets(%dma_start3A_451 : memref<64xi32, #tpu.memory_space<vmem>>) semaphore(%arg22 : memref<!tpu.dma_semaphore, #tpu.memory_space<semaphore_mem>>) {add = true}
      %dma_wait3A_455 = arith.constant 13 : i32
      %dma_wait3A_456 = arith.constant 0 : i32
      %dma_wait3A_457 = tpu.memref_slice %arg7[%and3A_52, %dma_wait3A_455, %dma_wait3A_456] : memref<2x16x64xi32, #tpu.memory_space<vmem>> -> memref<1x1x64xi32, #tpu.memory_space<vmem>>
      %dma_wait3A_458 = tpu.memref_squeeze %dma_wait3A_457 : memref<1x1x64xi32, #tpu.memory_space<vmem>> -> memref<64xi32, #tpu.memory_space<vmem>>
      %dma_wait3A_459 = arith.constant 0 : i32
      %dma_wait3A_460 = arith.constant 0 : i32
      %dma_wait3A_461 = tpu.memref_slice %arg2[%dma_wait3A_459, %dma_wait3A_460] : memref<10240x128xf32, #tpu.memory_space<hbm>> -> memref<10240x128xf32, #tpu.memory_space<hbm>>
      tpu.wait_indirect_dma semaphore(%arg18 : memref<!tpu.dma_semaphore, #tpu.memory_space<semaphore_mem>>) src(%dma_wait3A_461 : memref<10240x128xf32, #tpu.memory_space<hbm>>) dst(%arg12 : memref<64x128xf32, #tpu.memory_space<vmem>>)
      %dma_start3A_462 = arith.constant 13 : i32
      %dma_start3A_463 = arith.constant 0 : i32
      %dma_start3A_464 = tpu.memref_slice %arg8[%and3A_52, %dma_start3A_462, %dma_start3A_463] : memref<2x16x64xi32, #tpu.memory_space<vmem>> -> memref<1x1x64xi32, #tpu.memory_space<vmem>>
      %dma_start3A_465 = tpu.memref_squeeze %dma_start3A_464 : memref<1x1x64xi32, #tpu.memory_space<vmem>> -> memref<64xi32, #tpu.memory_space<vmem>>
      %dma_start3A_466 = arith.constant 0 : i32
      %dma_start3A_467 = arith.constant 0 : i32
      %dma_start3A_468 = tpu.memref_slice %arg14[%dma_start3A_466, %dma_start3A_467] : memref<10240x128xf32, #tpu.memory_space<vmem_shared>> -> memref<10240x128xf32, #tpu.memory_space<vmem_shared>>
      tpu.enqueue_indirect_dma source(%arg12 : memref<64x128xf32, #tpu.memory_space<vmem>>) target(%dma_start3A_468 : memref<10240x128xf32, #tpu.memory_space<vmem_shared>>) offsets(%dma_start3A_465 : memref<64xi32, #tpu.memory_space<vmem>>) semaphore(%arg23 : memref<!tpu.dma_semaphore, #tpu.memory_space<semaphore_mem>>) {add = true}
      %dma_wait3A_469 = arith.constant 14 : i32
      %dma_wait3A_470 = arith.constant 0 : i32
      %dma_wait3A_471 = tpu.memref_slice %arg7[%and3A_52, %dma_wait3A_469, %dma_wait3A_470] : memref<2x16x64xi32, #tpu.memory_space<vmem>> -> memref<1x1x64xi32, #tpu.memory_space<vmem>>
      %dma_wait3A_472 = tpu.memref_squeeze %dma_wait3A_471 : memref<1x1x64xi32, #tpu.memory_space<vmem>> -> memref<64xi32, #tpu.memory_space<vmem>>
      %dma_wait3A_473 = arith.constant 0 : i32
      %dma_wait3A_474 = arith.constant 0 : i32
      %dma_wait3A_475 = tpu.memref_slice %arg2[%dma_wait3A_473, %dma_wait3A_474] : memref<10240x128xf32, #tpu.memory_space<hbm>> -> memref<10240x128xf32, #tpu.memory_space<hbm>>
      tpu.wait_indirect_dma semaphore(%arg19 : memref<!tpu.dma_semaphore, #tpu.memory_space<semaphore_mem>>) src(%dma_wait3A_475 : memref<10240x128xf32, #tpu.memory_space<hbm>>) dst(%arg13 : memref<64x128xf32, #tpu.memory_space<vmem>>)
      %dma_start3A_476 = arith.constant 14 : i32
      %dma_start3A_477 = arith.constant 0 : i32
      %dma_start3A_478 = tpu.memref_slice %arg8[%and3A_52, %dma_start3A_476, %dma_start3A_477] : memref<2x16x64xi32, #tpu.memory_space<vmem>> -> memref<1x1x64xi32, #tpu.memory_space<vmem>>
      %dma_start3A_479 = tpu.memref_squeeze %dma_start3A_478 : memref<1x1x64xi32, #tpu.memory_space<vmem>> -> memref<64xi32, #tpu.memory_space<vmem>>
      %dma_start3A_480 = arith.constant 0 : i32
      %dma_start3A_481 = arith.constant 0 : i32
      %dma_start3A_482 = tpu.memref_slice %arg14[%dma_start3A_480, %dma_start3A_481] : memref<10240x128xf32, #tpu.memory_space<vmem_shared>> -> memref<10240x128xf32, #tpu.memory_space<vmem_shared>>
      tpu.enqueue_indirect_dma source(%arg13 : memref<64x128xf32, #tpu.memory_space<vmem>>) target(%dma_start3A_482 : memref<10240x128xf32, #tpu.memory_space<vmem_shared>>) offsets(%dma_start3A_479 : memref<64xi32, #tpu.memory_space<vmem>>) semaphore(%arg24 : memref<!tpu.dma_semaphore, #tpu.memory_space<semaphore_mem>>) {add = true}
      %dma_wait3A_483 = arith.constant 15 : i32
      %dma_wait3A_484 = arith.constant 0 : i32
      %dma_wait3A_485 = tpu.memref_slice %arg7[%and3A_52, %dma_wait3A_483, %dma_wait3A_484] : memref<2x16x64xi32, #tpu.memory_space<vmem>> -> memref<1x1x64xi32, #tpu.memory_space<vmem>>
      %dma_wait3A_486 = tpu.memref_squeeze %dma_wait3A_485 : memref<1x1x64xi32, #tpu.memory_space<vmem>> -> memref<64xi32, #tpu.memory_space<vmem>>
      %dma_wait3A_487 = arith.constant 0 : i32
      %dma_wait3A_488 = arith.constant 0 : i32
      %dma_wait3A_489 = tpu.memref_slice %arg2[%dma_wait3A_487, %dma_wait3A_488] : memref<10240x128xf32, #tpu.memory_space<hbm>> -> memref<10240x128xf32, #tpu.memory_space<hbm>>
      tpu.wait_indirect_dma semaphore(%arg15 : memref<!tpu.dma_semaphore, #tpu.memory_space<semaphore_mem>>) src(%dma_wait3A_489 : memref<10240x128xf32, #tpu.memory_space<hbm>>) dst(%arg9 : memref<64x128xf32, #tpu.memory_space<vmem>>)
      %dma_start3A_490 = arith.constant 15 : i32
      %dma_start3A_491 = arith.constant 0 : i32
      %dma_start3A_492 = tpu.memref_slice %arg8[%and3A_52, %dma_start3A_490, %dma_start3A_491] : memref<2x16x64xi32, #tpu.memory_space<vmem>> -> memref<1x1x64xi32, #tpu.memory_space<vmem>>
      %dma_start3A_493 = tpu.memref_squeeze %dma_start3A_492 : memref<1x1x64xi32, #tpu.memory_space<vmem>> -> memref<64xi32, #tpu.memory_space<vmem>>
      %dma_start3A_494 = arith.constant 0 : i32
      %dma_start3A_495 = arith.constant 0 : i32
      %dma_start3A_496 = tpu.memref_slice %arg14[%dma_start3A_494, %dma_start3A_495] : memref<10240x128xf32, #tpu.memory_space<vmem_shared>> -> memref<10240x128xf32, #tpu.memory_space<vmem_shared>>
      tpu.enqueue_indirect_dma source(%arg9 : memref<64x128xf32, #tpu.memory_space<vmem>>) target(%dma_start3A_496 : memref<10240x128xf32, #tpu.memory_space<vmem_shared>>) offsets(%dma_start3A_493 : memref<64xi32, #tpu.memory_space<vmem>>) semaphore(%arg20 : memref<!tpu.dma_semaphore, #tpu.memory_space<semaphore_mem>>) {add = true}
      %add3A_497 = arith.constant 1 : i32
      %add3A_498 = arith.addi %scan3A_51, %add3A_497 : i32
      %lt3A = arith.constant 20 : i32
      %lt3A_499 = arith.cmpi slt, %add3A_498, %lt3A : i32
      %convert_element_type3A = arith.extui %lt3A_499 : i1 to i32
      %cond3A = arith.constant 0 : i32
      %cond3A_500 = arith.cmpi ne, %convert_element_type3A, %cond3A : i32
      scf.if %cond3A_500 {
        %add3A_536 = arith.constant 1 : i32
        %add3A_537 = arith.addi %scan3A_51, %add3A_536 : i32
        %sub3A = arith.constant 1 : i32
        %sub3A_538 = arith.subi %sub3A, %and3A_52 : i32
        %dma_start3A_539 = arith.constant 0 : i32
        %dma_start3A_540 = arith.constant 0 : i32
        %dma_start3A_541 = tpu.memref_slice %arg7[%sub3A_538, %dma_start3A_539, %dma_start3A_540] : memref<2x16x64xi32, #tpu.memory_space<vmem>> -> memref<1x16x64xi32, #tpu.memory_space<vmem>>
        %dma_start3A_542 = tpu.memref_squeeze %dma_start3A_541 : memref<1x16x64xi32, #tpu.memory_space<vmem>> -> memref<16x64xi32, #tpu.memory_space<vmem>>
        %dma_start3A_543 = arith.constant 0 : i32
        %dma_start3A_544 = arith.constant 0 : i32
        %dma_start3A_545 = tpu.memref_slice %arg3[%arg1, %add3A_537, %dma_start3A_543, %dma_start3A_544] : memref<16x20x16x64xi32, #tpu.memory_space<hbm>> -> memref<1x1x16x64xi32, #tpu.memory_space<hbm>>
        %dma_start3A_546 = tpu.memref_squeeze %dma_start3A_545 : memref<1x1x16x64xi32, #tpu.memory_space<hbm>> -> memref<16x64xi32, #tpu.memory_space<hbm>>
        %dma_start3A_547 = arith.constant 0 : i32
        %dma_start3A_548 = arith.constant 0 : i32
        %dma_start3A_549 = tpu.memref_slice %arg7[%sub3A_538, %dma_start3A_547, %dma_start3A_548] : memref<2x16x64xi32, #tpu.memory_space<vmem>> -> memref<1x16x64xi32, #tpu.memory_space<vmem>>
        %dma_start3A_550 = tpu.memref_squeeze %dma_start3A_549 : memref<1x16x64xi32, #tpu.memory_space<vmem>> -> memref<16x64xi32, #tpu.memory_space<vmem>>
        %dma_start3A_551 = arith.constant 0 : i32
        %dma_start3A_552 = arith.constant 0 : i32
        %dma_start3A_553 = tpu.memref_slice %arg3[%arg1, %add3A_537, %dma_start3A_551, %dma_start3A_552] : memref<16x20x16x64xi32, #tpu.memory_space<hbm>> -> memref<1x1x16x64xi32, #tpu.memory_space<hbm>>
        %dma_start3A_554 = tpu.memref_squeeze %dma_start3A_553 : memref<1x1x16x64xi32, #tpu.memory_space<hbm>> -> memref<16x64xi32, #tpu.memory_space<hbm>>
        tpu.enqueue_dma source(%dma_start3A_554 : memref<16x64xi32, #tpu.memory_space<hbm>>) target(%dma_start3A_550 : memref<16x64xi32, #tpu.memory_space<vmem>>) target_semaphore(%arg25 : memref<!tpu.dma_semaphore, #tpu.memory_space<semaphore_mem>>)
        %add3A_555 = arith.constant 1 : i32
        %add3A_556 = arith.addi %scan3A_51, %add3A_555 : i32
        %sub3A_557 = arith.constant 1 : i32
        %sub3A_558 = arith.subi %sub3A_557, %and3A_52 : i32
        %dma_start3A_559 = arith.constant 0 : i32
        %dma_start3A_560 = arith.constant 0 : i32
        %dma_start3A_561 = tpu.memref_slice %arg8[%sub3A_558, %dma_start3A_559, %dma_start3A_560] : memref<2x16x64xi32, #tpu.memory_space<vmem>> -> memref<1x16x64xi32, #tpu.memory_space<vmem>>
        %dma_start3A_562 = tpu.memref_squeeze %dma_start3A_561 : memref<1x16x64xi32, #tpu.memory_space<vmem>> -> memref<16x64xi32, #tpu.memory_space<vmem>>
        %dma_start3A_563 = arith.constant 0 : i32
        %dma_start3A_564 = arith.constant 0 : i32
        %dma_start3A_565 = tpu.memref_slice %arg4[%arg1, %add3A_556, %dma_start3A_563, %dma_start3A_564] : memref<16x20x16x64xi32, #tpu.memory_space<hbm>> -> memref<1x1x16x64xi32, #tpu.memory_space<hbm>>
        %dma_start3A_566 = tpu.memref_squeeze %dma_start3A_565 : memref<1x1x16x64xi32, #tpu.memory_space<hbm>> -> memref<16x64xi32, #tpu.memory_space<hbm>>
        %dma_start3A_567 = arith.constant 0 : i32
        %dma_start3A_568 = arith.constant 0 : i32
        %dma_start3A_569 = tpu.memref_slice %arg8[%sub3A_558, %dma_start3A_567, %dma_start3A_568] : memref<2x16x64xi32, #tpu.memory_space<vmem>> -> memref<1x16x64xi32, #tpu.memory_space<vmem>>
        %dma_start3A_570 = tpu.memref_squeeze %dma_start3A_569 : memref<1x16x64xi32, #tpu.memory_space<vmem>> -> memref<16x64xi32, #tpu.memory_space<vmem>>
        %dma_start3A_571 = arith.constant 0 : i32
        %dma_start3A_572 = arith.constant 0 : i32
        %dma_start3A_573 = tpu.memref_slice %arg4[%arg1, %add3A_556, %dma_start3A_571, %dma_start3A_572] : memref<16x20x16x64xi32, #tpu.memory_space<hbm>> -> memref<1x1x16x64xi32, #tpu.memory_space<hbm>>
        %dma_start3A_574 = tpu.memref_squeeze %dma_start3A_573 : memref<1x1x16x64xi32, #tpu.memory_space<hbm>> -> memref<16x64xi32, #tpu.memory_space<hbm>>
        tpu.enqueue_dma source(%dma_start3A_574 : memref<16x64xi32, #tpu.memory_space<hbm>>) target(%dma_start3A_570 : memref<16x64xi32, #tpu.memory_space<vmem>>) target_semaphore(%arg26 : memref<!tpu.dma_semaphore, #tpu.memory_space<semaphore_mem>>)
      } else {
      }
      %dma_wait3A_501 = arith.constant 11 : i32
      %dma_wait3A_502 = arith.constant 0 : i32
      %dma_wait3A_503 = tpu.memref_slice %arg8[%and3A_52, %dma_wait3A_501, %dma_wait3A_502] : memref<2x16x64xi32, #tpu.memory_space<vmem>> -> memref<1x1x64xi32, #tpu.memory_space<vmem>>
      %dma_wait3A_504 = tpu.memref_squeeze %dma_wait3A_503 : memref<1x1x64xi32, #tpu.memory_space<vmem>> -> memref<64xi32, #tpu.memory_space<vmem>>
      %dma_wait3A_505 = arith.constant 0 : i32
      %dma_wait3A_506 = arith.constant 0 : i32
      %dma_wait3A_507 = tpu.memref_slice %arg14[%dma_wait3A_505, %dma_wait3A_506] : memref<10240x128xf32, #tpu.memory_space<vmem_shared>> -> memref<10240x128xf32, #tpu.memory_space<vmem_shared>>
      tpu.wait_indirect_dma semaphore(%arg21 : memref<!tpu.dma_semaphore, #tpu.memory_space<semaphore_mem>>) src(%arg10 : memref<64x128xf32, #tpu.memory_space<vmem>>) dst(%dma_wait3A_507 : memref<10240x128xf32, #tpu.memory_space<vmem_shared>>)
      %dma_wait3A_508 = arith.constant 12 : i32
      %dma_wait3A_509 = arith.constant 0 : i32
      %dma_wait3A_510 = tpu.memref_slice %arg8[%and3A_52, %dma_wait3A_508, %dma_wait3A_509] : memref<2x16x64xi32, #tpu.memory_space<vmem>> -> memref<1x1x64xi32, #tpu.memory_space<vmem>>
      %dma_wait3A_511 = tpu.memref_squeeze %dma_wait3A_510 : memref<1x1x64xi32, #tpu.memory_space<vmem>> -> memref<64xi32, #tpu.memory_space<vmem>>
      %dma_wait3A_512 = arith.constant 0 : i32
      %dma_wait3A_513 = arith.constant 0 : i32
      %dma_wait3A_514 = tpu.memref_slice %arg14[%dma_wait3A_512, %dma_wait3A_513] : memref<10240x128xf32, #tpu.memory_space<vmem_shared>> -> memref<10240x128xf32, #tpu.memory_space<vmem_shared>>
      tpu.wait_indirect_dma semaphore(%arg22 : memref<!tpu.dma_semaphore, #tpu.memory_space<semaphore_mem>>) src(%arg11 : memref<64x128xf32, #tpu.memory_space<vmem>>) dst(%dma_wait3A_514 : memref<10240x128xf32, #tpu.memory_space<vmem_shared>>)
      %dma_wait3A_515 = arith.constant 13 : i32
      %dma_wait3A_516 = arith.constant 0 : i32
      %dma_wait3A_517 = tpu.memref_slice %arg8[%and3A_52, %dma_wait3A_515, %dma_wait3A_516] : memref<2x16x64xi32, #tpu.memory_space<vmem>> -> memref<1x1x64xi32, #tpu.memory_space<vmem>>
      %dma_wait3A_518 = tpu.memref_squeeze %dma_wait3A_517 : memref<1x1x64xi32, #tpu.memory_space<vmem>> -> memref<64xi32, #tpu.memory_space<vmem>>
      %dma_wait3A_519 = arith.constant 0 : i32
      %dma_wait3A_520 = arith.constant 0 : i32
      %dma_wait3A_521 = tpu.memref_slice %arg14[%dma_wait3A_519, %dma_wait3A_520] : memref<10240x128xf32, #tpu.memory_space<vmem_shared>> -> memref<10240x128xf32, #tpu.memory_space<vmem_shared>>
      tpu.wait_indirect_dma semaphore(%arg23 : memref<!tpu.dma_semaphore, #tpu.memory_space<semaphore_mem>>) src(%arg12 : memref<64x128xf32, #tpu.memory_space<vmem>>) dst(%dma_wait3A_521 : memref<10240x128xf32, #tpu.memory_space<vmem_shared>>)
      %dma_wait3A_522 = arith.constant 14 : i32
      %dma_wait3A_523 = arith.constant 0 : i32
      %dma_wait3A_524 = tpu.memref_slice %arg8[%and3A_52, %dma_wait3A_522, %dma_wait3A_523] : memref<2x16x64xi32, #tpu.memory_space<vmem>> -> memref<1x1x64xi32, #tpu.memory_space<vmem>>
      %dma_wait3A_525 = tpu.memref_squeeze %dma_wait3A_524 : memref<1x1x64xi32, #tpu.memory_space<vmem>> -> memref<64xi32, #tpu.memory_space<vmem>>
      %dma_wait3A_526 = arith.constant 0 : i32
      %dma_wait3A_527 = arith.constant 0 : i32
      %dma_wait3A_528 = tpu.memref_slice %arg14[%dma_wait3A_526, %dma_wait3A_527] : memref<10240x128xf32, #tpu.memory_space<vmem_shared>> -> memref<10240x128xf32, #tpu.memory_space<vmem_shared>>
      tpu.wait_indirect_dma semaphore(%arg24 : memref<!tpu.dma_semaphore, #tpu.memory_space<semaphore_mem>>) src(%arg13 : memref<64x128xf32, #tpu.memory_space<vmem>>) dst(%dma_wait3A_528 : memref<10240x128xf32, #tpu.memory_space<vmem_shared>>)
      %dma_wait3A_529 = arith.constant 15 : i32
      %dma_wait3A_530 = arith.constant 0 : i32
      %dma_wait3A_531 = tpu.memref_slice %arg8[%and3A_52, %dma_wait3A_529, %dma_wait3A_530] : memref<2x16x64xi32, #tpu.memory_space<vmem>> -> memref<1x1x64xi32, #tpu.memory_space<vmem>>
      %dma_wait3A_532 = tpu.memref_squeeze %dma_wait3A_531 : memref<1x1x64xi32, #tpu.memory_space<vmem>> -> memref<64xi32, #tpu.memory_space<vmem>>
      %dma_wait3A_533 = arith.constant 0 : i32
      %dma_wait3A_534 = arith.constant 0 : i32
      %dma_wait3A_535 = tpu.memref_slice %arg14[%dma_wait3A_533, %dma_wait3A_534] : memref<10240x128xf32, #tpu.memory_space<vmem_shared>> -> memref<10240x128xf32, #tpu.memory_space<vmem_shared>>
      tpu.wait_indirect_dma semaphore(%arg20 : memref<!tpu.dma_semaphore, #tpu.memory_space<semaphore_mem>>) src(%arg9 : memref<64x128xf32, #tpu.memory_space<vmem>>) dst(%dma_wait3A_535 : memref<10240x128xf32, #tpu.memory_space<vmem_shared>>)
    }
    %scan3A_49 = arith.constant 20 : i32
    %barrier3A_50 = arith.constant 0 : index
    tpu.barrier barrier_id(%barrier3A_50)
    "tpu.region"() ({
      %run_scoped3A = tpu.sem_alloc : memref<!tpu.dma_semaphore, #tpu.memory_space<semaphore_mem>>
      %dma_start3A_51 = arith.constant 0 : i32
      %dma_start3A_52 = tpu.memref_slice %arg6[%mul3A_0, %dma_start3A_51] : memref<10240x128xf32, #tpu.memory_space<hbm>> -> memref<640x128xf32, #tpu.memory_space<hbm>>
      %dma_start3A_53 = arith.constant 0 : i32
      %dma_start3A_54 = tpu.memref_slice %arg14[%mul3A_0, %dma_start3A_53] : memref<10240x128xf32, #tpu.memory_space<vmem_shared>> -> memref<640x128xf32, #tpu.memory_space<vmem_shared>>
      tpu.enqueue_dma source(%dma_start3A_54 : memref<640x128xf32, #tpu.memory_space<vmem_shared>>) target(%dma_start3A_52 : memref<640x128xf32, #tpu.memory_space<hbm>>) target_semaphore(%run_scoped3A : memref<!tpu.dma_semaphore, #tpu.memory_space<semaphore_mem>>)
      %dma_wait3A = arith.constant 0 : i32
      %dma_wait3A_55 = tpu.memref_slice %arg6[%mul3A_0, %dma_wait3A] : memref<10240x128xf32, #tpu.memory_space<hbm>> -> memref<640x128xf32, #tpu.memory_space<hbm>>
      %dma_wait3A_56 = arith.constant 0 : i32
      %dma_wait3A_57 = tpu.memref_slice %arg14[%mul3A_0, %dma_wait3A_56] : memref<10240x128xf32, #tpu.memory_space<vmem_shared>> -> memref<640x128xf32, #tpu.memory_space<vmem_shared>>
      tpu.wait_dma2 semaphore(%run_scoped3A : memref<!tpu.dma_semaphore, #tpu.memory_space<semaphore_mem>>) src(%dma_wait3A_57 : memref<640x128xf32, #tpu.memory_space<vmem_shared>>) dst(%dma_wait3A_55 : memref<640x128xf32, #tpu.memory_space<hbm>>)
      tpu.yield
    }) : () -> ()
    return
  }
}

#map = affine_map<(d0, d1) -> (0, 0)>
#map1 = affine_map<(d0, d1) -> (0, 0, 0)>
module attributes {stable_mosaic.version = 14 : i64} {
  func.func @_part_body(%arg0: i32, %arg1: i32, %arg2: memref<16x20480xi32, #tpu.memory_space<hbm>>, %arg3: memref<16x20480xi32, #tpu.memory_space<hbm>>, %arg4: memref<16x2x20480xi32, #tpu.memory_space<hbm>>, %arg5: memref<20480xi32, #tpu.memory_space<vmem>>, %arg6: memref<20480xi32, #tpu.memory_space<vmem>>, %arg7: memref<20480xi32, #tpu.memory_space<vmem>>, %arg8: memref<20480xi32, #tpu.memory_space<vmem>>) attributes {dimension_semantics = [#tpu.dimension_semantics<core_parallel>, #tpu.dimension_semantics<subcore_parallel>], iteration_bounds = array<i64: 1, 16>, scalar_prefetch = 0 : i64, scratch_operands = 4 : i64, tpu.core_type = #tpu.core_type<sc_vector_subcore>, window_params = [{transform_indices = #map}, {transform_indices = #map}, {transform_indices = #map1}]} {
    "tpu.region"() ({
      %run_scoped3A_21 = tpu.sem_alloc : memref<!tpu.dma_semaphore, #tpu.memory_space<semaphore_mem>>
      %dma_start3A = arith.constant 0 : i32
      %dma_start3A_22 = tpu.memref_slice %arg2[%arg1, %dma_start3A] : memref<16x20480xi32, #tpu.memory_space<hbm>> -> memref<1x20480xi32, #tpu.memory_space<hbm>>
      %dma_start3A_23 = tpu.memref_squeeze %dma_start3A_22 : memref<1x20480xi32, #tpu.memory_space<hbm>> -> memref<20480xi32, #tpu.memory_space<hbm>>
      %dma_start3A_24 = arith.constant 0 : i32
      %dma_start3A_25 = tpu.memref_slice %arg2[%arg1, %dma_start3A_24] : memref<16x20480xi32, #tpu.memory_space<hbm>> -> memref<1x20480xi32, #tpu.memory_space<hbm>>
      %dma_start3A_26 = tpu.memref_squeeze %dma_start3A_25 : memref<1x20480xi32, #tpu.memory_space<hbm>> -> memref<20480xi32, #tpu.memory_space<hbm>>
      tpu.enqueue_dma source(%dma_start3A_26 : memref<20480xi32, #tpu.memory_space<hbm>>) target(%arg5 : memref<20480xi32, #tpu.memory_space<vmem>>) target_semaphore(%run_scoped3A_21 : memref<!tpu.dma_semaphore, #tpu.memory_space<semaphore_mem>>)
      %dma_wait3A = arith.constant 0 : i32
      %dma_wait3A_27 = tpu.memref_slice %arg2[%arg1, %dma_wait3A] : memref<16x20480xi32, #tpu.memory_space<hbm>> -> memref<1x20480xi32, #tpu.memory_space<hbm>>
      %dma_wait3A_28 = tpu.memref_squeeze %dma_wait3A_27 : memref<1x20480xi32, #tpu.memory_space<hbm>> -> memref<20480xi32, #tpu.memory_space<hbm>>
      %dma_wait3A_29 = arith.constant 0 : i32
      %dma_wait3A_30 = tpu.memref_slice %arg2[%arg1, %dma_wait3A_29] : memref<16x20480xi32, #tpu.memory_space<hbm>> -> memref<1x20480xi32, #tpu.memory_space<hbm>>
      %dma_wait3A_31 = tpu.memref_squeeze %dma_wait3A_30 : memref<1x20480xi32, #tpu.memory_space<hbm>> -> memref<20480xi32, #tpu.memory_space<hbm>>
      tpu.wait_dma2 semaphore(%run_scoped3A_21 : memref<!tpu.dma_semaphore, #tpu.memory_space<semaphore_mem>>) src(%dma_wait3A_31 : memref<20480xi32, #tpu.memory_space<hbm>>) dst(%arg5 : memref<20480xi32, #tpu.memory_space<vmem>>)
      tpu.yield
    }) : () -> ()
    "tpu.region"() ({
      %run_scoped3A_21 = tpu.sem_alloc : memref<!tpu.dma_semaphore, #tpu.memory_space<semaphore_mem>>
      %dma_start3A = arith.constant 0 : i32
      %dma_start3A_22 = tpu.memref_slice %arg3[%arg1, %dma_start3A] : memref<16x20480xi32, #tpu.memory_space<hbm>> -> memref<1x20480xi32, #tpu.memory_space<hbm>>
      %dma_start3A_23 = tpu.memref_squeeze %dma_start3A_22 : memref<1x20480xi32, #tpu.memory_space<hbm>> -> memref<20480xi32, #tpu.memory_space<hbm>>
      %dma_start3A_24 = arith.constant 0 : i32
      %dma_start3A_25 = tpu.memref_slice %arg3[%arg1, %dma_start3A_24] : memref<16x20480xi32, #tpu.memory_space<hbm>> -> memref<1x20480xi32, #tpu.memory_space<hbm>>
      %dma_start3A_26 = tpu.memref_squeeze %dma_start3A_25 : memref<1x20480xi32, #tpu.memory_space<hbm>> -> memref<20480xi32, #tpu.memory_space<hbm>>
      tpu.enqueue_dma source(%dma_start3A_26 : memref<20480xi32, #tpu.memory_space<hbm>>) target(%arg6 : memref<20480xi32, #tpu.memory_space<vmem>>) target_semaphore(%run_scoped3A_21 : memref<!tpu.dma_semaphore, #tpu.memory_space<semaphore_mem>>)
      %dma_wait3A = arith.constant 0 : i32
      %dma_wait3A_27 = tpu.memref_slice %arg3[%arg1, %dma_wait3A] : memref<16x20480xi32, #tpu.memory_space<hbm>> -> memref<1x20480xi32, #tpu.memory_space<hbm>>
      %dma_wait3A_28 = tpu.memref_squeeze %dma_wait3A_27 : memref<1x20480xi32, #tpu.memory_space<hbm>> -> memref<20480xi32, #tpu.memory_space<hbm>>
      %dma_wait3A_29 = arith.constant 0 : i32
      %dma_wait3A_30 = tpu.memref_slice %arg3[%arg1, %dma_wait3A_29] : memref<16x20480xi32, #tpu.memory_space<hbm>> -> memref<1x20480xi32, #tpu.memory_space<hbm>>
      %dma_wait3A_31 = tpu.memref_squeeze %dma_wait3A_30 : memref<1x20480xi32, #tpu.memory_space<hbm>> -> memref<20480xi32, #tpu.memory_space<hbm>>
      tpu.wait_dma2 semaphore(%run_scoped3A_21 : memref<!tpu.dma_semaphore, #tpu.memory_space<semaphore_mem>>) src(%dma_wait3A_31 : memref<20480xi32, #tpu.memory_space<hbm>>) dst(%arg6 : memref<20480xi32, #tpu.memory_space<vmem>>)
      tpu.yield
    }) : () -> ()
    %scan3A = arith.constant 0 : i32
    %scan3A_0 = arith.constant 0 : i32
    %scan3A_1 = arith.constant 0 : i32
    %scan3A_2 = arith.constant 0 : i32
    %scan3A_3 = arith.constant 1280 : i32
    %scan3A_4 = arith.addi %scan3A_2, %scan3A_3 : i32
    %scan3A_5 = arith.constant 1 : i32
    %scan3A_6:3 = scf.for %scan3A_21 = %scan3A_2 to %scan3A_4 step %scan3A_5 iter_args(%scan3A_22 = %scan3A, %scan3A_23 = %scan3A_0, %scan3A_24 = %scan3A_1) -> (i32, i32, i32)  : i32 {
      %mul3A = arith.constant 16 : i32
      %mul3A_25 = arith.muli %scan3A_21, %mul3A : i32
      %get3A = arith.index_cast %mul3A_25 : i32 to index
      %get3A_26 = tpu.vector_load %arg5[%get3A] {strides = array<i32>} : memref<20480xi32, #tpu.memory_space<vmem>>, vector<16xi32>,
      %lt3A = arith.constant 2560 : i32
      %lt3A_27 = vector.broadcast %lt3A : i32 to vector<16xi32>
      %lt3A_28 = arith.cmpi slt, %get3A_26, %lt3A_27 : vector<16xi32>
      %not3A = arith.constant dense<true> : vector<16xi1>
      %not3A_29 = arith.xori %lt3A_28, %not3A : vector<16xi1>
      %lt3A_30 = arith.constant 5120 : i32
      %lt3A_31 = vector.broadcast %lt3A_30 : i32 to vector<16xi32>
      %lt3A_32 = arith.cmpi slt, %get3A_26, %lt3A_31 : vector<16xi32>
      %and3A = arith.andi %not3A_29, %lt3A_32 : vector<16xi1>
      %ge3A = arith.constant 5120 : i32
      %ge3A_33 = vector.broadcast %ge3A : i32 to vector<16xi32>
      %ge3A_34 = arith.cmpi sge, %get3A_26, %ge3A_33 : vector<16xi32>
      %lt3A_35 = arith.constant 7680 : i32
      %lt3A_36 = vector.broadcast %lt3A_35 : i32 to vector<16xi32>
      %lt3A_37 = arith.cmpi slt, %get3A_26, %lt3A_36 : vector<16xi32>
      %and3A_38 = arith.andi %ge3A_34, %lt3A_37 : vector<16xi1>
      %all_reduce_population_count3A = tpu.all_reduce %lt3A_28 {dim = 0 : i64, kind = #tpu.reduction_kind<sum>} : vector<16xi1> -> vector<16xi32>
      %reduce_max3A = arith.constant true
      %reduce_max3A_39 = vector.broadcast %reduce_max3A : i1 to vector<16xi1>
      %reduce_max3A_40 = arith.constant -2147483648 : i32
      %reduce_max3A_41 = vector.broadcast %reduce_max3A_40 : i32 to vector<16xi32>
      %reduce_max3A_42 = arith.xori %all_reduce_population_count3A, %reduce_max3A_41 : vector<16xi32>
      %reduce_max3A_43 = tpu.scan <max>, %reduce_max3A_42 masked %reduce_max3A_39 : vector<16xi32>, vector<16xi1> -> vector<16xi32>
      %reduce_max3A_44 = arith.xori %reduce_max3A_43, %reduce_max3A_41 : vector<16xi32>
      %reduce_max3A_45 = vector.extract %reduce_max3A_44[15] : i32 from vector<16xi32>
      %all_reduce_population_count3A_46 = tpu.all_reduce %and3A {dim = 0 : i64, kind = #tpu.reduction_kind<sum>} : vector<16xi1> -> vector<16xi32>
      %reduce_max3A_47 = arith.constant true
      %reduce_max3A_48 = vector.broadcast %reduce_max3A_47 : i1 to vector<16xi1>
      %reduce_max3A_49 = arith.constant -2147483648 : i32
      %reduce_max3A_50 = vector.broadcast %reduce_max3A_49 : i32 to vector<16xi32>
      %reduce_max3A_51 = arith.xori %all_reduce_population_count3A_46, %reduce_max3A_50 : vector<16xi32>
      %reduce_max3A_52 = tpu.scan <max>, %reduce_max3A_51 masked %reduce_max3A_48 : vector<16xi32>, vector<16xi1> -> vector<16xi32>
      %reduce_max3A_53 = arith.xori %reduce_max3A_52, %reduce_max3A_50 : vector<16xi32>
      %reduce_max3A_54 = vector.extract %reduce_max3A_53[15] : i32 from vector<16xi32>
      %all_reduce_population_count3A_55 = tpu.all_reduce %and3A_38 {dim = 0 : i64, kind = #tpu.reduction_kind<sum>} : vector<16xi1> -> vector<16xi32>
      %reduce_max3A_56 = arith.constant true
      %reduce_max3A_57 = vector.broadcast %reduce_max3A_56 : i1 to vector<16xi1>
      %reduce_max3A_58 = arith.constant -2147483648 : i32
      %reduce_max3A_59 = vector.broadcast %reduce_max3A_58 : i32 to vector<16xi32>
      %reduce_max3A_60 = arith.xori %all_reduce_population_count3A_55, %reduce_max3A_59 : vector<16xi32>
      %reduce_max3A_61 = tpu.scan <max>, %reduce_max3A_60 masked %reduce_max3A_57 : vector<16xi32>, vector<16xi1> -> vector<16xi32>
      %reduce_max3A_62 = arith.xori %reduce_max3A_61, %reduce_max3A_59 : vector<16xi32>
      %reduce_max3A_63 = vector.extract %reduce_max3A_62[15] : i32 from vector<16xi32>
      %add3A_64 = arith.addi %scan3A_22, %reduce_max3A_45 : i32
      %add3A_65 = arith.addi %scan3A_23, %reduce_max3A_54 : i32
      %add3A_66 = arith.addi %scan3A_24, %reduce_max3A_63 : i32
      scf.yield %add3A_64, %add3A_65, %add3A_66 : i32, i32, i32
    }
    %scan3A_7 = arith.constant 1280 : i32
    %add3A = arith.addi %scan3A_6#0, %scan3A_6#1 : i32
    %add3A_8 = arith.addi %scan3A_6#0, %scan3A_6#1 : i32
    %add3A_9 = arith.addi %add3A_8, %scan3A_6#2 : i32
    %scan3A_10 = arith.constant 0 : i32
    %scan3A_11 = arith.constant 0 : i32
    %scan3A_12 = arith.constant 0 : i32
    %scan3A_13 = arith.constant 0 : i32
    %scan3A_14 = arith.constant 0 : i32
    %scan3A_15 = arith.constant 1280 : i32
    %scan3A_16 = arith.addi %scan3A_14, %scan3A_15 : i32
    %scan3A_17 = arith.constant 1 : i32
    %scan3A_18:4 = scf.for %scan3A_21 = %scan3A_14 to %scan3A_16 step %scan3A_17 iter_args(%scan3A_22 = %scan3A_10, %scan3A_23 = %scan3A_11, %scan3A_24 = %scan3A_12, %scan3A_25 = %scan3A_13) -> (i32, i32, i32, i32)  : i32 {
      %mul3A = arith.constant 16 : i32
      %mul3A_26 = arith.muli %scan3A_21, %mul3A : i32
      %get3A = arith.index_cast %mul3A_26 : i32 to index
      %get3A_27 = tpu.vector_load %arg5[%get3A] {strides = array<i32>} : memref<20480xi32, #tpu.memory_space<vmem>>, vector<16xi32>,
      %mul3A_28 = arith.constant 16 : i32
      %mul3A_29 = arith.muli %scan3A_21, %mul3A_28 : i32
      %get3A_30 = arith.index_cast %mul3A_29 : i32 to index
      %get3A_31 = tpu.vector_load %arg6[%get3A_30] {strides = array<i32>} : memref<20480xi32, #tpu.memory_space<vmem>>, vector<16xi32>,
      %lt3A = arith.constant 2560 : i32
      %lt3A_32 = vector.broadcast %lt3A : i32 to vector<16xi32>
      %lt3A_33 = arith.cmpi slt, %get3A_27, %lt3A_32 : vector<16xi32>
      %lt3A_34 = arith.constant 5120 : i32
      %lt3A_35 = vector.broadcast %lt3A_34 : i32 to vector<16xi32>
      %lt3A_36 = arith.cmpi slt, %get3A_27, %lt3A_35 : vector<16xi32>
      %lt3A_37 = arith.constant 7680 : i32
      %lt3A_38 = vector.broadcast %lt3A_37 : i32 to vector<16xi32>
      %lt3A_39 = arith.cmpi slt, %get3A_27, %lt3A_38 : vector<16xi32>
      %not3A = arith.constant dense<true> : vector<16xi1>
      %not3A_40 = arith.xori %lt3A_33, %not3A : vector<16xi1>
      %and3A = arith.andi %not3A_40, %lt3A_36 : vector<16xi1>
      %not3A_41 = arith.constant dense<true> : vector<16xi1>
      %not3A_42 = arith.xori %lt3A_36, %not3A_41 : vector<16xi1>
      %and3A_43 = arith.andi %not3A_42, %lt3A_39 : vector<16xi1>
      %convert_element_type3A = arith.extui %lt3A_33 : vector<16xi1> to vector<16xi32>
      %broadcast_in_dim3A = arith.constant true
      %broadcast_in_dim3A_44 = vector.broadcast %broadcast_in_dim3A : i1 to vector<16xi1>
      %masked_cumsum3A = tpu.scan <sum>, %convert_element_type3A masked %broadcast_in_dim3A_44 : vector<16xi32>, vector<16xi1> -> vector<16xi32>
      %convert_element_type3A_45 = arith.extui %and3A : vector<16xi1> to vector<16xi32>
      %broadcast_in_dim3A_46 = arith.constant true
      %broadcast_in_dim3A_47 = vector.broadcast %broadcast_in_dim3A_46 : i1 to vector<16xi1>
      %masked_cumsum3A_48 = tpu.scan <sum>, %convert_element_type3A_45 masked %broadcast_in_dim3A_47 : vector<16xi32>, vector<16xi1> -> vector<16xi32>
      %convert_element_type3A_49 = arith.extui %and3A_43 : vector<16xi1> to vector<16xi32>
      %broadcast_in_dim3A_50 = arith.constant true
      %broadcast_in_dim3A_51 = vector.broadcast %broadcast_in_dim3A_50 : i1 to vector<16xi1>
      %masked_cumsum3A_52 = tpu.scan <sum>, %convert_element_type3A_49 masked %broadcast_in_dim3A_51 : vector<16xi32>, vector<16xi1> -> vector<16xi32>
      %not3A_53 = arith.constant dense<true> : vector<16xi1>
      %not3A_54 = arith.xori %lt3A_39, %not3A_53 : vector<16xi1>
      %convert_element_type3A_55 = arith.extui %not3A_54 : vector<16xi1> to vector<16xi32>
      %broadcast_in_dim3A_56 = arith.constant true
      %broadcast_in_dim3A_57 = vector.broadcast %broadcast_in_dim3A_56 : i1 to vector<16xi1>
      %masked_cumsum3A_58 = tpu.scan <sum>, %convert_element_type3A_55 masked %broadcast_in_dim3A_57 : vector<16xi32>, vector<16xi1> -> vector<16xi32>
      %add3A_59 = vector.broadcast %scan3A_22 : i32 to vector<16xi32>
      %add3A_60 = arith.addi %add3A_59, %masked_cumsum3A : vector<16xi32>
      %sub3A = arith.constant 1 : i32
      %sub3A_61 = vector.broadcast %sub3A : i32 to vector<16xi32>
      %sub3A_62 = arith.subi %add3A_60, %sub3A_61 : vector<16xi32>
      %add3A_63 = arith.addi %scan3A_6#0, %scan3A_23 : i32
      %add3A_64 = vector.broadcast %add3A_63 : i32 to vector<16xi32>
      %add3A_65 = arith.addi %add3A_64, %masked_cumsum3A_48 : vector<16xi32>
      %sub3A_66 = arith.constant 1 : i32
      %sub3A_67 = vector.broadcast %sub3A_66 : i32 to vector<16xi32>
      %sub3A_68 = arith.subi %add3A_65, %sub3A_67 : vector<16xi32>
      %add3A_69 = arith.addi %add3A, %scan3A_24 : i32
      %add3A_70 = vector.broadcast %add3A_69 : i32 to vector<16xi32>
      %add3A_71 = arith.addi %add3A_70, %masked_cumsum3A_52 : vector<16xi32>
      %sub3A_72 = arith.constant 1 : i32
      %sub3A_73 = vector.broadcast %sub3A_72 : i32 to vector<16xi32>
      %sub3A_74 = arith.subi %add3A_71, %sub3A_73 : vector<16xi32>
      %add3A_75 = arith.addi %add3A_9, %scan3A_25 : i32
      %add3A_76 = vector.broadcast %add3A_75 : i32 to vector<16xi32>
      %add3A_77 = arith.addi %add3A_76, %masked_cumsum3A_58 : vector<16xi32>
      %sub3A_78 = arith.constant 1 : i32
      %sub3A_79 = vector.broadcast %sub3A_78 : i32 to vector<16xi32>
      %sub3A_80 = arith.subi %add3A_77, %sub3A_79 : vector<16xi32>
      %select_n3A = arith.select %and3A_43, %sub3A_74, %sub3A_80 : vector<16xi1>, vector<16xi32>
      %select_n3A_81 = arith.select %and3A, %sub3A_68, %select_n3A : vector<16xi1>, vector<16xi32>
      %select_n3A_82 = arith.select %lt3A_33, %sub3A_62, %select_n3A_81 : vector<16xi1>, vector<16xi32>
      tpu.vector_store_idx %arg7[%select_n3A_82], %get3A_27 : memref<20480xi32, #tpu.memory_space<vmem>>[vector<16xi32>], vector<16xi32>,
      tpu.vector_store_idx %arg8[%select_n3A_82], %get3A_31 : memref<20480xi32, #tpu.memory_space<vmem>>[vector<16xi32>], vector<16xi32>,
      %reduce_max3A = arith.constant true
      %reduce_max3A_83 = vector.broadcast %reduce_max3A : i1 to vector<16xi1>
      %reduce_max3A_84 = arith.constant -2147483648 : i32
      %reduce_max3A_85 = vector.broadcast %reduce_max3A_84 : i32 to vector<16xi32>
      %reduce_max3A_86 = arith.xori %masked_cumsum3A, %reduce_max3A_85 : vector<16xi32>
      %reduce_max3A_87 = tpu.scan <max>, %reduce_max3A_86 masked %reduce_max3A_83 : vector<16xi32>, vector<16xi1> -> vector<16xi32>
      %reduce_max3A_88 = arith.xori %reduce_max3A_87, %reduce_max3A_85 : vector<16xi32>
      %reduce_max3A_89 = vector.extract %reduce_max3A_88[15] : i32 from vector<16xi32>
      %add3A_90 = arith.addi %scan3A_22, %reduce_max3A_89 : i32
      %reduce_max3A_91 = arith.constant true
      %reduce_max3A_92 = vector.broadcast %reduce_max3A_91 : i1 to vector<16xi1>
      %reduce_max3A_93 = arith.constant -2147483648 : i32
      %reduce_max3A_94 = vector.broadcast %reduce_max3A_93 : i32 to vector<16xi32>
      %reduce_max3A_95 = arith.xori %masked_cumsum3A_48, %reduce_max3A_94 : vector<16xi32>
      %reduce_max3A_96 = tpu.scan <max>, %reduce_max3A_95 masked %reduce_max3A_92 : vector<16xi32>, vector<16xi1> -> vector<16xi32>
      %reduce_max3A_97 = arith.xori %reduce_max3A_96, %reduce_max3A_94 : vector<16xi32>
      %reduce_max3A_98 = vector.extract %reduce_max3A_97[15] : i32 from vector<16xi32>
      %add3A_99 = arith.addi %scan3A_23, %reduce_max3A_98 : i32
      %reduce_max3A_100 = arith.constant true
      %reduce_max3A_101 = vector.broadcast %reduce_max3A_100 : i1 to vector<16xi1>
      %reduce_max3A_102 = arith.constant -2147483648 : i32
      %reduce_max3A_103 = vector.broadcast %reduce_max3A_102 : i32 to vector<16xi32>
      %reduce_max3A_104 = arith.xori %masked_cumsum3A_52, %reduce_max3A_103 : vector<16xi32>
      %reduce_max3A_105 = tpu.scan <max>, %reduce_max3A_104 masked %reduce_max3A_101 : vector<16xi32>, vector<16xi1> -> vector<16xi32>
      %reduce_max3A_106 = arith.xori %reduce_max3A_105, %reduce_max3A_103 : vector<16xi32>
      %reduce_max3A_107 = vector.extract %reduce_max3A_106[15] : i32 from vector<16xi32>
      %add3A_108 = arith.addi %scan3A_24, %reduce_max3A_107 : i32
      %reduce_max3A_109 = arith.constant true
      %reduce_max3A_110 = vector.broadcast %reduce_max3A_109 : i1 to vector<16xi1>
      %reduce_max3A_111 = arith.constant -2147483648 : i32
      %reduce_max3A_112 = vector.broadcast %reduce_max3A_111 : i32 to vector<16xi32>
      %reduce_max3A_113 = arith.xori %masked_cumsum3A_58, %reduce_max3A_112 : vector<16xi32>
      %reduce_max3A_114 = tpu.scan <max>, %reduce_max3A_113 masked %reduce_max3A_110 : vector<16xi32>, vector<16xi1> -> vector<16xi32>
      %reduce_max3A_115 = arith.xori %reduce_max3A_114, %reduce_max3A_112 : vector<16xi32>
      %reduce_max3A_116 = vector.extract %reduce_max3A_115[15] : i32 from vector<16xi32>
      %add3A_117 = arith.addi %scan3A_25, %reduce_max3A_116 : i32
      scf.yield %add3A_90, %add3A_99, %add3A_108, %add3A_117 : i32, i32, i32, i32
    }
    %scan3A_19 = arith.constant 1280 : i32
    %run_scoped3A = arith.constant 0 : i32
    "tpu.region"() ({
      %run_scoped3A_21 = tpu.sem_alloc : memref<!tpu.dma_semaphore, #tpu.memory_space<semaphore_mem>>
      %dma_start3A = arith.constant 0 : i32
      %dma_start3A_22 = tpu.memref_slice %arg4[%arg1, %run_scoped3A, %dma_start3A] : memref<16x2x20480xi32, #tpu.memory_space<hbm>> -> memref<1x1x20480xi32, #tpu.memory_space<hbm>>
      %dma_start3A_23 = tpu.memref_squeeze %dma_start3A_22 : memref<1x1x20480xi32, #tpu.memory_space<hbm>> -> memref<20480xi32, #tpu.memory_space<hbm>>
      %dma_start3A_24 = arith.constant 0 : i32
      %dma_start3A_25 = tpu.memref_slice %arg4[%arg1, %run_scoped3A, %dma_start3A_24] : memref<16x2x20480xi32, #tpu.memory_space<hbm>> -> memref<1x1x20480xi32, #tpu.memory_space<hbm>>
      %dma_start3A_26 = tpu.memref_squeeze %dma_start3A_25 : memref<1x1x20480xi32, #tpu.memory_space<hbm>> -> memref<20480xi32, #tpu.memory_space<hbm>>
      tpu.enqueue_dma source(%arg7 : memref<20480xi32, #tpu.memory_space<vmem>>) target(%dma_start3A_26 : memref<20480xi32, #tpu.memory_space<hbm>>) target_semaphore(%run_scoped3A_21 : memref<!tpu.dma_semaphore, #tpu.memory_space<semaphore_mem>>)
      %dma_wait3A = arith.constant 0 : i32
      %dma_wait3A_27 = tpu.memref_slice %arg4[%arg1, %run_scoped3A, %dma_wait3A] : memref<16x2x20480xi32, #tpu.memory_space<hbm>> -> memref<1x1x20480xi32, #tpu.memory_space<hbm>>
      %dma_wait3A_28 = tpu.memref_squeeze %dma_wait3A_27 : memref<1x1x20480xi32, #tpu.memory_space<hbm>> -> memref<20480xi32, #tpu.memory_space<hbm>>
      %dma_wait3A_29 = arith.constant 0 : i32
      %dma_wait3A_30 = tpu.memref_slice %arg4[%arg1, %run_scoped3A, %dma_wait3A_29] : memref<16x2x20480xi32, #tpu.memory_space<hbm>> -> memref<1x1x20480xi32, #tpu.memory_space<hbm>>
      %dma_wait3A_31 = tpu.memref_squeeze %dma_wait3A_30 : memref<1x1x20480xi32, #tpu.memory_space<hbm>> -> memref<20480xi32, #tpu.memory_space<hbm>>
      tpu.wait_dma2 semaphore(%run_scoped3A_21 : memref<!tpu.dma_semaphore, #tpu.memory_space<semaphore_mem>>) src(%arg7 : memref<20480xi32, #tpu.memory_space<vmem>>) dst(%dma_wait3A_31 : memref<20480xi32, #tpu.memory_space<hbm>>)
      tpu.yield
    }) : () -> ()
    %run_scoped3A_20 = arith.constant 1 : i32
    "tpu.region"() ({
      %run_scoped3A_21 = tpu.sem_alloc : memref<!tpu.dma_semaphore, #tpu.memory_space<semaphore_mem>>
      %dma_start3A = arith.constant 0 : i32
      %dma_start3A_22 = tpu.memref_slice %arg4[%arg1, %run_scoped3A_20, %dma_start3A] : memref<16x2x20480xi32, #tpu.memory_space<hbm>> -> memref<1x1x20480xi32, #tpu.memory_space<hbm>>
      %dma_start3A_23 = tpu.memref_squeeze %dma_start3A_22 : memref<1x1x20480xi32, #tpu.memory_space<hbm>> -> memref<20480xi32, #tpu.memory_space<hbm>>
      %dma_start3A_24 = arith.constant 0 : i32
      %dma_start3A_25 = tpu.memref_slice %arg4[%arg1, %run_scoped3A_20, %dma_start3A_24] : memref<16x2x20480xi32, #tpu.memory_space<hbm>> -> memref<1x1x20480xi32, #tpu.memory_space<hbm>>
      %dma_start3A_26 = tpu.memref_squeeze %dma_start3A_25 : memref<1x1x20480xi32, #tpu.memory_space<hbm>> -> memref<20480xi32, #tpu.memory_space<hbm>>
      tpu.enqueue_dma source(%arg8 : memref<20480xi32, #tpu.memory_space<vmem>>) target(%dma_start3A_26 : memref<20480xi32, #tpu.memory_space<hbm>>) target_semaphore(%run_scoped3A_21 : memref<!tpu.dma_semaphore, #tpu.memory_space<semaphore_mem>>)
      %dma_wait3A = arith.constant 0 : i32
      %dma_wait3A_27 = tpu.memref_slice %arg4[%arg1, %run_scoped3A_20, %dma_wait3A] : memref<16x2x20480xi32, #tpu.memory_space<hbm>> -> memref<1x1x20480xi32, #tpu.memory_space<hbm>>
      %dma_wait3A_28 = tpu.memref_squeeze %dma_wait3A_27 : memref<1x1x20480xi32, #tpu.memory_space<hbm>> -> memref<20480xi32, #tpu.memory_space<hbm>>
      %dma_wait3A_29 = arith.constant 0 : i32
      %dma_wait3A_30 = tpu.memref_slice %arg4[%arg1, %run_scoped3A_20, %dma_wait3A_29] : memref<16x2x20480xi32, #tpu.memory_space<hbm>> -> memref<1x1x20480xi32, #tpu.memory_space<hbm>>
      %dma_wait3A_31 = tpu.memref_squeeze %dma_wait3A_30 : memref<1x1x20480xi32, #tpu.memory_space<hbm>> -> memref<20480xi32, #tpu.memory_space<hbm>>
      tpu.wait_dma2 semaphore(%run_scoped3A_21 : memref<!tpu.dma_semaphore, #tpu.memory_space<semaphore_mem>>) src(%arg8 : memref<20480xi32, #tpu.memory_space<vmem>>) dst(%dma_wait3A_31 : memref<20480xi32, #tpu.memory_space<hbm>>)
      tpu.yield
    }) : () -> ()
    return
  }
}

#map = affine_map<(d0, d1) -> (0, 0)>
#map1 = affine_map<(d0, d1) -> (0, 0, 0, 0)>
module attributes {stable_mosaic.version = 14 : i64} {
  func.func @body(%arg0: i32, %arg1: i32, %arg2: memref<10240x128xf32, #tpu.memory_space<hbm>>, %arg3: memref<16x20x16x64xi32, #tpu.memory_space<hbm>>, %arg4: memref<16x20x16x64xi32, #tpu.memory_space<hbm>>, %arg5: memref<128x128xf32, #tpu.memory_space<hbm>>, %arg6: memref<10240x128xf32, #tpu.memory_space<hbm>>, %arg7: memref<2x16x64xi32, #tpu.memory_space<vmem>>, %arg8: memref<2x16x64xi32, #tpu.memory_space<vmem>>, %arg9: memref<64x128xf32, #tpu.memory_space<vmem>>, %arg10: memref<64x128xf32, #tpu.memory_space<vmem>>, %arg11: memref<64x128xf32, #tpu.memory_space<vmem>>, %arg12: memref<64x128xf32, #tpu.memory_space<vmem>>, %arg13: memref<64x128xf32, #tpu.memory_space<vmem>>, %arg14: memref<10240x128xf32, #tpu.memory_space<vmem_shared>>, %arg15: memref<!tpu.dma_semaphore, #tpu.memory_space<semaphore_mem>>, %arg16: memref<!tpu.dma_semaphore, #tpu.memory_space<semaphore_mem>>, %arg17: memref<!tpu.dma_semaphore, #tpu.memory_space<semaphore_mem>>, %arg18: memref<!tpu.dma_semaphore, #tpu.memory_space<semaphore_mem>>, %arg19: memref<!tpu.dma_semaphore, #tpu.memory_space<semaphore_mem>>, %arg20: memref<!tpu.dma_semaphore, #tpu.memory_space<semaphore_mem>>, %arg21: memref<!tpu.dma_semaphore, #tpu.memory_space<semaphore_mem>>, %arg22: memref<!tpu.dma_semaphore, #tpu.memory_space<semaphore_mem>>, %arg23: memref<!tpu.dma_semaphore, #tpu.memory_space<semaphore_mem>>, %arg24: memref<!tpu.dma_semaphore, #tpu.memory_space<semaphore_mem>>, %arg25: memref<!tpu.dma_semaphore, #tpu.memory_space<semaphore_mem>>, %arg26: memref<!tpu.dma_semaphore, #tpu.memory_space<semaphore_mem>>) attributes {dimension_semantics = [#tpu.dimension_semantics<core_parallel>, #tpu.dimension_semantics<subcore_parallel>], iteration_bounds = array<i64: 1, 16>, scalar_prefetch = 0 : i64, scratch_operands = 20 : i64, tpu.core_type = #tpu.core_type<sc_vector_subcore>, window_params = [{transform_indices = #map}, {transform_indices = #map1}, {transform_indices = #map1}, {transform_indices = #map}, {transform_indices = #map}]} {
    %mul3A = arith.constant 640 : i32
    %mul3A_0 = arith.muli %arg1, %mul3A : i32
    %add3A = arith.constant 0 : i32
    %add3A_1 = arith.addi %mul3A_0, %add3A : i32
    "tpu.region"() ({
      %run_scoped3A = tpu.sem_alloc : memref<!tpu.dma_semaphore, #tpu.memory_space<semaphore_mem>>
      %dma_start3A_51 = arith.constant 0 : i32
      %dma_start3A_52 = tpu.memref_slice %arg14[%add3A_1, %dma_start3A_51] : memref<10240x128xf32, #tpu.memory_space<vmem_shared>> -> memref<128x128xf32, #tpu.memory_space<vmem_shared>>
      tpu.enqueue_dma source(%arg5 : memref<128x128xf32, #tpu.memory_space<hbm>>) target(%dma_start3A_52 : memref<128x128xf32, #tpu.memory_space<vmem_shared>>) target_semaphore(%run_scoped3A : memref<!tpu.dma_semaphore, #tpu.memory_space<semaphore_mem>>)
      %dma_wait3A = arith.constant 0 : i32
      %dma_wait3A_53 = tpu.memref_slice %arg14[%add3A_1, %dma_wait3A] : memref<10240x128xf32, #tpu.memory_space<vmem_shared>> -> memref<128x128xf32, #tpu.memory_space<vmem_shared>>
      tpu.wait_dma2 semaphore(%run_scoped3A : memref<!tpu.dma_semaphore, #tpu.memory_space<semaphore_mem>>) src(%arg5 : memref<128x128xf32, #tpu.memory_space<hbm>>) dst(%dma_wait3A_53 : memref<128x128xf32, #tpu.memory_space<vmem_shared>>)
      tpu.yield
    }) : () -> ()
    %add3A_2 = arith.constant 128 : i32
    %add3A_3 = arith.addi %mul3A_0, %add3A_2 : i32
    "tpu.region"() ({
      %run_scoped3A = tpu.sem_alloc : memref<!tpu.dma_semaphore, #tpu.memory_space<semaphore_mem>>
      %dma_start3A_51 = arith.constant 0 : i32
      %dma_start3A_52 = tpu.memref_slice %arg14[%add3A_3, %dma_start3A_51] : memref<10240x128xf32, #tpu.memory_space<vmem_shared>> -> memref<128x128xf32, #tpu.memory_space<vmem_shared>>
      tpu.enqueue_dma source(%arg5 : memref<128x128xf32, #tpu.memory_space<hbm>>) target(%dma_start3A_52 : memref<128x128xf32, #tpu.memory_space<vmem_shared>>) target_semaphore(%run_scoped3A : memref<!tpu.dma_semaphore, #tpu.memory_space<semaphore_mem>>)
      %dma_wait3A = arith.constant 0 : i32
      %dma_wait3A_53 = tpu.memref_slice %arg14[%add3A_3, %dma_wait3A] : memref<10240x128xf32, #tpu.memory_space<vmem_shared>> -> memref<128x128xf32, #tpu.memory_space<vmem_shared>>
      tpu.wait_dma2 semaphore(%run_scoped3A : memref<!tpu.dma_semaphore, #tpu.memory_space<semaphore_mem>>) src(%arg5 : memref<128x128xf32, #tpu.memory_space<hbm>>) dst(%dma_wait3A_53 : memref<128x128xf32, #tpu.memory_space<vmem_shared>>)
      tpu.yield
    }) : () -> ()
    %add3A_4 = arith.constant 256 : i32
    %add3A_5 = arith.addi %mul3A_0, %add3A_4 : i32
    "tpu.region"() ({
      %run_scoped3A = tpu.sem_alloc : memref<!tpu.dma_semaphore, #tpu.memory_space<semaphore_mem>>
      %dma_start3A_51 = arith.constant 0 : i32
      %dma_start3A_52 = tpu.memref_slice %arg14[%add3A_5, %dma_start3A_51] : memref<10240x128xf32, #tpu.memory_space<vmem_shared>> -> memref<128x128xf32, #tpu.memory_space<vmem_shared>>
      tpu.enqueue_dma source(%arg5 : memref<128x128xf32, #tpu.memory_space<hbm>>) target(%dma_start3A_52 : memref<128x128xf32, #tpu.memory_space<vmem_shared>>) target_semaphore(%run_scoped3A : memref<!tpu.dma_semaphore, #tpu.memory_space<semaphore_mem>>)
      %dma_wait3A = arith.constant 0 : i32
      %dma_wait3A_53 = tpu.memref_slice %arg14[%add3A_5, %dma_wait3A] : memref<10240x128xf32, #tpu.memory_space<vmem_shared>> -> memref<128x128xf32, #tpu.memory_space<vmem_shared>>
      tpu.wait_dma2 semaphore(%run_scoped3A : memref<!tpu.dma_semaphore, #tpu.memory_space<semaphore_mem>>) src(%arg5 : memref<128x128xf32, #tpu.memory_space<hbm>>) dst(%dma_wait3A_53 : memref<128x128xf32, #tpu.memory_space<vmem_shared>>)
      tpu.yield
    }) : () -> ()
    %add3A_6 = arith.constant 384 : i32
    %add3A_7 = arith.addi %mul3A_0, %add3A_6 : i32
    "tpu.region"() ({
      %run_scoped3A = tpu.sem_alloc : memref<!tpu.dma_semaphore, #tpu.memory_space<semaphore_mem>>
      %dma_start3A_51 = arith.constant 0 : i32
      %dma_start3A_52 = tpu.memref_slice %arg14[%add3A_7, %dma_start3A_51] : memref<10240x128xf32, #tpu.memory_space<vmem_shared>> -> memref<128x128xf32, #tpu.memory_space<vmem_shared>>
      tpu.enqueue_dma source(%arg5 : memref<128x128xf32, #tpu.memory_space<hbm>>) target(%dma_start3A_52 : memref<128x128xf32, #tpu.memory_space<vmem_shared>>) target_semaphore(%run_scoped3A : memref<!tpu.dma_semaphore, #tpu.memory_space<semaphore_mem>>)
      %dma_wait3A = arith.constant 0 : i32
      %dma_wait3A_53 = tpu.memref_slice %arg14[%add3A_7, %dma_wait3A] : memref<10240x128xf32, #tpu.memory_space<vmem_shared>> -> memref<128x128xf32, #tpu.memory_space<vmem_shared>>
      tpu.wait_dma2 semaphore(%run_scoped3A : memref<!tpu.dma_semaphore, #tpu.memory_space<semaphore_mem>>) src(%arg5 : memref<128x128xf32, #tpu.memory_space<hbm>>) dst(%dma_wait3A_53 : memref<128x128xf32, #tpu.memory_space<vmem_shared>>)
      tpu.yield
    }) : () -> ()
    %add3A_8 = arith.constant 512 : i32
    %add3A_9 = arith.addi %mul3A_0, %add3A_8 : i32
    "tpu.region"() ({
      %run_scoped3A = tpu.sem_alloc : memref<!tpu.dma_semaphore, #tpu.memory_space<semaphore_mem>>
      %dma_start3A_51 = arith.constant 0 : i32
      %dma_start3A_52 = tpu.memref_slice %arg14[%add3A_9, %dma_start3A_51] : memref<10240x128xf32, #tpu.memory_space<vmem_shared>> -> memref<128x128xf32, #tpu.memory_space<vmem_shared>>
      tpu.enqueue_dma source(%arg5 : memref<128x128xf32, #tpu.memory_space<hbm>>) target(%dma_start3A_52 : memref<128x128xf32, #tpu.memory_space<vmem_shared>>) target_semaphore(%run_scoped3A : memref<!tpu.dma_semaphore, #tpu.memory_space<semaphore_mem>>)
      %dma_wait3A = arith.constant 0 : i32
      %dma_wait3A_53 = tpu.memref_slice %arg14[%add3A_9, %dma_wait3A] : memref<10240x128xf32, #tpu.memory_space<vmem_shared>> -> memref<128x128xf32, #tpu.memory_space<vmem_shared>>
      tpu.wait_dma2 semaphore(%run_scoped3A : memref<!tpu.dma_semaphore, #tpu.memory_space<semaphore_mem>>) src(%arg5 : memref<128x128xf32, #tpu.memory_space<hbm>>) dst(%dma_wait3A_53 : memref<128x128xf32, #tpu.memory_space<vmem_shared>>)
      tpu.yield
    }) : () -> ()
    %barrier3A = arith.constant 0 : index
    tpu.barrier barrier_id(%barrier3A)
    %dma_start3A = arith.constant 0 : i32
    %dma_start3A_10 = arith.constant 0 : i32
    %dma_start3A_11 = arith.constant 0 : i32
    %dma_start3A_12 = arith.constant 0 : i32
    %dma_start3A_13 = tpu.memref_slice %arg7[%dma_start3A_10, %dma_start3A_11, %dma_start3A_12] : memref<2x16x64xi32, #tpu.memory_space<vmem>> -> memref<1x16x64xi32, #tpu.memory_space<vmem>>
    %dma_start3A_14 = tpu.memref_squeeze %dma_start3A_13 : memref<1x16x64xi32, #tpu.memory_space<vmem>> -> memref<16x64xi32, #tpu.memory_space<vmem>>
    %dma_start3A_15 = arith.constant 0 : i32
    %dma_start3A_16 = arith.constant 0 : i32
    %dma_start3A_17 = tpu.memref_slice %arg3[%arg1, %dma_start3A, %dma_start3A_15, %dma_start3A_16] : memref<16x20x16x64xi32, #tpu.memory_space<hbm>> -> memref<1x1x16x64xi32, #tpu.memory_space<hbm>>
    %dma_start3A_18 = tpu.memref_squeeze %dma_start3A_17 : memref<1x1x16x64xi32, #tpu.memory_space<hbm>> -> memref<16x64xi32, #tpu.memory_space<hbm>>
    %dma_start3A_19 = arith.constant 0 : i32
    %dma_start3A_20 = arith.constant 0 : i32
    %dma_start3A_21 = tpu.memref_slice %arg7[%dma_start3A_10, %dma_start3A_19, %dma_start3A_20] : memref<2x16x64xi32, #tpu.memory_space<vmem>> -> memref<1x16x64xi32, #tpu.memory_space<vmem>>
    %dma_start3A_22 = tpu.memref_squeeze %dma_start3A_21 : memref<1x16x64xi32, #tpu.memory_space<vmem>> -> memref<16x64xi32, #tpu.memory_space<vmem>>
    %dma_start3A_23 = arith.constant 0 : i32
    %dma_start3A_24 = arith.constant 0 : i32
    %dma_start3A_25 = tpu.memref_slice %arg3[%arg1, %dma_start3A, %dma_start3A_23, %dma_start3A_24] : memref<16x20x16x64xi32, #tpu.memory_space<hbm>> -> memref<1x1x16x64xi32, #tpu.memory_space<hbm>>
    %dma_start3A_26 = tpu.memref_squeeze %dma_start3A_25 : memref<1x1x16x64xi32, #tpu.memory_space<hbm>> -> memref<16x64xi32, #tpu.memory_space<hbm>>
    tpu.enqueue_dma source(%dma_start3A_26 : memref<16x64xi32, #tpu.memory_space<hbm>>) target(%dma_start3A_22 : memref<16x64xi32, #tpu.memory_space<vmem>>) target_semaphore(%arg25 : memref<!tpu.dma_semaphore, #tpu.memory_space<semaphore_mem>>)
    %dma_start3A_27 = arith.constant 0 : i32
    %dma_start3A_28 = arith.constant 0 : i32
    %dma_start3A_29 = arith.constant 0 : i32
    %dma_start3A_30 = arith.constant 0 : i32
    %dma_start3A_31 = tpu.memref_slice %arg8[%dma_start3A_28, %dma_start3A_29, %dma_start3A_30] : memref<2x16x64xi32, #tpu.memory_space<vmem>> -> memref<1x16x64xi32, #tpu.memory_space<vmem>>
    %dma_start3A_32 = tpu.memref_squeeze %dma_start3A_31 : memref<1x16x64xi32, #tpu.memory_space<vmem>> -> memref<16x64xi32, #tpu.memory_space<vmem>>
    %dma_start3A_33 = arith.constant 0 : i32
    %dma_start3A_34 = arith.constant 0 : i32
    %dma_start3A_35 = tpu.memref_slice %arg4[%arg1, %dma_start3A_27, %dma_start3A_33, %dma_start3A_34] : memref<16x20x16x64xi32, #tpu.memory_space<hbm>> -> memref<1x1x16x64xi32, #tpu.memory_space<hbm>>
    %dma_start3A_36 = tpu.memref_squeeze %dma_start3A_35 : memref<1x1x16x64xi32, #tpu.memory_space<hbm>> -> memref<16x64xi32, #tpu.memory_space<hbm>>
    %dma_start3A_37 = arith.constant 0 : i32
    %dma_start3A_38 = arith.constant 0 : i32
    %dma_start3A_39 = tpu.memref_slice %arg8[%dma_start3A_28, %dma_start3A_37, %dma_start3A_38] : memref<2x16x64xi32, #tpu.memory_space<vmem>> -> memref<1x16x64xi32, #tpu.memory_space<vmem>>
    %dma_start3A_40 = tpu.memref_squeeze %dma_start3A_39 : memref<1x16x64xi32, #tpu.memory_space<vmem>> -> memref<16x64xi32, #tpu.memory_space<vmem>>
    %dma_start3A_41 = arith.constant 0 : i32
    %dma_start3A_42 = arith.constant 0 : i32
    %dma_start3A_43 = tpu.memref_slice %arg4[%arg1, %dma_start3A_27, %dma_start3A_41, %dma_start3A_42] : memref<16x20x16x64xi32, #tpu.memory_space<hbm>> -> memref<1x1x16x64xi32, #tpu.memory_space<hbm>>
    %dma_start3A_44 = tpu.memref_squeeze %dma_start3A_43 : memref<1x1x16x64xi32, #tpu.memory_space<hbm>> -> memref<16x64xi32, #tpu.memory_space<hbm>>
    tpu.enqueue_dma source(%dma_start3A_44 : memref<16x64xi32, #tpu.memory_space<hbm>>) target(%dma_start3A_40 : memref<16x64xi32, #tpu.memory_space<vmem>>) target_semaphore(%arg26 : memref<!tpu.dma_semaphore, #tpu.memory_space<semaphore_mem>>)
    %scan3A = arith.constant 0 : i32
    %scan3A_45 = arith.constant 0 : i32
    %scan3A_46 = arith.constant 20 : i32
    %scan3A_47 = arith.addi %scan3A_45, %scan3A_46 : i32
    %scan3A_48 = arith.constant 1 : i32
    scf.for %scan3A_51 = %scan3A_45 to %scan3A_47 step %scan3A_48  : i32 {
      %and3A = arith.constant 1 : i32
      %and3A_52 = arith.andi %scan3A_51, %and3A : i32
      %dma_wait3A = arith.constant 0 : i32
      %dma_wait3A_53 = arith.constant 0 : i32
      %dma_wait3A_54 = tpu.memref_slice %arg7[%and3A_52, %dma_wait3A, %dma_wait3A_53] : memref<2x16x64xi32, #tpu.memory_space<vmem>> -> memref<1x16x64xi32, #tpu.memory_space<vmem>>
      %dma_wait3A_55 = tpu.memref_squeeze %dma_wait3A_54 : memref<1x16x64xi32, #tpu.memory_space<vmem>> -> memref<16x64xi32, #tpu.memory_space<vmem>>
      %dma_wait3A_56 = arith.constant 0 : i32
      %dma_wait3A_57 = arith.constant 0 : i32
      %dma_wait3A_58 = tpu.memref_slice %arg3[%arg1, %scan3A_51, %dma_wait3A_56, %dma_wait3A_57] : memref<16x20x16x64xi32, #tpu.memory_space<hbm>> -> memref<1x1x16x64xi32, #tpu.memory_space<hbm>>
      %dma_wait3A_59 = tpu.memref_squeeze %dma_wait3A_58 : memref<1x1x16x64xi32, #tpu.memory_space<hbm>> -> memref<16x64xi32, #tpu.memory_space<hbm>>
      %dma_wait3A_60 = arith.constant 0 : i32
      %dma_wait3A_61 = arith.constant 0 : i32
      %dma_wait3A_62 = tpu.memref_slice %arg7[%and3A_52, %dma_wait3A_60, %dma_wait3A_61] : memref<2x16x64xi32, #tpu.memory_space<vmem>> -> memref<1x16x64xi32, #tpu.memory_space<vmem>>
      %dma_wait3A_63 = tpu.memref_squeeze %dma_wait3A_62 : memref<1x16x64xi32, #tpu.memory_space<vmem>> -> memref<16x64xi32, #tpu.memory_space<vmem>>
      %dma_wait3A_64 = arith.constant 0 : i32
      %dma_wait3A_65 = arith.constant 0 : i32
      %dma_wait3A_66 = tpu.memref_slice %arg3[%arg1, %scan3A_51, %dma_wait3A_64, %dma_wait3A_65] : memref<16x20x16x64xi32, #tpu.memory_space<hbm>> -> memref<1x1x16x64xi32, #tpu.memory_space<hbm>>
      %dma_wait3A_67 = tpu.memref_squeeze %dma_wait3A_66 : memref<1x1x16x64xi32, #tpu.memory_space<hbm>> -> memref<16x64xi32, #tpu.memory_space<hbm>>
      tpu.wait_dma2 semaphore(%arg25 : memref<!tpu.dma_semaphore, #tpu.memory_space<semaphore_mem>>) src(%dma_wait3A_67 : memref<16x64xi32, #tpu.memory_space<hbm>>) dst(%dma_wait3A_63 : memref<16x64xi32, #tpu.memory_space<vmem>>)
      %dma_wait3A_68 = arith.constant 0 : i32
      %dma_wait3A_69 = arith.constant 0 : i32
      %dma_wait3A_70 = tpu.memref_slice %arg8[%and3A_52, %dma_wait3A_68, %dma_wait3A_69] : memref<2x16x64xi32, #tpu.memory_space<vmem>> -> memref<1x16x64xi32, #tpu.memory_space<vmem>>
      %dma_wait3A_71 = tpu.memref_squeeze %dma_wait3A_70 : memref<1x16x64xi32, #tpu.memory_space<vmem>> -> memref<16x64xi32, #tpu.memory_space<vmem>>
      %dma_wait3A_72 = arith.constant 0 : i32
      %dma_wait3A_73 = arith.constant 0 : i32
      %dma_wait3A_74 = tpu.memref_slice %arg4[%arg1, %scan3A_51, %dma_wait3A_72, %dma_wait3A_73] : memref<16x20x16x64xi32, #tpu.memory_space<hbm>> -> memref<1x1x16x64xi32, #tpu.memory_space<hbm>>
      %dma_wait3A_75 = tpu.memref_squeeze %dma_wait3A_74 : memref<1x1x16x64xi32, #tpu.memory_space<hbm>> -> memref<16x64xi32, #tpu.memory_space<hbm>>
      %dma_wait3A_76 = arith.constant 0 : i32
      %dma_wait3A_77 = arith.constant 0 : i32
      %dma_wait3A_78 = tpu.memref_slice %arg8[%and3A_52, %dma_wait3A_76, %dma_wait3A_77] : memref<2x16x64xi32, #tpu.memory_space<vmem>> -> memref<1x16x64xi32, #tpu.memory_space<vmem>>
      %dma_wait3A_79 = tpu.memref_squeeze %dma_wait3A_78 : memref<1x16x64xi32, #tpu.memory_space<vmem>> -> memref<16x64xi32, #tpu.memory_space<vmem>>
      %dma_wait3A_80 = arith.constant 0 : i32
      %dma_wait3A_81 = arith.constant 0 : i32
      %dma_wait3A_82 = tpu.memref_slice %arg4[%arg1, %scan3A_51, %dma_wait3A_80, %dma_wait3A_81] : memref<16x20x16x64xi32, #tpu.memory_space<hbm>> -> memref<1x1x16x64xi32, #tpu.memory_space<hbm>>
      %dma_wait3A_83 = tpu.memref_squeeze %dma_wait3A_82 : memref<1x1x16x64xi32, #tpu.memory_space<hbm>> -> memref<16x64xi32, #tpu.memory_space<hbm>>
      tpu.wait_dma2 semaphore(%arg26 : memref<!tpu.dma_semaphore, #tpu.memory_space<semaphore_mem>>) src(%dma_wait3A_83 : memref<16x64xi32, #tpu.memory_space<hbm>>) dst(%dma_wait3A_79 : memref<16x64xi32, #tpu.memory_space<vmem>>)
      %dma_start3A_84 = arith.constant 0 : i32
      %dma_start3A_85 = arith.constant 0 : i32
      %dma_start3A_86 = tpu.memref_slice %arg7[%and3A_52, %dma_start3A_84, %dma_start3A_85] : memref<2x16x64xi32, #tpu.memory_space<vmem>> -> memref<1x1x64xi32, #tpu.memory_space<vmem>>
      %dma_start3A_87 = tpu.memref_squeeze %dma_start3A_86 : memref<1x1x64xi32, #tpu.memory_space<vmem>> -> memref<64xi32, #tpu.memory_space<vmem>>
      %dma_start3A_88 = arith.constant 0 : i32
      %dma_start3A_89 = arith.constant 0 : i32
      %dma_start3A_90 = tpu.memref_slice %arg2[%dma_start3A_88, %dma_start3A_89] : memref<10240x128xf32, #tpu.memory_space<hbm>> -> memref<10240x128xf32, #tpu.memory_space<hbm>>
      tpu.enqueue_indirect_dma source(%dma_start3A_90 : memref<10240x128xf32, #tpu.memory_space<hbm>>) target(%arg9 : memref<64x128xf32, #tpu.memory_space<vmem>>) offsets(%dma_start3A_87 : memref<64xi32, #tpu.memory_space<vmem>>) semaphore(%arg15 : memref<!tpu.dma_semaphore, #tpu.memory_space<semaphore_mem>>)
      %dma_start3A_91 = arith.constant 1 : i32
      %dma_start3A_92 = arith.constant 0 : i32
      %dma_start3A_93 = tpu.memref_slice %arg7[%and3A_52, %dma_start3A_91, %dma_start3A_92] : memref<2x16x64xi32, #tpu.memory_space<vmem>> -> memref<1x1x64xi32, #tpu.memory_space<vmem>>
      %dma_start3A_94 = tpu.memref_squeeze %dma_start3A_93 : memref<1x1x64xi32, #tpu.memory_space<vmem>> -> memref<64xi32, #tpu.memory_space<vmem>>
      %dma_start3A_95 = arith.constant 0 : i32
      %dma_start3A_96 = arith.constant 0 : i32
      %dma_start3A_97 = tpu.memref_slice %arg2[%dma_start3A_95, %dma_start3A_96] : memref<10240x128xf32, #tpu.memory_space<hbm>> -> memref<10240x128xf32, #tpu.memory_space<hbm>>
      tpu.enqueue_indirect_dma source(%dma_start3A_97 : memref<10240x128xf32, #tpu.memory_space<hbm>>) target(%arg10 : memref<64x128xf32, #tpu.memory_space<vmem>>) offsets(%dma_start3A_94 : memref<64xi32, #tpu.memory_space<vmem>>) semaphore(%arg16 : memref<!tpu.dma_semaphore, #tpu.memory_space<semaphore_mem>>)
      %dma_start3A_98 = arith.constant 2 : i32
      %dma_start3A_99 = arith.constant 0 : i32
      %dma_start3A_100 = tpu.memref_slice %arg7[%and3A_52, %dma_start3A_98, %dma_start3A_99] : memref<2x16x64xi32, #tpu.memory_space<vmem>> -> memref<1x1x64xi32, #tpu.memory_space<vmem>>
      %dma_start3A_101 = tpu.memref_squeeze %dma_start3A_100 : memref<1x1x64xi32, #tpu.memory_space<vmem>> -> memref<64xi32, #tpu.memory_space<vmem>>
      %dma_start3A_102 = arith.constant 0 : i32
      %dma_start3A_103 = arith.constant 0 : i32
      %dma_start3A_104 = tpu.memref_slice %arg2[%dma_start3A_102, %dma_start3A_103] : memref<10240x128xf32, #tpu.memory_space<hbm>> -> memref<10240x128xf32, #tpu.memory_space<hbm>>
      tpu.enqueue_indirect_dma source(%dma_start3A_104 : memref<10240x128xf32, #tpu.memory_space<hbm>>) target(%arg11 : memref<64x128xf32, #tpu.memory_space<vmem>>) offsets(%dma_start3A_101 : memref<64xi32, #tpu.memory_space<vmem>>) semaphore(%arg17 : memref<!tpu.dma_semaphore, #tpu.memory_space<semaphore_mem>>)
      %dma_start3A_105 = arith.constant 3 : i32
      %dma_start3A_106 = arith.constant 0 : i32
      %dma_start3A_107 = tpu.memref_slice %arg7[%and3A_52, %dma_start3A_105, %dma_start3A_106] : memref<2x16x64xi32, #tpu.memory_space<vmem>> -> memref<1x1x64xi32, #tpu.memory_space<vmem>>
      %dma_start3A_108 = tpu.memref_squeeze %dma_start3A_107 : memref<1x1x64xi32, #tpu.memory_space<vmem>> -> memref<64xi32, #tpu.memory_space<vmem>>
      %dma_start3A_109 = arith.constant 0 : i32
      %dma_start3A_110 = arith.constant 0 : i32
      %dma_start3A_111 = tpu.memref_slice %arg2[%dma_start3A_109, %dma_start3A_110] : memref<10240x128xf32, #tpu.memory_space<hbm>> -> memref<10240x128xf32, #tpu.memory_space<hbm>>
      tpu.enqueue_indirect_dma source(%dma_start3A_111 : memref<10240x128xf32, #tpu.memory_space<hbm>>) target(%arg12 : memref<64x128xf32, #tpu.memory_space<vmem>>) offsets(%dma_start3A_108 : memref<64xi32, #tpu.memory_space<vmem>>) semaphore(%arg18 : memref<!tpu.dma_semaphore, #tpu.memory_space<semaphore_mem>>)
      %dma_wait3A_112 = arith.constant 0 : i32
      %dma_wait3A_113 = arith.constant 0 : i32
      %dma_wait3A_114 = tpu.memref_slice %arg7[%and3A_52, %dma_wait3A_112, %dma_wait3A_113] : memref<2x16x64xi32, #tpu.memory_space<vmem>> -> memref<1x1x64xi32, #tpu.memory_space<vmem>>
      %dma_wait3A_115 = tpu.memref_squeeze %dma_wait3A_114 : memref<1x1x64xi32, #tpu.memory_space<vmem>> -> memref<64xi32, #tpu.memory_space<vmem>>
      %dma_wait3A_116 = arith.constant 0 : i32
      %dma_wait3A_117 = arith.constant 0 : i32
      %dma_wait3A_118 = tpu.memref_slice %arg2[%dma_wait3A_116, %dma_wait3A_117] : memref<10240x128xf32, #tpu.memory_space<hbm>> -> memref<10240x128xf32, #tpu.memory_space<hbm>>
      tpu.wait_indirect_dma semaphore(%arg15 : memref<!tpu.dma_semaphore, #tpu.memory_space<semaphore_mem>>) src(%dma_wait3A_118 : memref<10240x128xf32, #tpu.memory_space<hbm>>) dst(%arg9 : memref<64x128xf32, #tpu.memory_space<vmem>>)
      %dma_start3A_119 = arith.constant 0 : i32
      %dma_start3A_120 = arith.constant 0 : i32
      %dma_start3A_121 = tpu.memref_slice %arg8[%and3A_52, %dma_start3A_119, %dma_start3A_120] : memref<2x16x64xi32, #tpu.memory_space<vmem>> -> memref<1x1x64xi32, #tpu.memory_space<vmem>>
      %dma_start3A_122 = tpu.memref_squeeze %dma_start3A_121 : memref<1x1x64xi32, #tpu.memory_space<vmem>> -> memref<64xi32, #tpu.memory_space<vmem>>
      %dma_start3A_123 = arith.constant 0 : i32
      %dma_start3A_124 = arith.constant 0 : i32
      %dma_start3A_125 = tpu.memref_slice %arg14[%dma_start3A_123, %dma_start3A_124] : memref<10240x128xf32, #tpu.memory_space<vmem_shared>> -> memref<10240x128xf32, #tpu.memory_space<vmem_shared>>
      tpu.enqueue_indirect_dma source(%arg9 : memref<64x128xf32, #tpu.memory_space<vmem>>) target(%dma_start3A_125 : memref<10240x128xf32, #tpu.memory_space<vmem_shared>>) offsets(%dma_start3A_122 : memref<64xi32, #tpu.memory_space<vmem>>) semaphore(%arg20 : memref<!tpu.dma_semaphore, #tpu.memory_space<semaphore_mem>>) {add = true}
      %dma_start3A_126 = arith.constant 4 : i32
      %dma_start3A_127 = arith.constant 0 : i32
      %dma_start3A_128 = tpu.memref_slice %arg7[%and3A_52, %dma_start3A_126, %dma_start3A_127] : memref<2x16x64xi32, #tpu.memory_space<vmem>> -> memref<1x1x64xi32, #tpu.memory_space<vmem>>
      %dma_start3A_129 = tpu.memref_squeeze %dma_start3A_128 : memref<1x1x64xi32, #tpu.memory_space<vmem>> -> memref<64xi32, #tpu.memory_space<vmem>>
      %dma_start3A_130 = arith.constant 0 : i32
      %dma_start3A_131 = arith.constant 0 : i32
      %dma_start3A_132 = tpu.memref_slice %arg2[%dma_start3A_130, %dma_start3A_131] : memref<10240x128xf32, #tpu.memory_space<hbm>> -> memref<10240x128xf32, #tpu.memory_space<hbm>>
      tpu.enqueue_indirect_dma source(%dma_start3A_132 : memref<10240x128xf32, #tpu.memory_space<hbm>>) target(%arg13 : memref<64x128xf32, #tpu.memory_space<vmem>>) offsets(%dma_start3A_129 : memref<64xi32, #tpu.memory_space<vmem>>) semaphore(%arg19 : memref<!tpu.dma_semaphore, #tpu.memory_space<semaphore_mem>>)
      %dma_wait3A_133 = arith.constant 1 : i32
      %dma_wait3A_134 = arith.constant 0 : i32
      %dma_wait3A_135 = tpu.memref_slice %arg7[%and3A_52, %dma_wait3A_133, %dma_wait3A_134] : memref<2x16x64xi32, #tpu.memory_space<vmem>> -> memref<1x1x64xi32, #tpu.memory_space<vmem>>
      %dma_wait3A_136 = tpu.memref_squeeze %dma_wait3A_135 : memref<1x1x64xi32, #tpu.memory_space<vmem>> -> memref<64xi32, #tpu.memory_space<vmem>>
      %dma_wait3A_137 = arith.constant 0 : i32
      %dma_wait3A_138 = arith.constant 0 : i32
      %dma_wait3A_139 = tpu.memref_slice %arg2[%dma_wait3A_137, %dma_wait3A_138] : memref<10240x128xf32, #tpu.memory_space<hbm>> -> memref<10240x128xf32, #tpu.memory_space<hbm>>
      tpu.wait_indirect_dma semaphore(%arg16 : memref<!tpu.dma_semaphore, #tpu.memory_space<semaphore_mem>>) src(%dma_wait3A_139 : memref<10240x128xf32, #tpu.memory_space<hbm>>) dst(%arg10 : memref<64x128xf32, #tpu.memory_space<vmem>>)
      %dma_start3A_140 = arith.constant 1 : i32
      %dma_start3A_141 = arith.constant 0 : i32
      %dma_start3A_142 = tpu.memref_slice %arg8[%and3A_52, %dma_start3A_140, %dma_start3A_141] : memref<2x16x64xi32, #tpu.memory_space<vmem>> -> memref<1x1x64xi32, #tpu.memory_space<vmem>>
      %dma_start3A_143 = tpu.memref_squeeze %dma_start3A_142 : memref<1x1x64xi32, #tpu.memory_space<vmem>> -> memref<64xi32, #tpu.memory_space<vmem>>
      %dma_start3A_144 = arith.constant 0 : i32
      %dma_start3A_145 = arith.constant 0 : i32
      %dma_start3A_146 = tpu.memref_slice %arg14[%dma_start3A_144, %dma_start3A_145] : memref<10240x128xf32, #tpu.memory_space<vmem_shared>> -> memref<10240x128xf32, #tpu.memory_space<vmem_shared>>
      tpu.enqueue_indirect_dma source(%arg10 : memref<64x128xf32, #tpu.memory_space<vmem>>) target(%dma_start3A_146 : memref<10240x128xf32, #tpu.memory_space<vmem_shared>>) offsets(%dma_start3A_143 : memref<64xi32, #tpu.memory_space<vmem>>) semaphore(%arg21 : memref<!tpu.dma_semaphore, #tpu.memory_space<semaphore_mem>>) {add = true}
      %dma_wait3A_147 = arith.constant 0 : i32
      %dma_wait3A_148 = arith.constant 0 : i32
      %dma_wait3A_149 = tpu.memref_slice %arg8[%and3A_52, %dma_wait3A_147, %dma_wait3A_148] : memref<2x16x64xi32, #tpu.memory_space<vmem>> -> memref<1x1x64xi32, #tpu.memory_space<vmem>>
      %dma_wait3A_150 = tpu.memref_squeeze %dma_wait3A_149 : memref<1x1x64xi32, #tpu.memory_space<vmem>> -> memref<64xi32, #tpu.memory_space<vmem>>
      %dma_wait3A_151 = arith.constant 0 : i32
      %dma_wait3A_152 = arith.constant 0 : i32
      %dma_wait3A_153 = tpu.memref_slice %arg14[%dma_wait3A_151, %dma_wait3A_152] : memref<10240x128xf32, #tpu.memory_space<vmem_shared>> -> memref<10240x128xf32, #tpu.memory_space<vmem_shared>>
      tpu.wait_indirect_dma semaphore(%arg20 : memref<!tpu.dma_semaphore, #tpu.memory_space<semaphore_mem>>) src(%arg9 : memref<64x128xf32, #tpu.memory_space<vmem>>) dst(%dma_wait3A_153 : memref<10240x128xf32, #tpu.memory_space<vmem_shared>>)
      %dma_start3A_154 = arith.constant 5 : i32
      %dma_start3A_155 = arith.constant 0 : i32
      %dma_start3A_156 = tpu.memref_slice %arg7[%and3A_52, %dma_start3A_154, %dma_start3A_155] : memref<2x16x64xi32, #tpu.memory_space<vmem>> -> memref<1x1x64xi32, #tpu.memory_space<vmem>>
      %dma_start3A_157 = tpu.memref_squeeze %dma_start3A_156 : memref<1x1x64xi32, #tpu.memory_space<vmem>> -> memref<64xi32, #tpu.memory_space<vmem>>
      %dma_start3A_158 = arith.constant 0 : i32
      %dma_start3A_159 = arith.constant 0 : i32
      %dma_start3A_160 = tpu.memref_slice %arg2[%dma_start3A_158, %dma_start3A_159] : memref<10240x128xf32, #tpu.memory_space<hbm>> -> memref<10240x128xf32, #tpu.memory_space<hbm>>
      tpu.enqueue_indirect_dma source(%dma_start3A_160 : memref<10240x128xf32, #tpu.memory_space<hbm>>) target(%arg9 : memref<64x128xf32, #tpu.memory_space<vmem>>) offsets(%dma_start3A_157 : memref<64xi32, #tpu.memory_space<vmem>>) semaphore(%arg15 : memref<!tpu.dma_semaphore, #tpu.memory_space<semaphore_mem>>)
      %dma_wait3A_161 = arith.constant 2 : i32
      %dma_wait3A_162 = arith.constant 0 : i32
      %dma_wait3A_163 = tpu.memref_slice %arg7[%and3A_52, %dma_wait3A_161, %dma_wait3A_162] : memref<2x16x64xi32, #tpu.memory_space<vmem>> -> memref<1x1x64xi32, #tpu.memory_space<vmem>>
      %dma_wait3A_164 = tpu.memref_squeeze %dma_wait3A_163 : memref<1x1x64xi32, #tpu.memory_space<vmem>> -> memref<64xi32, #tpu.memory_space<vmem>>
      %dma_wait3A_165 = arith.constant 0 : i32
      %dma_wait3A_166 = arith.constant 0 : i32
      %dma_wait3A_167 = tpu.memref_slice %arg2[%dma_wait3A_165, %dma_wait3A_166] : memref<10240x128xf32, #tpu.memory_space<hbm>> -> memref<10240x128xf32, #tpu.memory_space<hbm>>
      tpu.wait_indirect_dma semaphore(%arg17 : memref<!tpu.dma_semaphore, #tpu.memory_space<semaphore_mem>>) src(%dma_wait3A_167 : memref<10240x128xf32, #tpu.memory_space<hbm>>) dst(%arg11 : memref<64x128xf32, #tpu.memory_space<vmem>>)
      %dma_start3A_168 = arith.constant 2 : i32
      %dma_start3A_169 = arith.constant 0 : i32
      %dma_start3A_170 = tpu.memref_slice %arg8[%and3A_52, %dma_start3A_168, %dma_start3A_169] : memref<2x16x64xi32, #tpu.memory_space<vmem>> -> memref<1x1x64xi32, #tpu.memory_space<vmem>>
      %dma_start3A_171 = tpu.memref_squeeze %dma_start3A_170 : memref<1x1x64xi32, #tpu.memory_space<vmem>> -> memref<64xi32, #tpu.memory_space<vmem>>
      %dma_start3A_172 = arith.constant 0 : i32
      %dma_start3A_173 = arith.constant 0 : i32
      %dma_start3A_174 = tpu.memref_slice %arg14[%dma_start3A_172, %dma_start3A_173] : memref<10240x128xf32, #tpu.memory_space<vmem_shared>> -> memref<10240x128xf32, #tpu.memory_space<vmem_shared>>
      tpu.enqueue_indirect_dma source(%arg11 : memref<64x128xf32, #tpu.memory_space<vmem>>) target(%dma_start3A_174 : memref<10240x128xf32, #tpu.memory_space<vmem_shared>>) offsets(%dma_start3A_171 : memref<64xi32, #tpu.memory_space<vmem>>) semaphore(%arg22 : memref<!tpu.dma_semaphore, #tpu.memory_space<semaphore_mem>>) {add = true}
      %dma_wait3A_175 = arith.constant 1 : i32
      %dma_wait3A_176 = arith.constant 0 : i32
      %dma_wait3A_177 = tpu.memref_slice %arg8[%and3A_52, %dma_wait3A_175, %dma_wait3A_176] : memref<2x16x64xi32, #tpu.memory_space<vmem>> -> memref<1x1x64xi32, #tpu.memory_space<vmem>>
      %dma_wait3A_178 = tpu.memref_squeeze %dma_wait3A_177 : memref<1x1x64xi32, #tpu.memory_space<vmem>> -> memref<64xi32, #tpu.memory_space<vmem>>
      %dma_wait3A_179 = arith.constant 0 : i32
      %dma_wait3A_180 = arith.constant 0 : i32
      %dma_wait3A_181 = tpu.memref_slice %arg14[%dma_wait3A_179, %dma_wait3A_180] : memref<10240x128xf32, #tpu.memory_space<vmem_shared>> -> memref<10240x128xf32, #tpu.memory_space<vmem_shared>>
      tpu.wait_indirect_dma semaphore(%arg21 : memref<!tpu.dma_semaphore, #tpu.memory_space<semaphore_mem>>) src(%arg10 : memref<64x128xf32, #tpu.memory_space<vmem>>) dst(%dma_wait3A_181 : memref<10240x128xf32, #tpu.memory_space<vmem_shared>>)
      %dma_start3A_182 = arith.constant 6 : i32
      %dma_start3A_183 = arith.constant 0 : i32
      %dma_start3A_184 = tpu.memref_slice %arg7[%and3A_52, %dma_start3A_182, %dma_start3A_183] : memref<2x16x64xi32, #tpu.memory_space<vmem>> -> memref<1x1x64xi32, #tpu.memory_space<vmem>>
      %dma_start3A_185 = tpu.memref_squeeze %dma_start3A_184 : memref<1x1x64xi32, #tpu.memory_space<vmem>> -> memref<64xi32, #tpu.memory_space<vmem>>
      %dma_start3A_186 = arith.constant 0 : i32
      %dma_start3A_187 = arith.constant 0 : i32
      %dma_start3A_188 = tpu.memref_slice %arg2[%dma_start3A_186, %dma_start3A_187] : memref<10240x128xf32, #tpu.memory_space<hbm>> -> memref<10240x128xf32, #tpu.memory_space<hbm>>
      tpu.enqueue_indirect_dma source(%dma_start3A_188 : memref<10240x128xf32, #tpu.memory_space<hbm>>) target(%arg10 : memref<64x128xf32, #tpu.memory_space<vmem>>) offsets(%dma_start3A_185 : memref<64xi32, #tpu.memory_space<vmem>>) semaphore(%arg16 : memref<!tpu.dma_semaphore, #tpu.memory_space<semaphore_mem>>)
      %dma_wait3A_189 = arith.constant 3 : i32
      %dma_wait3A_190 = arith.constant 0 : i32
      %dma_wait3A_191 = tpu.memref_slice %arg7[%and3A_52, %dma_wait3A_189, %dma_wait3A_190] : memref<2x16x64xi32, #tpu.memory_space<vmem>> -> memref<1x1x64xi32, #tpu.memory_space<vmem>>
      %dma_wait3A_192 = tpu.memref_squeeze %dma_wait3A_191 : memref<1x1x64xi32, #tpu.memory_space<vmem>> -> memref<64xi32, #tpu.memory_space<vmem>>
      %dma_wait3A_193 = arith.constant 0 : i32
      %dma_wait3A_194 = arith.constant 0 : i32
      %dma_wait3A_195 = tpu.memref_slice %arg2[%dma_wait3A_193, %dma_wait3A_194] : memref<10240x128xf32, #tpu.memory_space<hbm>> -> memref<10240x128xf32, #tpu.memory_space<hbm>>
      tpu.wait_indirect_dma semaphore(%arg18 : memref<!tpu.dma_semaphore, #tpu.memory_space<semaphore_mem>>) src(%dma_wait3A_195 : memref<10240x128xf32, #tpu.memory_space<hbm>>) dst(%arg12 : memref<64x128xf32, #tpu.memory_space<vmem>>)
      %dma_start3A_196 = arith.constant 3 : i32
      %dma_start3A_197 = arith.constant 0 : i32
      %dma_start3A_198 = tpu.memref_slice %arg8[%and3A_52, %dma_start3A_196, %dma_start3A_197] : memref<2x16x64xi32, #tpu.memory_space<vmem>> -> memref<1x1x64xi32, #tpu.memory_space<vmem>>
      %dma_start3A_199 = tpu.memref_squeeze %dma_start3A_198 : memref<1x1x64xi32, #tpu.memory_space<vmem>> -> memref<64xi32, #tpu.memory_space<vmem>>
      %dma_start3A_200 = arith.constant 0 : i32
      %dma_start3A_201 = arith.constant 0 : i32
      %dma_start3A_202 = tpu.memref_slice %arg14[%dma_start3A_200, %dma_start3A_201] : memref<10240x128xf32, #tpu.memory_space<vmem_shared>> -> memref<10240x128xf32, #tpu.memory_space<vmem_shared>>
      tpu.enqueue_indirect_dma source(%arg12 : memref<64x128xf32, #tpu.memory_space<vmem>>) target(%dma_start3A_202 : memref<10240x128xf32, #tpu.memory_space<vmem_shared>>) offsets(%dma_start3A_199 : memref<64xi32, #tpu.memory_space<vmem>>) semaphore(%arg23 : memref<!tpu.dma_semaphore, #tpu.memory_space<semaphore_mem>>) {add = true}
      %dma_wait3A_203 = arith.constant 2 : i32
      %dma_wait3A_204 = arith.constant 0 : i32
      %dma_wait3A_205 = tpu.memref_slice %arg8[%and3A_52, %dma_wait3A_203, %dma_wait3A_204] : memref<2x16x64xi32, #tpu.memory_space<vmem>> -> memref<1x1x64xi32, #tpu.memory_space<vmem>>
      %dma_wait3A_206 = tpu.memref_squeeze %dma_wait3A_205 : memref<1x1x64xi32, #tpu.memory_space<vmem>> -> memref<64xi32, #tpu.memory_space<vmem>>
      %dma_wait3A_207 = arith.constant 0 : i32
      %dma_wait3A_208 = arith.constant 0 : i32
      %dma_wait3A_209 = tpu.memref_slice %arg14[%dma_wait3A_207, %dma_wait3A_208] : memref<10240x128xf32, #tpu.memory_space<vmem_shared>> -> memref<10240x128xf32, #tpu.memory_space<vmem_shared>>
      tpu.wait_indirect_dma semaphore(%arg22 : memref<!tpu.dma_semaphore, #tpu.memory_space<semaphore_mem>>) src(%arg11 : memref<64x128xf32, #tpu.memory_space<vmem>>) dst(%dma_wait3A_209 : memref<10240x128xf32, #tpu.memory_space<vmem_shared>>)
      %dma_start3A_210 = arith.constant 7 : i32
      %dma_start3A_211 = arith.constant 0 : i32
      %dma_start3A_212 = tpu.memref_slice %arg7[%and3A_52, %dma_start3A_210, %dma_start3A_211] : memref<2x16x64xi32, #tpu.memory_space<vmem>> -> memref<1x1x64xi32, #tpu.memory_space<vmem>>
      %dma_start3A_213 = tpu.memref_squeeze %dma_start3A_212 : memref<1x1x64xi32, #tpu.memory_space<vmem>> -> memref<64xi32, #tpu.memory_space<vmem>>
      %dma_start3A_214 = arith.constant 0 : i32
      %dma_start3A_215 = arith.constant 0 : i32
      %dma_start3A_216 = tpu.memref_slice %arg2[%dma_start3A_214, %dma_start3A_215] : memref<10240x128xf32, #tpu.memory_space<hbm>> -> memref<10240x128xf32, #tpu.memory_space<hbm>>
      tpu.enqueue_indirect_dma source(%dma_start3A_216 : memref<10240x128xf32, #tpu.memory_space<hbm>>) target(%arg11 : memref<64x128xf32, #tpu.memory_space<vmem>>) offsets(%dma_start3A_213 : memref<64xi32, #tpu.memory_space<vmem>>) semaphore(%arg17 : memref<!tpu.dma_semaphore, #tpu.memory_space<semaphore_mem>>)
      %dma_wait3A_217 = arith.constant 4 : i32
      %dma_wait3A_218 = arith.constant 0 : i32
      %dma_wait3A_219 = tpu.memref_slice %arg7[%and3A_52, %dma_wait3A_217, %dma_wait3A_218] : memref<2x16x64xi32, #tpu.memory_space<vmem>> -> memref<1x1x64xi32, #tpu.memory_space<vmem>>
      %dma_wait3A_220 = tpu.memref_squeeze %dma_wait3A_219 : memref<1x1x64xi32, #tpu.memory_space<vmem>> -> memref<64xi32, #tpu.memory_space<vmem>>
      %dma_wait3A_221 = arith.constant 0 : i32
      %dma_wait3A_222 = arith.constant 0 : i32
      %dma_wait3A_223 = tpu.memref_slice %arg2[%dma_wait3A_221, %dma_wait3A_222] : memref<10240x128xf32, #tpu.memory_space<hbm>> -> memref<10240x128xf32, #tpu.memory_space<hbm>>
      tpu.wait_indirect_dma semaphore(%arg19 : memref<!tpu.dma_semaphore, #tpu.memory_space<semaphore_mem>>) src(%dma_wait3A_223 : memref<10240x128xf32, #tpu.memory_space<hbm>>) dst(%arg13 : memref<64x128xf32, #tpu.memory_space<vmem>>)
      %dma_start3A_224 = arith.constant 4 : i32
      %dma_start3A_225 = arith.constant 0 : i32
      %dma_start3A_226 = tpu.memref_slice %arg8[%and3A_52, %dma_start3A_224, %dma_start3A_225] : memref<2x16x64xi32, #tpu.memory_space<vmem>> -> memref<1x1x64xi32, #tpu.memory_space<vmem>>
      %dma_start3A_227 = tpu.memref_squeeze %dma_start3A_226 : memref<1x1x64xi32, #tpu.memory_space<vmem>> -> memref<64xi32, #tpu.memory_space<vmem>>
      %dma_start3A_228 = arith.constant 0 : i32
      %dma_start3A_229 = arith.constant 0 : i32
      %dma_start3A_230 = tpu.memref_slice %arg14[%dma_start3A_228, %dma_start3A_229] : memref<10240x128xf32, #tpu.memory_space<vmem_shared>> -> memref<10240x128xf32, #tpu.memory_space<vmem_shared>>
      tpu.enqueue_indirect_dma source(%arg13 : memref<64x128xf32, #tpu.memory_space<vmem>>) target(%dma_start3A_230 : memref<10240x128xf32, #tpu.memory_space<vmem_shared>>) offsets(%dma_start3A_227 : memref<64xi32, #tpu.memory_space<vmem>>) semaphore(%arg24 : memref<!tpu.dma_semaphore, #tpu.memory_space<semaphore_mem>>) {add = true}
      %dma_wait3A_231 = arith.constant 3 : i32
      %dma_wait3A_232 = arith.constant 0 : i32
      %dma_wait3A_233 = tpu.memref_slice %arg8[%and3A_52, %dma_wait3A_231, %dma_wait3A_232] : memref<2x16x64xi32, #tpu.memory_space<vmem>> -> memref<1x1x64xi32, #tpu.memory_space<vmem>>
      %dma_wait3A_234 = tpu.memref_squeeze %dma_wait3A_233 : memref<1x1x64xi32, #tpu.memory_space<vmem>> -> memref<64xi32, #tpu.memory_space<vmem>>
      %dma_wait3A_235 = arith.constant 0 : i32
      %dma_wait3A_236 = arith.constant 0 : i32
      %dma_wait3A_237 = tpu.memref_slice %arg14[%dma_wait3A_235, %dma_wait3A_236] : memref<10240x128xf32, #tpu.memory_space<vmem_shared>> -> memref<10240x128xf32, #tpu.memory_space<vmem_shared>>
      tpu.wait_indirect_dma semaphore(%arg23 : memref<!tpu.dma_semaphore, #tpu.memory_space<semaphore_mem>>) src(%arg12 : memref<64x128xf32, #tpu.memory_space<vmem>>) dst(%dma_wait3A_237 : memref<10240x128xf32, #tpu.memory_space<vmem_shared>>)
      %dma_start3A_238 = arith.constant 8 : i32
      %dma_start3A_239 = arith.constant 0 : i32
      %dma_start3A_240 = tpu.memref_slice %arg7[%and3A_52, %dma_start3A_238, %dma_start3A_239] : memref<2x16x64xi32, #tpu.memory_space<vmem>> -> memref<1x1x64xi32, #tpu.memory_space<vmem>>
      %dma_start3A_241 = tpu.memref_squeeze %dma_start3A_240 : memref<1x1x64xi32, #tpu.memory_space<vmem>> -> memref<64xi32, #tpu.memory_space<vmem>>
      %dma_start3A_242 = arith.constant 0 : i32
      %dma_start3A_243 = arith.constant 0 : i32
      %dma_start3A_244 = tpu.memref_slice %arg2[%dma_start3A_242, %dma_start3A_243] : memref<10240x128xf32, #tpu.memory_space<hbm>> -> memref<10240x128xf32, #tpu.memory_space<hbm>>
      tpu.enqueue_indirect_dma source(%dma_start3A_244 : memref<10240x128xf32, #tpu.memory_space<hbm>>) target(%arg12 : memref<64x128xf32, #tpu.memory_space<vmem>>) offsets(%dma_start3A_241 : memref<64xi32, #tpu.memory_space<vmem>>) semaphore(%arg18 : memref<!tpu.dma_semaphore, #tpu.memory_space<semaphore_mem>>)
      %dma_wait3A_245 = arith.constant 5 : i32
      %dma_wait3A_246 = arith.constant 0 : i32
      %dma_wait3A_247 = tpu.memref_slice %arg7[%and3A_52, %dma_wait3A_245, %dma_wait3A_246] : memref<2x16x64xi32, #tpu.memory_space<vmem>> -> memref<1x1x64xi32, #tpu.memory_space<vmem>>
      %dma_wait3A_248 = tpu.memref_squeeze %dma_wait3A_247 : memref<1x1x64xi32, #tpu.memory_space<vmem>> -> memref<64xi32, #tpu.memory_space<vmem>>
      %dma_wait3A_249 = arith.constant 0 : i32
      %dma_wait3A_250 = arith.constant 0 : i32
      %dma_wait3A_251 = tpu.memref_slice %arg2[%dma_wait3A_249, %dma_wait3A_250] : memref<10240x128xf32, #tpu.memory_space<hbm>> -> memref<10240x128xf32, #tpu.memory_space<hbm>>
      tpu.wait_indirect_dma semaphore(%arg15 : memref<!tpu.dma_semaphore, #tpu.memory_space<semaphore_mem>>) src(%dma_wait3A_251 : memref<10240x128xf32, #tpu.memory_space<hbm>>) dst(%arg9 : memref<64x128xf32, #tpu.memory_space<vmem>>)
      %dma_start3A_252 = arith.constant 5 : i32
      %dma_start3A_253 = arith.constant 0 : i32
      %dma_start3A_254 = tpu.memref_slice %arg8[%and3A_52, %dma_start3A_252, %dma_start3A_253] : memref<2x16x64xi32, #tpu.memory_space<vmem>> -> memref<1x1x64xi32, #tpu.memory_space<vmem>>
      %dma_start3A_255 = tpu.memref_squeeze %dma_start3A_254 : memref<1x1x64xi32, #tpu.memory_space<vmem>> -> memref<64xi32, #tpu.memory_space<vmem>>
      %dma_start3A_256 = arith.constant 0 : i32
      %dma_start3A_257 = arith.constant 0 : i32
      %dma_start3A_258 = tpu.memref_slice %arg14[%dma_start3A_256, %dma_start3A_257] : memref<10240x128xf32, #tpu.memory_space<vmem_shared>> -> memref<10240x128xf32, #tpu.memory_space<vmem_shared>>
      tpu.enqueue_indirect_dma source(%arg9 : memref<64x128xf32, #tpu.memory_space<vmem>>) target(%dma_start3A_258 : memref<10240x128xf32, #tpu.memory_space<vmem_shared>>) offsets(%dma_start3A_255 : memref<64xi32, #tpu.memory_space<vmem>>) semaphore(%arg20 : memref<!tpu.dma_semaphore, #tpu.memory_space<semaphore_mem>>) {add = true}
      %dma_wait3A_259 = arith.constant 4 : i32
      %dma_wait3A_260 = arith.constant 0 : i32
      %dma_wait3A_261 = tpu.memref_slice %arg8[%and3A_52, %dma_wait3A_259, %dma_wait3A_260] : memref<2x16x64xi32, #tpu.memory_space<vmem>> -> memref<1x1x64xi32, #tpu.memory_space<vmem>>
      %dma_wait3A_262 = tpu.memref_squeeze %dma_wait3A_261 : memref<1x1x64xi32, #tpu.memory_space<vmem>> -> memref<64xi32, #tpu.memory_space<vmem>>
      %dma_wait3A_263 = arith.constant 0 : i32
      %dma_wait3A_264 = arith.constant 0 : i32
      %dma_wait3A_265 = tpu.memref_slice %arg14[%dma_wait3A_263, %dma_wait3A_264] : memref<10240x128xf32, #tpu.memory_space<vmem_shared>> -> memref<10240x128xf32, #tpu.memory_space<vmem_shared>>
      tpu.wait_indirect_dma semaphore(%arg24 : memref<!tpu.dma_semaphore, #tpu.memory_space<semaphore_mem>>) src(%arg13 : memref<64x128xf32, #tpu.memory_space<vmem>>) dst(%dma_wait3A_265 : memref<10240x128xf32, #tpu.memory_space<vmem_shared>>)
      %dma_start3A_266 = arith.constant 9 : i32
      %dma_start3A_267 = arith.constant 0 : i32
      %dma_start3A_268 = tpu.memref_slice %arg7[%and3A_52, %dma_start3A_266, %dma_start3A_267] : memref<2x16x64xi32, #tpu.memory_space<vmem>> -> memref<1x1x64xi32, #tpu.memory_space<vmem>>
      %dma_start3A_269 = tpu.memref_squeeze %dma_start3A_268 : memref<1x1x64xi32, #tpu.memory_space<vmem>> -> memref<64xi32, #tpu.memory_space<vmem>>
      %dma_start3A_270 = arith.constant 0 : i32
      %dma_start3A_271 = arith.constant 0 : i32
      %dma_start3A_272 = tpu.memref_slice %arg2[%dma_start3A_270, %dma_start3A_271] : memref<10240x128xf32, #tpu.memory_space<hbm>> -> memref<10240x128xf32, #tpu.memory_space<hbm>>
      tpu.enqueue_indirect_dma source(%dma_start3A_272 : memref<10240x128xf32, #tpu.memory_space<hbm>>) target(%arg13 : memref<64x128xf32, #tpu.memory_space<vmem>>) offsets(%dma_start3A_269 : memref<64xi32, #tpu.memory_space<vmem>>) semaphore(%arg19 : memref<!tpu.dma_semaphore, #tpu.memory_space<semaphore_mem>>)
      %dma_wait3A_273 = arith.constant 6 : i32
      %dma_wait3A_274 = arith.constant 0 : i32
      %dma_wait3A_275 = tpu.memref_slice %arg7[%and3A_52, %dma_wait3A_273, %dma_wait3A_274] : memref<2x16x64xi32, #tpu.memory_space<vmem>> -> memref<1x1x64xi32, #tpu.memory_space<vmem>>
      %dma_wait3A_276 = tpu.memref_squeeze %dma_wait3A_275 : memref<1x1x64xi32, #tpu.memory_space<vmem>> -> memref<64xi32, #tpu.memory_space<vmem>>
      %dma_wait3A_277 = arith.constant 0 : i32
      %dma_wait3A_278 = arith.constant 0 : i32
      %dma_wait3A_279 = tpu.memref_slice %arg2[%dma_wait3A_277, %dma_wait3A_278] : memref<10240x128xf32, #tpu.memory_space<hbm>> -> memref<10240x128xf32, #tpu.memory_space<hbm>>
      tpu.wait_indirect_dma semaphore(%arg16 : memref<!tpu.dma_semaphore, #tpu.memory_space<semaphore_mem>>) src(%dma_wait3A_279 : memref<10240x128xf32, #tpu.memory_space<hbm>>) dst(%arg10 : memref<64x128xf32, #tpu.memory_space<vmem>>)
      %dma_start3A_280 = arith.constant 6 : i32
      %dma_start3A_281 = arith.constant 0 : i32
      %dma_start3A_282 = tpu.memref_slice %arg8[%and3A_52, %dma_start3A_280, %dma_start3A_281] : memref<2x16x64xi32, #tpu.memory_space<vmem>> -> memref<1x1x64xi32, #tpu.memory_space<vmem>>
      %dma_start3A_283 = tpu.memref_squeeze %dma_start3A_282 : memref<1x1x64xi32, #tpu.memory_space<vmem>> -> memref<64xi32, #tpu.memory_space<vmem>>
      %dma_start3A_284 = arith.constant 0 : i32
      %dma_start3A_285 = arith.constant 0 : i32
      %dma_start3A_286 = tpu.memref_slice %arg14[%dma_start3A_284, %dma_start3A_285] : memref<10240x128xf32, #tpu.memory_space<vmem_shared>> -> memref<10240x128xf32, #tpu.memory_space<vmem_shared>>
      tpu.enqueue_indirect_dma source(%arg10 : memref<64x128xf32, #tpu.memory_space<vmem>>) target(%dma_start3A_286 : memref<10240x128xf32, #tpu.memory_space<vmem_shared>>) offsets(%dma_start3A_283 : memref<64xi32, #tpu.memory_space<vmem>>) semaphore(%arg21 : memref<!tpu.dma_semaphore, #tpu.memory_space<semaphore_mem>>) {add = true}
      %dma_wait3A_287 = arith.constant 5 : i32
      %dma_wait3A_288 = arith.constant 0 : i32
      %dma_wait3A_289 = tpu.memref_slice %arg8[%and3A_52, %dma_wait3A_287, %dma_wait3A_288] : memref<2x16x64xi32, #tpu.memory_space<vmem>> -> memref<1x1x64xi32, #tpu.memory_space<vmem>>
      %dma_wait3A_290 = tpu.memref_squeeze %dma_wait3A_289 : memref<1x1x64xi32, #tpu.memory_space<vmem>> -> memref<64xi32, #tpu.memory_space<vmem>>
      %dma_wait3A_291 = arith.constant 0 : i32
      %dma_wait3A_292 = arith.constant 0 : i32
      %dma_wait3A_293 = tpu.memref_slice %arg14[%dma_wait3A_291, %dma_wait3A_292] : memref<10240x128xf32, #tpu.memory_space<vmem_shared>> -> memref<10240x128xf32, #tpu.memory_space<vmem_shared>>
      tpu.wait_indirect_dma semaphore(%arg20 : memref<!tpu.dma_semaphore, #tpu.memory_space<semaphore_mem>>) src(%arg9 : memref<64x128xf32, #tpu.memory_space<vmem>>) dst(%dma_wait3A_293 : memref<10240x128xf32, #tpu.memory_space<vmem_shared>>)
      %dma_start3A_294 = arith.constant 10 : i32
      %dma_start3A_295 = arith.constant 0 : i32
      %dma_start3A_296 = tpu.memref_slice %arg7[%and3A_52, %dma_start3A_294, %dma_start3A_295] : memref<2x16x64xi32, #tpu.memory_space<vmem>> -> memref<1x1x64xi32, #tpu.memory_space<vmem>>
      %dma_start3A_297 = tpu.memref_squeeze %dma_start3A_296 : memref<1x1x64xi32, #tpu.memory_space<vmem>> -> memref<64xi32, #tpu.memory_space<vmem>>
      %dma_start3A_298 = arith.constant 0 : i32
      %dma_start3A_299 = arith.constant 0 : i32
      %dma_start3A_300 = tpu.memref_slice %arg2[%dma_start3A_298, %dma_start3A_299] : memref<10240x128xf32, #tpu.memory_space<hbm>> -> memref<10240x128xf32, #tpu.memory_space<hbm>>
      tpu.enqueue_indirect_dma source(%dma_start3A_300 : memref<10240x128xf32, #tpu.memory_space<hbm>>) target(%arg9 : memref<64x128xf32, #tpu.memory_space<vmem>>) offsets(%dma_start3A_297 : memref<64xi32, #tpu.memory_space<vmem>>) semaphore(%arg15 : memref<!tpu.dma_semaphore, #tpu.memory_space<semaphore_mem>>)
      %dma_wait3A_301 = arith.constant 7 : i32
      %dma_wait3A_302 = arith.constant 0 : i32
      %dma_wait3A_303 = tpu.memref_slice %arg7[%and3A_52, %dma_wait3A_301, %dma_wait3A_302] : memref<2x16x64xi32, #tpu.memory_space<vmem>> -> memref<1x1x64xi32, #tpu.memory_space<vmem>>
      %dma_wait3A_304 = tpu.memref_squeeze %dma_wait3A_303 : memref<1x1x64xi32, #tpu.memory_space<vmem>> -> memref<64xi32, #tpu.memory_space<vmem>>
      %dma_wait3A_305 = arith.constant 0 : i32
      %dma_wait3A_306 = arith.constant 0 : i32
      %dma_wait3A_307 = tpu.memref_slice %arg2[%dma_wait3A_305, %dma_wait3A_306] : memref<10240x128xf32, #tpu.memory_space<hbm>> -> memref<10240x128xf32, #tpu.memory_space<hbm>>
      tpu.wait_indirect_dma semaphore(%arg17 : memref<!tpu.dma_semaphore, #tpu.memory_space<semaphore_mem>>) src(%dma_wait3A_307 : memref<10240x128xf32, #tpu.memory_space<hbm>>) dst(%arg11 : memref<64x128xf32, #tpu.memory_space<vmem>>)
      %dma_start3A_308 = arith.constant 7 : i32
      %dma_start3A_309 = arith.constant 0 : i32
      %dma_start3A_310 = tpu.memref_slice %arg8[%and3A_52, %dma_start3A_308, %dma_start3A_309] : memref<2x16x64xi32, #tpu.memory_space<vmem>> -> memref<1x1x64xi32, #tpu.memory_space<vmem>>
      %dma_start3A_311 = tpu.memref_squeeze %dma_start3A_310 : memref<1x1x64xi32, #tpu.memory_space<vmem>> -> memref<64xi32, #tpu.memory_space<vmem>>
      %dma_start3A_312 = arith.constant 0 : i32
      %dma_start3A_313 = arith.constant 0 : i32
      %dma_start3A_314 = tpu.memref_slice %arg14[%dma_start3A_312, %dma_start3A_313] : memref<10240x128xf32, #tpu.memory_space<vmem_shared>> -> memref<10240x128xf32, #tpu.memory_space<vmem_shared>>
      tpu.enqueue_indirect_dma source(%arg11 : memref<64x128xf32, #tpu.memory_space<vmem>>) target(%dma_start3A_314 : memref<10240x128xf32, #tpu.memory_space<vmem_shared>>) offsets(%dma_start3A_311 : memref<64xi32, #tpu.memory_space<vmem>>) semaphore(%arg22 : memref<!tpu.dma_semaphore, #tpu.memory_space<semaphore_mem>>) {add = true}
      %dma_wait3A_315 = arith.constant 6 : i32
      %dma_wait3A_316 = arith.constant 0 : i32
      %dma_wait3A_317 = tpu.memref_slice %arg8[%and3A_52, %dma_wait3A_315, %dma_wait3A_316] : memref<2x16x64xi32, #tpu.memory_space<vmem>> -> memref<1x1x64xi32, #tpu.memory_space<vmem>>
      %dma_wait3A_318 = tpu.memref_squeeze %dma_wait3A_317 : memref<1x1x64xi32, #tpu.memory_space<vmem>> -> memref<64xi32, #tpu.memory_space<vmem>>
      %dma_wait3A_319 = arith.constant 0 : i32
      %dma_wait3A_320 = arith.constant 0 : i32
      %dma_wait3A_321 = tpu.memref_slice %arg14[%dma_wait3A_319, %dma_wait3A_320] : memref<10240x128xf32, #tpu.memory_space<vmem_shared>> -> memref<10240x128xf32, #tpu.memory_space<vmem_shared>>
      tpu.wait_indirect_dma semaphore(%arg21 : memref<!tpu.dma_semaphore, #tpu.memory_space<semaphore_mem>>) src(%arg10 : memref<64x128xf32, #tpu.memory_space<vmem>>) dst(%dma_wait3A_321 : memref<10240x128xf32, #tpu.memory_space<vmem_shared>>)
      %dma_start3A_322 = arith.constant 11 : i32
      %dma_start3A_323 = arith.constant 0 : i32
      %dma_start3A_324 = tpu.memref_slice %arg7[%and3A_52, %dma_start3A_322, %dma_start3A_323] : memref<2x16x64xi32, #tpu.memory_space<vmem>> -> memref<1x1x64xi32, #tpu.memory_space<vmem>>
      %dma_start3A_325 = tpu.memref_squeeze %dma_start3A_324 : memref<1x1x64xi32, #tpu.memory_space<vmem>> -> memref<64xi32, #tpu.memory_space<vmem>>
      %dma_start3A_326 = arith.constant 0 : i32
      %dma_start3A_327 = arith.constant 0 : i32
      %dma_start3A_328 = tpu.memref_slice %arg2[%dma_start3A_326, %dma_start3A_327] : memref<10240x128xf32, #tpu.memory_space<hbm>> -> memref<10240x128xf32, #tpu.memory_space<hbm>>
      tpu.enqueue_indirect_dma source(%dma_start3A_328 : memref<10240x128xf32, #tpu.memory_space<hbm>>) target(%arg10 : memref<64x128xf32, #tpu.memory_space<vmem>>) offsets(%dma_start3A_325 : memref<64xi32, #tpu.memory_space<vmem>>) semaphore(%arg16 : memref<!tpu.dma_semaphore, #tpu.memory_space<semaphore_mem>>)
      %dma_wait3A_329 = arith.constant 8 : i32
      %dma_wait3A_330 = arith.constant 0 : i32
      %dma_wait3A_331 = tpu.memref_slice %arg7[%and3A_52, %dma_wait3A_329, %dma_wait3A_330] : memref<2x16x64xi32, #tpu.memory_space<vmem>> -> memref<1x1x64xi32, #tpu.memory_space<vmem>>
      %dma_wait3A_332 = tpu.memref_squeeze %dma_wait3A_331 : memref<1x1x64xi32, #tpu.memory_space<vmem>> -> memref<64xi32, #tpu.memory_space<vmem>>
      %dma_wait3A_333 = arith.constant 0 : i32
      %dma_wait3A_334 = arith.constant 0 : i32
      %dma_wait3A_335 = tpu.memref_slice %arg2[%dma_wait3A_333, %dma_wait3A_334] : memref<10240x128xf32, #tpu.memory_space<hbm>> -> memref<10240x128xf32, #tpu.memory_space<hbm>>
      tpu.wait_indirect_dma semaphore(%arg18 : memref<!tpu.dma_semaphore, #tpu.memory_space<semaphore_mem>>) src(%dma_wait3A_335 : memref<10240x128xf32, #tpu.memory_space<hbm>>) dst(%arg12 : memref<64x128xf32, #tpu.memory_space<vmem>>)
      %dma_start3A_336 = arith.constant 8 : i32
      %dma_start3A_337 = arith.constant 0 : i32
      %dma_start3A_338 = tpu.memref_slice %arg8[%and3A_52, %dma_start3A_336, %dma_start3A_337] : memref<2x16x64xi32, #tpu.memory_space<vmem>> -> memref<1x1x64xi32, #tpu.memory_space<vmem>>
      %dma_start3A_339 = tpu.memref_squeeze %dma_start3A_338 : memref<1x1x64xi32, #tpu.memory_space<vmem>> -> memref<64xi32, #tpu.memory_space<vmem>>
      %dma_start3A_340 = arith.constant 0 : i32
      %dma_start3A_341 = arith.constant 0 : i32
      %dma_start3A_342 = tpu.memref_slice %arg14[%dma_start3A_340, %dma_start3A_341] : memref<10240x128xf32, #tpu.memory_space<vmem_shared>> -> memref<10240x128xf32, #tpu.memory_space<vmem_shared>>
      tpu.enqueue_indirect_dma source(%arg12 : memref<64x128xf32, #tpu.memory_space<vmem>>) target(%dma_start3A_342 : memref<10240x128xf32, #tpu.memory_space<vmem_shared>>) offsets(%dma_start3A_339 : memref<64xi32, #tpu.memory_space<vmem>>) semaphore(%arg23 : memref<!tpu.dma_semaphore, #tpu.memory_space<semaphore_mem>>) {add = true}
      %dma_wait3A_343 = arith.constant 7 : i32
      %dma_wait3A_344 = arith.constant 0 : i32
      %dma_wait3A_345 = tpu.memref_slice %arg8[%and3A_52, %dma_wait3A_343, %dma_wait3A_344] : memref<2x16x64xi32, #tpu.memory_space<vmem>> -> memref<1x1x64xi32, #tpu.memory_space<vmem>>
      %dma_wait3A_346 = tpu.memref_squeeze %dma_wait3A_345 : memref<1x1x64xi32, #tpu.memory_space<vmem>> -> memref<64xi32, #tpu.memory_space<vmem>>
      %dma_wait3A_347 = arith.constant 0 : i32
      %dma_wait3A_348 = arith.constant 0 : i32
      %dma_wait3A_349 = tpu.memref_slice %arg14[%dma_wait3A_347, %dma_wait3A_348] : memref<10240x128xf32, #tpu.memory_space<vmem_shared>> -> memref<10240x128xf32, #tpu.memory_space<vmem_shared>>
      tpu.wait_indirect_dma semaphore(%arg22 : memref<!tpu.dma_semaphore, #tpu.memory_space<semaphore_mem>>) src(%arg11 : memref<64x128xf32, #tpu.memory_space<vmem>>) dst(%dma_wait3A_349 : memref<10240x128xf32, #tpu.memory_space<vmem_shared>>)
      %dma_start3A_350 = arith.constant 12 : i32
      %dma_start3A_351 = arith.constant 0 : i32
      %dma_start3A_352 = tpu.memref_slice %arg7[%and3A_52, %dma_start3A_350, %dma_start3A_351] : memref<2x16x64xi32, #tpu.memory_space<vmem>> -> memref<1x1x64xi32, #tpu.memory_space<vmem>>
      %dma_start3A_353 = tpu.memref_squeeze %dma_start3A_352 : memref<1x1x64xi32, #tpu.memory_space<vmem>> -> memref<64xi32, #tpu.memory_space<vmem>>
      %dma_start3A_354 = arith.constant 0 : i32
      %dma_start3A_355 = arith.constant 0 : i32
      %dma_start3A_356 = tpu.memref_slice %arg2[%dma_start3A_354, %dma_start3A_355] : memref<10240x128xf32, #tpu.memory_space<hbm>> -> memref<10240x128xf32, #tpu.memory_space<hbm>>
      tpu.enqueue_indirect_dma source(%dma_start3A_356 : memref<10240x128xf32, #tpu.memory_space<hbm>>) target(%arg11 : memref<64x128xf32, #tpu.memory_space<vmem>>) offsets(%dma_start3A_353 : memref<64xi32, #tpu.memory_space<vmem>>) semaphore(%arg17 : memref<!tpu.dma_semaphore, #tpu.memory_space<semaphore_mem>>)
      %dma_wait3A_357 = arith.constant 9 : i32
      %dma_wait3A_358 = arith.constant 0 : i32
      %dma_wait3A_359 = tpu.memref_slice %arg7[%and3A_52, %dma_wait3A_357, %dma_wait3A_358] : memref<2x16x64xi32, #tpu.memory_space<vmem>> -> memref<1x1x64xi32, #tpu.memory_space<vmem>>
      %dma_wait3A_360 = tpu.memref_squeeze %dma_wait3A_359 : memref<1x1x64xi32, #tpu.memory_space<vmem>> -> memref<64xi32, #tpu.memory_space<vmem>>
      %dma_wait3A_361 = arith.constant 0 : i32
      %dma_wait3A_362 = arith.constant 0 : i32
      %dma_wait3A_363 = tpu.memref_slice %arg2[%dma_wait3A_361, %dma_wait3A_362] : memref<10240x128xf32, #tpu.memory_space<hbm>> -> memref<10240x128xf32, #tpu.memory_space<hbm>>
      tpu.wait_indirect_dma semaphore(%arg19 : memref<!tpu.dma_semaphore, #tpu.memory_space<semaphore_mem>>) src(%dma_wait3A_363 : memref<10240x128xf32, #tpu.memory_space<hbm>>) dst(%arg13 : memref<64x128xf32, #tpu.memory_space<vmem>>)
      %dma_start3A_364 = arith.constant 9 : i32
      %dma_start3A_365 = arith.constant 0 : i32
      %dma_start3A_366 = tpu.memref_slice %arg8[%and3A_52, %dma_start3A_364, %dma_start3A_365] : memref<2x16x64xi32, #tpu.memory_space<vmem>> -> memref<1x1x64xi32, #tpu.memory_space<vmem>>
      %dma_start3A_367 = tpu.memref_squeeze %dma_start3A_366 : memref<1x1x64xi32, #tpu.memory_space<vmem>> -> memref<64xi32, #tpu.memory_space<vmem>>
      %dma_start3A_368 = arith.constant 0 : i32
      %dma_start3A_369 = arith.constant 0 : i32
      %dma_start3A_370 = tpu.memref_slice %arg14[%dma_start3A_368, %dma_start3A_369] : memref<10240x128xf32, #tpu.memory_space<vmem_shared>> -> memref<10240x128xf32, #tpu.memory_space<vmem_shared>>
      tpu.enqueue_indirect_dma source(%arg13 : memref<64x128xf32, #tpu.memory_space<vmem>>) target(%dma_start3A_370 : memref<10240x128xf32, #tpu.memory_space<vmem_shared>>) offsets(%dma_start3A_367 : memref<64xi32, #tpu.memory_space<vmem>>) semaphore(%arg24 : memref<!tpu.dma_semaphore, #tpu.memory_space<semaphore_mem>>) {add = true}
      %dma_wait3A_371 = arith.constant 8 : i32
      %dma_wait3A_372 = arith.constant 0 : i32
      %dma_wait3A_373 = tpu.memref_slice %arg8[%and3A_52, %dma_wait3A_371, %dma_wait3A_372] : memref<2x16x64xi32, #tpu.memory_space<vmem>> -> memref<1x1x64xi32, #tpu.memory_space<vmem>>
      %dma_wait3A_374 = tpu.memref_squeeze %dma_wait3A_373 : memref<1x1x64xi32, #tpu.memory_space<vmem>> -> memref<64xi32, #tpu.memory_space<vmem>>
      %dma_wait3A_375 = arith.constant 0 : i32
      %dma_wait3A_376 = arith.constant 0 : i32
      %dma_wait3A_377 = tpu.memref_slice %arg14[%dma_wait3A_375, %dma_wait3A_376] : memref<10240x128xf32, #tpu.memory_space<vmem_shared>> -> memref<10240x128xf32, #tpu.memory_space<vmem_shared>>
      tpu.wait_indirect_dma semaphore(%arg23 : memref<!tpu.dma_semaphore, #tpu.memory_space<semaphore_mem>>) src(%arg12 : memref<64x128xf32, #tpu.memory_space<vmem>>) dst(%dma_wait3A_377 : memref<10240x128xf32, #tpu.memory_space<vmem_shared>>)
      %dma_start3A_378 = arith.constant 13 : i32
      %dma_start3A_379 = arith.constant 0 : i32
      %dma_start3A_380 = tpu.memref_slice %arg7[%and3A_52, %dma_start3A_378, %dma_start3A_379] : memref<2x16x64xi32, #tpu.memory_space<vmem>> -> memref<1x1x64xi32, #tpu.memory_space<vmem>>
      %dma_start3A_381 = tpu.memref_squeeze %dma_start3A_380 : memref<1x1x64xi32, #tpu.memory_space<vmem>> -> memref<64xi32, #tpu.memory_space<vmem>>
      %dma_start3A_382 = arith.constant 0 : i32
      %dma_start3A_383 = arith.constant 0 : i32
      %dma_start3A_384 = tpu.memref_slice %arg2[%dma_start3A_382, %dma_start3A_383] : memref<10240x128xf32, #tpu.memory_space<hbm>> -> memref<10240x128xf32, #tpu.memory_space<hbm>>
      tpu.enqueue_indirect_dma source(%dma_start3A_384 : memref<10240x128xf32, #tpu.memory_space<hbm>>) target(%arg12 : memref<64x128xf32, #tpu.memory_space<vmem>>) offsets(%dma_start3A_381 : memref<64xi32, #tpu.memory_space<vmem>>) semaphore(%arg18 : memref<!tpu.dma_semaphore, #tpu.memory_space<semaphore_mem>>)
      %dma_wait3A_385 = arith.constant 10 : i32
      %dma_wait3A_386 = arith.constant 0 : i32
      %dma_wait3A_387 = tpu.memref_slice %arg7[%and3A_52, %dma_wait3A_385, %dma_wait3A_386] : memref<2x16x64xi32, #tpu.memory_space<vmem>> -> memref<1x1x64xi32, #tpu.memory_space<vmem>>
      %dma_wait3A_388 = tpu.memref_squeeze %dma_wait3A_387 : memref<1x1x64xi32, #tpu.memory_space<vmem>> -> memref<64xi32, #tpu.memory_space<vmem>>
      %dma_wait3A_389 = arith.constant 0 : i32
      %dma_wait3A_390 = arith.constant 0 : i32
      %dma_wait3A_391 = tpu.memref_slice %arg2[%dma_wait3A_389, %dma_wait3A_390] : memref<10240x128xf32, #tpu.memory_space<hbm>> -> memref<10240x128xf32, #tpu.memory_space<hbm>>
      tpu.wait_indirect_dma semaphore(%arg15 : memref<!tpu.dma_semaphore, #tpu.memory_space<semaphore_mem>>) src(%dma_wait3A_391 : memref<10240x128xf32, #tpu.memory_space<hbm>>) dst(%arg9 : memref<64x128xf32, #tpu.memory_space<vmem>>)
      %dma_start3A_392 = arith.constant 10 : i32
      %dma_start3A_393 = arith.constant 0 : i32
      %dma_start3A_394 = tpu.memref_slice %arg8[%and3A_52, %dma_start3A_392, %dma_start3A_393] : memref<2x16x64xi32, #tpu.memory_space<vmem>> -> memref<1x1x64xi32, #tpu.memory_space<vmem>>
      %dma_start3A_395 = tpu.memref_squeeze %dma_start3A_394 : memref<1x1x64xi32, #tpu.memory_space<vmem>> -> memref<64xi32, #tpu.memory_space<vmem>>
      %dma_start3A_396 = arith.constant 0 : i32
      %dma_start3A_397 = arith.constant 0 : i32
      %dma_start3A_398 = tpu.memref_slice %arg14[%dma_start3A_396, %dma_start3A_397] : memref<10240x128xf32, #tpu.memory_space<vmem_shared>> -> memref<10240x128xf32, #tpu.memory_space<vmem_shared>>
      tpu.enqueue_indirect_dma source(%arg9 : memref<64x128xf32, #tpu.memory_space<vmem>>) target(%dma_start3A_398 : memref<10240x128xf32, #tpu.memory_space<vmem_shared>>) offsets(%dma_start3A_395 : memref<64xi32, #tpu.memory_space<vmem>>) semaphore(%arg20 : memref<!tpu.dma_semaphore, #tpu.memory_space<semaphore_mem>>) {add = true}
      %dma_wait3A_399 = arith.constant 9 : i32
      %dma_wait3A_400 = arith.constant 0 : i32
      %dma_wait3A_401 = tpu.memref_slice %arg8[%and3A_52, %dma_wait3A_399, %dma_wait3A_400] : memref<2x16x64xi32, #tpu.memory_space<vmem>> -> memref<1x1x64xi32, #tpu.memory_space<vmem>>
      %dma_wait3A_402 = tpu.memref_squeeze %dma_wait3A_401 : memref<1x1x64xi32, #tpu.memory_space<vmem>> -> memref<64xi32, #tpu.memory_space<vmem>>
      %dma_wait3A_403 = arith.constant 0 : i32
      %dma_wait3A_404 = arith.constant 0 : i32
      %dma_wait3A_405 = tpu.memref_slice %arg14[%dma_wait3A_403, %dma_wait3A_404] : memref<10240x128xf32, #tpu.memory_space<vmem_shared>> -> memref<10240x128xf32, #tpu.memory_space<vmem_shared>>
      tpu.wait_indirect_dma semaphore(%arg24 : memref<!tpu.dma_semaphore, #tpu.memory_space<semaphore_mem>>) src(%arg13 : memref<64x128xf32, #tpu.memory_space<vmem>>) dst(%dma_wait3A_405 : memref<10240x128xf32, #tpu.memory_space<vmem_shared>>)
      %dma_start3A_406 = arith.constant 14 : i32
      %dma_start3A_407 = arith.constant 0 : i32
      %dma_start3A_408 = tpu.memref_slice %arg7[%and3A_52, %dma_start3A_406, %dma_start3A_407] : memref<2x16x64xi32, #tpu.memory_space<vmem>> -> memref<1x1x64xi32, #tpu.memory_space<vmem>>
      %dma_start3A_409 = tpu.memref_squeeze %dma_start3A_408 : memref<1x1x64xi32, #tpu.memory_space<vmem>> -> memref<64xi32, #tpu.memory_space<vmem>>
      %dma_start3A_410 = arith.constant 0 : i32
      %dma_start3A_411 = arith.constant 0 : i32
      %dma_start3A_412 = tpu.memref_slice %arg2[%dma_start3A_410, %dma_start3A_411] : memref<10240x128xf32, #tpu.memory_space<hbm>> -> memref<10240x128xf32, #tpu.memory_space<hbm>>
      tpu.enqueue_indirect_dma source(%dma_start3A_412 : memref<10240x128xf32, #tpu.memory_space<hbm>>) target(%arg13 : memref<64x128xf32, #tpu.memory_space<vmem>>) offsets(%dma_start3A_409 : memref<64xi32, #tpu.memory_space<vmem>>) semaphore(%arg19 : memref<!tpu.dma_semaphore, #tpu.memory_space<semaphore_mem>>)
      %dma_wait3A_413 = arith.constant 11 : i32
      %dma_wait3A_414 = arith.constant 0 : i32
      %dma_wait3A_415 = tpu.memref_slice %arg7[%and3A_52, %dma_wait3A_413, %dma_wait3A_414] : memref<2x16x64xi32, #tpu.memory_space<vmem>> -> memref<1x1x64xi32, #tpu.memory_space<vmem>>
      %dma_wait3A_416 = tpu.memref_squeeze %dma_wait3A_415 : memref<1x1x64xi32, #tpu.memory_space<vmem>> -> memref<64xi32, #tpu.memory_space<vmem>>
      %dma_wait3A_417 = arith.constant 0 : i32
      %dma_wait3A_418 = arith.constant 0 : i32
      %dma_wait3A_419 = tpu.memref_slice %arg2[%dma_wait3A_417, %dma_wait3A_418] : memref<10240x128xf32, #tpu.memory_space<hbm>> -> memref<10240x128xf32, #tpu.memory_space<hbm>>
      tpu.wait_indirect_dma semaphore(%arg16 : memref<!tpu.dma_semaphore, #tpu.memory_space<semaphore_mem>>) src(%dma_wait3A_419 : memref<10240x128xf32, #tpu.memory_space<hbm>>) dst(%arg10 : memref<64x128xf32, #tpu.memory_space<vmem>>)
      %dma_start3A_420 = arith.constant 11 : i32
      %dma_start3A_421 = arith.constant 0 : i32
      %dma_start3A_422 = tpu.memref_slice %arg8[%and3A_52, %dma_start3A_420, %dma_start3A_421] : memref<2x16x64xi32, #tpu.memory_space<vmem>> -> memref<1x1x64xi32, #tpu.memory_space<vmem>>
      %dma_start3A_423 = tpu.memref_squeeze %dma_start3A_422 : memref<1x1x64xi32, #tpu.memory_space<vmem>> -> memref<64xi32, #tpu.memory_space<vmem>>
      %dma_start3A_424 = arith.constant 0 : i32
      %dma_start3A_425 = arith.constant 0 : i32
      %dma_start3A_426 = tpu.memref_slice %arg14[%dma_start3A_424, %dma_start3A_425] : memref<10240x128xf32, #tpu.memory_space<vmem_shared>> -> memref<10240x128xf32, #tpu.memory_space<vmem_shared>>
      tpu.enqueue_indirect_dma source(%arg10 : memref<64x128xf32, #tpu.memory_space<vmem>>) target(%dma_start3A_426 : memref<10240x128xf32, #tpu.memory_space<vmem_shared>>) offsets(%dma_start3A_423 : memref<64xi32, #tpu.memory_space<vmem>>) semaphore(%arg21 : memref<!tpu.dma_semaphore, #tpu.memory_space<semaphore_mem>>) {add = true}
      %dma_wait3A_427 = arith.constant 10 : i32
      %dma_wait3A_428 = arith.constant 0 : i32
      %dma_wait3A_429 = tpu.memref_slice %arg8[%and3A_52, %dma_wait3A_427, %dma_wait3A_428] : memref<2x16x64xi32, #tpu.memory_space<vmem>> -> memref<1x1x64xi32, #tpu.memory_space<vmem>>
      %dma_wait3A_430 = tpu.memref_squeeze %dma_wait3A_429 : memref<1x1x64xi32, #tpu.memory_space<vmem>> -> memref<64xi32, #tpu.memory_space<vmem>>
      %dma_wait3A_431 = arith.constant 0 : i32
      %dma_wait3A_432 = arith.constant 0 : i32
      %dma_wait3A_433 = tpu.memref_slice %arg14[%dma_wait3A_431, %dma_wait3A_432] : memref<10240x128xf32, #tpu.memory_space<vmem_shared>> -> memref<10240x128xf32, #tpu.memory_space<vmem_shared>>
      tpu.wait_indirect_dma semaphore(%arg20 : memref<!tpu.dma_semaphore, #tpu.memory_space<semaphore_mem>>) src(%arg9 : memref<64x128xf32, #tpu.memory_space<vmem>>) dst(%dma_wait3A_433 : memref<10240x128xf32, #tpu.memory_space<vmem_shared>>)
      %dma_start3A_434 = arith.constant 15 : i32
      %dma_start3A_435 = arith.constant 0 : i32
      %dma_start3A_436 = tpu.memref_slice %arg7[%and3A_52, %dma_start3A_434, %dma_start3A_435] : memref<2x16x64xi32, #tpu.memory_space<vmem>> -> memref<1x1x64xi32, #tpu.memory_space<vmem>>
      %dma_start3A_437 = tpu.memref_squeeze %dma_start3A_436 : memref<1x1x64xi32, #tpu.memory_space<vmem>> -> memref<64xi32, #tpu.memory_space<vmem>>
      %dma_start3A_438 = arith.constant 0 : i32
      %dma_start3A_439 = arith.constant 0 : i32
      %dma_start3A_440 = tpu.memref_slice %arg2[%dma_start3A_438, %dma_start3A_439] : memref<10240x128xf32, #tpu.memory_space<hbm>> -> memref<10240x128xf32, #tpu.memory_space<hbm>>
      tpu.enqueue_indirect_dma source(%dma_start3A_440 : memref<10240x128xf32, #tpu.memory_space<hbm>>) target(%arg9 : memref<64x128xf32, #tpu.memory_space<vmem>>) offsets(%dma_start3A_437 : memref<64xi32, #tpu.memory_space<vmem>>) semaphore(%arg15 : memref<!tpu.dma_semaphore, #tpu.memory_space<semaphore_mem>>)
      %dma_wait3A_441 = arith.constant 12 : i32
      %dma_wait3A_442 = arith.constant 0 : i32
      %dma_wait3A_443 = tpu.memref_slice %arg7[%and3A_52, %dma_wait3A_441, %dma_wait3A_442] : memref<2x16x64xi32, #tpu.memory_space<vmem>> -> memref<1x1x64xi32, #tpu.memory_space<vmem>>
      %dma_wait3A_444 = tpu.memref_squeeze %dma_wait3A_443 : memref<1x1x64xi32, #tpu.memory_space<vmem>> -> memref<64xi32, #tpu.memory_space<vmem>>
      %dma_wait3A_445 = arith.constant 0 : i32
      %dma_wait3A_446 = arith.constant 0 : i32
      %dma_wait3A_447 = tpu.memref_slice %arg2[%dma_wait3A_445, %dma_wait3A_446] : memref<10240x128xf32, #tpu.memory_space<hbm>> -> memref<10240x128xf32, #tpu.memory_space<hbm>>
      tpu.wait_indirect_dma semaphore(%arg17 : memref<!tpu.dma_semaphore, #tpu.memory_space<semaphore_mem>>) src(%dma_wait3A_447 : memref<10240x128xf32, #tpu.memory_space<hbm>>) dst(%arg11 : memref<64x128xf32, #tpu.memory_space<vmem>>)
      %dma_start3A_448 = arith.constant 12 : i32
      %dma_start3A_449 = arith.constant 0 : i32
      %dma_start3A_450 = tpu.memref_slice %arg8[%and3A_52, %dma_start3A_448, %dma_start3A_449] : memref<2x16x64xi32, #tpu.memory_space<vmem>> -> memref<1x1x64xi32, #tpu.memory_space<vmem>>
      %dma_start3A_451 = tpu.memref_squeeze %dma_start3A_450 : memref<1x1x64xi32, #tpu.memory_space<vmem>> -> memref<64xi32, #tpu.memory_space<vmem>>
      %dma_start3A_452 = arith.constant 0 : i32
      %dma_start3A_453 = arith.constant 0 : i32
      %dma_start3A_454 = tpu.memref_slice %arg14[%dma_start3A_452, %dma_start3A_453] : memref<10240x128xf32, #tpu.memory_space<vmem_shared>> -> memref<10240x128xf32, #tpu.memory_space<vmem_shared>>
      tpu.enqueue_indirect_dma source(%arg11 : memref<64x128xf32, #tpu.memory_space<vmem>>) target(%dma_start3A_454 : memref<10240x128xf32, #tpu.memory_space<vmem_shared>>) offsets(%dma_start3A_451 : memref<64xi32, #tpu.memory_space<vmem>>) semaphore(%arg22 : memref<!tpu.dma_semaphore, #tpu.memory_space<semaphore_mem>>) {add = true}
      %dma_wait3A_455 = arith.constant 13 : i32
      %dma_wait3A_456 = arith.constant 0 : i32
      %dma_wait3A_457 = tpu.memref_slice %arg7[%and3A_52, %dma_wait3A_455, %dma_wait3A_456] : memref<2x16x64xi32, #tpu.memory_space<vmem>> -> memref<1x1x64xi32, #tpu.memory_space<vmem>>
      %dma_wait3A_458 = tpu.memref_squeeze %dma_wait3A_457 : memref<1x1x64xi32, #tpu.memory_space<vmem>> -> memref<64xi32, #tpu.memory_space<vmem>>
      %dma_wait3A_459 = arith.constant 0 : i32
      %dma_wait3A_460 = arith.constant 0 : i32
      %dma_wait3A_461 = tpu.memref_slice %arg2[%dma_wait3A_459, %dma_wait3A_460] : memref<10240x128xf32, #tpu.memory_space<hbm>> -> memref<10240x128xf32, #tpu.memory_space<hbm>>
      tpu.wait_indirect_dma semaphore(%arg18 : memref<!tpu.dma_semaphore, #tpu.memory_space<semaphore_mem>>) src(%dma_wait3A_461 : memref<10240x128xf32, #tpu.memory_space<hbm>>) dst(%arg12 : memref<64x128xf32, #tpu.memory_space<vmem>>)
      %dma_start3A_462 = arith.constant 13 : i32
      %dma_start3A_463 = arith.constant 0 : i32
      %dma_start3A_464 = tpu.memref_slice %arg8[%and3A_52, %dma_start3A_462, %dma_start3A_463] : memref<2x16x64xi32, #tpu.memory_space<vmem>> -> memref<1x1x64xi32, #tpu.memory_space<vmem>>
      %dma_start3A_465 = tpu.memref_squeeze %dma_start3A_464 : memref<1x1x64xi32, #tpu.memory_space<vmem>> -> memref<64xi32, #tpu.memory_space<vmem>>
      %dma_start3A_466 = arith.constant 0 : i32
      %dma_start3A_467 = arith.constant 0 : i32
      %dma_start3A_468 = tpu.memref_slice %arg14[%dma_start3A_466, %dma_start3A_467] : memref<10240x128xf32, #tpu.memory_space<vmem_shared>> -> memref<10240x128xf32, #tpu.memory_space<vmem_shared>>
      tpu.enqueue_indirect_dma source(%arg12 : memref<64x128xf32, #tpu.memory_space<vmem>>) target(%dma_start3A_468 : memref<10240x128xf32, #tpu.memory_space<vmem_shared>>) offsets(%dma_start3A_465 : memref<64xi32, #tpu.memory_space<vmem>>) semaphore(%arg23 : memref<!tpu.dma_semaphore, #tpu.memory_space<semaphore_mem>>) {add = true}
      %dma_wait3A_469 = arith.constant 14 : i32
      %dma_wait3A_470 = arith.constant 0 : i32
      %dma_wait3A_471 = tpu.memref_slice %arg7[%and3A_52, %dma_wait3A_469, %dma_wait3A_470] : memref<2x16x64xi32, #tpu.memory_space<vmem>> -> memref<1x1x64xi32, #tpu.memory_space<vmem>>
      %dma_wait3A_472 = tpu.memref_squeeze %dma_wait3A_471 : memref<1x1x64xi32, #tpu.memory_space<vmem>> -> memref<64xi32, #tpu.memory_space<vmem>>
      %dma_wait3A_473 = arith.constant 0 : i32
      %dma_wait3A_474 = arith.constant 0 : i32
      %dma_wait3A_475 = tpu.memref_slice %arg2[%dma_wait3A_473, %dma_wait3A_474] : memref<10240x128xf32, #tpu.memory_space<hbm>> -> memref<10240x128xf32, #tpu.memory_space<hbm>>
      tpu.wait_indirect_dma semaphore(%arg19 : memref<!tpu.dma_semaphore, #tpu.memory_space<semaphore_mem>>) src(%dma_wait3A_475 : memref<10240x128xf32, #tpu.memory_space<hbm>>) dst(%arg13 : memref<64x128xf32, #tpu.memory_space<vmem>>)
      %dma_start3A_476 = arith.constant 14 : i32
      %dma_start3A_477 = arith.constant 0 : i32
      %dma_start3A_478 = tpu.memref_slice %arg8[%and3A_52, %dma_start3A_476, %dma_start3A_477] : memref<2x16x64xi32, #tpu.memory_space<vmem>> -> memref<1x1x64xi32, #tpu.memory_space<vmem>>
      %dma_start3A_479 = tpu.memref_squeeze %dma_start3A_478 : memref<1x1x64xi32, #tpu.memory_space<vmem>> -> memref<64xi32, #tpu.memory_space<vmem>>
      %dma_start3A_480 = arith.constant 0 : i32
      %dma_start3A_481 = arith.constant 0 : i32
      %dma_start3A_482 = tpu.memref_slice %arg14[%dma_start3A_480, %dma_start3A_481] : memref<10240x128xf32, #tpu.memory_space<vmem_shared>> -> memref<10240x128xf32, #tpu.memory_space<vmem_shared>>
      tpu.enqueue_indirect_dma source(%arg13 : memref<64x128xf32, #tpu.memory_space<vmem>>) target(%dma_start3A_482 : memref<10240x128xf32, #tpu.memory_space<vmem_shared>>) offsets(%dma_start3A_479 : memref<64xi32, #tpu.memory_space<vmem>>) semaphore(%arg24 : memref<!tpu.dma_semaphore, #tpu.memory_space<semaphore_mem>>) {add = true}
      %dma_wait3A_483 = arith.constant 15 : i32
      %dma_wait3A_484 = arith.constant 0 : i32
      %dma_wait3A_485 = tpu.memref_slice %arg7[%and3A_52, %dma_wait3A_483, %dma_wait3A_484] : memref<2x16x64xi32, #tpu.memory_space<vmem>> -> memref<1x1x64xi32, #tpu.memory_space<vmem>>
      %dma_wait3A_486 = tpu.memref_squeeze %dma_wait3A_485 : memref<1x1x64xi32, #tpu.memory_space<vmem>> -> memref<64xi32, #tpu.memory_space<vmem>>
      %dma_wait3A_487 = arith.constant 0 : i32
      %dma_wait3A_488 = arith.constant 0 : i32
      %dma_wait3A_489 = tpu.memref_slice %arg2[%dma_wait3A_487, %dma_wait3A_488] : memref<10240x128xf32, #tpu.memory_space<hbm>> -> memref<10240x128xf32, #tpu.memory_space<hbm>>
      tpu.wait_indirect_dma semaphore(%arg15 : memref<!tpu.dma_semaphore, #tpu.memory_space<semaphore_mem>>) src(%dma_wait3A_489 : memref<10240x128xf32, #tpu.memory_space<hbm>>) dst(%arg9 : memref<64x128xf32, #tpu.memory_space<vmem>>)
      %dma_start3A_490 = arith.constant 15 : i32
      %dma_start3A_491 = arith.constant 0 : i32
      %dma_start3A_492 = tpu.memref_slice %arg8[%and3A_52, %dma_start3A_490, %dma_start3A_491] : memref<2x16x64xi32, #tpu.memory_space<vmem>> -> memref<1x1x64xi32, #tpu.memory_space<vmem>>
      %dma_start3A_493 = tpu.memref_squeeze %dma_start3A_492 : memref<1x1x64xi32, #tpu.memory_space<vmem>> -> memref<64xi32, #tpu.memory_space<vmem>>
      %dma_start3A_494 = arith.constant 0 : i32
      %dma_start3A_495 = arith.constant 0 : i32
      %dma_start3A_496 = tpu.memref_slice %arg14[%dma_start3A_494, %dma_start3A_495] : memref<10240x128xf32, #tpu.memory_space<vmem_shared>> -> memref<10240x128xf32, #tpu.memory_space<vmem_shared>>
      tpu.enqueue_indirect_dma source(%arg9 : memref<64x128xf32, #tpu.memory_space<vmem>>) target(%dma_start3A_496 : memref<10240x128xf32, #tpu.memory_space<vmem_shared>>) offsets(%dma_start3A_493 : memref<64xi32, #tpu.memory_space<vmem>>) semaphore(%arg20 : memref<!tpu.dma_semaphore, #tpu.memory_space<semaphore_mem>>) {add = true}
      %add3A_497 = arith.constant 1 : i32
      %add3A_498 = arith.addi %scan3A_51, %add3A_497 : i32
      %lt3A = arith.constant 20 : i32
      %lt3A_499 = arith.cmpi slt, %add3A_498, %lt3A : i32
      %convert_element_type3A = arith.extui %lt3A_499 : i1 to i32
      %cond3A = arith.constant 0 : i32
      %cond3A_500 = arith.cmpi ne, %convert_element_type3A, %cond3A : i32
      scf.if %cond3A_500 {
        %add3A_536 = arith.constant 1 : i32
        %add3A_537 = arith.addi %scan3A_51, %add3A_536 : i32
        %sub3A = arith.constant 1 : i32
        %sub3A_538 = arith.subi %sub3A, %and3A_52 : i32
        %dma_start3A_539 = arith.constant 0 : i32
        %dma_start3A_540 = arith.constant 0 : i32
        %dma_start3A_541 = tpu.memref_slice %arg7[%sub3A_538, %dma_start3A_539, %dma_start3A_540] : memref<2x16x64xi32, #tpu.memory_space<vmem>> -> memref<1x16x64xi32, #tpu.memory_space<vmem>>
        %dma_start3A_542 = tpu.memref_squeeze %dma_start3A_541 : memref<1x16x64xi32, #tpu.memory_space<vmem>> -> memref<16x64xi32, #tpu.memory_space<vmem>>
        %dma_start3A_543 = arith.constant 0 : i32
        %dma_start3A_544 = arith.constant 0 : i32
        %dma_start3A_545 = tpu.memref_slice %arg3[%arg1, %add3A_537, %dma_start3A_543, %dma_start3A_544] : memref<16x20x16x64xi32, #tpu.memory_space<hbm>> -> memref<1x1x16x64xi32, #tpu.memory_space<hbm>>
        %dma_start3A_546 = tpu.memref_squeeze %dma_start3A_545 : memref<1x1x16x64xi32, #tpu.memory_space<hbm>> -> memref<16x64xi32, #tpu.memory_space<hbm>>
        %dma_start3A_547 = arith.constant 0 : i32
        %dma_start3A_548 = arith.constant 0 : i32
        %dma_start3A_549 = tpu.memref_slice %arg7[%sub3A_538, %dma_start3A_547, %dma_start3A_548] : memref<2x16x64xi32, #tpu.memory_space<vmem>> -> memref<1x16x64xi32, #tpu.memory_space<vmem>>
        %dma_start3A_550 = tpu.memref_squeeze %dma_start3A_549 : memref<1x16x64xi32, #tpu.memory_space<vmem>> -> memref<16x64xi32, #tpu.memory_space<vmem>>
        %dma_start3A_551 = arith.constant 0 : i32
        %dma_start3A_552 = arith.constant 0 : i32
        %dma_start3A_553 = tpu.memref_slice %arg3[%arg1, %add3A_537, %dma_start3A_551, %dma_start3A_552] : memref<16x20x16x64xi32, #tpu.memory_space<hbm>> -> memref<1x1x16x64xi32, #tpu.memory_space<hbm>>
        %dma_start3A_554 = tpu.memref_squeeze %dma_start3A_553 : memref<1x1x16x64xi32, #tpu.memory_space<hbm>> -> memref<16x64xi32, #tpu.memory_space<hbm>>
        tpu.enqueue_dma source(%dma_start3A_554 : memref<16x64xi32, #tpu.memory_space<hbm>>) target(%dma_start3A_550 : memref<16x64xi32, #tpu.memory_space<vmem>>) target_semaphore(%arg25 : memref<!tpu.dma_semaphore, #tpu.memory_space<semaphore_mem>>)
        %add3A_555 = arith.constant 1 : i32
        %add3A_556 = arith.addi %scan3A_51, %add3A_555 : i32
        %sub3A_557 = arith.constant 1 : i32
        %sub3A_558 = arith.subi %sub3A_557, %and3A_52 : i32
        %dma_start3A_559 = arith.constant 0 : i32
        %dma_start3A_560 = arith.constant 0 : i32
        %dma_start3A_561 = tpu.memref_slice %arg8[%sub3A_558, %dma_start3A_559, %dma_start3A_560] : memref<2x16x64xi32, #tpu.memory_space<vmem>> -> memref<1x16x64xi32, #tpu.memory_space<vmem>>
        %dma_start3A_562 = tpu.memref_squeeze %dma_start3A_561 : memref<1x16x64xi32, #tpu.memory_space<vmem>> -> memref<16x64xi32, #tpu.memory_space<vmem>>
        %dma_start3A_563 = arith.constant 0 : i32
        %dma_start3A_564 = arith.constant 0 : i32
        %dma_start3A_565 = tpu.memref_slice %arg4[%arg1, %add3A_556, %dma_start3A_563, %dma_start3A_564] : memref<16x20x16x64xi32, #tpu.memory_space<hbm>> -> memref<1x1x16x64xi32, #tpu.memory_space<hbm>>
        %dma_start3A_566 = tpu.memref_squeeze %dma_start3A_565 : memref<1x1x16x64xi32, #tpu.memory_space<hbm>> -> memref<16x64xi32, #tpu.memory_space<hbm>>
        %dma_start3A_567 = arith.constant 0 : i32
        %dma_start3A_568 = arith.constant 0 : i32
        %dma_start3A_569 = tpu.memref_slice %arg8[%sub3A_558, %dma_start3A_567, %dma_start3A_568] : memref<2x16x64xi32, #tpu.memory_space<vmem>> -> memref<1x16x64xi32, #tpu.memory_space<vmem>>
        %dma_start3A_570 = tpu.memref_squeeze %dma_start3A_569 : memref<1x16x64xi32, #tpu.memory_space<vmem>> -> memref<16x64xi32, #tpu.memory_space<vmem>>
        %dma_start3A_571 = arith.constant 0 : i32
        %dma_start3A_572 = arith.constant 0 : i32
        %dma_start3A_573 = tpu.memref_slice %arg4[%arg1, %add3A_556, %dma_start3A_571, %dma_start3A_572] : memref<16x20x16x64xi32, #tpu.memory_space<hbm>> -> memref<1x1x16x64xi32, #tpu.memory_space<hbm>>
        %dma_start3A_574 = tpu.memref_squeeze %dma_start3A_573 : memref<1x1x16x64xi32, #tpu.memory_space<hbm>> -> memref<16x64xi32, #tpu.memory_space<hbm>>
        tpu.enqueue_dma source(%dma_start3A_574 : memref<16x64xi32, #tpu.memory_space<hbm>>) target(%dma_start3A_570 : memref<16x64xi32, #tpu.memory_space<vmem>>) target_semaphore(%arg26 : memref<!tpu.dma_semaphore, #tpu.memory_space<semaphore_mem>>)
      } else {
      }
      %dma_wait3A_501 = arith.constant 11 : i32
      %dma_wait3A_502 = arith.constant 0 : i32
      %dma_wait3A_503 = tpu.memref_slice %arg8[%and3A_52, %dma_wait3A_501, %dma_wait3A_502] : memref<2x16x64xi32, #tpu.memory_space<vmem>> -> memref<1x1x64xi32, #tpu.memory_space<vmem>>
      %dma_wait3A_504 = tpu.memref_squeeze %dma_wait3A_503 : memref<1x1x64xi32, #tpu.memory_space<vmem>> -> memref<64xi32, #tpu.memory_space<vmem>>
      %dma_wait3A_505 = arith.constant 0 : i32
      %dma_wait3A_506 = arith.constant 0 : i32
      %dma_wait3A_507 = tpu.memref_slice %arg14[%dma_wait3A_505, %dma_wait3A_506] : memref<10240x128xf32, #tpu.memory_space<vmem_shared>> -> memref<10240x128xf32, #tpu.memory_space<vmem_shared>>
      tpu.wait_indirect_dma semaphore(%arg21 : memref<!tpu.dma_semaphore, #tpu.memory_space<semaphore_mem>>) src(%arg10 : memref<64x128xf32, #tpu.memory_space<vmem>>) dst(%dma_wait3A_507 : memref<10240x128xf32, #tpu.memory_space<vmem_shared>>)
      %dma_wait3A_508 = arith.constant 12 : i32
      %dma_wait3A_509 = arith.constant 0 : i32
      %dma_wait3A_510 = tpu.memref_slice %arg8[%and3A_52, %dma_wait3A_508, %dma_wait3A_509] : memref<2x16x64xi32, #tpu.memory_space<vmem>> -> memref<1x1x64xi32, #tpu.memory_space<vmem>>
      %dma_wait3A_511 = tpu.memref_squeeze %dma_wait3A_510 : memref<1x1x64xi32, #tpu.memory_space<vmem>> -> memref<64xi32, #tpu.memory_space<vmem>>
      %dma_wait3A_512 = arith.constant 0 : i32
      %dma_wait3A_513 = arith.constant 0 : i32
      %dma_wait3A_514 = tpu.memref_slice %arg14[%dma_wait3A_512, %dma_wait3A_513] : memref<10240x128xf32, #tpu.memory_space<vmem_shared>> -> memref<10240x128xf32, #tpu.memory_space<vmem_shared>>
      tpu.wait_indirect_dma semaphore(%arg22 : memref<!tpu.dma_semaphore, #tpu.memory_space<semaphore_mem>>) src(%arg11 : memref<64x128xf32, #tpu.memory_space<vmem>>) dst(%dma_wait3A_514 : memref<10240x128xf32, #tpu.memory_space<vmem_shared>>)
      %dma_wait3A_515 = arith.constant 13 : i32
      %dma_wait3A_516 = arith.constant 0 : i32
      %dma_wait3A_517 = tpu.memref_slice %arg8[%and3A_52, %dma_wait3A_515, %dma_wait3A_516] : memref<2x16x64xi32, #tpu.memory_space<vmem>> -> memref<1x1x64xi32, #tpu.memory_space<vmem>>
      %dma_wait3A_518 = tpu.memref_squeeze %dma_wait3A_517 : memref<1x1x64xi32, #tpu.memory_space<vmem>> -> memref<64xi32, #tpu.memory_space<vmem>>
      %dma_wait3A_519 = arith.constant 0 : i32
      %dma_wait3A_520 = arith.constant 0 : i32
      %dma_wait3A_521 = tpu.memref_slice %arg14[%dma_wait3A_519, %dma_wait3A_520] : memref<10240x128xf32, #tpu.memory_space<vmem_shared>> -> memref<10240x128xf32, #tpu.memory_space<vmem_shared>>
      tpu.wait_indirect_dma semaphore(%arg23 : memref<!tpu.dma_semaphore, #tpu.memory_space<semaphore_mem>>) src(%arg12 : memref<64x128xf32, #tpu.memory_space<vmem>>) dst(%dma_wait3A_521 : memref<10240x128xf32, #tpu.memory_space<vmem_shared>>)
      %dma_wait3A_522 = arith.constant 14 : i32
      %dma_wait3A_523 = arith.constant 0 : i32
      %dma_wait3A_524 = tpu.memref_slice %arg8[%and3A_52, %dma_wait3A_522, %dma_wait3A_523] : memref<2x16x64xi32, #tpu.memory_space<vmem>> -> memref<1x1x64xi32, #tpu.memory_space<vmem>>
      %dma_wait3A_525 = tpu.memref_squeeze %dma_wait3A_524 : memref<1x1x64xi32, #tpu.memory_space<vmem>> -> memref<64xi32, #tpu.memory_space<vmem>>
      %dma_wait3A_526 = arith.constant 0 : i32
      %dma_wait3A_527 = arith.constant 0 : i32
      %dma_wait3A_528 = tpu.memref_slice %arg14[%dma_wait3A_526, %dma_wait3A_527] : memref<10240x128xf32, #tpu.memory_space<vmem_shared>> -> memref<10240x128xf32, #tpu.memory_space<vmem_shared>>
      tpu.wait_indirect_dma semaphore(%arg24 : memref<!tpu.dma_semaphore, #tpu.memory_space<semaphore_mem>>) src(%arg13 : memref<64x128xf32, #tpu.memory_space<vmem>>) dst(%dma_wait3A_528 : memref<10240x128xf32, #tpu.memory_space<vmem_shared>>)
      %dma_wait3A_529 = arith.constant 15 : i32
      %dma_wait3A_530 = arith.constant 0 : i32
      %dma_wait3A_531 = tpu.memref_slice %arg8[%and3A_52, %dma_wait3A_529, %dma_wait3A_530] : memref<2x16x64xi32, #tpu.memory_space<vmem>> -> memref<1x1x64xi32, #tpu.memory_space<vmem>>
      %dma_wait3A_532 = tpu.memref_squeeze %dma_wait3A_531 : memref<1x1x64xi32, #tpu.memory_space<vmem>> -> memref<64xi32, #tpu.memory_space<vmem>>
      %dma_wait3A_533 = arith.constant 0 : i32
      %dma_wait3A_534 = arith.constant 0 : i32
      %dma_wait3A_535 = tpu.memref_slice %arg14[%dma_wait3A_533, %dma_wait3A_534] : memref<10240x128xf32, #tpu.memory_space<vmem_shared>> -> memref<10240x128xf32, #tpu.memory_space<vmem_shared>>
      tpu.wait_indirect_dma semaphore(%arg20 : memref<!tpu.dma_semaphore, #tpu.memory_space<semaphore_mem>>) src(%arg9 : memref<64x128xf32, #tpu.memory_space<vmem>>) dst(%dma_wait3A_535 : memref<10240x128xf32, #tpu.memory_space<vmem_shared>>)
    }
    %scan3A_49 = arith.constant 20 : i32
    %barrier3A_50 = arith.constant 0 : index
    tpu.barrier barrier_id(%barrier3A_50)
    "tpu.region"() ({
      %run_scoped3A = tpu.sem_alloc : memref<!tpu.dma_semaphore, #tpu.memory_space<semaphore_mem>>
      %dma_start3A_51 = arith.constant 0 : i32
      %dma_start3A_52 = tpu.memref_slice %arg6[%mul3A_0, %dma_start3A_51] : memref<10240x128xf32, #tpu.memory_space<hbm>> -> memref<640x128xf32, #tpu.memory_space<hbm>>
      %dma_start3A_53 = arith.constant 0 : i32
      %dma_start3A_54 = tpu.memref_slice %arg14[%mul3A_0, %dma_start3A_53] : memref<10240x128xf32, #tpu.memory_space<vmem_shared>> -> memref<640x128xf32, #tpu.memory_space<vmem_shared>>
      tpu.enqueue_dma source(%dma_start3A_54 : memref<640x128xf32, #tpu.memory_space<vmem_shared>>) target(%dma_start3A_52 : memref<640x128xf32, #tpu.memory_space<hbm>>) target_semaphore(%run_scoped3A : memref<!tpu.dma_semaphore, #tpu.memory_space<semaphore_mem>>)
      %dma_wait3A = arith.constant 0 : i32
      %dma_wait3A_55 = tpu.memref_slice %arg6[%mul3A_0, %dma_wait3A] : memref<10240x128xf32, #tpu.memory_space<hbm>> -> memref<640x128xf32, #tpu.memory_space<hbm>>
      %dma_wait3A_56 = arith.constant 0 : i32
      %dma_wait3A_57 = tpu.memref_slice %arg14[%mul3A_0, %dma_wait3A_56] : memref<10240x128xf32, #tpu.memory_space<vmem_shared>> -> memref<640x128xf32, #tpu.memory_space<vmem_shared>>
      tpu.wait_dma2 semaphore(%run_scoped3A : memref<!tpu.dma_semaphore, #tpu.memory_space<semaphore_mem>>) src(%dma_wait3A_57 : memref<640x128xf32, #tpu.memory_space<vmem_shared>>) dst(%dma_wait3A_55 : memref<640x128xf32, #tpu.memory_space<hbm>>)
      tpu.yield
    }) : () -> ()
    return
  }
}

#map = affine_map<(d0, d1) -> (0, 0, 0)>
#map1 = affine_map<(d0, d1) -> (0)>
#map2 = affine_map<(d0, d1) -> (0, 0)>
module attributes {stable_mosaic.version = 14 : i64} {
  func.func @_deg_body(%arg0: i32, %arg1: i32, %arg2: memref<16x160x128xi32, #tpu.memory_space<hbm>>, %arg3: memref<10240xf32, #tpu.memory_space<hbm>>, %arg4: memref<16x10240xf32, #tpu.memory_space<hbm>>, %arg5: memref<160x128xi32, #tpu.memory_space<vmem>>, %arg6: memref<10240xf32, #tpu.memory_space<vmem>>) attributes {dimension_semantics = [#tpu.dimension_semantics<core_parallel>, #tpu.dimension_semantics<subcore_parallel>], iteration_bounds = array<i64: 1, 16>, scalar_prefetch = 0 : i64, scratch_operands = 2 : i64, tpu.core_type = #tpu.core_type<sc_vector_subcore>, window_params = [{transform_indices = #map}, {transform_indices = #map1}, {transform_indices = #map2}]} {
    "tpu.region"() ({
      %run_scoped3A = tpu.sem_alloc : memref<!tpu.dma_semaphore, #tpu.memory_space<semaphore_mem>>
      %dma_start3A = arith.constant 0 : i32
      %dma_start3A_6 = arith.constant 0 : i32
      %dma_start3A_7 = tpu.memref_slice %arg2[%arg1, %dma_start3A, %dma_start3A_6] : memref<16x160x128xi32, #tpu.memory_space<hbm>> -> memref<1x160x128xi32, #tpu.memory_space<hbm>>
      %dma_start3A_8 = tpu.memref_squeeze %dma_start3A_7 : memref<1x160x128xi32, #tpu.memory_space<hbm>> -> memref<160x128xi32, #tpu.memory_space<hbm>>
      %dma_start3A_9 = arith.constant 0 : i32
      %dma_start3A_10 = arith.constant 0 : i32
      %dma_start3A_11 = tpu.memref_slice %arg2[%arg1, %dma_start3A_9, %dma_start3A_10] : memref<16x160x128xi32, #tpu.memory_space<hbm>> -> memref<1x160x128xi32, #tpu.memory_space<hbm>>
      %dma_start3A_12 = tpu.memref_squeeze %dma_start3A_11 : memref<1x160x128xi32, #tpu.memory_space<hbm>> -> memref<160x128xi32, #tpu.memory_space<hbm>>
      tpu.enqueue_dma source(%dma_start3A_12 : memref<160x128xi32, #tpu.memory_space<hbm>>) target(%arg5 : memref<160x128xi32, #tpu.memory_space<vmem>>) target_semaphore(%run_scoped3A : memref<!tpu.dma_semaphore, #tpu.memory_space<semaphore_mem>>)
      %dma_wait3A = arith.constant 0 : i32
      %dma_wait3A_13 = arith.constant 0 : i32
      %dma_wait3A_14 = tpu.memref_slice %arg2[%arg1, %dma_wait3A, %dma_wait3A_13] : memref<16x160x128xi32, #tpu.memory_space<hbm>> -> memref<1x160x128xi32, #tpu.memory_space<hbm>>
      %dma_wait3A_15 = tpu.memref_squeeze %dma_wait3A_14 : memref<1x160x128xi32, #tpu.memory_space<hbm>> -> memref<160x128xi32, #tpu.memory_space<hbm>>
      %dma_wait3A_16 = arith.constant 0 : i32
      %dma_wait3A_17 = arith.constant 0 : i32
      %dma_wait3A_18 = tpu.memref_slice %arg2[%arg1, %dma_wait3A_16, %dma_wait3A_17] : memref<16x160x128xi32, #tpu.memory_space<hbm>> -> memref<1x160x128xi32, #tpu.memory_space<hbm>>
      %dma_wait3A_19 = tpu.memref_squeeze %dma_wait3A_18 : memref<1x160x128xi32, #tpu.memory_space<hbm>> -> memref<160x128xi32, #tpu.memory_space<hbm>>
      tpu.wait_dma2 semaphore(%run_scoped3A : memref<!tpu.dma_semaphore, #tpu.memory_space<semaphore_mem>>) src(%dma_wait3A_19 : memref<160x128xi32, #tpu.memory_space<hbm>>) dst(%arg5 : memref<160x128xi32, #tpu.memory_space<vmem>>)
      tpu.yield
    }) : () -> ()
    "tpu.region"() ({
      %run_scoped3A = tpu.sem_alloc : memref<!tpu.dma_semaphore, #tpu.memory_space<semaphore_mem>>
      tpu.enqueue_dma source(%arg3 : memref<10240xf32, #tpu.memory_space<hbm>>) target(%arg6 : memref<10240xf32, #tpu.memory_space<vmem>>) target_semaphore(%run_scoped3A : memref<!tpu.dma_semaphore, #tpu.memory_space<semaphore_mem>>)
      tpu.wait_dma2 semaphore(%run_scoped3A : memref<!tpu.dma_semaphore, #tpu.memory_space<semaphore_mem>>) src(%arg3 : memref<10240xf32, #tpu.memory_space<hbm>>) dst(%arg6 : memref<10240xf32, #tpu.memory_space<vmem>>)
      tpu.yield
    }) : () -> ()
    %broadcast_in_dim3A = arith.constant 1.000000e+00 : f32
    %broadcast_in_dim3A_0 = vector.broadcast %broadcast_in_dim3A : f32 to vector<16xf32>
    %scan3A = arith.constant 0 : i32
    %scan3A_1 = arith.constant 0 : i32
    %scan3A_2 = arith.constant 160 : i32
    %scan3A_3 = arith.addi %scan3A_1, %scan3A_2 : i32
    %scan3A_4 = arith.constant 1 : i32
    scf.for %scan3A_6 = %scan3A_1 to %scan3A_3 step %scan3A_4  : i32 {
      %get3A = arith.index_cast %scan3A_6 : i32 to index
      %get3A_7 = arith.constant 0 : index
      %get3A_8 = tpu.vector_load %arg5[%get3A, %get3A_7] {strides = array<i32>} : memref<160x128xi32, #tpu.memory_space<vmem>>, vector<16xi32>,
      tpu.vector_store_idx %arg6[%get3A_8], %broadcast_in_dim3A_0 {add = true} : memref<10240xf32, #tpu.memory_space<vmem>>[vector<16xi32>], vector<16xf32>,
      %get3A_9 = arith.index_cast %scan3A_6 : i32 to index
      %get3A_10 = arith.constant 16 : index
      %get3A_11 = tpu.vector_load %arg5[%get3A_9, %get3A_10] {strides = array<i32>} : memref<160x128xi32, #tpu.memory_space<vmem>>, vector<16xi32>,
      tpu.vector_store_idx %arg6[%get3A_11], %broadcast_in_dim3A_0 {add = true} : memref<10240xf32, #tpu.memory_space<vmem>>[vector<16xi32>], vector<16xf32>,
      %get3A_12 = arith.index_cast %scan3A_6 : i32 to index
      %get3A_13 = arith.constant 32 : index
      %get3A_14 = tpu.vector_load %arg5[%get3A_12, %get3A_13] {strides = array<i32>} : memref<160x128xi32, #tpu.memory_space<vmem>>, vector<16xi32>,
      tpu.vector_store_idx %arg6[%get3A_14], %broadcast_in_dim3A_0 {add = true} : memref<10240xf32, #tpu.memory_space<vmem>>[vector<16xi32>], vector<16xf32>,
      %get3A_15 = arith.index_cast %scan3A_6 : i32 to index
      %get3A_16 = arith.constant 48 : index
      %get3A_17 = tpu.vector_load %arg5[%get3A_15, %get3A_16] {strides = array<i32>} : memref<160x128xi32, #tpu.memory_space<vmem>>, vector<16xi32>,
      tpu.vector_store_idx %arg6[%get3A_17], %broadcast_in_dim3A_0 {add = true} : memref<10240xf32, #tpu.memory_space<vmem>>[vector<16xi32>], vector<16xf32>,
      %get3A_18 = arith.index_cast %scan3A_6 : i32 to index
      %get3A_19 = arith.constant 64 : index
      %get3A_20 = tpu.vector_load %arg5[%get3A_18, %get3A_19] {strides = array<i32>} : memref<160x128xi32, #tpu.memory_space<vmem>>, vector<16xi32>,
      tpu.vector_store_idx %arg6[%get3A_20], %broadcast_in_dim3A_0 {add = true} : memref<10240xf32, #tpu.memory_space<vmem>>[vector<16xi32>], vector<16xf32>,
      %get3A_21 = arith.index_cast %scan3A_6 : i32 to index
      %get3A_22 = arith.constant 80 : index
      %get3A_23 = tpu.vector_load %arg5[%get3A_21, %get3A_22] {strides = array<i32>} : memref<160x128xi32, #tpu.memory_space<vmem>>, vector<16xi32>,
      tpu.vector_store_idx %arg6[%get3A_23], %broadcast_in_dim3A_0 {add = true} : memref<10240xf32, #tpu.memory_space<vmem>>[vector<16xi32>], vector<16xf32>,
      %get3A_24 = arith.index_cast %scan3A_6 : i32 to index
      %get3A_25 = arith.constant 96 : index
      %get3A_26 = tpu.vector_load %arg5[%get3A_24, %get3A_25] {strides = array<i32>} : memref<160x128xi32, #tpu.memory_space<vmem>>, vector<16xi32>,
      tpu.vector_store_idx %arg6[%get3A_26], %broadcast_in_dim3A_0 {add = true} : memref<10240xf32, #tpu.memory_space<vmem>>[vector<16xi32>], vector<16xf32>,
      %get3A_27 = arith.index_cast %scan3A_6 : i32 to index
      %get3A_28 = arith.constant 112 : index
      %get3A_29 = tpu.vector_load %arg5[%get3A_27, %get3A_28] {strides = array<i32>} : memref<160x128xi32, #tpu.memory_space<vmem>>, vector<16xi32>,
      tpu.vector_store_idx %arg6[%get3A_29], %broadcast_in_dim3A_0 {add = true} : memref<10240xf32, #tpu.memory_space<vmem>>[vector<16xi32>], vector<16xf32>,
    }
    %scan3A_5 = arith.constant 160 : i32
    "tpu.region"() ({
      %run_scoped3A = tpu.sem_alloc : memref<!tpu.dma_semaphore, #tpu.memory_space<semaphore_mem>>
      %dma_start3A = arith.constant 0 : i32
      %dma_start3A_6 = tpu.memref_slice %arg4[%arg1, %dma_start3A] : memref<16x10240xf32, #tpu.memory_space<hbm>> -> memref<1x10240xf32, #tpu.memory_space<hbm>>
      %dma_start3A_7 = tpu.memref_squeeze %dma_start3A_6 : memref<1x10240xf32, #tpu.memory_space<hbm>> -> memref<10240xf32, #tpu.memory_space<hbm>>
      %dma_start3A_8 = arith.constant 0 : i32
      %dma_start3A_9 = tpu.memref_slice %arg4[%arg1, %dma_start3A_8] : memref<16x10240xf32, #tpu.memory_space<hbm>> -> memref<1x10240xf32, #tpu.memory_space<hbm>>
      %dma_start3A_10 = tpu.memref_squeeze %dma_start3A_9 : memref<1x10240xf32, #tpu.memory_space<hbm>> -> memref<10240xf32, #tpu.memory_space<hbm>>
      tpu.enqueue_dma source(%arg6 : memref<10240xf32, #tpu.memory_space<vmem>>) target(%dma_start3A_10 : memref<10240xf32, #tpu.memory_space<hbm>>) target_semaphore(%run_scoped3A : memref<!tpu.dma_semaphore, #tpu.memory_space<semaphore_mem>>)
      %dma_wait3A = arith.constant 0 : i32
      %dma_wait3A_11 = tpu.memref_slice %arg4[%arg1, %dma_wait3A] : memref<16x10240xf32, #tpu.memory_space<hbm>> -> memref<1x10240xf32, #tpu.memory_space<hbm>>
      %dma_wait3A_12 = tpu.memref_squeeze %dma_wait3A_11 : memref<1x10240xf32, #tpu.memory_space<hbm>> -> memref<10240xf32, #tpu.memory_space<hbm>>
      %dma_wait3A_13 = arith.constant 0 : i32
      %dma_wait3A_14 = tpu.memref_slice %arg4[%arg1, %dma_wait3A_13] : memref<16x10240xf32, #tpu.memory_space<hbm>> -> memref<1x10240xf32, #tpu.memory_space<hbm>>
      %dma_wait3A_15 = tpu.memref_squeeze %dma_wait3A_14 : memref<1x10240xf32, #tpu.memory_space<hbm>> -> memref<10240xf32, #tpu.memory_space<hbm>>
      tpu.wait_dma2 semaphore(%run_scoped3A : memref<!tpu.dma_semaphore, #tpu.memory_space<semaphore_mem>>) src(%arg6 : memref<10240xf32, #tpu.memory_space<vmem>>) dst(%dma_wait3A_15 : memref<10240xf32, #tpu.memory_space<hbm>>)
      tpu.yield
    }) : () -> ()
    return
  }
}

#map = affine_map<(d0, d1) -> (0, 0)>
#map1 = affine_map<(d0, d1) -> (0, 0, 0, 0)>
module attributes {stable_mosaic.version = 14 : i64} {
  func.func @body(%arg0: i32, %arg1: i32, %arg2: memref<10240x128xf32, #tpu.memory_space<hbm>>, %arg3: memref<16x20x16x64xi32, #tpu.memory_space<hbm>>, %arg4: memref<16x20x16x64xi32, #tpu.memory_space<hbm>>, %arg5: memref<128x128xf32, #tpu.memory_space<hbm>>, %arg6: memref<10240x128xf32, #tpu.memory_space<hbm>>, %arg7: memref<2x16x64xi32, #tpu.memory_space<vmem>>, %arg8: memref<2x16x64xi32, #tpu.memory_space<vmem>>, %arg9: memref<64x128xf32, #tpu.memory_space<vmem>>, %arg10: memref<64x128xf32, #tpu.memory_space<vmem>>, %arg11: memref<64x128xf32, #tpu.memory_space<vmem>>, %arg12: memref<64x128xf32, #tpu.memory_space<vmem>>, %arg13: memref<64x128xf32, #tpu.memory_space<vmem>>, %arg14: memref<10240x128xf32, #tpu.memory_space<vmem_shared>>, %arg15: memref<!tpu.dma_semaphore, #tpu.memory_space<semaphore_mem>>, %arg16: memref<!tpu.dma_semaphore, #tpu.memory_space<semaphore_mem>>, %arg17: memref<!tpu.dma_semaphore, #tpu.memory_space<semaphore_mem>>, %arg18: memref<!tpu.dma_semaphore, #tpu.memory_space<semaphore_mem>>, %arg19: memref<!tpu.dma_semaphore, #tpu.memory_space<semaphore_mem>>, %arg20: memref<!tpu.dma_semaphore, #tpu.memory_space<semaphore_mem>>, %arg21: memref<!tpu.dma_semaphore, #tpu.memory_space<semaphore_mem>>, %arg22: memref<!tpu.dma_semaphore, #tpu.memory_space<semaphore_mem>>, %arg23: memref<!tpu.dma_semaphore, #tpu.memory_space<semaphore_mem>>, %arg24: memref<!tpu.dma_semaphore, #tpu.memory_space<semaphore_mem>>, %arg25: memref<!tpu.dma_semaphore, #tpu.memory_space<semaphore_mem>>, %arg26: memref<!tpu.dma_semaphore, #tpu.memory_space<semaphore_mem>>) attributes {dimension_semantics = [#tpu.dimension_semantics<core_parallel>, #tpu.dimension_semantics<subcore_parallel>], iteration_bounds = array<i64: 1, 16>, scalar_prefetch = 0 : i64, scratch_operands = 20 : i64, tpu.core_type = #tpu.core_type<sc_vector_subcore>, window_params = [{transform_indices = #map}, {transform_indices = #map1}, {transform_indices = #map1}, {transform_indices = #map}, {transform_indices = #map}]} {
    %mul3A = arith.constant 640 : i32
    %mul3A_0 = arith.muli %arg1, %mul3A : i32
    %add3A = arith.constant 0 : i32
    %add3A_1 = arith.addi %mul3A_0, %add3A : i32
    "tpu.region"() ({
      %run_scoped3A = tpu.sem_alloc : memref<!tpu.dma_semaphore, #tpu.memory_space<semaphore_mem>>
      %dma_start3A_51 = arith.constant 0 : i32
      %dma_start3A_52 = tpu.memref_slice %arg14[%add3A_1, %dma_start3A_51] : memref<10240x128xf32, #tpu.memory_space<vmem_shared>> -> memref<128x128xf32, #tpu.memory_space<vmem_shared>>
      tpu.enqueue_dma source(%arg5 : memref<128x128xf32, #tpu.memory_space<hbm>>) target(%dma_start3A_52 : memref<128x128xf32, #tpu.memory_space<vmem_shared>>) target_semaphore(%run_scoped3A : memref<!tpu.dma_semaphore, #tpu.memory_space<semaphore_mem>>)
      %dma_wait3A = arith.constant 0 : i32
      %dma_wait3A_53 = tpu.memref_slice %arg14[%add3A_1, %dma_wait3A] : memref<10240x128xf32, #tpu.memory_space<vmem_shared>> -> memref<128x128xf32, #tpu.memory_space<vmem_shared>>
      tpu.wait_dma2 semaphore(%run_scoped3A : memref<!tpu.dma_semaphore, #tpu.memory_space<semaphore_mem>>) src(%arg5 : memref<128x128xf32, #tpu.memory_space<hbm>>) dst(%dma_wait3A_53 : memref<128x128xf32, #tpu.memory_space<vmem_shared>>)
      tpu.yield
    }) : () -> ()
    %add3A_2 = arith.constant 128 : i32
    %add3A_3 = arith.addi %mul3A_0, %add3A_2 : i32
    "tpu.region"() ({
      %run_scoped3A = tpu.sem_alloc : memref<!tpu.dma_semaphore, #tpu.memory_space<semaphore_mem>>
      %dma_start3A_51 = arith.constant 0 : i32
      %dma_start3A_52 = tpu.memref_slice %arg14[%add3A_3, %dma_start3A_51] : memref<10240x128xf32, #tpu.memory_space<vmem_shared>> -> memref<128x128xf32, #tpu.memory_space<vmem_shared>>
      tpu.enqueue_dma source(%arg5 : memref<128x128xf32, #tpu.memory_space<hbm>>) target(%dma_start3A_52 : memref<128x128xf32, #tpu.memory_space<vmem_shared>>) target_semaphore(%run_scoped3A : memref<!tpu.dma_semaphore, #tpu.memory_space<semaphore_mem>>)
      %dma_wait3A = arith.constant 0 : i32
      %dma_wait3A_53 = tpu.memref_slice %arg14[%add3A_3, %dma_wait3A] : memref<10240x128xf32, #tpu.memory_space<vmem_shared>> -> memref<128x128xf32, #tpu.memory_space<vmem_shared>>
      tpu.wait_dma2 semaphore(%run_scoped3A : memref<!tpu.dma_semaphore, #tpu.memory_space<semaphore_mem>>) src(%arg5 : memref<128x128xf32, #tpu.memory_space<hbm>>) dst(%dma_wait3A_53 : memref<128x128xf32, #tpu.memory_space<vmem_shared>>)
      tpu.yield
    }) : () -> ()
    %add3A_4 = arith.constant 256 : i32
    %add3A_5 = arith.addi %mul3A_0, %add3A_4 : i32
    "tpu.region"() ({
      %run_scoped3A = tpu.sem_alloc : memref<!tpu.dma_semaphore, #tpu.memory_space<semaphore_mem>>
      %dma_start3A_51 = arith.constant 0 : i32
      %dma_start3A_52 = tpu.memref_slice %arg14[%add3A_5, %dma_start3A_51] : memref<10240x128xf32, #tpu.memory_space<vmem_shared>> -> memref<128x128xf32, #tpu.memory_space<vmem_shared>>
      tpu.enqueue_dma source(%arg5 : memref<128x128xf32, #tpu.memory_space<hbm>>) target(%dma_start3A_52 : memref<128x128xf32, #tpu.memory_space<vmem_shared>>) target_semaphore(%run_scoped3A : memref<!tpu.dma_semaphore, #tpu.memory_space<semaphore_mem>>)
      %dma_wait3A = arith.constant 0 : i32
      %dma_wait3A_53 = tpu.memref_slice %arg14[%add3A_5, %dma_wait3A] : memref<10240x128xf32, #tpu.memory_space<vmem_shared>> -> memref<128x128xf32, #tpu.memory_space<vmem_shared>>
      tpu.wait_dma2 semaphore(%run_scoped3A : memref<!tpu.dma_semaphore, #tpu.memory_space<semaphore_mem>>) src(%arg5 : memref<128x128xf32, #tpu.memory_space<hbm>>) dst(%dma_wait3A_53 : memref<128x128xf32, #tpu.memory_space<vmem_shared>>)
      tpu.yield
    }) : () -> ()
    %add3A_6 = arith.constant 384 : i32
    %add3A_7 = arith.addi %mul3A_0, %add3A_6 : i32
    "tpu.region"() ({
      %run_scoped3A = tpu.sem_alloc : memref<!tpu.dma_semaphore, #tpu.memory_space<semaphore_mem>>
      %dma_start3A_51 = arith.constant 0 : i32
      %dma_start3A_52 = tpu.memref_slice %arg14[%add3A_7, %dma_start3A_51] : memref<10240x128xf32, #tpu.memory_space<vmem_shared>> -> memref<128x128xf32, #tpu.memory_space<vmem_shared>>
      tpu.enqueue_dma source(%arg5 : memref<128x128xf32, #tpu.memory_space<hbm>>) target(%dma_start3A_52 : memref<128x128xf32, #tpu.memory_space<vmem_shared>>) target_semaphore(%run_scoped3A : memref<!tpu.dma_semaphore, #tpu.memory_space<semaphore_mem>>)
      %dma_wait3A = arith.constant 0 : i32
      %dma_wait3A_53 = tpu.memref_slice %arg14[%add3A_7, %dma_wait3A] : memref<10240x128xf32, #tpu.memory_space<vmem_shared>> -> memref<128x128xf32, #tpu.memory_space<vmem_shared>>
      tpu.wait_dma2 semaphore(%run_scoped3A : memref<!tpu.dma_semaphore, #tpu.memory_space<semaphore_mem>>) src(%arg5 : memref<128x128xf32, #tpu.memory_space<hbm>>) dst(%dma_wait3A_53 : memref<128x128xf32, #tpu.memory_space<vmem_shared>>)
      tpu.yield
    }) : () -> ()
    %add3A_8 = arith.constant 512 : i32
    %add3A_9 = arith.addi %mul3A_0, %add3A_8 : i32
    "tpu.region"() ({
      %run_scoped3A = tpu.sem_alloc : memref<!tpu.dma_semaphore, #tpu.memory_space<semaphore_mem>>
      %dma_start3A_51 = arith.constant 0 : i32
      %dma_start3A_52 = tpu.memref_slice %arg14[%add3A_9, %dma_start3A_51] : memref<10240x128xf32, #tpu.memory_space<vmem_shared>> -> memref<128x128xf32, #tpu.memory_space<vmem_shared>>
      tpu.enqueue_dma source(%arg5 : memref<128x128xf32, #tpu.memory_space<hbm>>) target(%dma_start3A_52 : memref<128x128xf32, #tpu.memory_space<vmem_shared>>) target_semaphore(%run_scoped3A : memref<!tpu.dma_semaphore, #tpu.memory_space<semaphore_mem>>)
      %dma_wait3A = arith.constant 0 : i32
      %dma_wait3A_53 = tpu.memref_slice %arg14[%add3A_9, %dma_wait3A] : memref<10240x128xf32, #tpu.memory_space<vmem_shared>> -> memref<128x128xf32, #tpu.memory_space<vmem_shared>>
      tpu.wait_dma2 semaphore(%run_scoped3A : memref<!tpu.dma_semaphore, #tpu.memory_space<semaphore_mem>>) src(%arg5 : memref<128x128xf32, #tpu.memory_space<hbm>>) dst(%dma_wait3A_53 : memref<128x128xf32, #tpu.memory_space<vmem_shared>>)
      tpu.yield
    }) : () -> ()
    %barrier3A = arith.constant 0 : index
    tpu.barrier barrier_id(%barrier3A)
    %dma_start3A = arith.constant 0 : i32
    %dma_start3A_10 = arith.constant 0 : i32
    %dma_start3A_11 = arith.constant 0 : i32
    %dma_start3A_12 = arith.constant 0 : i32
    %dma_start3A_13 = tpu.memref_slice %arg7[%dma_start3A_10, %dma_start3A_11, %dma_start3A_12] : memref<2x16x64xi32, #tpu.memory_space<vmem>> -> memref<1x16x64xi32, #tpu.memory_space<vmem>>
    %dma_start3A_14 = tpu.memref_squeeze %dma_start3A_13 : memref<1x16x64xi32, #tpu.memory_space<vmem>> -> memref<16x64xi32, #tpu.memory_space<vmem>>
    %dma_start3A_15 = arith.constant 0 : i32
    %dma_start3A_16 = arith.constant 0 : i32
    %dma_start3A_17 = tpu.memref_slice %arg3[%arg1, %dma_start3A, %dma_start3A_15, %dma_start3A_16] : memref<16x20x16x64xi32, #tpu.memory_space<hbm>> -> memref<1x1x16x64xi32, #tpu.memory_space<hbm>>
    %dma_start3A_18 = tpu.memref_squeeze %dma_start3A_17 : memref<1x1x16x64xi32, #tpu.memory_space<hbm>> -> memref<16x64xi32, #tpu.memory_space<hbm>>
    %dma_start3A_19 = arith.constant 0 : i32
    %dma_start3A_20 = arith.constant 0 : i32
    %dma_start3A_21 = tpu.memref_slice %arg7[%dma_start3A_10, %dma_start3A_19, %dma_start3A_20] : memref<2x16x64xi32, #tpu.memory_space<vmem>> -> memref<1x16x64xi32, #tpu.memory_space<vmem>>
    %dma_start3A_22 = tpu.memref_squeeze %dma_start3A_21 : memref<1x16x64xi32, #tpu.memory_space<vmem>> -> memref<16x64xi32, #tpu.memory_space<vmem>>
    %dma_start3A_23 = arith.constant 0 : i32
    %dma_start3A_24 = arith.constant 0 : i32
    %dma_start3A_25 = tpu.memref_slice %arg3[%arg1, %dma_start3A, %dma_start3A_23, %dma_start3A_24] : memref<16x20x16x64xi32, #tpu.memory_space<hbm>> -> memref<1x1x16x64xi32, #tpu.memory_space<hbm>>
    %dma_start3A_26 = tpu.memref_squeeze %dma_start3A_25 : memref<1x1x16x64xi32, #tpu.memory_space<hbm>> -> memref<16x64xi32, #tpu.memory_space<hbm>>
    tpu.enqueue_dma source(%dma_start3A_26 : memref<16x64xi32, #tpu.memory_space<hbm>>) target(%dma_start3A_22 : memref<16x64xi32, #tpu.memory_space<vmem>>) target_semaphore(%arg25 : memref<!tpu.dma_semaphore, #tpu.memory_space<semaphore_mem>>)
    %dma_start3A_27 = arith.constant 0 : i32
    %dma_start3A_28 = arith.constant 0 : i32
    %dma_start3A_29 = arith.constant 0 : i32
    %dma_start3A_30 = arith.constant 0 : i32
    %dma_start3A_31 = tpu.memref_slice %arg8[%dma_start3A_28, %dma_start3A_29, %dma_start3A_30] : memref<2x16x64xi32, #tpu.memory_space<vmem>> -> memref<1x16x64xi32, #tpu.memory_space<vmem>>
    %dma_start3A_32 = tpu.memref_squeeze %dma_start3A_31 : memref<1x16x64xi32, #tpu.memory_space<vmem>> -> memref<16x64xi32, #tpu.memory_space<vmem>>
    %dma_start3A_33 = arith.constant 0 : i32
    %dma_start3A_34 = arith.constant 0 : i32
    %dma_start3A_35 = tpu.memref_slice %arg4[%arg1, %dma_start3A_27, %dma_start3A_33, %dma_start3A_34] : memref<16x20x16x64xi32, #tpu.memory_space<hbm>> -> memref<1x1x16x64xi32, #tpu.memory_space<hbm>>
    %dma_start3A_36 = tpu.memref_squeeze %dma_start3A_35 : memref<1x1x16x64xi32, #tpu.memory_space<hbm>> -> memref<16x64xi32, #tpu.memory_space<hbm>>
    %dma_start3A_37 = arith.constant 0 : i32
    %dma_start3A_38 = arith.constant 0 : i32
    %dma_start3A_39 = tpu.memref_slice %arg8[%dma_start3A_28, %dma_start3A_37, %dma_start3A_38] : memref<2x16x64xi32, #tpu.memory_space<vmem>> -> memref<1x16x64xi32, #tpu.memory_space<vmem>>
    %dma_start3A_40 = tpu.memref_squeeze %dma_start3A_39 : memref<1x16x64xi32, #tpu.memory_space<vmem>> -> memref<16x64xi32, #tpu.memory_space<vmem>>
    %dma_start3A_41 = arith.constant 0 : i32
    %dma_start3A_42 = arith.constant 0 : i32
    %dma_start3A_43 = tpu.memref_slice %arg4[%arg1, %dma_start3A_27, %dma_start3A_41, %dma_start3A_42] : memref<16x20x16x64xi32, #tpu.memory_space<hbm>> -> memref<1x1x16x64xi32, #tpu.memory_space<hbm>>
    %dma_start3A_44 = tpu.memref_squeeze %dma_start3A_43 : memref<1x1x16x64xi32, #tpu.memory_space<hbm>> -> memref<16x64xi32, #tpu.memory_space<hbm>>
    tpu.enqueue_dma source(%dma_start3A_44 : memref<16x64xi32, #tpu.memory_space<hbm>>) target(%dma_start3A_40 : memref<16x64xi32, #tpu.memory_space<vmem>>) target_semaphore(%arg26 : memref<!tpu.dma_semaphore, #tpu.memory_space<semaphore_mem>>)
    %scan3A = arith.constant 0 : i32
    %scan3A_45 = arith.constant 0 : i32
    %scan3A_46 = arith.constant 20 : i32
    %scan3A_47 = arith.addi %scan3A_45, %scan3A_46 : i32
    %scan3A_48 = arith.constant 1 : i32
    scf.for %scan3A_51 = %scan3A_45 to %scan3A_47 step %scan3A_48  : i32 {
      %and3A = arith.constant 1 : i32
      %and3A_52 = arith.andi %scan3A_51, %and3A : i32
      %dma_wait3A = arith.constant 0 : i32
      %dma_wait3A_53 = arith.constant 0 : i32
      %dma_wait3A_54 = tpu.memref_slice %arg7[%and3A_52, %dma_wait3A, %dma_wait3A_53] : memref<2x16x64xi32, #tpu.memory_space<vmem>> -> memref<1x16x64xi32, #tpu.memory_space<vmem>>
      %dma_wait3A_55 = tpu.memref_squeeze %dma_wait3A_54 : memref<1x16x64xi32, #tpu.memory_space<vmem>> -> memref<16x64xi32, #tpu.memory_space<vmem>>
      %dma_wait3A_56 = arith.constant 0 : i32
      %dma_wait3A_57 = arith.constant 0 : i32
      %dma_wait3A_58 = tpu.memref_slice %arg3[%arg1, %scan3A_51, %dma_wait3A_56, %dma_wait3A_57] : memref<16x20x16x64xi32, #tpu.memory_space<hbm>> -> memref<1x1x16x64xi32, #tpu.memory_space<hbm>>
      %dma_wait3A_59 = tpu.memref_squeeze %dma_wait3A_58 : memref<1x1x16x64xi32, #tpu.memory_space<hbm>> -> memref<16x64xi32, #tpu.memory_space<hbm>>
      %dma_wait3A_60 = arith.constant 0 : i32
      %dma_wait3A_61 = arith.constant 0 : i32
      %dma_wait3A_62 = tpu.memref_slice %arg7[%and3A_52, %dma_wait3A_60, %dma_wait3A_61] : memref<2x16x64xi32, #tpu.memory_space<vmem>> -> memref<1x16x64xi32, #tpu.memory_space<vmem>>
      %dma_wait3A_63 = tpu.memref_squeeze %dma_wait3A_62 : memref<1x16x64xi32, #tpu.memory_space<vmem>> -> memref<16x64xi32, #tpu.memory_space<vmem>>
      %dma_wait3A_64 = arith.constant 0 : i32
      %dma_wait3A_65 = arith.constant 0 : i32
      %dma_wait3A_66 = tpu.memref_slice %arg3[%arg1, %scan3A_51, %dma_wait3A_64, %dma_wait3A_65] : memref<16x20x16x64xi32, #tpu.memory_space<hbm>> -> memref<1x1x16x64xi32, #tpu.memory_space<hbm>>
      %dma_wait3A_67 = tpu.memref_squeeze %dma_wait3A_66 : memref<1x1x16x64xi32, #tpu.memory_space<hbm>> -> memref<16x64xi32, #tpu.memory_space<hbm>>
      tpu.wait_dma2 semaphore(%arg25 : memref<!tpu.dma_semaphore, #tpu.memory_space<semaphore_mem>>) src(%dma_wait3A_67 : memref<16x64xi32, #tpu.memory_space<hbm>>) dst(%dma_wait3A_63 : memref<16x64xi32, #tpu.memory_space<vmem>>)
      %dma_wait3A_68 = arith.constant 0 : i32
      %dma_wait3A_69 = arith.constant 0 : i32
      %dma_wait3A_70 = tpu.memref_slice %arg8[%and3A_52, %dma_wait3A_68, %dma_wait3A_69] : memref<2x16x64xi32, #tpu.memory_space<vmem>> -> memref<1x16x64xi32, #tpu.memory_space<vmem>>
      %dma_wait3A_71 = tpu.memref_squeeze %dma_wait3A_70 : memref<1x16x64xi32, #tpu.memory_space<vmem>> -> memref<16x64xi32, #tpu.memory_space<vmem>>
      %dma_wait3A_72 = arith.constant 0 : i32
      %dma_wait3A_73 = arith.constant 0 : i32
      %dma_wait3A_74 = tpu.memref_slice %arg4[%arg1, %scan3A_51, %dma_wait3A_72, %dma_wait3A_73] : memref<16x20x16x64xi32, #tpu.memory_space<hbm>> -> memref<1x1x16x64xi32, #tpu.memory_space<hbm>>
      %dma_wait3A_75 = tpu.memref_squeeze %dma_wait3A_74 : memref<1x1x16x64xi32, #tpu.memory_space<hbm>> -> memref<16x64xi32, #tpu.memory_space<hbm>>
      %dma_wait3A_76 = arith.constant 0 : i32
      %dma_wait3A_77 = arith.constant 0 : i32
      %dma_wait3A_78 = tpu.memref_slice %arg8[%and3A_52, %dma_wait3A_76, %dma_wait3A_77] : memref<2x16x64xi32, #tpu.memory_space<vmem>> -> memref<1x16x64xi32, #tpu.memory_space<vmem>>
      %dma_wait3A_79 = tpu.memref_squeeze %dma_wait3A_78 : memref<1x16x64xi32, #tpu.memory_space<vmem>> -> memref<16x64xi32, #tpu.memory_space<vmem>>
      %dma_wait3A_80 = arith.constant 0 : i32
      %dma_wait3A_81 = arith.constant 0 : i32
      %dma_wait3A_82 = tpu.memref_slice %arg4[%arg1, %scan3A_51, %dma_wait3A_80, %dma_wait3A_81] : memref<16x20x16x64xi32, #tpu.memory_space<hbm>> -> memref<1x1x16x64xi32, #tpu.memory_space<hbm>>
      %dma_wait3A_83 = tpu.memref_squeeze %dma_wait3A_82 : memref<1x1x16x64xi32, #tpu.memory_space<hbm>> -> memref<16x64xi32, #tpu.memory_space<hbm>>
      tpu.wait_dma2 semaphore(%arg26 : memref<!tpu.dma_semaphore, #tpu.memory_space<semaphore_mem>>) src(%dma_wait3A_83 : memref<16x64xi32, #tpu.memory_space<hbm>>) dst(%dma_wait3A_79 : memref<16x64xi32, #tpu.memory_space<vmem>>)
      %dma_start3A_84 = arith.constant 0 : i32
      %dma_start3A_85 = arith.constant 0 : i32
      %dma_start3A_86 = tpu.memref_slice %arg7[%and3A_52, %dma_start3A_84, %dma_start3A_85] : memref<2x16x64xi32, #tpu.memory_space<vmem>> -> memref<1x1x64xi32, #tpu.memory_space<vmem>>
      %dma_start3A_87 = tpu.memref_squeeze %dma_start3A_86 : memref<1x1x64xi32, #tpu.memory_space<vmem>> -> memref<64xi32, #tpu.memory_space<vmem>>
      %dma_start3A_88 = arith.constant 0 : i32
      %dma_start3A_89 = arith.constant 0 : i32
      %dma_start3A_90 = tpu.memref_slice %arg2[%dma_start3A_88, %dma_start3A_89] : memref<10240x128xf32, #tpu.memory_space<hbm>> -> memref<10240x128xf32, #tpu.memory_space<hbm>>
      tpu.enqueue_indirect_dma source(%dma_start3A_90 : memref<10240x128xf32, #tpu.memory_space<hbm>>) target(%arg9 : memref<64x128xf32, #tpu.memory_space<vmem>>) offsets(%dma_start3A_87 : memref<64xi32, #tpu.memory_space<vmem>>) semaphore(%arg15 : memref<!tpu.dma_semaphore, #tpu.memory_space<semaphore_mem>>)
      %dma_start3A_91 = arith.constant 1 : i32
      %dma_start3A_92 = arith.constant 0 : i32
      %dma_start3A_93 = tpu.memref_slice %arg7[%and3A_52, %dma_start3A_91, %dma_start3A_92] : memref<2x16x64xi32, #tpu.memory_space<vmem>> -> memref<1x1x64xi32, #tpu.memory_space<vmem>>
      %dma_start3A_94 = tpu.memref_squeeze %dma_start3A_93 : memref<1x1x64xi32, #tpu.memory_space<vmem>> -> memref<64xi32, #tpu.memory_space<vmem>>
      %dma_start3A_95 = arith.constant 0 : i32
      %dma_start3A_96 = arith.constant 0 : i32
      %dma_start3A_97 = tpu.memref_slice %arg2[%dma_start3A_95, %dma_start3A_96] : memref<10240x128xf32, #tpu.memory_space<hbm>> -> memref<10240x128xf32, #tpu.memory_space<hbm>>
      tpu.enqueue_indirect_dma source(%dma_start3A_97 : memref<10240x128xf32, #tpu.memory_space<hbm>>) target(%arg10 : memref<64x128xf32, #tpu.memory_space<vmem>>) offsets(%dma_start3A_94 : memref<64xi32, #tpu.memory_space<vmem>>) semaphore(%arg16 : memref<!tpu.dma_semaphore, #tpu.memory_space<semaphore_mem>>)
      %dma_start3A_98 = arith.constant 2 : i32
      %dma_start3A_99 = arith.constant 0 : i32
      %dma_start3A_100 = tpu.memref_slice %arg7[%and3A_52, %dma_start3A_98, %dma_start3A_99] : memref<2x16x64xi32, #tpu.memory_space<vmem>> -> memref<1x1x64xi32, #tpu.memory_space<vmem>>
      %dma_start3A_101 = tpu.memref_squeeze %dma_start3A_100 : memref<1x1x64xi32, #tpu.memory_space<vmem>> -> memref<64xi32, #tpu.memory_space<vmem>>
      %dma_start3A_102 = arith.constant 0 : i32
      %dma_start3A_103 = arith.constant 0 : i32
      %dma_start3A_104 = tpu.memref_slice %arg2[%dma_start3A_102, %dma_start3A_103] : memref<10240x128xf32, #tpu.memory_space<hbm>> -> memref<10240x128xf32, #tpu.memory_space<hbm>>
      tpu.enqueue_indirect_dma source(%dma_start3A_104 : memref<10240x128xf32, #tpu.memory_space<hbm>>) target(%arg11 : memref<64x128xf32, #tpu.memory_space<vmem>>) offsets(%dma_start3A_101 : memref<64xi32, #tpu.memory_space<vmem>>) semaphore(%arg17 : memref<!tpu.dma_semaphore, #tpu.memory_space<semaphore_mem>>)
      %dma_start3A_105 = arith.constant 3 : i32
      %dma_start3A_106 = arith.constant 0 : i32
      %dma_start3A_107 = tpu.memref_slice %arg7[%and3A_52, %dma_start3A_105, %dma_start3A_106] : memref<2x16x64xi32, #tpu.memory_space<vmem>> -> memref<1x1x64xi32, #tpu.memory_space<vmem>>
      %dma_start3A_108 = tpu.memref_squeeze %dma_start3A_107 : memref<1x1x64xi32, #tpu.memory_space<vmem>> -> memref<64xi32, #tpu.memory_space<vmem>>
      %dma_start3A_109 = arith.constant 0 : i32
      %dma_start3A_110 = arith.constant 0 : i32
      %dma_start3A_111 = tpu.memref_slice %arg2[%dma_start3A_109, %dma_start3A_110] : memref<10240x128xf32, #tpu.memory_space<hbm>> -> memref<10240x128xf32, #tpu.memory_space<hbm>>
      tpu.enqueue_indirect_dma source(%dma_start3A_111 : memref<10240x128xf32, #tpu.memory_space<hbm>>) target(%arg12 : memref<64x128xf32, #tpu.memory_space<vmem>>) offsets(%dma_start3A_108 : memref<64xi32, #tpu.memory_space<vmem>>) semaphore(%arg18 : memref<!tpu.dma_semaphore, #tpu.memory_space<semaphore_mem>>)
      %dma_wait3A_112 = arith.constant 0 : i32
      %dma_wait3A_113 = arith.constant 0 : i32
      %dma_wait3A_114 = tpu.memref_slice %arg7[%and3A_52, %dma_wait3A_112, %dma_wait3A_113] : memref<2x16x64xi32, #tpu.memory_space<vmem>> -> memref<1x1x64xi32, #tpu.memory_space<vmem>>
      %dma_wait3A_115 = tpu.memref_squeeze %dma_wait3A_114 : memref<1x1x64xi32, #tpu.memory_space<vmem>> -> memref<64xi32, #tpu.memory_space<vmem>>
      %dma_wait3A_116 = arith.constant 0 : i32
      %dma_wait3A_117 = arith.constant 0 : i32
      %dma_wait3A_118 = tpu.memref_slice %arg2[%dma_wait3A_116, %dma_wait3A_117] : memref<10240x128xf32, #tpu.memory_space<hbm>> -> memref<10240x128xf32, #tpu.memory_space<hbm>>
      tpu.wait_indirect_dma semaphore(%arg15 : memref<!tpu.dma_semaphore, #tpu.memory_space<semaphore_mem>>) src(%dma_wait3A_118 : memref<10240x128xf32, #tpu.memory_space<hbm>>) dst(%arg9 : memref<64x128xf32, #tpu.memory_space<vmem>>)
      %dma_start3A_119 = arith.constant 0 : i32
      %dma_start3A_120 = arith.constant 0 : i32
      %dma_start3A_121 = tpu.memref_slice %arg8[%and3A_52, %dma_start3A_119, %dma_start3A_120] : memref<2x16x64xi32, #tpu.memory_space<vmem>> -> memref<1x1x64xi32, #tpu.memory_space<vmem>>
      %dma_start3A_122 = tpu.memref_squeeze %dma_start3A_121 : memref<1x1x64xi32, #tpu.memory_space<vmem>> -> memref<64xi32, #tpu.memory_space<vmem>>
      %dma_start3A_123 = arith.constant 0 : i32
      %dma_start3A_124 = arith.constant 0 : i32
      %dma_start3A_125 = tpu.memref_slice %arg14[%dma_start3A_123, %dma_start3A_124] : memref<10240x128xf32, #tpu.memory_space<vmem_shared>> -> memref<10240x128xf32, #tpu.memory_space<vmem_shared>>
      tpu.enqueue_indirect_dma source(%arg9 : memref<64x128xf32, #tpu.memory_space<vmem>>) target(%dma_start3A_125 : memref<10240x128xf32, #tpu.memory_space<vmem_shared>>) offsets(%dma_start3A_122 : memref<64xi32, #tpu.memory_space<vmem>>) semaphore(%arg20 : memref<!tpu.dma_semaphore, #tpu.memory_space<semaphore_mem>>) {add = true}
      %dma_start3A_126 = arith.constant 4 : i32
      %dma_start3A_127 = arith.constant 0 : i32
      %dma_start3A_128 = tpu.memref_slice %arg7[%and3A_52, %dma_start3A_126, %dma_start3A_127] : memref<2x16x64xi32, #tpu.memory_space<vmem>> -> memref<1x1x64xi32, #tpu.memory_space<vmem>>
      %dma_start3A_129 = tpu.memref_squeeze %dma_start3A_128 : memref<1x1x64xi32, #tpu.memory_space<vmem>> -> memref<64xi32, #tpu.memory_space<vmem>>
      %dma_start3A_130 = arith.constant 0 : i32
      %dma_start3A_131 = arith.constant 0 : i32
      %dma_start3A_132 = tpu.memref_slice %arg2[%dma_start3A_130, %dma_start3A_131] : memref<10240x128xf32, #tpu.memory_space<hbm>> -> memref<10240x128xf32, #tpu.memory_space<hbm>>
      tpu.enqueue_indirect_dma source(%dma_start3A_132 : memref<10240x128xf32, #tpu.memory_space<hbm>>) target(%arg13 : memref<64x128xf32, #tpu.memory_space<vmem>>) offsets(%dma_start3A_129 : memref<64xi32, #tpu.memory_space<vmem>>) semaphore(%arg19 : memref<!tpu.dma_semaphore, #tpu.memory_space<semaphore_mem>>)
      %dma_wait3A_133 = arith.constant 1 : i32
      %dma_wait3A_134 = arith.constant 0 : i32
      %dma_wait3A_135 = tpu.memref_slice %arg7[%and3A_52, %dma_wait3A_133, %dma_wait3A_134] : memref<2x16x64xi32, #tpu.memory_space<vmem>> -> memref<1x1x64xi32, #tpu.memory_space<vmem>>
      %dma_wait3A_136 = tpu.memref_squeeze %dma_wait3A_135 : memref<1x1x64xi32, #tpu.memory_space<vmem>> -> memref<64xi32, #tpu.memory_space<vmem>>
      %dma_wait3A_137 = arith.constant 0 : i32
      %dma_wait3A_138 = arith.constant 0 : i32
      %dma_wait3A_139 = tpu.memref_slice %arg2[%dma_wait3A_137, %dma_wait3A_138] : memref<10240x128xf32, #tpu.memory_space<hbm>> -> memref<10240x128xf32, #tpu.memory_space<hbm>>
      tpu.wait_indirect_dma semaphore(%arg16 : memref<!tpu.dma_semaphore, #tpu.memory_space<semaphore_mem>>) src(%dma_wait3A_139 : memref<10240x128xf32, #tpu.memory_space<hbm>>) dst(%arg10 : memref<64x128xf32, #tpu.memory_space<vmem>>)
      %dma_start3A_140 = arith.constant 1 : i32
      %dma_start3A_141 = arith.constant 0 : i32
      %dma_start3A_142 = tpu.memref_slice %arg8[%and3A_52, %dma_start3A_140, %dma_start3A_141] : memref<2x16x64xi32, #tpu.memory_space<vmem>> -> memref<1x1x64xi32, #tpu.memory_space<vmem>>
      %dma_start3A_143 = tpu.memref_squeeze %dma_start3A_142 : memref<1x1x64xi32, #tpu.memory_space<vmem>> -> memref<64xi32, #tpu.memory_space<vmem>>
      %dma_start3A_144 = arith.constant 0 : i32
      %dma_start3A_145 = arith.constant 0 : i32
      %dma_start3A_146 = tpu.memref_slice %arg14[%dma_start3A_144, %dma_start3A_145] : memref<10240x128xf32, #tpu.memory_space<vmem_shared>> -> memref<10240x128xf32, #tpu.memory_space<vmem_shared>>
      tpu.enqueue_indirect_dma source(%arg10 : memref<64x128xf32, #tpu.memory_space<vmem>>) target(%dma_start3A_146 : memref<10240x128xf32, #tpu.memory_space<vmem_shared>>) offsets(%dma_start3A_143 : memref<64xi32, #tpu.memory_space<vmem>>) semaphore(%arg21 : memref<!tpu.dma_semaphore, #tpu.memory_space<semaphore_mem>>) {add = true}
      %dma_wait3A_147 = arith.constant 0 : i32
      %dma_wait3A_148 = arith.constant 0 : i32
      %dma_wait3A_149 = tpu.memref_slice %arg8[%and3A_52, %dma_wait3A_147, %dma_wait3A_148] : memref<2x16x64xi32, #tpu.memory_space<vmem>> -> memref<1x1x64xi32, #tpu.memory_space<vmem>>
      %dma_wait3A_150 = tpu.memref_squeeze %dma_wait3A_149 : memref<1x1x64xi32, #tpu.memory_space<vmem>> -> memref<64xi32, #tpu.memory_space<vmem>>
      %dma_wait3A_151 = arith.constant 0 : i32
      %dma_wait3A_152 = arith.constant 0 : i32
      %dma_wait3A_153 = tpu.memref_slice %arg14[%dma_wait3A_151, %dma_wait3A_152] : memref<10240x128xf32, #tpu.memory_space<vmem_shared>> -> memref<10240x128xf32, #tpu.memory_space<vmem_shared>>
      tpu.wait_indirect_dma semaphore(%arg20 : memref<!tpu.dma_semaphore, #tpu.memory_space<semaphore_mem>>) src(%arg9 : memref<64x128xf32, #tpu.memory_space<vmem>>) dst(%dma_wait3A_153 : memref<10240x128xf32, #tpu.memory_space<vmem_shared>>)
      %dma_start3A_154 = arith.constant 5 : i32
      %dma_start3A_155 = arith.constant 0 : i32
      %dma_start3A_156 = tpu.memref_slice %arg7[%and3A_52, %dma_start3A_154, %dma_start3A_155] : memref<2x16x64xi32, #tpu.memory_space<vmem>> -> memref<1x1x64xi32, #tpu.memory_space<vmem>>
      %dma_start3A_157 = tpu.memref_squeeze %dma_start3A_156 : memref<1x1x64xi32, #tpu.memory_space<vmem>> -> memref<64xi32, #tpu.memory_space<vmem>>
      %dma_start3A_158 = arith.constant 0 : i32
      %dma_start3A_159 = arith.constant 0 : i32
      %dma_start3A_160 = tpu.memref_slice %arg2[%dma_start3A_158, %dma_start3A_159] : memref<10240x128xf32, #tpu.memory_space<hbm>> -> memref<10240x128xf32, #tpu.memory_space<hbm>>
      tpu.enqueue_indirect_dma source(%dma_start3A_160 : memref<10240x128xf32, #tpu.memory_space<hbm>>) target(%arg9 : memref<64x128xf32, #tpu.memory_space<vmem>>) offsets(%dma_start3A_157 : memref<64xi32, #tpu.memory_space<vmem>>) semaphore(%arg15 : memref<!tpu.dma_semaphore, #tpu.memory_space<semaphore_mem>>)
      %dma_wait3A_161 = arith.constant 2 : i32
      %dma_wait3A_162 = arith.constant 0 : i32
      %dma_wait3A_163 = tpu.memref_slice %arg7[%and3A_52, %dma_wait3A_161, %dma_wait3A_162] : memref<2x16x64xi32, #tpu.memory_space<vmem>> -> memref<1x1x64xi32, #tpu.memory_space<vmem>>
      %dma_wait3A_164 = tpu.memref_squeeze %dma_wait3A_163 : memref<1x1x64xi32, #tpu.memory_space<vmem>> -> memref<64xi32, #tpu.memory_space<vmem>>
      %dma_wait3A_165 = arith.constant 0 : i32
      %dma_wait3A_166 = arith.constant 0 : i32
      %dma_wait3A_167 = tpu.memref_slice %arg2[%dma_wait3A_165, %dma_wait3A_166] : memref<10240x128xf32, #tpu.memory_space<hbm>> -> memref<10240x128xf32, #tpu.memory_space<hbm>>
      tpu.wait_indirect_dma semaphore(%arg17 : memref<!tpu.dma_semaphore, #tpu.memory_space<semaphore_mem>>) src(%dma_wait3A_167 : memref<10240x128xf32, #tpu.memory_space<hbm>>) dst(%arg11 : memref<64x128xf32, #tpu.memory_space<vmem>>)
      %dma_start3A_168 = arith.constant 2 : i32
      %dma_start3A_169 = arith.constant 0 : i32
      %dma_start3A_170 = tpu.memref_slice %arg8[%and3A_52, %dma_start3A_168, %dma_start3A_169] : memref<2x16x64xi32, #tpu.memory_space<vmem>> -> memref<1x1x64xi32, #tpu.memory_space<vmem>>
      %dma_start3A_171 = tpu.memref_squeeze %dma_start3A_170 : memref<1x1x64xi32, #tpu.memory_space<vmem>> -> memref<64xi32, #tpu.memory_space<vmem>>
      %dma_start3A_172 = arith.constant 0 : i32
      %dma_start3A_173 = arith.constant 0 : i32
      %dma_start3A_174 = tpu.memref_slice %arg14[%dma_start3A_172, %dma_start3A_173] : memref<10240x128xf32, #tpu.memory_space<vmem_shared>> -> memref<10240x128xf32, #tpu.memory_space<vmem_shared>>
      tpu.enqueue_indirect_dma source(%arg11 : memref<64x128xf32, #tpu.memory_space<vmem>>) target(%dma_start3A_174 : memref<10240x128xf32, #tpu.memory_space<vmem_shared>>) offsets(%dma_start3A_171 : memref<64xi32, #tpu.memory_space<vmem>>) semaphore(%arg22 : memref<!tpu.dma_semaphore, #tpu.memory_space<semaphore_mem>>) {add = true}
      %dma_wait3A_175 = arith.constant 1 : i32
      %dma_wait3A_176 = arith.constant 0 : i32
      %dma_wait3A_177 = tpu.memref_slice %arg8[%and3A_52, %dma_wait3A_175, %dma_wait3A_176] : memref<2x16x64xi32, #tpu.memory_space<vmem>> -> memref<1x1x64xi32, #tpu.memory_space<vmem>>
      %dma_wait3A_178 = tpu.memref_squeeze %dma_wait3A_177 : memref<1x1x64xi32, #tpu.memory_space<vmem>> -> memref<64xi32, #tpu.memory_space<vmem>>
      %dma_wait3A_179 = arith.constant 0 : i32
      %dma_wait3A_180 = arith.constant 0 : i32
      %dma_wait3A_181 = tpu.memref_slice %arg14[%dma_wait3A_179, %dma_wait3A_180] : memref<10240x128xf32, #tpu.memory_space<vmem_shared>> -> memref<10240x128xf32, #tpu.memory_space<vmem_shared>>
      tpu.wait_indirect_dma semaphore(%arg21 : memref<!tpu.dma_semaphore, #tpu.memory_space<semaphore_mem>>) src(%arg10 : memref<64x128xf32, #tpu.memory_space<vmem>>) dst(%dma_wait3A_181 : memref<10240x128xf32, #tpu.memory_space<vmem_shared>>)
      %dma_start3A_182 = arith.constant 6 : i32
      %dma_start3A_183 = arith.constant 0 : i32
      %dma_start3A_184 = tpu.memref_slice %arg7[%and3A_52, %dma_start3A_182, %dma_start3A_183] : memref<2x16x64xi32, #tpu.memory_space<vmem>> -> memref<1x1x64xi32, #tpu.memory_space<vmem>>
      %dma_start3A_185 = tpu.memref_squeeze %dma_start3A_184 : memref<1x1x64xi32, #tpu.memory_space<vmem>> -> memref<64xi32, #tpu.memory_space<vmem>>
      %dma_start3A_186 = arith.constant 0 : i32
      %dma_start3A_187 = arith.constant 0 : i32
      %dma_start3A_188 = tpu.memref_slice %arg2[%dma_start3A_186, %dma_start3A_187] : memref<10240x128xf32, #tpu.memory_space<hbm>> -> memref<10240x128xf32, #tpu.memory_space<hbm>>
      tpu.enqueue_indirect_dma source(%dma_start3A_188 : memref<10240x128xf32, #tpu.memory_space<hbm>>) target(%arg10 : memref<64x128xf32, #tpu.memory_space<vmem>>) offsets(%dma_start3A_185 : memref<64xi32, #tpu.memory_space<vmem>>) semaphore(%arg16 : memref<!tpu.dma_semaphore, #tpu.memory_space<semaphore_mem>>)
      %dma_wait3A_189 = arith.constant 3 : i32
      %dma_wait3A_190 = arith.constant 0 : i32
      %dma_wait3A_191 = tpu.memref_slice %arg7[%and3A_52, %dma_wait3A_189, %dma_wait3A_190] : memref<2x16x64xi32, #tpu.memory_space<vmem>> -> memref<1x1x64xi32, #tpu.memory_space<vmem>>
      %dma_wait3A_192 = tpu.memref_squeeze %dma_wait3A_191 : memref<1x1x64xi32, #tpu.memory_space<vmem>> -> memref<64xi32, #tpu.memory_space<vmem>>
      %dma_wait3A_193 = arith.constant 0 : i32
      %dma_wait3A_194 = arith.constant 0 : i32
      %dma_wait3A_195 = tpu.memref_slice %arg2[%dma_wait3A_193, %dma_wait3A_194] : memref<10240x128xf32, #tpu.memory_space<hbm>> -> memref<10240x128xf32, #tpu.memory_space<hbm>>
      tpu.wait_indirect_dma semaphore(%arg18 : memref<!tpu.dma_semaphore, #tpu.memory_space<semaphore_mem>>) src(%dma_wait3A_195 : memref<10240x128xf32, #tpu.memory_space<hbm>>) dst(%arg12 : memref<64x128xf32, #tpu.memory_space<vmem>>)
      %dma_start3A_196 = arith.constant 3 : i32
      %dma_start3A_197 = arith.constant 0 : i32
      %dma_start3A_198 = tpu.memref_slice %arg8[%and3A_52, %dma_start3A_196, %dma_start3A_197] : memref<2x16x64xi32, #tpu.memory_space<vmem>> -> memref<1x1x64xi32, #tpu.memory_space<vmem>>
      %dma_start3A_199 = tpu.memref_squeeze %dma_start3A_198 : memref<1x1x64xi32, #tpu.memory_space<vmem>> -> memref<64xi32, #tpu.memory_space<vmem>>
      %dma_start3A_200 = arith.constant 0 : i32
      %dma_start3A_201 = arith.constant 0 : i32
      %dma_start3A_202 = tpu.memref_slice %arg14[%dma_start3A_200, %dma_start3A_201] : memref<10240x128xf32, #tpu.memory_space<vmem_shared>> -> memref<10240x128xf32, #tpu.memory_space<vmem_shared>>
      tpu.enqueue_indirect_dma source(%arg12 : memref<64x128xf32, #tpu.memory_space<vmem>>) target(%dma_start3A_202 : memref<10240x128xf32, #tpu.memory_space<vmem_shared>>) offsets(%dma_start3A_199 : memref<64xi32, #tpu.memory_space<vmem>>) semaphore(%arg23 : memref<!tpu.dma_semaphore, #tpu.memory_space<semaphore_mem>>) {add = true}
      %dma_wait3A_203 = arith.constant 2 : i32
      %dma_wait3A_204 = arith.constant 0 : i32
      %dma_wait3A_205 = tpu.memref_slice %arg8[%and3A_52, %dma_wait3A_203, %dma_wait3A_204] : memref<2x16x64xi32, #tpu.memory_space<vmem>> -> memref<1x1x64xi32, #tpu.memory_space<vmem>>
      %dma_wait3A_206 = tpu.memref_squeeze %dma_wait3A_205 : memref<1x1x64xi32, #tpu.memory_space<vmem>> -> memref<64xi32, #tpu.memory_space<vmem>>
      %dma_wait3A_207 = arith.constant 0 : i32
      %dma_wait3A_208 = arith.constant 0 : i32
      %dma_wait3A_209 = tpu.memref_slice %arg14[%dma_wait3A_207, %dma_wait3A_208] : memref<10240x128xf32, #tpu.memory_space<vmem_shared>> -> memref<10240x128xf32, #tpu.memory_space<vmem_shared>>
      tpu.wait_indirect_dma semaphore(%arg22 : memref<!tpu.dma_semaphore, #tpu.memory_space<semaphore_mem>>) src(%arg11 : memref<64x128xf32, #tpu.memory_space<vmem>>) dst(%dma_wait3A_209 : memref<10240x128xf32, #tpu.memory_space<vmem_shared>>)
      %dma_start3A_210 = arith.constant 7 : i32
      %dma_start3A_211 = arith.constant 0 : i32
      %dma_start3A_212 = tpu.memref_slice %arg7[%and3A_52, %dma_start3A_210, %dma_start3A_211] : memref<2x16x64xi32, #tpu.memory_space<vmem>> -> memref<1x1x64xi32, #tpu.memory_space<vmem>>
      %dma_start3A_213 = tpu.memref_squeeze %dma_start3A_212 : memref<1x1x64xi32, #tpu.memory_space<vmem>> -> memref<64xi32, #tpu.memory_space<vmem>>
      %dma_start3A_214 = arith.constant 0 : i32
      %dma_start3A_215 = arith.constant 0 : i32
      %dma_start3A_216 = tpu.memref_slice %arg2[%dma_start3A_214, %dma_start3A_215] : memref<10240x128xf32, #tpu.memory_space<hbm>> -> memref<10240x128xf32, #tpu.memory_space<hbm>>
      tpu.enqueue_indirect_dma source(%dma_start3A_216 : memref<10240x128xf32, #tpu.memory_space<hbm>>) target(%arg11 : memref<64x128xf32, #tpu.memory_space<vmem>>) offsets(%dma_start3A_213 : memref<64xi32, #tpu.memory_space<vmem>>) semaphore(%arg17 : memref<!tpu.dma_semaphore, #tpu.memory_space<semaphore_mem>>)
      %dma_wait3A_217 = arith.constant 4 : i32
      %dma_wait3A_218 = arith.constant 0 : i32
      %dma_wait3A_219 = tpu.memref_slice %arg7[%and3A_52, %dma_wait3A_217, %dma_wait3A_218] : memref<2x16x64xi32, #tpu.memory_space<vmem>> -> memref<1x1x64xi32, #tpu.memory_space<vmem>>
      %dma_wait3A_220 = tpu.memref_squeeze %dma_wait3A_219 : memref<1x1x64xi32, #tpu.memory_space<vmem>> -> memref<64xi32, #tpu.memory_space<vmem>>
      %dma_wait3A_221 = arith.constant 0 : i32
      %dma_wait3A_222 = arith.constant 0 : i32
      %dma_wait3A_223 = tpu.memref_slice %arg2[%dma_wait3A_221, %dma_wait3A_222] : memref<10240x128xf32, #tpu.memory_space<hbm>> -> memref<10240x128xf32, #tpu.memory_space<hbm>>
      tpu.wait_indirect_dma semaphore(%arg19 : memref<!tpu.dma_semaphore, #tpu.memory_space<semaphore_mem>>) src(%dma_wait3A_223 : memref<10240x128xf32, #tpu.memory_space<hbm>>) dst(%arg13 : memref<64x128xf32, #tpu.memory_space<vmem>>)
      %dma_start3A_224 = arith.constant 4 : i32
      %dma_start3A_225 = arith.constant 0 : i32
      %dma_start3A_226 = tpu.memref_slice %arg8[%and3A_52, %dma_start3A_224, %dma_start3A_225] : memref<2x16x64xi32, #tpu.memory_space<vmem>> -> memref<1x1x64xi32, #tpu.memory_space<vmem>>
      %dma_start3A_227 = tpu.memref_squeeze %dma_start3A_226 : memref<1x1x64xi32, #tpu.memory_space<vmem>> -> memref<64xi32, #tpu.memory_space<vmem>>
      %dma_start3A_228 = arith.constant 0 : i32
      %dma_start3A_229 = arith.constant 0 : i32
      %dma_start3A_230 = tpu.memref_slice %arg14[%dma_start3A_228, %dma_start3A_229] : memref<10240x128xf32, #tpu.memory_space<vmem_shared>> -> memref<10240x128xf32, #tpu.memory_space<vmem_shared>>
      tpu.enqueue_indirect_dma source(%arg13 : memref<64x128xf32, #tpu.memory_space<vmem>>) target(%dma_start3A_230 : memref<10240x128xf32, #tpu.memory_space<vmem_shared>>) offsets(%dma_start3A_227 : memref<64xi32, #tpu.memory_space<vmem>>) semaphore(%arg24 : memref<!tpu.dma_semaphore, #tpu.memory_space<semaphore_mem>>) {add = true}
      %dma_wait3A_231 = arith.constant 3 : i32
      %dma_wait3A_232 = arith.constant 0 : i32
      %dma_wait3A_233 = tpu.memref_slice %arg8[%and3A_52, %dma_wait3A_231, %dma_wait3A_232] : memref<2x16x64xi32, #tpu.memory_space<vmem>> -> memref<1x1x64xi32, #tpu.memory_space<vmem>>
      %dma_wait3A_234 = tpu.memref_squeeze %dma_wait3A_233 : memref<1x1x64xi32, #tpu.memory_space<vmem>> -> memref<64xi32, #tpu.memory_space<vmem>>
      %dma_wait3A_235 = arith.constant 0 : i32
      %dma_wait3A_236 = arith.constant 0 : i32
      %dma_wait3A_237 = tpu.memref_slice %arg14[%dma_wait3A_235, %dma_wait3A_236] : memref<10240x128xf32, #tpu.memory_space<vmem_shared>> -> memref<10240x128xf32, #tpu.memory_space<vmem_shared>>
      tpu.wait_indirect_dma semaphore(%arg23 : memref<!tpu.dma_semaphore, #tpu.memory_space<semaphore_mem>>) src(%arg12 : memref<64x128xf32, #tpu.memory_space<vmem>>) dst(%dma_wait3A_237 : memref<10240x128xf32, #tpu.memory_space<vmem_shared>>)
      %dma_start3A_238 = arith.constant 8 : i32
      %dma_start3A_239 = arith.constant 0 : i32
      %dma_start3A_240 = tpu.memref_slice %arg7[%and3A_52, %dma_start3A_238, %dma_start3A_239] : memref<2x16x64xi32, #tpu.memory_space<vmem>> -> memref<1x1x64xi32, #tpu.memory_space<vmem>>
      %dma_start3A_241 = tpu.memref_squeeze %dma_start3A_240 : memref<1x1x64xi32, #tpu.memory_space<vmem>> -> memref<64xi32, #tpu.memory_space<vmem>>
      %dma_start3A_242 = arith.constant 0 : i32
      %dma_start3A_243 = arith.constant 0 : i32
      %dma_start3A_244 = tpu.memref_slice %arg2[%dma_start3A_242, %dma_start3A_243] : memref<10240x128xf32, #tpu.memory_space<hbm>> -> memref<10240x128xf32, #tpu.memory_space<hbm>>
      tpu.enqueue_indirect_dma source(%dma_start3A_244 : memref<10240x128xf32, #tpu.memory_space<hbm>>) target(%arg12 : memref<64x128xf32, #tpu.memory_space<vmem>>) offsets(%dma_start3A_241 : memref<64xi32, #tpu.memory_space<vmem>>) semaphore(%arg18 : memref<!tpu.dma_semaphore, #tpu.memory_space<semaphore_mem>>)
      %dma_wait3A_245 = arith.constant 5 : i32
      %dma_wait3A_246 = arith.constant 0 : i32
      %dma_wait3A_247 = tpu.memref_slice %arg7[%and3A_52, %dma_wait3A_245, %dma_wait3A_246] : memref<2x16x64xi32, #tpu.memory_space<vmem>> -> memref<1x1x64xi32, #tpu.memory_space<vmem>>
      %dma_wait3A_248 = tpu.memref_squeeze %dma_wait3A_247 : memref<1x1x64xi32, #tpu.memory_space<vmem>> -> memref<64xi32, #tpu.memory_space<vmem>>
      %dma_wait3A_249 = arith.constant 0 : i32
      %dma_wait3A_250 = arith.constant 0 : i32
      %dma_wait3A_251 = tpu.memref_slice %arg2[%dma_wait3A_249, %dma_wait3A_250] : memref<10240x128xf32, #tpu.memory_space<hbm>> -> memref<10240x128xf32, #tpu.memory_space<hbm>>
      tpu.wait_indirect_dma semaphore(%arg15 : memref<!tpu.dma_semaphore, #tpu.memory_space<semaphore_mem>>) src(%dma_wait3A_251 : memref<10240x128xf32, #tpu.memory_space<hbm>>) dst(%arg9 : memref<64x128xf32, #tpu.memory_space<vmem>>)
      %dma_start3A_252 = arith.constant 5 : i32
      %dma_start3A_253 = arith.constant 0 : i32
      %dma_start3A_254 = tpu.memref_slice %arg8[%and3A_52, %dma_start3A_252, %dma_start3A_253] : memref<2x16x64xi32, #tpu.memory_space<vmem>> -> memref<1x1x64xi32, #tpu.memory_space<vmem>>
      %dma_start3A_255 = tpu.memref_squeeze %dma_start3A_254 : memref<1x1x64xi32, #tpu.memory_space<vmem>> -> memref<64xi32, #tpu.memory_space<vmem>>
      %dma_start3A_256 = arith.constant 0 : i32
      %dma_start3A_257 = arith.constant 0 : i32
      %dma_start3A_258 = tpu.memref_slice %arg14[%dma_start3A_256, %dma_start3A_257] : memref<10240x128xf32, #tpu.memory_space<vmem_shared>> -> memref<10240x128xf32, #tpu.memory_space<vmem_shared>>
      tpu.enqueue_indirect_dma source(%arg9 : memref<64x128xf32, #tpu.memory_space<vmem>>) target(%dma_start3A_258 : memref<10240x128xf32, #tpu.memory_space<vmem_shared>>) offsets(%dma_start3A_255 : memref<64xi32, #tpu.memory_space<vmem>>) semaphore(%arg20 : memref<!tpu.dma_semaphore, #tpu.memory_space<semaphore_mem>>) {add = true}
      %dma_wait3A_259 = arith.constant 4 : i32
      %dma_wait3A_260 = arith.constant 0 : i32
      %dma_wait3A_261 = tpu.memref_slice %arg8[%and3A_52, %dma_wait3A_259, %dma_wait3A_260] : memref<2x16x64xi32, #tpu.memory_space<vmem>> -> memref<1x1x64xi32, #tpu.memory_space<vmem>>
      %dma_wait3A_262 = tpu.memref_squeeze %dma_wait3A_261 : memref<1x1x64xi32, #tpu.memory_space<vmem>> -> memref<64xi32, #tpu.memory_space<vmem>>
      %dma_wait3A_263 = arith.constant 0 : i32
      %dma_wait3A_264 = arith.constant 0 : i32
      %dma_wait3A_265 = tpu.memref_slice %arg14[%dma_wait3A_263, %dma_wait3A_264] : memref<10240x128xf32, #tpu.memory_space<vmem_shared>> -> memref<10240x128xf32, #tpu.memory_space<vmem_shared>>
      tpu.wait_indirect_dma semaphore(%arg24 : memref<!tpu.dma_semaphore, #tpu.memory_space<semaphore_mem>>) src(%arg13 : memref<64x128xf32, #tpu.memory_space<vmem>>) dst(%dma_wait3A_265 : memref<10240x128xf32, #tpu.memory_space<vmem_shared>>)
      %dma_start3A_266 = arith.constant 9 : i32
      %dma_start3A_267 = arith.constant 0 : i32
      %dma_start3A_268 = tpu.memref_slice %arg7[%and3A_52, %dma_start3A_266, %dma_start3A_267] : memref<2x16x64xi32, #tpu.memory_space<vmem>> -> memref<1x1x64xi32, #tpu.memory_space<vmem>>
      %dma_start3A_269 = tpu.memref_squeeze %dma_start3A_268 : memref<1x1x64xi32, #tpu.memory_space<vmem>> -> memref<64xi32, #tpu.memory_space<vmem>>
      %dma_start3A_270 = arith.constant 0 : i32
      %dma_start3A_271 = arith.constant 0 : i32
      %dma_start3A_272 = tpu.memref_slice %arg2[%dma_start3A_270, %dma_start3A_271] : memref<10240x128xf32, #tpu.memory_space<hbm>> -> memref<10240x128xf32, #tpu.memory_space<hbm>>
      tpu.enqueue_indirect_dma source(%dma_start3A_272 : memref<10240x128xf32, #tpu.memory_space<hbm>>) target(%arg13 : memref<64x128xf32, #tpu.memory_space<vmem>>) offsets(%dma_start3A_269 : memref<64xi32, #tpu.memory_space<vmem>>) semaphore(%arg19 : memref<!tpu.dma_semaphore, #tpu.memory_space<semaphore_mem>>)
      %dma_wait3A_273 = arith.constant 6 : i32
      %dma_wait3A_274 = arith.constant 0 : i32
      %dma_wait3A_275 = tpu.memref_slice %arg7[%and3A_52, %dma_wait3A_273, %dma_wait3A_274] : memref<2x16x64xi32, #tpu.memory_space<vmem>> -> memref<1x1x64xi32, #tpu.memory_space<vmem>>
      %dma_wait3A_276 = tpu.memref_squeeze %dma_wait3A_275 : memref<1x1x64xi32, #tpu.memory_space<vmem>> -> memref<64xi32, #tpu.memory_space<vmem>>
      %dma_wait3A_277 = arith.constant 0 : i32
      %dma_wait3A_278 = arith.constant 0 : i32
      %dma_wait3A_279 = tpu.memref_slice %arg2[%dma_wait3A_277, %dma_wait3A_278] : memref<10240x128xf32, #tpu.memory_space<hbm>> -> memref<10240x128xf32, #tpu.memory_space<hbm>>
      tpu.wait_indirect_dma semaphore(%arg16 : memref<!tpu.dma_semaphore, #tpu.memory_space<semaphore_mem>>) src(%dma_wait3A_279 : memref<10240x128xf32, #tpu.memory_space<hbm>>) dst(%arg10 : memref<64x128xf32, #tpu.memory_space<vmem>>)
      %dma_start3A_280 = arith.constant 6 : i32
      %dma_start3A_281 = arith.constant 0 : i32
      %dma_start3A_282 = tpu.memref_slice %arg8[%and3A_52, %dma_start3A_280, %dma_start3A_281] : memref<2x16x64xi32, #tpu.memory_space<vmem>> -> memref<1x1x64xi32, #tpu.memory_space<vmem>>
      %dma_start3A_283 = tpu.memref_squeeze %dma_start3A_282 : memref<1x1x64xi32, #tpu.memory_space<vmem>> -> memref<64xi32, #tpu.memory_space<vmem>>
      %dma_start3A_284 = arith.constant 0 : i32
      %dma_start3A_285 = arith.constant 0 : i32
      %dma_start3A_286 = tpu.memref_slice %arg14[%dma_start3A_284, %dma_start3A_285] : memref<10240x128xf32, #tpu.memory_space<vmem_shared>> -> memref<10240x128xf32, #tpu.memory_space<vmem_shared>>
      tpu.enqueue_indirect_dma source(%arg10 : memref<64x128xf32, #tpu.memory_space<vmem>>) target(%dma_start3A_286 : memref<10240x128xf32, #tpu.memory_space<vmem_shared>>) offsets(%dma_start3A_283 : memref<64xi32, #tpu.memory_space<vmem>>) semaphore(%arg21 : memref<!tpu.dma_semaphore, #tpu.memory_space<semaphore_mem>>) {add = true}
      %dma_wait3A_287 = arith.constant 5 : i32
      %dma_wait3A_288 = arith.constant 0 : i32
      %dma_wait3A_289 = tpu.memref_slice %arg8[%and3A_52, %dma_wait3A_287, %dma_wait3A_288] : memref<2x16x64xi32, #tpu.memory_space<vmem>> -> memref<1x1x64xi32, #tpu.memory_space<vmem>>
      %dma_wait3A_290 = tpu.memref_squeeze %dma_wait3A_289 : memref<1x1x64xi32, #tpu.memory_space<vmem>> -> memref<64xi32, #tpu.memory_space<vmem>>
      %dma_wait3A_291 = arith.constant 0 : i32
      %dma_wait3A_292 = arith.constant 0 : i32
      %dma_wait3A_293 = tpu.memref_slice %arg14[%dma_wait3A_291, %dma_wait3A_292] : memref<10240x128xf32, #tpu.memory_space<vmem_shared>> -> memref<10240x128xf32, #tpu.memory_space<vmem_shared>>
      tpu.wait_indirect_dma semaphore(%arg20 : memref<!tpu.dma_semaphore, #tpu.memory_space<semaphore_mem>>) src(%arg9 : memref<64x128xf32, #tpu.memory_space<vmem>>) dst(%dma_wait3A_293 : memref<10240x128xf32, #tpu.memory_space<vmem_shared>>)
      %dma_start3A_294 = arith.constant 10 : i32
      %dma_start3A_295 = arith.constant 0 : i32
      %dma_start3A_296 = tpu.memref_slice %arg7[%and3A_52, %dma_start3A_294, %dma_start3A_295] : memref<2x16x64xi32, #tpu.memory_space<vmem>> -> memref<1x1x64xi32, #tpu.memory_space<vmem>>
      %dma_start3A_297 = tpu.memref_squeeze %dma_start3A_296 : memref<1x1x64xi32, #tpu.memory_space<vmem>> -> memref<64xi32, #tpu.memory_space<vmem>>
      %dma_start3A_298 = arith.constant 0 : i32
      %dma_start3A_299 = arith.constant 0 : i32
      %dma_start3A_300 = tpu.memref_slice %arg2[%dma_start3A_298, %dma_start3A_299] : memref<10240x128xf32, #tpu.memory_space<hbm>> -> memref<10240x128xf32, #tpu.memory_space<hbm>>
      tpu.enqueue_indirect_dma source(%dma_start3A_300 : memref<10240x128xf32, #tpu.memory_space<hbm>>) target(%arg9 : memref<64x128xf32, #tpu.memory_space<vmem>>) offsets(%dma_start3A_297 : memref<64xi32, #tpu.memory_space<vmem>>) semaphore(%arg15 : memref<!tpu.dma_semaphore, #tpu.memory_space<semaphore_mem>>)
      %dma_wait3A_301 = arith.constant 7 : i32
      %dma_wait3A_302 = arith.constant 0 : i32
      %dma_wait3A_303 = tpu.memref_slice %arg7[%and3A_52, %dma_wait3A_301, %dma_wait3A_302] : memref<2x16x64xi32, #tpu.memory_space<vmem>> -> memref<1x1x64xi32, #tpu.memory_space<vmem>>
      %dma_wait3A_304 = tpu.memref_squeeze %dma_wait3A_303 : memref<1x1x64xi32, #tpu.memory_space<vmem>> -> memref<64xi32, #tpu.memory_space<vmem>>
      %dma_wait3A_305 = arith.constant 0 : i32
      %dma_wait3A_306 = arith.constant 0 : i32
      %dma_wait3A_307 = tpu.memref_slice %arg2[%dma_wait3A_305, %dma_wait3A_306] : memref<10240x128xf32, #tpu.memory_space<hbm>> -> memref<10240x128xf32, #tpu.memory_space<hbm>>
      tpu.wait_indirect_dma semaphore(%arg17 : memref<!tpu.dma_semaphore, #tpu.memory_space<semaphore_mem>>) src(%dma_wait3A_307 : memref<10240x128xf32, #tpu.memory_space<hbm>>) dst(%arg11 : memref<64x128xf32, #tpu.memory_space<vmem>>)
      %dma_start3A_308 = arith.constant 7 : i32
      %dma_start3A_309 = arith.constant 0 : i32
      %dma_start3A_310 = tpu.memref_slice %arg8[%and3A_52, %dma_start3A_308, %dma_start3A_309] : memref<2x16x64xi32, #tpu.memory_space<vmem>> -> memref<1x1x64xi32, #tpu.memory_space<vmem>>
      %dma_start3A_311 = tpu.memref_squeeze %dma_start3A_310 : memref<1x1x64xi32, #tpu.memory_space<vmem>> -> memref<64xi32, #tpu.memory_space<vmem>>
      %dma_start3A_312 = arith.constant 0 : i32
      %dma_start3A_313 = arith.constant 0 : i32
      %dma_start3A_314 = tpu.memref_slice %arg14[%dma_start3A_312, %dma_start3A_313] : memref<10240x128xf32, #tpu.memory_space<vmem_shared>> -> memref<10240x128xf32, #tpu.memory_space<vmem_shared>>
      tpu.enqueue_indirect_dma source(%arg11 : memref<64x128xf32, #tpu.memory_space<vmem>>) target(%dma_start3A_314 : memref<10240x128xf32, #tpu.memory_space<vmem_shared>>) offsets(%dma_start3A_311 : memref<64xi32, #tpu.memory_space<vmem>>) semaphore(%arg22 : memref<!tpu.dma_semaphore, #tpu.memory_space<semaphore_mem>>) {add = true}
      %dma_wait3A_315 = arith.constant 6 : i32
      %dma_wait3A_316 = arith.constant 0 : i32
      %dma_wait3A_317 = tpu.memref_slice %arg8[%and3A_52, %dma_wait3A_315, %dma_wait3A_316] : memref<2x16x64xi32, #tpu.memory_space<vmem>> -> memref<1x1x64xi32, #tpu.memory_space<vmem>>
      %dma_wait3A_318 = tpu.memref_squeeze %dma_wait3A_317 : memref<1x1x64xi32, #tpu.memory_space<vmem>> -> memref<64xi32, #tpu.memory_space<vmem>>
      %dma_wait3A_319 = arith.constant 0 : i32
      %dma_wait3A_320 = arith.constant 0 : i32
      %dma_wait3A_321 = tpu.memref_slice %arg14[%dma_wait3A_319, %dma_wait3A_320] : memref<10240x128xf32, #tpu.memory_space<vmem_shared>> -> memref<10240x128xf32, #tpu.memory_space<vmem_shared>>
      tpu.wait_indirect_dma semaphore(%arg21 : memref<!tpu.dma_semaphore, #tpu.memory_space<semaphore_mem>>) src(%arg10 : memref<64x128xf32, #tpu.memory_space<vmem>>) dst(%dma_wait3A_321 : memref<10240x128xf32, #tpu.memory_space<vmem_shared>>)
      %dma_start3A_322 = arith.constant 11 : i32
      %dma_start3A_323 = arith.constant 0 : i32
      %dma_start3A_324 = tpu.memref_slice %arg7[%and3A_52, %dma_start3A_322, %dma_start3A_323] : memref<2x16x64xi32, #tpu.memory_space<vmem>> -> memref<1x1x64xi32, #tpu.memory_space<vmem>>
      %dma_start3A_325 = tpu.memref_squeeze %dma_start3A_324 : memref<1x1x64xi32, #tpu.memory_space<vmem>> -> memref<64xi32, #tpu.memory_space<vmem>>
      %dma_start3A_326 = arith.constant 0 : i32
      %dma_start3A_327 = arith.constant 0 : i32
      %dma_start3A_328 = tpu.memref_slice %arg2[%dma_start3A_326, %dma_start3A_327] : memref<10240x128xf32, #tpu.memory_space<hbm>> -> memref<10240x128xf32, #tpu.memory_space<hbm>>
      tpu.enqueue_indirect_dma source(%dma_start3A_328 : memref<10240x128xf32, #tpu.memory_space<hbm>>) target(%arg10 : memref<64x128xf32, #tpu.memory_space<vmem>>) offsets(%dma_start3A_325 : memref<64xi32, #tpu.memory_space<vmem>>) semaphore(%arg16 : memref<!tpu.dma_semaphore, #tpu.memory_space<semaphore_mem>>)
      %dma_wait3A_329 = arith.constant 8 : i32
      %dma_wait3A_330 = arith.constant 0 : i32
      %dma_wait3A_331 = tpu.memref_slice %arg7[%and3A_52, %dma_wait3A_329, %dma_wait3A_330] : memref<2x16x64xi32, #tpu.memory_space<vmem>> -> memref<1x1x64xi32, #tpu.memory_space<vmem>>
      %dma_wait3A_332 = tpu.memref_squeeze %dma_wait3A_331 : memref<1x1x64xi32, #tpu.memory_space<vmem>> -> memref<64xi32, #tpu.memory_space<vmem>>
      %dma_wait3A_333 = arith.constant 0 : i32
      %dma_wait3A_334 = arith.constant 0 : i32
      %dma_wait3A_335 = tpu.memref_slice %arg2[%dma_wait3A_333, %dma_wait3A_334] : memref<10240x128xf32, #tpu.memory_space<hbm>> -> memref<10240x128xf32, #tpu.memory_space<hbm>>
      tpu.wait_indirect_dma semaphore(%arg18 : memref<!tpu.dma_semaphore, #tpu.memory_space<semaphore_mem>>) src(%dma_wait3A_335 : memref<10240x128xf32, #tpu.memory_space<hbm>>) dst(%arg12 : memref<64x128xf32, #tpu.memory_space<vmem>>)
      %dma_start3A_336 = arith.constant 8 : i32
      %dma_start3A_337 = arith.constant 0 : i32
      %dma_start3A_338 = tpu.memref_slice %arg8[%and3A_52, %dma_start3A_336, %dma_start3A_337] : memref<2x16x64xi32, #tpu.memory_space<vmem>> -> memref<1x1x64xi32, #tpu.memory_space<vmem>>
      %dma_start3A_339 = tpu.memref_squeeze %dma_start3A_338 : memref<1x1x64xi32, #tpu.memory_space<vmem>> -> memref<64xi32, #tpu.memory_space<vmem>>
      %dma_start3A_340 = arith.constant 0 : i32
      %dma_start3A_341 = arith.constant 0 : i32
      %dma_start3A_342 = tpu.memref_slice %arg14[%dma_start3A_340, %dma_start3A_341] : memref<10240x128xf32, #tpu.memory_space<vmem_shared>> -> memref<10240x128xf32, #tpu.memory_space<vmem_shared>>
      tpu.enqueue_indirect_dma source(%arg12 : memref<64x128xf32, #tpu.memory_space<vmem>>) target(%dma_start3A_342 : memref<10240x128xf32, #tpu.memory_space<vmem_shared>>) offsets(%dma_start3A_339 : memref<64xi32, #tpu.memory_space<vmem>>) semaphore(%arg23 : memref<!tpu.dma_semaphore, #tpu.memory_space<semaphore_mem>>) {add = true}
      %dma_wait3A_343 = arith.constant 7 : i32
      %dma_wait3A_344 = arith.constant 0 : i32
      %dma_wait3A_345 = tpu.memref_slice %arg8[%and3A_52, %dma_wait3A_343, %dma_wait3A_344] : memref<2x16x64xi32, #tpu.memory_space<vmem>> -> memref<1x1x64xi32, #tpu.memory_space<vmem>>
      %dma_wait3A_346 = tpu.memref_squeeze %dma_wait3A_345 : memref<1x1x64xi32, #tpu.memory_space<vmem>> -> memref<64xi32, #tpu.memory_space<vmem>>
      %dma_wait3A_347 = arith.constant 0 : i32
      %dma_wait3A_348 = arith.constant 0 : i32
      %dma_wait3A_349 = tpu.memref_slice %arg14[%dma_wait3A_347, %dma_wait3A_348] : memref<10240x128xf32, #tpu.memory_space<vmem_shared>> -> memref<10240x128xf32, #tpu.memory_space<vmem_shared>>
      tpu.wait_indirect_dma semaphore(%arg22 : memref<!tpu.dma_semaphore, #tpu.memory_space<semaphore_mem>>) src(%arg11 : memref<64x128xf32, #tpu.memory_space<vmem>>) dst(%dma_wait3A_349 : memref<10240x128xf32, #tpu.memory_space<vmem_shared>>)
      %dma_start3A_350 = arith.constant 12 : i32
      %dma_start3A_351 = arith.constant 0 : i32
      %dma_start3A_352 = tpu.memref_slice %arg7[%and3A_52, %dma_start3A_350, %dma_start3A_351] : memref<2x16x64xi32, #tpu.memory_space<vmem>> -> memref<1x1x64xi32, #tpu.memory_space<vmem>>
      %dma_start3A_353 = tpu.memref_squeeze %dma_start3A_352 : memref<1x1x64xi32, #tpu.memory_space<vmem>> -> memref<64xi32, #tpu.memory_space<vmem>>
      %dma_start3A_354 = arith.constant 0 : i32
      %dma_start3A_355 = arith.constant 0 : i32
      %dma_start3A_356 = tpu.memref_slice %arg2[%dma_start3A_354, %dma_start3A_355] : memref<10240x128xf32, #tpu.memory_space<hbm>> -> memref<10240x128xf32, #tpu.memory_space<hbm>>
      tpu.enqueue_indirect_dma source(%dma_start3A_356 : memref<10240x128xf32, #tpu.memory_space<hbm>>) target(%arg11 : memref<64x128xf32, #tpu.memory_space<vmem>>) offsets(%dma_start3A_353 : memref<64xi32, #tpu.memory_space<vmem>>) semaphore(%arg17 : memref<!tpu.dma_semaphore, #tpu.memory_space<semaphore_mem>>)
      %dma_wait3A_357 = arith.constant 9 : i32
      %dma_wait3A_358 = arith.constant 0 : i32
      %dma_wait3A_359 = tpu.memref_slice %arg7[%and3A_52, %dma_wait3A_357, %dma_wait3A_358] : memref<2x16x64xi32, #tpu.memory_space<vmem>> -> memref<1x1x64xi32, #tpu.memory_space<vmem>>
      %dma_wait3A_360 = tpu.memref_squeeze %dma_wait3A_359 : memref<1x1x64xi32, #tpu.memory_space<vmem>> -> memref<64xi32, #tpu.memory_space<vmem>>
      %dma_wait3A_361 = arith.constant 0 : i32
      %dma_wait3A_362 = arith.constant 0 : i32
      %dma_wait3A_363 = tpu.memref_slice %arg2[%dma_wait3A_361, %dma_wait3A_362] : memref<10240x128xf32, #tpu.memory_space<hbm>> -> memref<10240x128xf32, #tpu.memory_space<hbm>>
      tpu.wait_indirect_dma semaphore(%arg19 : memref<!tpu.dma_semaphore, #tpu.memory_space<semaphore_mem>>) src(%dma_wait3A_363 : memref<10240x128xf32, #tpu.memory_space<hbm>>) dst(%arg13 : memref<64x128xf32, #tpu.memory_space<vmem>>)
      %dma_start3A_364 = arith.constant 9 : i32
      %dma_start3A_365 = arith.constant 0 : i32
      %dma_start3A_366 = tpu.memref_slice %arg8[%and3A_52, %dma_start3A_364, %dma_start3A_365] : memref<2x16x64xi32, #tpu.memory_space<vmem>> -> memref<1x1x64xi32, #tpu.memory_space<vmem>>
      %dma_start3A_367 = tpu.memref_squeeze %dma_start3A_366 : memref<1x1x64xi32, #tpu.memory_space<vmem>> -> memref<64xi32, #tpu.memory_space<vmem>>
      %dma_start3A_368 = arith.constant 0 : i32
      %dma_start3A_369 = arith.constant 0 : i32
      %dma_start3A_370 = tpu.memref_slice %arg14[%dma_start3A_368, %dma_start3A_369] : memref<10240x128xf32, #tpu.memory_space<vmem_shared>> -> memref<10240x128xf32, #tpu.memory_space<vmem_shared>>
      tpu.enqueue_indirect_dma source(%arg13 : memref<64x128xf32, #tpu.memory_space<vmem>>) target(%dma_start3A_370 : memref<10240x128xf32, #tpu.memory_space<vmem_shared>>) offsets(%dma_start3A_367 : memref<64xi32, #tpu.memory_space<vmem>>) semaphore(%arg24 : memref<!tpu.dma_semaphore, #tpu.memory_space<semaphore_mem>>) {add = true}
      %dma_wait3A_371 = arith.constant 8 : i32
      %dma_wait3A_372 = arith.constant 0 : i32
      %dma_wait3A_373 = tpu.memref_slice %arg8[%and3A_52, %dma_wait3A_371, %dma_wait3A_372] : memref<2x16x64xi32, #tpu.memory_space<vmem>> -> memref<1x1x64xi32, #tpu.memory_space<vmem>>
      %dma_wait3A_374 = tpu.memref_squeeze %dma_wait3A_373 : memref<1x1x64xi32, #tpu.memory_space<vmem>> -> memref<64xi32, #tpu.memory_space<vmem>>
      %dma_wait3A_375 = arith.constant 0 : i32
      %dma_wait3A_376 = arith.constant 0 : i32
      %dma_wait3A_377 = tpu.memref_slice %arg14[%dma_wait3A_375, %dma_wait3A_376] : memref<10240x128xf32, #tpu.memory_space<vmem_shared>> -> memref<10240x128xf32, #tpu.memory_space<vmem_shared>>
      tpu.wait_indirect_dma semaphore(%arg23 : memref<!tpu.dma_semaphore, #tpu.memory_space<semaphore_mem>>) src(%arg12 : memref<64x128xf32, #tpu.memory_space<vmem>>) dst(%dma_wait3A_377 : memref<10240x128xf32, #tpu.memory_space<vmem_shared>>)
      %dma_start3A_378 = arith.constant 13 : i32
      %dma_start3A_379 = arith.constant 0 : i32
      %dma_start3A_380 = tpu.memref_slice %arg7[%and3A_52, %dma_start3A_378, %dma_start3A_379] : memref<2x16x64xi32, #tpu.memory_space<vmem>> -> memref<1x1x64xi32, #tpu.memory_space<vmem>>
      %dma_start3A_381 = tpu.memref_squeeze %dma_start3A_380 : memref<1x1x64xi32, #tpu.memory_space<vmem>> -> memref<64xi32, #tpu.memory_space<vmem>>
      %dma_start3A_382 = arith.constant 0 : i32
      %dma_start3A_383 = arith.constant 0 : i32
      %dma_start3A_384 = tpu.memref_slice %arg2[%dma_start3A_382, %dma_start3A_383] : memref<10240x128xf32, #tpu.memory_space<hbm>> -> memref<10240x128xf32, #tpu.memory_space<hbm>>
      tpu.enqueue_indirect_dma source(%dma_start3A_384 : memref<10240x128xf32, #tpu.memory_space<hbm>>) target(%arg12 : memref<64x128xf32, #tpu.memory_space<vmem>>) offsets(%dma_start3A_381 : memref<64xi32, #tpu.memory_space<vmem>>) semaphore(%arg18 : memref<!tpu.dma_semaphore, #tpu.memory_space<semaphore_mem>>)
      %dma_wait3A_385 = arith.constant 10 : i32
      %dma_wait3A_386 = arith.constant 0 : i32
      %dma_wait3A_387 = tpu.memref_slice %arg7[%and3A_52, %dma_wait3A_385, %dma_wait3A_386] : memref<2x16x64xi32, #tpu.memory_space<vmem>> -> memref<1x1x64xi32, #tpu.memory_space<vmem>>
      %dma_wait3A_388 = tpu.memref_squeeze %dma_wait3A_387 : memref<1x1x64xi32, #tpu.memory_space<vmem>> -> memref<64xi32, #tpu.memory_space<vmem>>
      %dma_wait3A_389 = arith.constant 0 : i32
      %dma_wait3A_390 = arith.constant 0 : i32
      %dma_wait3A_391 = tpu.memref_slice %arg2[%dma_wait3A_389, %dma_wait3A_390] : memref<10240x128xf32, #tpu.memory_space<hbm>> -> memref<10240x128xf32, #tpu.memory_space<hbm>>
      tpu.wait_indirect_dma semaphore(%arg15 : memref<!tpu.dma_semaphore, #tpu.memory_space<semaphore_mem>>) src(%dma_wait3A_391 : memref<10240x128xf32, #tpu.memory_space<hbm>>) dst(%arg9 : memref<64x128xf32, #tpu.memory_space<vmem>>)
      %dma_start3A_392 = arith.constant 10 : i32
      %dma_start3A_393 = arith.constant 0 : i32
      %dma_start3A_394 = tpu.memref_slice %arg8[%and3A_52, %dma_start3A_392, %dma_start3A_393] : memref<2x16x64xi32, #tpu.memory_space<vmem>> -> memref<1x1x64xi32, #tpu.memory_space<vmem>>
      %dma_start3A_395 = tpu.memref_squeeze %dma_start3A_394 : memref<1x1x64xi32, #tpu.memory_space<vmem>> -> memref<64xi32, #tpu.memory_space<vmem>>
      %dma_start3A_396 = arith.constant 0 : i32
      %dma_start3A_397 = arith.constant 0 : i32
      %dma_start3A_398 = tpu.memref_slice %arg14[%dma_start3A_396, %dma_start3A_397] : memref<10240x128xf32, #tpu.memory_space<vmem_shared>> -> memref<10240x128xf32, #tpu.memory_space<vmem_shared>>
      tpu.enqueue_indirect_dma source(%arg9 : memref<64x128xf32, #tpu.memory_space<vmem>>) target(%dma_start3A_398 : memref<10240x128xf32, #tpu.memory_space<vmem_shared>>) offsets(%dma_start3A_395 : memref<64xi32, #tpu.memory_space<vmem>>) semaphore(%arg20 : memref<!tpu.dma_semaphore, #tpu.memory_space<semaphore_mem>>) {add = true}
      %dma_wait3A_399 = arith.constant 9 : i32
      %dma_wait3A_400 = arith.constant 0 : i32
      %dma_wait3A_401 = tpu.memref_slice %arg8[%and3A_52, %dma_wait3A_399, %dma_wait3A_400] : memref<2x16x64xi32, #tpu.memory_space<vmem>> -> memref<1x1x64xi32, #tpu.memory_space<vmem>>
      %dma_wait3A_402 = tpu.memref_squeeze %dma_wait3A_401 : memref<1x1x64xi32, #tpu.memory_space<vmem>> -> memref<64xi32, #tpu.memory_space<vmem>>
      %dma_wait3A_403 = arith.constant 0 : i32
      %dma_wait3A_404 = arith.constant 0 : i32
      %dma_wait3A_405 = tpu.memref_slice %arg14[%dma_wait3A_403, %dma_wait3A_404] : memref<10240x128xf32, #tpu.memory_space<vmem_shared>> -> memref<10240x128xf32, #tpu.memory_space<vmem_shared>>
      tpu.wait_indirect_dma semaphore(%arg24 : memref<!tpu.dma_semaphore, #tpu.memory_space<semaphore_mem>>) src(%arg13 : memref<64x128xf32, #tpu.memory_space<vmem>>) dst(%dma_wait3A_405 : memref<10240x128xf32, #tpu.memory_space<vmem_shared>>)
      %dma_start3A_406 = arith.constant 14 : i32
      %dma_start3A_407 = arith.constant 0 : i32
      %dma_start3A_408 = tpu.memref_slice %arg7[%and3A_52, %dma_start3A_406, %dma_start3A_407] : memref<2x16x64xi32, #tpu.memory_space<vmem>> -> memref<1x1x64xi32, #tpu.memory_space<vmem>>
      %dma_start3A_409 = tpu.memref_squeeze %dma_start3A_408 : memref<1x1x64xi32, #tpu.memory_space<vmem>> -> memref<64xi32, #tpu.memory_space<vmem>>
      %dma_start3A_410 = arith.constant 0 : i32
      %dma_start3A_411 = arith.constant 0 : i32
      %dma_start3A_412 = tpu.memref_slice %arg2[%dma_start3A_410, %dma_start3A_411] : memref<10240x128xf32, #tpu.memory_space<hbm>> -> memref<10240x128xf32, #tpu.memory_space<hbm>>
      tpu.enqueue_indirect_dma source(%dma_start3A_412 : memref<10240x128xf32, #tpu.memory_space<hbm>>) target(%arg13 : memref<64x128xf32, #tpu.memory_space<vmem>>) offsets(%dma_start3A_409 : memref<64xi32, #tpu.memory_space<vmem>>) semaphore(%arg19 : memref<!tpu.dma_semaphore, #tpu.memory_space<semaphore_mem>>)
      %dma_wait3A_413 = arith.constant 11 : i32
      %dma_wait3A_414 = arith.constant 0 : i32
      %dma_wait3A_415 = tpu.memref_slice %arg7[%and3A_52, %dma_wait3A_413, %dma_wait3A_414] : memref<2x16x64xi32, #tpu.memory_space<vmem>> -> memref<1x1x64xi32, #tpu.memory_space<vmem>>
      %dma_wait3A_416 = tpu.memref_squeeze %dma_wait3A_415 : memref<1x1x64xi32, #tpu.memory_space<vmem>> -> memref<64xi32, #tpu.memory_space<vmem>>
      %dma_wait3A_417 = arith.constant 0 : i32
      %dma_wait3A_418 = arith.constant 0 : i32
      %dma_wait3A_419 = tpu.memref_slice %arg2[%dma_wait3A_417, %dma_wait3A_418] : memref<10240x128xf32, #tpu.memory_space<hbm>> -> memref<10240x128xf32, #tpu.memory_space<hbm>>
      tpu.wait_indirect_dma semaphore(%arg16 : memref<!tpu.dma_semaphore, #tpu.memory_space<semaphore_mem>>) src(%dma_wait3A_419 : memref<10240x128xf32, #tpu.memory_space<hbm>>) dst(%arg10 : memref<64x128xf32, #tpu.memory_space<vmem>>)
      %dma_start3A_420 = arith.constant 11 : i32
      %dma_start3A_421 = arith.constant 0 : i32
      %dma_start3A_422 = tpu.memref_slice %arg8[%and3A_52, %dma_start3A_420, %dma_start3A_421] : memref<2x16x64xi32, #tpu.memory_space<vmem>> -> memref<1x1x64xi32, #tpu.memory_space<vmem>>
      %dma_start3A_423 = tpu.memref_squeeze %dma_start3A_422 : memref<1x1x64xi32, #tpu.memory_space<vmem>> -> memref<64xi32, #tpu.memory_space<vmem>>
      %dma_start3A_424 = arith.constant 0 : i32
      %dma_start3A_425 = arith.constant 0 : i32
      %dma_start3A_426 = tpu.memref_slice %arg14[%dma_start3A_424, %dma_start3A_425] : memref<10240x128xf32, #tpu.memory_space<vmem_shared>> -> memref<10240x128xf32, #tpu.memory_space<vmem_shared>>
      tpu.enqueue_indirect_dma source(%arg10 : memref<64x128xf32, #tpu.memory_space<vmem>>) target(%dma_start3A_426 : memref<10240x128xf32, #tpu.memory_space<vmem_shared>>) offsets(%dma_start3A_423 : memref<64xi32, #tpu.memory_space<vmem>>) semaphore(%arg21 : memref<!tpu.dma_semaphore, #tpu.memory_space<semaphore_mem>>) {add = true}
      %dma_wait3A_427 = arith.constant 10 : i32
      %dma_wait3A_428 = arith.constant 0 : i32
      %dma_wait3A_429 = tpu.memref_slice %arg8[%and3A_52, %dma_wait3A_427, %dma_wait3A_428] : memref<2x16x64xi32, #tpu.memory_space<vmem>> -> memref<1x1x64xi32, #tpu.memory_space<vmem>>
      %dma_wait3A_430 = tpu.memref_squeeze %dma_wait3A_429 : memref<1x1x64xi32, #tpu.memory_space<vmem>> -> memref<64xi32, #tpu.memory_space<vmem>>
      %dma_wait3A_431 = arith.constant 0 : i32
      %dma_wait3A_432 = arith.constant 0 : i32
      %dma_wait3A_433 = tpu.memref_slice %arg14[%dma_wait3A_431, %dma_wait3A_432] : memref<10240x128xf32, #tpu.memory_space<vmem_shared>> -> memref<10240x128xf32, #tpu.memory_space<vmem_shared>>
      tpu.wait_indirect_dma semaphore(%arg20 : memref<!tpu.dma_semaphore, #tpu.memory_space<semaphore_mem>>) src(%arg9 : memref<64x128xf32, #tpu.memory_space<vmem>>) dst(%dma_wait3A_433 : memref<10240x128xf32, #tpu.memory_space<vmem_shared>>)
      %dma_start3A_434 = arith.constant 15 : i32
      %dma_start3A_435 = arith.constant 0 : i32
      %dma_start3A_436 = tpu.memref_slice %arg7[%and3A_52, %dma_start3A_434, %dma_start3A_435] : memref<2x16x64xi32, #tpu.memory_space<vmem>> -> memref<1x1x64xi32, #tpu.memory_space<vmem>>
      %dma_start3A_437 = tpu.memref_squeeze %dma_start3A_436 : memref<1x1x64xi32, #tpu.memory_space<vmem>> -> memref<64xi32, #tpu.memory_space<vmem>>
      %dma_start3A_438 = arith.constant 0 : i32
      %dma_start3A_439 = arith.constant 0 : i32
      %dma_start3A_440 = tpu.memref_slice %arg2[%dma_start3A_438, %dma_start3A_439] : memref<10240x128xf32, #tpu.memory_space<hbm>> -> memref<10240x128xf32, #tpu.memory_space<hbm>>
      tpu.enqueue_indirect_dma source(%dma_start3A_440 : memref<10240x128xf32, #tpu.memory_space<hbm>>) target(%arg9 : memref<64x128xf32, #tpu.memory_space<vmem>>) offsets(%dma_start3A_437 : memref<64xi32, #tpu.memory_space<vmem>>) semaphore(%arg15 : memref<!tpu.dma_semaphore, #tpu.memory_space<semaphore_mem>>)
      %dma_wait3A_441 = arith.constant 12 : i32
      %dma_wait3A_442 = arith.constant 0 : i32
      %dma_wait3A_443 = tpu.memref_slice %arg7[%and3A_52, %dma_wait3A_441, %dma_wait3A_442] : memref<2x16x64xi32, #tpu.memory_space<vmem>> -> memref<1x1x64xi32, #tpu.memory_space<vmem>>
      %dma_wait3A_444 = tpu.memref_squeeze %dma_wait3A_443 : memref<1x1x64xi32, #tpu.memory_space<vmem>> -> memref<64xi32, #tpu.memory_space<vmem>>
      %dma_wait3A_445 = arith.constant 0 : i32
      %dma_wait3A_446 = arith.constant 0 : i32
      %dma_wait3A_447 = tpu.memref_slice %arg2[%dma_wait3A_445, %dma_wait3A_446] : memref<10240x128xf32, #tpu.memory_space<hbm>> -> memref<10240x128xf32, #tpu.memory_space<hbm>>
      tpu.wait_indirect_dma semaphore(%arg17 : memref<!tpu.dma_semaphore, #tpu.memory_space<semaphore_mem>>) src(%dma_wait3A_447 : memref<10240x128xf32, #tpu.memory_space<hbm>>) dst(%arg11 : memref<64x128xf32, #tpu.memory_space<vmem>>)
      %dma_start3A_448 = arith.constant 12 : i32
      %dma_start3A_449 = arith.constant 0 : i32
      %dma_start3A_450 = tpu.memref_slice %arg8[%and3A_52, %dma_start3A_448, %dma_start3A_449] : memref<2x16x64xi32, #tpu.memory_space<vmem>> -> memref<1x1x64xi32, #tpu.memory_space<vmem>>
      %dma_start3A_451 = tpu.memref_squeeze %dma_start3A_450 : memref<1x1x64xi32, #tpu.memory_space<vmem>> -> memref<64xi32, #tpu.memory_space<vmem>>
      %dma_start3A_452 = arith.constant 0 : i32
      %dma_start3A_453 = arith.constant 0 : i32
      %dma_start3A_454 = tpu.memref_slice %arg14[%dma_start3A_452, %dma_start3A_453] : memref<10240x128xf32, #tpu.memory_space<vmem_shared>> -> memref<10240x128xf32, #tpu.memory_space<vmem_shared>>
      tpu.enqueue_indirect_dma source(%arg11 : memref<64x128xf32, #tpu.memory_space<vmem>>) target(%dma_start3A_454 : memref<10240x128xf32, #tpu.memory_space<vmem_shared>>) offsets(%dma_start3A_451 : memref<64xi32, #tpu.memory_space<vmem>>) semaphore(%arg22 : memref<!tpu.dma_semaphore, #tpu.memory_space<semaphore_mem>>) {add = true}
      %dma_wait3A_455 = arith.constant 13 : i32
      %dma_wait3A_456 = arith.constant 0 : i32
      %dma_wait3A_457 = tpu.memref_slice %arg7[%and3A_52, %dma_wait3A_455, %dma_wait3A_456] : memref<2x16x64xi32, #tpu.memory_space<vmem>> -> memref<1x1x64xi32, #tpu.memory_space<vmem>>
      %dma_wait3A_458 = tpu.memref_squeeze %dma_wait3A_457 : memref<1x1x64xi32, #tpu.memory_space<vmem>> -> memref<64xi32, #tpu.memory_space<vmem>>
      %dma_wait3A_459 = arith.constant 0 : i32
      %dma_wait3A_460 = arith.constant 0 : i32
      %dma_wait3A_461 = tpu.memref_slice %arg2[%dma_wait3A_459, %dma_wait3A_460] : memref<10240x128xf32, #tpu.memory_space<hbm>> -> memref<10240x128xf32, #tpu.memory_space<hbm>>
      tpu.wait_indirect_dma semaphore(%arg18 : memref<!tpu.dma_semaphore, #tpu.memory_space<semaphore_mem>>) src(%dma_wait3A_461 : memref<10240x128xf32, #tpu.memory_space<hbm>>) dst(%arg12 : memref<64x128xf32, #tpu.memory_space<vmem>>)
      %dma_start3A_462 = arith.constant 13 : i32
      %dma_start3A_463 = arith.constant 0 : i32
      %dma_start3A_464 = tpu.memref_slice %arg8[%and3A_52, %dma_start3A_462, %dma_start3A_463] : memref<2x16x64xi32, #tpu.memory_space<vmem>> -> memref<1x1x64xi32, #tpu.memory_space<vmem>>
      %dma_start3A_465 = tpu.memref_squeeze %dma_start3A_464 : memref<1x1x64xi32, #tpu.memory_space<vmem>> -> memref<64xi32, #tpu.memory_space<vmem>>
      %dma_start3A_466 = arith.constant 0 : i32
      %dma_start3A_467 = arith.constant 0 : i32
      %dma_start3A_468 = tpu.memref_slice %arg14[%dma_start3A_466, %dma_start3A_467] : memref<10240x128xf32, #tpu.memory_space<vmem_shared>> -> memref<10240x128xf32, #tpu.memory_space<vmem_shared>>
      tpu.enqueue_indirect_dma source(%arg12 : memref<64x128xf32, #tpu.memory_space<vmem>>) target(%dma_start3A_468 : memref<10240x128xf32, #tpu.memory_space<vmem_shared>>) offsets(%dma_start3A_465 : memref<64xi32, #tpu.memory_space<vmem>>) semaphore(%arg23 : memref<!tpu.dma_semaphore, #tpu.memory_space<semaphore_mem>>) {add = true}
      %dma_wait3A_469 = arith.constant 14 : i32
      %dma_wait3A_470 = arith.constant 0 : i32
      %dma_wait3A_471 = tpu.memref_slice %arg7[%and3A_52, %dma_wait3A_469, %dma_wait3A_470] : memref<2x16x64xi32, #tpu.memory_space<vmem>> -> memref<1x1x64xi32, #tpu.memory_space<vmem>>
      %dma_wait3A_472 = tpu.memref_squeeze %dma_wait3A_471 : memref<1x1x64xi32, #tpu.memory_space<vmem>> -> memref<64xi32, #tpu.memory_space<vmem>>
      %dma_wait3A_473 = arith.constant 0 : i32
      %dma_wait3A_474 = arith.constant 0 : i32
      %dma_wait3A_475 = tpu.memref_slice %arg2[%dma_wait3A_473, %dma_wait3A_474] : memref<10240x128xf32, #tpu.memory_space<hbm>> -> memref<10240x128xf32, #tpu.memory_space<hbm>>
      tpu.wait_indirect_dma semaphore(%arg19 : memref<!tpu.dma_semaphore, #tpu.memory_space<semaphore_mem>>) src(%dma_wait3A_475 : memref<10240x128xf32, #tpu.memory_space<hbm>>) dst(%arg13 : memref<64x128xf32, #tpu.memory_space<vmem>>)
      %dma_start3A_476 = arith.constant 14 : i32
      %dma_start3A_477 = arith.constant 0 : i32
      %dma_start3A_478 = tpu.memref_slice %arg8[%and3A_52, %dma_start3A_476, %dma_start3A_477] : memref<2x16x64xi32, #tpu.memory_space<vmem>> -> memref<1x1x64xi32, #tpu.memory_space<vmem>>
      %dma_start3A_479 = tpu.memref_squeeze %dma_start3A_478 : memref<1x1x64xi32, #tpu.memory_space<vmem>> -> memref<64xi32, #tpu.memory_space<vmem>>
      %dma_start3A_480 = arith.constant 0 : i32
      %dma_start3A_481 = arith.constant 0 : i32
      %dma_start3A_482 = tpu.memref_slice %arg14[%dma_start3A_480, %dma_start3A_481] : memref<10240x128xf32, #tpu.memory_space<vmem_shared>> -> memref<10240x128xf32, #tpu.memory_space<vmem_shared>>
      tpu.enqueue_indirect_dma source(%arg13 : memref<64x128xf32, #tpu.memory_space<vmem>>) target(%dma_start3A_482 : memref<10240x128xf32, #tpu.memory_space<vmem_shared>>) offsets(%dma_start3A_479 : memref<64xi32, #tpu.memory_space<vmem>>) semaphore(%arg24 : memref<!tpu.dma_semaphore, #tpu.memory_space<semaphore_mem>>) {add = true}
      %dma_wait3A_483 = arith.constant 15 : i32
      %dma_wait3A_484 = arith.constant 0 : i32
      %dma_wait3A_485 = tpu.memref_slice %arg7[%and3A_52, %dma_wait3A_483, %dma_wait3A_484] : memref<2x16x64xi32, #tpu.memory_space<vmem>> -> memref<1x1x64xi32, #tpu.memory_space<vmem>>
      %dma_wait3A_486 = tpu.memref_squeeze %dma_wait3A_485 : memref<1x1x64xi32, #tpu.memory_space<vmem>> -> memref<64xi32, #tpu.memory_space<vmem>>
      %dma_wait3A_487 = arith.constant 0 : i32
      %dma_wait3A_488 = arith.constant 0 : i32
      %dma_wait3A_489 = tpu.memref_slice %arg2[%dma_wait3A_487, %dma_wait3A_488] : memref<10240x128xf32, #tpu.memory_space<hbm>> -> memref<10240x128xf32, #tpu.memory_space<hbm>>
      tpu.wait_indirect_dma semaphore(%arg15 : memref<!tpu.dma_semaphore, #tpu.memory_space<semaphore_mem>>) src(%dma_wait3A_489 : memref<10240x128xf32, #tpu.memory_space<hbm>>) dst(%arg9 : memref<64x128xf32, #tpu.memory_space<vmem>>)
      %dma_start3A_490 = arith.constant 15 : i32
      %dma_start3A_491 = arith.constant 0 : i32
      %dma_start3A_492 = tpu.memref_slice %arg8[%and3A_52, %dma_start3A_490, %dma_start3A_491] : memref<2x16x64xi32, #tpu.memory_space<vmem>> -> memref<1x1x64xi32, #tpu.memory_space<vmem>>
      %dma_start3A_493 = tpu.memref_squeeze %dma_start3A_492 : memref<1x1x64xi32, #tpu.memory_space<vmem>> -> memref<64xi32, #tpu.memory_space<vmem>>
      %dma_start3A_494 = arith.constant 0 : i32
      %dma_start3A_495 = arith.constant 0 : i32
      %dma_start3A_496 = tpu.memref_slice %arg14[%dma_start3A_494, %dma_start3A_495] : memref<10240x128xf32, #tpu.memory_space<vmem_shared>> -> memref<10240x128xf32, #tpu.memory_space<vmem_shared>>
      tpu.enqueue_indirect_dma source(%arg9 : memref<64x128xf32, #tpu.memory_space<vmem>>) target(%dma_start3A_496 : memref<10240x128xf32, #tpu.memory_space<vmem_shared>>) offsets(%dma_start3A_493 : memref<64xi32, #tpu.memory_space<vmem>>) semaphore(%arg20 : memref<!tpu.dma_semaphore, #tpu.memory_space<semaphore_mem>>) {add = true}
      %add3A_497 = arith.constant 1 : i32
      %add3A_498 = arith.addi %scan3A_51, %add3A_497 : i32
      %lt3A = arith.constant 20 : i32
      %lt3A_499 = arith.cmpi slt, %add3A_498, %lt3A : i32
      %convert_element_type3A = arith.extui %lt3A_499 : i1 to i32
      %cond3A = arith.constant 0 : i32
      %cond3A_500 = arith.cmpi ne, %convert_element_type3A, %cond3A : i32
      scf.if %cond3A_500 {
        %add3A_536 = arith.constant 1 : i32
        %add3A_537 = arith.addi %scan3A_51, %add3A_536 : i32
        %sub3A = arith.constant 1 : i32
        %sub3A_538 = arith.subi %sub3A, %and3A_52 : i32
        %dma_start3A_539 = arith.constant 0 : i32
        %dma_start3A_540 = arith.constant 0 : i32
        %dma_start3A_541 = tpu.memref_slice %arg7[%sub3A_538, %dma_start3A_539, %dma_start3A_540] : memref<2x16x64xi32, #tpu.memory_space<vmem>> -> memref<1x16x64xi32, #tpu.memory_space<vmem>>
        %dma_start3A_542 = tpu.memref_squeeze %dma_start3A_541 : memref<1x16x64xi32, #tpu.memory_space<vmem>> -> memref<16x64xi32, #tpu.memory_space<vmem>>
        %dma_start3A_543 = arith.constant 0 : i32
        %dma_start3A_544 = arith.constant 0 : i32
        %dma_start3A_545 = tpu.memref_slice %arg3[%arg1, %add3A_537, %dma_start3A_543, %dma_start3A_544] : memref<16x20x16x64xi32, #tpu.memory_space<hbm>> -> memref<1x1x16x64xi32, #tpu.memory_space<hbm>>
        %dma_start3A_546 = tpu.memref_squeeze %dma_start3A_545 : memref<1x1x16x64xi32, #tpu.memory_space<hbm>> -> memref<16x64xi32, #tpu.memory_space<hbm>>
        %dma_start3A_547 = arith.constant 0 : i32
        %dma_start3A_548 = arith.constant 0 : i32
        %dma_start3A_549 = tpu.memref_slice %arg7[%sub3A_538, %dma_start3A_547, %dma_start3A_548] : memref<2x16x64xi32, #tpu.memory_space<vmem>> -> memref<1x16x64xi32, #tpu.memory_space<vmem>>
        %dma_start3A_550 = tpu.memref_squeeze %dma_start3A_549 : memref<1x16x64xi32, #tpu.memory_space<vmem>> -> memref<16x64xi32, #tpu.memory_space<vmem>>
        %dma_start3A_551 = arith.constant 0 : i32
        %dma_start3A_552 = arith.constant 0 : i32
        %dma_start3A_553 = tpu.memref_slice %arg3[%arg1, %add3A_537, %dma_start3A_551, %dma_start3A_552] : memref<16x20x16x64xi32, #tpu.memory_space<hbm>> -> memref<1x1x16x64xi32, #tpu.memory_space<hbm>>
        %dma_start3A_554 = tpu.memref_squeeze %dma_start3A_553 : memref<1x1x16x64xi32, #tpu.memory_space<hbm>> -> memref<16x64xi32, #tpu.memory_space<hbm>>
        tpu.enqueue_dma source(%dma_start3A_554 : memref<16x64xi32, #tpu.memory_space<hbm>>) target(%dma_start3A_550 : memref<16x64xi32, #tpu.memory_space<vmem>>) target_semaphore(%arg25 : memref<!tpu.dma_semaphore, #tpu.memory_space<semaphore_mem>>)
        %add3A_555 = arith.constant 1 : i32
        %add3A_556 = arith.addi %scan3A_51, %add3A_555 : i32
        %sub3A_557 = arith.constant 1 : i32
        %sub3A_558 = arith.subi %sub3A_557, %and3A_52 : i32
        %dma_start3A_559 = arith.constant 0 : i32
        %dma_start3A_560 = arith.constant 0 : i32
        %dma_start3A_561 = tpu.memref_slice %arg8[%sub3A_558, %dma_start3A_559, %dma_start3A_560] : memref<2x16x64xi32, #tpu.memory_space<vmem>> -> memref<1x16x64xi32, #tpu.memory_space<vmem>>
        %dma_start3A_562 = tpu.memref_squeeze %dma_start3A_561 : memref<1x16x64xi32, #tpu.memory_space<vmem>> -> memref<16x64xi32, #tpu.memory_space<vmem>>
        %dma_start3A_563 = arith.constant 0 : i32
        %dma_start3A_564 = arith.constant 0 : i32
        %dma_start3A_565 = tpu.memref_slice %arg4[%arg1, %add3A_556, %dma_start3A_563, %dma_start3A_564] : memref<16x20x16x64xi32, #tpu.memory_space<hbm>> -> memref<1x1x16x64xi32, #tpu.memory_space<hbm>>
        %dma_start3A_566 = tpu.memref_squeeze %dma_start3A_565 : memref<1x1x16x64xi32, #tpu.memory_space<hbm>> -> memref<16x64xi32, #tpu.memory_space<hbm>>
        %dma_start3A_567 = arith.constant 0 : i32
        %dma_start3A_568 = arith.constant 0 : i32
        %dma_start3A_569 = tpu.memref_slice %arg8[%sub3A_558, %dma_start3A_567, %dma_start3A_568] : memref<2x16x64xi32, #tpu.memory_space<vmem>> -> memref<1x16x64xi32, #tpu.memory_space<vmem>>
        %dma_start3A_570 = tpu.memref_squeeze %dma_start3A_569 : memref<1x16x64xi32, #tpu.memory_space<vmem>> -> memref<16x64xi32, #tpu.memory_space<vmem>>
        %dma_start3A_571 = arith.constant 0 : i32
        %dma_start3A_572 = arith.constant 0 : i32
        %dma_start3A_573 = tpu.memref_slice %arg4[%arg1, %add3A_556, %dma_start3A_571, %dma_start3A_572] : memref<16x20x16x64xi32, #tpu.memory_space<hbm>> -> memref<1x1x16x64xi32, #tpu.memory_space<hbm>>
        %dma_start3A_574 = tpu.memref_squeeze %dma_start3A_573 : memref<1x1x16x64xi32, #tpu.memory_space<hbm>> -> memref<16x64xi32, #tpu.memory_space<hbm>>
        tpu.enqueue_dma source(%dma_start3A_574 : memref<16x64xi32, #tpu.memory_space<hbm>>) target(%dma_start3A_570 : memref<16x64xi32, #tpu.memory_space<vmem>>) target_semaphore(%arg26 : memref<!tpu.dma_semaphore, #tpu.memory_space<semaphore_mem>>)
      } else {
      }
      %dma_wait3A_501 = arith.constant 11 : i32
      %dma_wait3A_502 = arith.constant 0 : i32
      %dma_wait3A_503 = tpu.memref_slice %arg8[%and3A_52, %dma_wait3A_501, %dma_wait3A_502] : memref<2x16x64xi32, #tpu.memory_space<vmem>> -> memref<1x1x64xi32, #tpu.memory_space<vmem>>
      %dma_wait3A_504 = tpu.memref_squeeze %dma_wait3A_503 : memref<1x1x64xi32, #tpu.memory_space<vmem>> -> memref<64xi32, #tpu.memory_space<vmem>>
      %dma_wait3A_505 = arith.constant 0 : i32
      %dma_wait3A_506 = arith.constant 0 : i32
      %dma_wait3A_507 = tpu.memref_slice %arg14[%dma_wait3A_505, %dma_wait3A_506] : memref<10240x128xf32, #tpu.memory_space<vmem_shared>> -> memref<10240x128xf32, #tpu.memory_space<vmem_shared>>
      tpu.wait_indirect_dma semaphore(%arg21 : memref<!tpu.dma_semaphore, #tpu.memory_space<semaphore_mem>>) src(%arg10 : memref<64x128xf32, #tpu.memory_space<vmem>>) dst(%dma_wait3A_507 : memref<10240x128xf32, #tpu.memory_space<vmem_shared>>)
      %dma_wait3A_508 = arith.constant 12 : i32
      %dma_wait3A_509 = arith.constant 0 : i32
      %dma_wait3A_510 = tpu.memref_slice %arg8[%and3A_52, %dma_wait3A_508, %dma_wait3A_509] : memref<2x16x64xi32, #tpu.memory_space<vmem>> -> memref<1x1x64xi32, #tpu.memory_space<vmem>>
      %dma_wait3A_511 = tpu.memref_squeeze %dma_wait3A_510 : memref<1x1x64xi32, #tpu.memory_space<vmem>> -> memref<64xi32, #tpu.memory_space<vmem>>
      %dma_wait3A_512 = arith.constant 0 : i32
      %dma_wait3A_513 = arith.constant 0 : i32
      %dma_wait3A_514 = tpu.memref_slice %arg14[%dma_wait3A_512, %dma_wait3A_513] : memref<10240x128xf32, #tpu.memory_space<vmem_shared>> -> memref<10240x128xf32, #tpu.memory_space<vmem_shared>>
      tpu.wait_indirect_dma semaphore(%arg22 : memref<!tpu.dma_semaphore, #tpu.memory_space<semaphore_mem>>) src(%arg11 : memref<64x128xf32, #tpu.memory_space<vmem>>) dst(%dma_wait3A_514 : memref<10240x128xf32, #tpu.memory_space<vmem_shared>>)
      %dma_wait3A_515 = arith.constant 13 : i32
      %dma_wait3A_516 = arith.constant 0 : i32
      %dma_wait3A_517 = tpu.memref_slice %arg8[%and3A_52, %dma_wait3A_515, %dma_wait3A_516] : memref<2x16x64xi32, #tpu.memory_space<vmem>> -> memref<1x1x64xi32, #tpu.memory_space<vmem>>
      %dma_wait3A_518 = tpu.memref_squeeze %dma_wait3A_517 : memref<1x1x64xi32, #tpu.memory_space<vmem>> -> memref<64xi32, #tpu.memory_space<vmem>>
      %dma_wait3A_519 = arith.constant 0 : i32
      %dma_wait3A_520 = arith.constant 0 : i32
      %dma_wait3A_521 = tpu.memref_slice %arg14[%dma_wait3A_519, %dma_wait3A_520] : memref<10240x128xf32, #tpu.memory_space<vmem_shared>> -> memref<10240x128xf32, #tpu.memory_space<vmem_shared>>
      tpu.wait_indirect_dma semaphore(%arg23 : memref<!tpu.dma_semaphore, #tpu.memory_space<semaphore_mem>>) src(%arg12 : memref<64x128xf32, #tpu.memory_space<vmem>>) dst(%dma_wait3A_521 : memref<10240x128xf32, #tpu.memory_space<vmem_shared>>)
      %dma_wait3A_522 = arith.constant 14 : i32
      %dma_wait3A_523 = arith.constant 0 : i32
      %dma_wait3A_524 = tpu.memref_slice %arg8[%and3A_52, %dma_wait3A_522, %dma_wait3A_523] : memref<2x16x64xi32, #tpu.memory_space<vmem>> -> memref<1x1x64xi32, #tpu.memory_space<vmem>>
      %dma_wait3A_525 = tpu.memref_squeeze %dma_wait3A_524 : memref<1x1x64xi32, #tpu.memory_space<vmem>> -> memref<64xi32, #tpu.memory_space<vmem>>
      %dma_wait3A_526 = arith.constant 0 : i32
      %dma_wait3A_527 = arith.constant 0 : i32
      %dma_wait3A_528 = tpu.memref_slice %arg14[%dma_wait3A_526, %dma_wait3A_527] : memref<10240x128xf32, #tpu.memory_space<vmem_shared>> -> memref<10240x128xf32, #tpu.memory_space<vmem_shared>>
      tpu.wait_indirect_dma semaphore(%arg24 : memref<!tpu.dma_semaphore, #tpu.memory_space<semaphore_mem>>) src(%arg13 : memref<64x128xf32, #tpu.memory_space<vmem>>) dst(%dma_wait3A_528 : memref<10240x128xf32, #tpu.memory_space<vmem_shared>>)
      %dma_wait3A_529 = arith.constant 15 : i32
      %dma_wait3A_530 = arith.constant 0 : i32
      %dma_wait3A_531 = tpu.memref_slice %arg8[%and3A_52, %dma_wait3A_529, %dma_wait3A_530] : memref<2x16x64xi32, #tpu.memory_space<vmem>> -> memref<1x1x64xi32, #tpu.memory_space<vmem>>
      %dma_wait3A_532 = tpu.memref_squeeze %dma_wait3A_531 : memref<1x1x64xi32, #tpu.memory_space<vmem>> -> memref<64xi32, #tpu.memory_space<vmem>>
      %dma_wait3A_533 = arith.constant 0 : i32
      %dma_wait3A_534 = arith.constant 0 : i32
      %dma_wait3A_535 = tpu.memref_slice %arg14[%dma_wait3A_533, %dma_wait3A_534] : memref<10240x128xf32, #tpu.memory_space<vmem_shared>> -> memref<10240x128xf32, #tpu.memory_space<vmem_shared>>
      tpu.wait_indirect_dma semaphore(%arg20 : memref<!tpu.dma_semaphore, #tpu.memory_space<semaphore_mem>>) src(%arg9 : memref<64x128xf32, #tpu.memory_space<vmem>>) dst(%dma_wait3A_535 : memref<10240x128xf32, #tpu.memory_space<vmem_shared>>)
    }
    %scan3A_49 = arith.constant 20 : i32
    %barrier3A_50 = arith.constant 0 : index
    tpu.barrier barrier_id(%barrier3A_50)
    "tpu.region"() ({
      %run_scoped3A = tpu.sem_alloc : memref<!tpu.dma_semaphore, #tpu.memory_space<semaphore_mem>>
      %dma_start3A_51 = arith.constant 0 : i32
      %dma_start3A_52 = tpu.memref_slice %arg6[%mul3A_0, %dma_start3A_51] : memref<10240x128xf32, #tpu.memory_space<hbm>> -> memref<640x128xf32, #tpu.memory_space<hbm>>
      %dma_start3A_53 = arith.constant 0 : i32
      %dma_start3A_54 = tpu.memref_slice %arg14[%mul3A_0, %dma_start3A_53] : memref<10240x128xf32, #tpu.memory_space<vmem_shared>> -> memref<640x128xf32, #tpu.memory_space<vmem_shared>>
      tpu.enqueue_dma source(%dma_start3A_54 : memref<640x128xf32, #tpu.memory_space<vmem_shared>>) target(%dma_start3A_52 : memref<640x128xf32, #tpu.memory_space<hbm>>) target_semaphore(%run_scoped3A : memref<!tpu.dma_semaphore, #tpu.memory_space<semaphore_mem>>)
      %dma_wait3A = arith.constant 0 : i32
      %dma_wait3A_55 = tpu.memref_slice %arg6[%mul3A_0, %dma_wait3A] : memref<10240x128xf32, #tpu.memory_space<hbm>> -> memref<640x128xf32, #tpu.memory_space<hbm>>
      %dma_wait3A_56 = arith.constant 0 : i32
      %dma_wait3A_57 = tpu.memref_slice %arg14[%mul3A_0, %dma_wait3A_56] : memref<10240x128xf32, #tpu.memory_space<vmem_shared>> -> memref<640x128xf32, #tpu.memory_space<vmem_shared>>
      tpu.wait_dma2 semaphore(%run_scoped3A : memref<!tpu.dma_semaphore, #tpu.memory_space<semaphore_mem>>) src(%dma_wait3A_57 : memref<640x128xf32, #tpu.memory_space<vmem_shared>>) dst(%dma_wait3A_55 : memref<640x128xf32, #tpu.memory_space<hbm>>)
      tpu.yield
    }) : () -> ()
    return
  }
}

module attributes {stable_mosaic.version = 14 : i64} {
  func.func @_in_body(%arg0: i32, %arg1: memref<256x128xf32, #tpu.memory_space<vmem>>, %arg2: memref<128x128xf32, #tpu.memory_space<vmem>>, %arg3: memref<1x128xf32, #tpu.memory_space<vmem>>, %arg4: memref<128x128xf32, #tpu.memory_space<vmem>>, %arg5: memref<1x128xf32, #tpu.memory_space<vmem>>, %arg6: memref<16x256xf32, #tpu.memory_space<vmem>>, %arg7: memref<256x128xf32, #tpu.memory_space<vmem>>, %arg8: memref<256x1xf32, #tpu.memory_space<vmem>>) attributes {dimension_semantics = [#tpu.dimension_semantics<arbitrary>], iteration_bounds = array<i64: 40>, scalar_prefetch = 0 : i64, scratch_operands = 0 : i64, tpu.core_type = #tpu.core_type<tc>, window_params = [{transform_indices = @transform_0, window_bounds = array<i64: 256, 128>}, {pipeline_mode = #tpu.pipeline_mode<synchronous>, transform_indices = @transform_1, window_bounds = array<i64: 128, 128>}, {pipeline_mode = #tpu.pipeline_mode<synchronous>, transform_indices = @transform_2, window_bounds = array<i64: 1, 128>}, {pipeline_mode = #tpu.pipeline_mode<synchronous>, transform_indices = @transform_3, window_bounds = array<i64: 128, 128>}, {pipeline_mode = #tpu.pipeline_mode<synchronous>, transform_indices = @transform_4, window_bounds = array<i64: 1, 128>}, {transform_indices = @transform_5, window_bounds = array<i64: 16, 256>}, {transform_indices = @transform_6, window_bounds = array<i64: 256, 128>}, {transform_indices = @transform_7, window_bounds = array<i64: 256, 1>}]} {
    %get3A = arith.constant 0 : index
    %get3A_0 = arith.constant 0 : index
    %get3A_1 = vector.load %arg1[%get3A, %get3A_0] : memref<256x128xf32, #tpu.memory_space<vmem>>, vector<256x128xf32>
    %get3A_2 = arith.constant 0 : index
    %get3A_3 = arith.constant 0 : index
    %get3A_4 = vector.load %arg2[%get3A_2, %get3A_3] : memref<128x128xf32, #tpu.memory_space<vmem>>, vector<128x128xf32>
    %dot_general3A = arith.constant dense<0.000000e+00> : vector<256x128xf32>
    %dot_general3A_5 = tpu.matmul %get3A_1, %get3A_4, %dot_general3A {dimension_numbers = #tpu.dot_dimension_numbers<[1], [0], [0], [1], [0, 0, 1, 1], [], []>, transpose_lhs_hint = false} : vector<256x128xf32>, vector<128x128xf32>, vector<256x128xf32> -> vector<256x128xf32>
    %get3A_6 = arith.constant 0 : index
    %get3A_7 = arith.constant 0 : index
    %get3A_8 = vector.load %arg3[%get3A_6, %get3A_7] : memref<1x128xf32, #tpu.memory_space<vmem>>, vector<1x128xf32>
    %add3A = vector.broadcast %get3A_8 : vector<1x128xf32> to vector<256x128xf32>
    %add3A_9 = arith.addf %dot_general3A_5, %add3A : vector<256x128xf32>
    %mul3A = arith.mulf %add3A_9, %add3A_9 : vector<256x128xf32>
    %reduce_sum3A = arith.constant dense<0.000000e+00> : vector<256xf32>
    %reduce_sum3A_10 = vector.multi_reduction <add>, %mul3A, %reduce_sum3A [1] : vector<256x128xf32> to vector<256xf32>
    %broadcast_in_dim3A = vector.shape_cast %reduce_sum3A_10 : vector<256xf32> to vector<256x1xf32>
    %sqrt3A = math.sqrt %broadcast_in_dim3A : vector<256x1xf32>
    %gt3A = arith.constant 4.95171881 : f32
    %gt3A_11 = vector.broadcast %gt3A : f32 to vector<256x1xf32>
    %gt3A_12 = arith.cmpf ogt, %sqrt3A, %gt3A_11 : vector<256x1xf32>
    %div3A = arith.constant 4.95171881 : f32
    %div3A_13 = vector.broadcast %div3A : f32 to vector<256x1xf32>
    %div3A_14 = arith.divf %div3A_13, %sqrt3A : vector<256x1xf32>
    %jit3A = arith.constant 1.000000e+00 : f32
    %broadcast_in_dim3A_15 = vector.broadcast %jit3A : f32 to vector<256x1xf32>
    %select_n3A = arith.select %gt3A_12, %div3A_14, %broadcast_in_dim3A_15 : vector<256x1xi1>, vector<256x1xf32>
    %mul3A_16 = vector.broadcast %select_n3A : vector<256x1xf32> to vector<256x128xf32>
    %mul3A_17 = arith.mulf %add3A_9, %mul3A_16 : vector<256x128xf32>
    %get3A_18 = arith.constant 0 : index
    %get3A_19 = arith.constant 0 : index
    %get3A_20 = vector.load %arg4[%get3A_18, %get3A_19] : memref<128x128xf32, #tpu.memory_space<vmem>>, vector<128x128xf32>
    %dot_general3A_21 = arith.constant dense<0.000000e+00> : vector<256x128xf32>
    %dot_general3A_22 = tpu.matmul %mul3A_17, %get3A_20, %dot_general3A_21 {dimension_numbers = #tpu.dot_dimension_numbers<[1], [0], [0], [1], [0, 0, 1, 1], [], []>, transpose_lhs_hint = false} : vector<256x128xf32>, vector<128x128xf32>, vector<256x128xf32> -> vector<256x128xf32>
    %get3A_23 = arith.constant 0 : index
    %get3A_24 = arith.constant 0 : index
    %get3A_25 = vector.load %arg5[%get3A_23, %get3A_24] : memref<1x128xf32, #tpu.memory_space<vmem>>, vector<1x128xf32>
    %add3A_26 = vector.broadcast %get3A_25 : vector<1x128xf32> to vector<256x128xf32>
    %add3A_27 = arith.addf %dot_general3A_22, %add3A_26 : vector<256x128xf32>
    %swap3A = arith.constant 0 : index
    %swap3A_28 = arith.constant 0 : index
    %swap3A_29 = vector.load %arg7[%swap3A, %swap3A_28] : memref<256x128xf32, #tpu.memory_space<vmem>>, vector<256x128xf32>
    tpu.vector_store %arg7[%swap3A, %swap3A_28], %add3A_27 {strides = array<i32>} : memref<256x128xf32, #tpu.memory_space<vmem>>, vector<256x128xf32>,
    %get3A_30 = arith.constant 0 : index
    %get3A_31 = arith.constant 0 : index
    %get3A_32 = vector.load %arg6[%get3A_30, %get3A_31] : memref<16x256xf32, #tpu.memory_space<vmem>>, vector<16x256xf32>
    %reduce_sum3A_33 = arith.constant dense<0.000000e+00> : vector<256xf32>
    %reduce_sum3A_34 = vector.multi_reduction <add>, %get3A_32, %reduce_sum3A_33 [0] : vector<16x256xf32> to vector<256xf32>
    %max3A = arith.constant 1.000000e+00 : f32
    %max3A_35 = vector.broadcast %max3A : f32 to vector<256xf32>
    %max3A_36 = arith.maximumf %reduce_sum3A_34, %max3A_35 : vector<256xf32>
    %broadcast_in_dim3A_37 = vector.shape_cast %max3A_36 : vector<256xf32> to vector<256x1xf32>
    %swap3A_38 = arith.constant 0 : index
    %swap3A_39 = arith.constant 0 : index
    %swap3A_40 = vector.load %arg8[%swap3A_38, %swap3A_39] : memref<256x1xf32, #tpu.memory_space<vmem>>, vector<256x1xf32>
    tpu.vector_store %arg8[%swap3A_38, %swap3A_39], %broadcast_in_dim3A_37 {strides = array<i32>} : memref<256x1xf32, #tpu.memory_space<vmem>>, vector<256x1xf32>,
    return
  }
  func.func @transform_0(%arg0: i32) -> (i32, i32) {
    %c0_i32 = arith.constant 0 : i32
    %c0_i32_0 = arith.constant 0 : i32
    return %arg0, %c0_i32 : i32, i32
  }
  func.func @transform_1(%arg0: i32) -> (i32, i32) {
    %c0_i32 = arith.constant 0 : i32
    %c0_i32_0 = arith.constant 0 : i32
    %c0_i32_1 = arith.constant 0 : i32
    return %c0_i32, %c0_i32_0 : i32, i32
  }
  func.func @transform_2(%arg0: i32) -> (i32, i32) {
    %c0_i32 = arith.constant 0 : i32
    %c0_i32_0 = arith.constant 0 : i32
    %c0_i32_1 = arith.constant 0 : i32
    return %c0_i32, %c0_i32_0 : i32, i32
  }
  func.func @transform_3(%arg0: i32) -> (i32, i32) {
    %c0_i32 = arith.constant 0 : i32
    %c0_i32_0 = arith.constant 0 : i32
    %c0_i32_1 = arith.constant 0 : i32
    return %c0_i32, %c0_i32_0 : i32, i32
  }
  func.func @transform_4(%arg0: i32) -> (i32, i32) {
    %c0_i32 = arith.constant 0 : i32
    %c0_i32_0 = arith.constant 0 : i32
    %c0_i32_1 = arith.constant 0 : i32
    return %c0_i32, %c0_i32_0 : i32, i32
  }
  func.func @transform_5(%arg0: i32) -> (i32, i32) {
    %c0_i32 = arith.constant 0 : i32
    %c0_i32_0 = arith.constant 0 : i32
    return %c0_i32, %arg0 : i32, i32
  }
  func.func @transform_6(%arg0: i32) -> (i32, i32) {
    %c0_i32 = arith.constant 0 : i32
    %c0_i32_0 = arith.constant 0 : i32
    return %arg0, %c0_i32 : i32, i32
  }
  func.func @transform_7(%arg0: i32) -> (i32, i32) {
    %c0_i32 = arith.constant 0 : i32
    %c0_i32_0 = arith.constant 0 : i32
    return %arg0, %c0_i32 : i32, i32
  }
}

module attributes {stable_mosaic.version = 14 : i64} {
  func.func @_layer_body(%arg0: i32, %arg1: memref<256x128xf32, #tpu.memory_space<vmem>>, %arg2: memref<256x1xf32, #tpu.memory_space<vmem>>, %arg3: memref<128x128xf32, #tpu.memory_space<vmem>>, %arg4: memref<1x128xf32, #tpu.memory_space<vmem>>, %arg5: memref<256x128xf32, #tpu.memory_space<vmem>>) attributes {dimension_semantics = [#tpu.dimension_semantics<arbitrary>], iteration_bounds = array<i64: 40>, scalar_prefetch = 0 : i64, scratch_operands = 0 : i64, tpu.core_type = #tpu.core_type<tc>, window_params = [{transform_indices = @transform_0, window_bounds = array<i64: 256, 128>}, {transform_indices = @transform_1, window_bounds = array<i64: 256, 1>}, {pipeline_mode = #tpu.pipeline_mode<synchronous>, transform_indices = @transform_2, window_bounds = array<i64: 128, 128>}, {pipeline_mode = #tpu.pipeline_mode<synchronous>, transform_indices = @transform_3, window_bounds = array<i64: 1, 128>}, {transform_indices = @transform_4, window_bounds = array<i64: 256, 128>}]} {
    %get3A = arith.constant 0 : index
    %get3A_0 = arith.constant 0 : index
    %get3A_1 = vector.load %arg1[%get3A, %get3A_0] : memref<256x128xf32, #tpu.memory_space<vmem>>, vector<256x128xf32>
    %get3A_2 = arith.constant 0 : index
    %get3A_3 = arith.constant 0 : index
    %get3A_4 = vector.load %arg2[%get3A_2, %get3A_3] : memref<256x1xf32, #tpu.memory_space<vmem>>, vector<256x1xf32>
    %div3A = vector.broadcast %get3A_4 : vector<256x1xf32> to vector<256x128xf32>
    %div3A_5 = arith.divf %get3A_1, %div3A : vector<256x128xf32>
    %max3A = arith.constant 0.000000e+00 : f32
    %max3A_6 = vector.broadcast %max3A : f32 to vector<256x128xf32>
    %max3A_7 = arith.maximumf %div3A_5, %max3A_6 : vector<256x128xf32>
    %mul3A = arith.mulf %max3A_7, %max3A_7 : vector<256x128xf32>
    %reduce_sum3A = arith.constant dense<0.000000e+00> : vector<256xf32>
    %reduce_sum3A_8 = vector.multi_reduction <add>, %mul3A, %reduce_sum3A [1] : vector<256x128xf32> to vector<256xf32>
    %broadcast_in_dim3A = vector.shape_cast %reduce_sum3A_8 : vector<256xf32> to vector<256x1xf32>
    %sqrt3A = math.sqrt %broadcast_in_dim3A : vector<256x1xf32>
    %gt3A = arith.constant 4.95171881 : f32
    %gt3A_9 = vector.broadcast %gt3A : f32 to vector<256x1xf32>
    %gt3A_10 = arith.cmpf ogt, %sqrt3A, %gt3A_9 : vector<256x1xf32>
    %div3A_11 = arith.constant 4.95171881 : f32
    %div3A_12 = vector.broadcast %div3A_11 : f32 to vector<256x1xf32>
    %div3A_13 = arith.divf %div3A_12, %sqrt3A : vector<256x1xf32>
    %jit3A = arith.constant 1.000000e+00 : f32
    %broadcast_in_dim3A_14 = vector.broadcast %jit3A : f32 to vector<256x1xf32>
    %select_n3A = arith.select %gt3A_10, %div3A_13, %broadcast_in_dim3A_14 : vector<256x1xi1>, vector<256x1xf32>
    %mul3A_15 = vector.broadcast %select_n3A : vector<256x1xf32> to vector<256x128xf32>
    %mul3A_16 = arith.mulf %max3A_7, %mul3A_15 : vector<256x128xf32>
    %get3A_17 = arith.constant 0 : index
    %get3A_18 = arith.constant 0 : index
    %get3A_19 = vector.load %arg3[%get3A_17, %get3A_18] : memref<128x128xf32, #tpu.memory_space<vmem>>, vector<128x128xf32>
    %dot_general3A = arith.constant dense<0.000000e+00> : vector<256x128xf32>
    %dot_general3A_20 = tpu.matmul %mul3A_16, %get3A_19, %dot_general3A {dimension_numbers = #tpu.dot_dimension_numbers<[1], [0], [0], [1], [0, 0, 1, 1], [], []>, transpose_lhs_hint = false} : vector<256x128xf32>, vector<128x128xf32>, vector<256x128xf32> -> vector<256x128xf32>
    %get3A_21 = arith.constant 0 : index
    %get3A_22 = arith.constant 0 : index
    %get3A_23 = vector.load %arg4[%get3A_21, %get3A_22] : memref<1x128xf32, #tpu.memory_space<vmem>>, vector<1x128xf32>
    %add3A = vector.broadcast %get3A_23 : vector<1x128xf32> to vector<256x128xf32>
    %add3A_24 = arith.addf %dot_general3A_20, %add3A : vector<256x128xf32>
    %swap3A = arith.constant 0 : index
    %swap3A_25 = arith.constant 0 : index
    %swap3A_26 = vector.load %arg5[%swap3A, %swap3A_25] : memref<256x128xf32, #tpu.memory_space<vmem>>, vector<256x128xf32>
    tpu.vector_store %arg5[%swap3A, %swap3A_25], %add3A_24 {strides = array<i32>} : memref<256x128xf32, #tpu.memory_space<vmem>>, vector<256x128xf32>,
    return
  }
  func.func @transform_0(%arg0: i32) -> (i32, i32) {
    %c0_i32 = arith.constant 0 : i32
    %c0_i32_0 = arith.constant 0 : i32
    return %arg0, %c0_i32 : i32, i32
  }
  func.func @transform_1(%arg0: i32) -> (i32, i32) {
    %c0_i32 = arith.constant 0 : i32
    %c0_i32_0 = arith.constant 0 : i32
    return %arg0, %c0_i32 : i32, i32
  }
  func.func @transform_2(%arg0: i32) -> (i32, i32) {
    %c0_i32 = arith.constant 0 : i32
    %c0_i32_0 = arith.constant 0 : i32
    %c0_i32_1 = arith.constant 0 : i32
    return %c0_i32, %c0_i32_0 : i32, i32
  }
  func.func @transform_3(%arg0: i32) -> (i32, i32) {
    %c0_i32 = arith.constant 0 : i32
    %c0_i32_0 = arith.constant 0 : i32
    %c0_i32_1 = arith.constant 0 : i32
    return %c0_i32, %c0_i32_0 : i32, i32
  }
  func.func @transform_4(%arg0: i32) -> (i32, i32) {
    %c0_i32 = arith.constant 0 : i32
    %c0_i32_0 = arith.constant 0 : i32
    return %arg0, %c0_i32 : i32, i32
  }
}

module attributes {stable_mosaic.version = 14 : i64} {
  func.func @_out_body(%arg0: i32, %arg1: memref<256x128xf32, #tpu.memory_space<vmem>>, %arg2: memref<256x1xf32, #tpu.memory_space<vmem>>, %arg3: memref<256x1xi32, #tpu.memory_space<vmem>>, %arg4: memref<128x1xf32, #tpu.memory_space<vmem>>, %arg5: memref<1x1xf32, #tpu.memory_space<vmem>>, %arg6: memref<64x1xf32, #tpu.memory_space<vmem>>, %arg7: memref<128x128xf32, #tpu.memory_space<vmem>>, %arg8: memref<128x128xf32, #tpu.memory_space<vmem>>) attributes {dimension_semantics = [#tpu.dimension_semantics<arbitrary>], iteration_bounds = array<i64: 40>, scalar_prefetch = 0 : i64, scratch_operands = 2 : i64, tpu.core_type = #tpu.core_type<tc>, window_params = [{transform_indices = @transform_0, window_bounds = array<i64: 256, 128>}, {transform_indices = @transform_1, window_bounds = array<i64: 256, 1>}, {transform_indices = @transform_2, window_bounds = array<i64: 256, 1>}, {pipeline_mode = #tpu.pipeline_mode<synchronous>, transform_indices = @transform_3, window_bounds = array<i64: 128, 1>}, {pipeline_mode = #tpu.pipeline_mode<synchronous>, transform_indices = @transform_4, window_bounds = array<i64: 1, 1>}, {pipeline_mode = #tpu.pipeline_mode<synchronous>, transform_indices = @transform_5, window_bounds = array<i64: 64, 1>}]} {
    %eq3A = arith.constant 0 : i32
    %eq3A_0 = arith.cmpi eq, %arg0, %eq3A : i32
    %convert_element_type3A = arith.extui %eq3A_0 : i1 to i32
    %cond3A = arith.constant 0 : i32
    %cond3A_1 = arith.cmpi ne, %convert_element_type3A, %cond3A : i32
    scf.if %cond3A_1 {
      %broadcast_in_dim3A_48 = arith.constant 0.000000e+00 : f32
      %broadcast_in_dim3A_49 = vector.broadcast %broadcast_in_dim3A_48 : f32 to vector<128x128xf32>
      %swap3A_50 = arith.constant 0 : index
      %swap3A_51 = arith.constant 0 : index
      %swap3A_52 = vector.load %arg7[%swap3A_50, %swap3A_51] : memref<128x128xf32, #tpu.memory_space<vmem>>, vector<128x128xf32>
      tpu.vector_store %arg7[%swap3A_50, %swap3A_51], %broadcast_in_dim3A_49 {strides = array<i32>} : memref<128x128xf32, #tpu.memory_space<vmem>>, vector<128x128xf32>,
      %broadcast_in_dim3A_53 = arith.constant 0.000000e+00 : f32
      %broadcast_in_dim3A_54 = vector.broadcast %broadcast_in_dim3A_53 : f32 to vector<128x128xf32>
      %swap3A_55 = arith.constant 0 : index
      %swap3A_56 = arith.constant 0 : index
      %swap3A_57 = vector.load %arg8[%swap3A_55, %swap3A_56] : memref<128x128xf32, #tpu.memory_space<vmem>>, vector<128x128xf32>
      tpu.vector_store %arg8[%swap3A_55, %swap3A_56], %broadcast_in_dim3A_54 {strides = array<i32>} : memref<128x128xf32, #tpu.memory_space<vmem>>, vector<128x128xf32>,
    } else {
    }
    %get3A = arith.constant 0 : index
    %get3A_2 = arith.constant 0 : index
    %get3A_3 = vector.load %arg1[%get3A, %get3A_2] : memref<256x128xf32, #tpu.memory_space<vmem>>, vector<256x128xf32>
    %get3A_4 = arith.constant 0 : index
    %get3A_5 = arith.constant 0 : index
    %get3A_6 = vector.load %arg2[%get3A_4, %get3A_5] : memref<256x1xf32, #tpu.memory_space<vmem>>, vector<256x1xf32>
    %div3A = vector.broadcast %get3A_6 : vector<256x1xf32> to vector<256x128xf32>
    %div3A_7 = arith.divf %get3A_3, %div3A : vector<256x128xf32>
    %max3A = arith.constant 0.000000e+00 : f32
    %max3A_8 = vector.broadcast %max3A : f32 to vector<256x128xf32>
    %max3A_9 = arith.maximumf %div3A_7, %max3A_8 : vector<256x128xf32>
    %mul3A = arith.mulf %max3A_9, %max3A_9 : vector<256x128xf32>
    %reduce_sum3A = arith.constant dense<0.000000e+00> : vector<256xf32>
    %reduce_sum3A_10 = vector.multi_reduction <add>, %mul3A, %reduce_sum3A [1] : vector<256x128xf32> to vector<256xf32>
    %broadcast_in_dim3A = vector.shape_cast %reduce_sum3A_10 : vector<256xf32> to vector<256x1xf32>
    %sqrt3A = math.sqrt %broadcast_in_dim3A : vector<256x1xf32>
    %gt3A = arith.constant 4.95171881 : f32
    %gt3A_11 = vector.broadcast %gt3A : f32 to vector<256x1xf32>
    %gt3A_12 = arith.cmpf ogt, %sqrt3A, %gt3A_11 : vector<256x1xf32>
    %div3A_13 = arith.constant 4.95171881 : f32
    %div3A_14 = vector.broadcast %div3A_13 : f32 to vector<256x1xf32>
    %div3A_15 = arith.divf %div3A_14, %sqrt3A : vector<256x1xf32>
    %jit3A = arith.constant 1.000000e+00 : f32
    %broadcast_in_dim3A_16 = vector.broadcast %jit3A : f32 to vector<256x1xf32>
    %select_n3A = arith.select %gt3A_12, %div3A_15, %broadcast_in_dim3A_16 : vector<256x1xi1>, vector<256x1xf32>
    %mul3A_17 = vector.broadcast %select_n3A : vector<256x1xf32> to vector<256x128xf32>
    %mul3A_18 = arith.mulf %max3A_9, %mul3A_17 : vector<256x128xf32>
    %iota3A = tpu.iota {dimensions = array<i32: 1>} : vector<256x128xi32>
    %get3A_19 = arith.constant 0 : index
    %get3A_20 = arith.constant 0 : index
    %get3A_21 = vector.load %arg3[%get3A_19, %get3A_20] : memref<256x1xi32, #tpu.memory_space<vmem>>, vector<256x1xi32>
    %eq3A_22 = vector.broadcast %get3A_21 : vector<256x1xi32> to vector<256x128xi32>
    %eq3A_23 = arith.cmpi eq, %eq3A_22, %iota3A : vector<256x128xi32>
    %convert_element_type3A_24 = arith.extui %eq3A_23 : vector<256x128xi1> to vector<256x128xi32>
    %convert_element_type3A_25 = arith.sitofp %convert_element_type3A_24 : vector<256x128xi32> to vector<256x128xf32>
    %get3A_26 = arith.constant 0 : index
    %get3A_27 = arith.constant 0 : index
    %get3A_28 = vector.load %arg7[%get3A_26, %get3A_27] : memref<128x128xf32, #tpu.memory_space<vmem>>, vector<128x128xf32>
    %dot_general3A = arith.constant dense<0.000000e+00> : vector<128x128xf32>
    %dot_general3A_29 = tpu.matmul %convert_element_type3A_25, %mul3A_18, %dot_general3A {dimension_numbers = #tpu.dot_dimension_numbers<[0], [0], [1], [1], [0, 1, 1, 1], [], []>, transpose_lhs_hint = false} : vector<256x128xf32>, vector<256x128xf32>, vector<128x128xf32> -> vector<128x128xf32>
    %add3A = arith.addf %get3A_28, %dot_general3A_29 : vector<128x128xf32>
    %swap3A = arith.constant 0 : index
    %swap3A_30 = arith.constant 0 : index
    %swap3A_31 = vector.load %arg7[%swap3A, %swap3A_30] : memref<128x128xf32, #tpu.memory_space<vmem>>, vector<128x128xf32>
    tpu.vector_store %arg7[%swap3A, %swap3A_30], %add3A {strides = array<i32>} : memref<128x128xf32, #tpu.memory_space<vmem>>, vector<128x128xf32>,
    %get3A_32 = arith.constant 0 : index
    %get3A_33 = arith.constant 0 : index
    %get3A_34 = vector.load %arg8[%get3A_32, %get3A_33] : memref<128x128xf32, #tpu.memory_space<vmem>>, vector<128x128xf32>
    %broadcast_in_dim3A_35 = arith.constant 1.000000e+00 : f32
    %broadcast_in_dim3A_36 = vector.broadcast %broadcast_in_dim3A_35 : f32 to vector<256x128xf32>
    %dot_general3A_37 = arith.constant dense<0.000000e+00> : vector<128x128xf32>
    %dot_general3A_38 = tpu.matmul %convert_element_type3A_25, %broadcast_in_dim3A_36, %dot_general3A_37 {dimension_numbers = #tpu.dot_dimension_numbers<[0], [0], [1], [1], [0, 1, 1, 1], [], []>, transpose_lhs_hint = false} : vector<256x128xf32>, vector<256x128xf32>, vector<128x128xf32> -> vector<128x128xf32>
    %add3A_39 = arith.addf %get3A_34, %dot_general3A_38 : vector<128x128xf32>
    %swap3A_40 = arith.constant 0 : index
    %swap3A_41 = arith.constant 0 : index
    %swap3A_42 = vector.load %arg8[%swap3A_40, %swap3A_41] : memref<128x128xf32, #tpu.memory_space<vmem>>, vector<128x128xf32>
    tpu.vector_store %arg8[%swap3A_40, %swap3A_41], %add3A_39 {strides = array<i32>} : memref<128x128xf32, #tpu.memory_space<vmem>>, vector<128x128xf32>,
    %eq3A_43 = arith.constant 39 : i32
    %eq3A_44 = arith.cmpi eq, %arg0, %eq3A_43 : i32
    %convert_element_type3A_45 = arith.extui %eq3A_44 : i1 to i32
    %cond3A_46 = arith.constant 0 : i32
    %cond3A_47 = arith.cmpi ne, %convert_element_type3A_45, %cond3A_46 : i32
    scf.if %cond3A_47 {
      %get3A_48 = arith.constant 0 : index
      %get3A_49 = arith.constant 0 : index
      %get3A_50 = vector.load %arg7[%get3A_48, %get3A_49] : memref<128x128xf32, #tpu.memory_space<vmem>>, vector<128x128xf32>
      %get3A_51 = arith.constant 0 : index
      %get3A_52 = arith.constant 0 : index
      %get3A_53 = vector.load %arg8[%get3A_51, %get3A_52] : memref<128x128xf32, #tpu.memory_space<vmem>>, vector<128x128xf32>
      %max3A_54 = arith.constant 1.000000e+00 : f32
      %max3A_55 = vector.broadcast %max3A_54 : f32 to vector<128x128xf32>
      %max3A_56 = arith.maximumf %get3A_53, %max3A_55 : vector<128x128xf32>
      %div3A_57 = arith.divf %get3A_50, %max3A_56 : vector<128x128xf32>
      %mul3A_58 = arith.mulf %div3A_57, %div3A_57 : vector<128x128xf32>
      %reduce_sum3A_59 = arith.constant dense<0.000000e+00> : vector<128xf32>
      %reduce_sum3A_60 = vector.multi_reduction <add>, %mul3A_58, %reduce_sum3A_59 [1] : vector<128x128xf32> to vector<128xf32>
      %broadcast_in_dim3A_61 = vector.shape_cast %reduce_sum3A_60 : vector<128xf32> to vector<128x1xf32>
      %sqrt3A_62 = math.sqrt %broadcast_in_dim3A_61 : vector<128x1xf32>
      %gt3A_63 = arith.constant 4.95171881 : f32
      %gt3A_64 = vector.broadcast %gt3A_63 : f32 to vector<128x1xf32>
      %gt3A_65 = arith.cmpf ogt, %sqrt3A_62, %gt3A_64 : vector<128x1xf32>
      %div3A_66 = arith.constant 4.95171881 : f32
      %div3A_67 = vector.broadcast %div3A_66 : f32 to vector<128x1xf32>
      %div3A_68 = arith.divf %div3A_67, %sqrt3A_62 : vector<128x1xf32>
      %jit3A_69 = arith.constant 1.000000e+00 : f32
      %broadcast_in_dim3A_70 = vector.broadcast %jit3A_69 : f32 to vector<128x1xf32>
      %select_n3A_71 = arith.select %gt3A_65, %div3A_68, %broadcast_in_dim3A_70 : vector<128x1xi1>, vector<128x1xf32>
      %mul3A_72 = vector.broadcast %select_n3A_71 : vector<128x1xf32> to vector<128x128xf32>
      %mul3A_73 = arith.mulf %div3A_57, %mul3A_72 : vector<128x128xf32>
      %get3A_74 = arith.constant 0 : index
      %get3A_75 = arith.constant 0 : index
      %get3A_76 = vector.load %arg4[%get3A_74, %get3A_75] : memref<128x1xf32, #tpu.memory_space<vmem>>, vector<128x1xf32>
      %dot_general3A_77 = arith.constant dense<0.000000e+00> : vector<128x1xf32>
      %dot_general3A_78 = tpu.matmul %mul3A_73, %get3A_76, %dot_general3A_77 {dimension_numbers = #tpu.dot_dimension_numbers<[1], [0], [0], [1], [0, 0, 1, 1], [], []>, transpose_lhs_hint = false} : vector<128x128xf32>, vector<128x1xf32>, vector<128x1xf32> -> vector<128x1xf32>
      %get3A_79 = arith.constant 0 : index
      %get3A_80 = arith.constant 0 : index
      %get3A_81 = vector.load %arg5[%get3A_79, %get3A_80] : memref<1x1xf32, #tpu.memory_space<vmem>>, vector<1x1xf32>
      %add3A_82 = vector.broadcast %get3A_81 : vector<1x1xf32> to vector<128x1xf32>
      %add3A_83 = arith.addf %dot_general3A_78, %add3A_82 : vector<128x1xf32>
      %slice3A = vector.extract_strided_slice %add3A_83 {offsets = [0, 0], sizes = [64, 1], strides = [1, 1]} : vector<128x1xf32> to vector<64x1xf32>
      %logistic3A = arith.negf %slice3A : vector<64x1xf32>
      %logistic3A_84 = math.exp %logistic3A : vector<64x1xf32>
      %logistic3A_85 = arith.constant 1.000000e+00 : f32
      %logistic3A_86 = vector.broadcast %logistic3A_85 : f32 to vector<64x1xf32>
      %logistic3A_87 = arith.addf %logistic3A_86, %logistic3A_84 : vector<64x1xf32>
      %logistic3A_88 = arith.divf %logistic3A_86, %logistic3A_87 : vector<64x1xf32>
      %swap3A_89 = arith.constant 0 : index
      %swap3A_90 = arith.constant 0 : index
      %swap3A_91 = vector.load %arg6[%swap3A_89, %swap3A_90] : memref<64x1xf32, #tpu.memory_space<vmem>>, vector<64x1xf32>
      tpu.vector_store %arg6[%swap3A_89, %swap3A_90], %logistic3A_88 {strides = array<i32>} : memref<64x1xf32, #tpu.memory_space<vmem>>, vector<64x1xf32>,
    } else {
    }
    return
  }
  func.func @transform_0(%arg0: i32) -> (i32, i32) {
    %c0_i32 = arith.constant 0 : i32
    %c0_i32_0 = arith.constant 0 : i32
    return %arg0, %c0_i32 : i32, i32
  }
  func.func @transform_1(%arg0: i32) -> (i32, i32) {
    %c0_i32 = arith.constant 0 : i32
    %c0_i32_0 = arith.constant 0 : i32
    return %arg0, %c0_i32 : i32, i32
  }
  func.func @transform_2(%arg0: i32) -> (i32, i32) {
    %c0_i32 = arith.constant 0 : i32
    %c0_i32_0 = arith.constant 0 : i32
    return %arg0, %c0_i32 : i32, i32
  }
  func.func @transform_3(%arg0: i32) -> (i32, i32) {
    %c0_i32 = arith.constant 0 : i32
    %c0_i32_0 = arith.constant 0 : i32
    %c0_i32_1 = arith.constant 0 : i32
    return %c0_i32, %c0_i32_0 : i32, i32
  }
  func.func @transform_4(%arg0: i32) -> (i32, i32) {
    %c0_i32 = arith.constant 0 : i32
    %c0_i32_0 = arith.constant 0 : i32
    %c0_i32_1 = arith.constant 0 : i32
    return %c0_i32, %c0_i32_0 : i32, i32
  }
  func.func @transform_5(%arg0: i32) -> (i32, i32) {
    %c0_i32 = arith.constant 0 : i32
    %c0_i32_0 = arith.constant 0 : i32
    %c0_i32_1 = arith.constant 0 : i32
    return %c0_i32, %c0_i32_0 : i32, i32
  }
}

</mosaic_0001>

<sc_bundles>
// kernel: kernel.11.cloned.1.call-start
scs
__scs_entry_jumppad:
0x0: {  	(pc) =	sbr.rel $0x88, $3  }
0x1: {  	(tag) =	ssettag $0x0;
	lr =	simm.s32 $0x1  }
0x2: {  	[smem:$0x3F94] =	sst lr;
	_ =	strace $0xD0000000  }
0x3: {  	_ = 	snop  }
0x4: {  	_ = 	snop  }
0x5: {  	_ = 	snop  }
0x6: {  	_ = 	snop  }
0x7: {  	_ = 	snop  }
__scs_overlays_trampoline_lowered:
0x8: {  	[smem:$0x3FA3] =	sst s0  }
0x9: {  	[smem:$0x3FA4] =	sst s1  }
0xa: {  	[smem:$0x3FA5] =	sst s2  }
0xb: {  	[smem:$0x3FA6] =	sst s3  }
0xc: {  	[smem:$0x3FA7] =	sst s4  }
0xd: {  	[smem:$0x3FA8] =	sst s5  }
0xe: {  	[smem:$0x3FA9] =	sst s6  }
0xf: {  	[smem:$0x3FAA] =	sst s7  }
0x10: {  	[smem:$0x3FAB] =	sst s8  }
0x11: {  	[smem:$0x3FAC] =	sst s9;
	s0 =	simm.s32 @!p0 $0x0  }
0x12: {  	s1 =	sld [smem:$0x3F92];
	s0 =	simm.s32 @p0 $0x1  }
0x13: {  	[smem:$0x3FAD] =	sst s0;
	s0 =	simm.s32 @!p1 $0x0  }
0x14: {  	s2 =	sld [smem:$0x3F91];
	s0 =	simm.s32 @p1 $0x1  }
0x15: {  	[smem:$0x3FAE] =	sst s0;
	s0 =	simm.s32 @!p2 $0x0  }
0x16: {  	s3 =	sld [smem:$0x3FDB];
	s0 =	simm.s32 @p2 $0x1  }
0x17: {  	s4 =	simm.s32 $0x1BF5;
	[smem:$0x3FB0] =	sst s0  }
0x18: {  	s0 =	sld [smem:$0x3F93];
	_ =	swait.ge [sflag:s4], $0x0  }
0x19: {  	s7 =	sld [smem:$0x3F94]  }
0x1a: {  	s8 =	sadd.s32 $0xFFFFE003, lr  }
0x1b: {  	s9 =	sadd.s32 $0xFFFFFEF7, lr;
	s5 =	simm.s32 $0xFFFFFFFF;
	p2 =	slt.u32 s8, $0xFFFFF086  }
0x1c: {  	p1 =	slt.u32 s9, $0xF7A;
	s5 =	simm.s32 @!p2 $0x0  }
0x1d: {  	s5 =	simm.s32 @p1 $0x1;
	p0 =	seq.s32 s7, s2  }
0x1e: {  	s7 =	smul.u32 @!p0 $0xF7A, s2;
	p2 =	seq.s32 @!p0 s5, $0x0  }
0x1f: {  	s9 =	smul.u32 $0xF7A, s1;
	s8 =	simm.s32 @!p0 $0x1BF5;
	p2 =	por !p2, p0  }
0x20: {  	[sflag:s8] =	ssyncset.s32 @!p0 $0xFFFFF086;
	s6 =	sadd.s32 @!p0 s3, s7;
	s7 =	simm.s32 @!p0 $0x108  }
0x21: {  	s3 =	sadd.s32 s3, s9;
	s6 =	sadd.s32 @!p0 $0x88, s6;
	s7 =	simm.s32 @p2 $0x1082  }
0x22: {  	[simem:s7], [sflag:s8] =	dma.local @!p0 [hbm:s6], $0xF7A  }
0x23: {  	s9 =	sor.u32 $0xD0000000, s2;
	s6 =	simm.s32 $0x108;
	_ =	swait.ge @!p0 [sflag:s8], $0x0  }
0x24: {  	s3 =	sadd.s32 $0x88, s3;
	s6 =	simm.s32 @!p1 $0x1082;
	[sflag:s4] =	ssyncset.s32 $0xFFFFF086  }
0x25: {  	[simem:s6], [sflag:s4] =	dma.local [hbm:s3], $0xF7A  }
0x26: {  	[smem:$0x3F94] =	sst s1;
	(tag) =	ssettag s2;
	_ =	strace s9  }
0x27: {  	s1 =	sld [smem:$0x3FA4]  }
0x28: {  	s2 =	sld [smem:$0x3FA5]  }
0x29: {  	s4 =	sld [smem:$0x3FA7]  }
0x2a: {  	p0 =	seq.s32 s5, $0x0;
	s5 =	sld [smem:$0x3FA8]  }
0x2b: {  	s6 =	sld [smem:$0x3FA9]  }
0x2c: {  	s7 =	sld [smem:$0x3FAA]  }
0x2d: {  	s3 =	simm.s32 $0x108;
	s8 =	sld [smem:$0x3FAB]  }
0x2e: {  	s3 =	simm.s32 @!p0 $0x1082;
	s9 =	sld [smem:$0x3FAC]  }
0x2f: {  	lr =	sadd.s32 s0, s3;
	s0 =	sld [smem:$0x3FA3]  }
0x30: {  	s3 =	sld [smem:$0x3FA6]  }
0x31: {  	[smem:$0x3FAF] =	sst s10  }
0x32: {  	s10 =	sld [smem:$0x3FAD];
	_ =	sdelay $0x3  }
0x33: {  	p0 =	seq.s32 s10, $0x1;
	s10 =	sld [smem:$0x3FAF];
	_ =	sdelay $0x3  }
0x34: {  	[smem:$0x3FAF] =	sst s10  }
0x35: {  	s10 =	sld [smem:$0x3FAE];
	_ =	sdelay $0x3  }
0x36: {  	p1 =	seq.s32 s10, $0x1;
	s10 =	sld [smem:$0x3FAF];
	_ =	sdelay $0x3  }
0x37: {  	[smem:$0x3FAF] =	sst s10  }
0x38: {  	s10 =	sld [smem:$0x3FB0]  }
0x39: {  	_ = 	snop;
	(pc) =	sbr.ind lr, $3  }
0x3a: {  	_ = 	snop  }
0x3b: {  	_ = 	snop  }
0x3c: {  	p2 =	seq.s32 s10, $0x1;
	s10 =	sld [smem:$0x3FAF]  }
0x3d: {  	_ =	shalt  }
0x3e: {  	_ =	shalt  }
0x3f: {  	_ =	shalt  }
0x40: {  	_ =	shalt  }
0x41: {  	_ =	shalt  }
0x42: {  	_ =	shalt  }
0x43: {  	_ =	shalt  }
0x44: {  	_ =	shalt  }
0x45: {  	_ =	shalt  }
0x46: {  	_ =	shalt  }
0x47: {  	_ =	shalt  }
0x48: {  	_ =	shalt  }
0x49: {  	_ =	shalt  }
0x4a: {  	_ =	shalt  }
0x4b: {  	_ =	shalt  }
0x4c: {  	_ =	shalt  }
0x4d: {  	_ =	shalt  }
0x4e: {  	_ =	shalt  }
0x4f: {  	_ =	shalt  }
0x50: {  	_ =	shalt  }
0x51: {  	_ =	shalt  }
0x52: {  	_ =	shalt  }
0x53: {  	_ =	shalt  }
0x54: {  	_ =	shalt  }
0x55: {  	_ =	shalt  }
0x56: {  	_ =	shalt  }
0x57: {  	_ =	shalt  }
0x58: {  	_ =	shalt  }
0x59: {  	_ =	shalt  }
0x5a: {  	_ =	shalt  }
0x5b: {  	_ =	shalt  }
0x5c: {  	_ =	shalt  }
0x5d: {  	_ =	shalt  }
0x5e: {  	_ =	shalt  }
0x5f: {  	_ =	shalt  }
0x60: {  	_ =	shalt  }
0x61: {  	_ =	shalt  }
0x62: {  	_ =	shalt  }
0x63: {  	_ =	shalt  }
0x64: {  	_ =	shalt  }
0x65: {  	_ =	shalt  }
0x66: {  	_ =	shalt  }
0x67: {  	_ =	shalt  }
0x68: {  	_ =	shalt  }
0x69: {  	_ =	shalt  }
0x6a: {  	_ =	shalt  }
0x6b: {  	_ =	shalt  }
0x6c: {  	_ =	shalt  }
0x6d: {  	_ =	shalt  }
0x6e: {  	_ =	shalt  }
0x6f: {  	_ =	shalt  }
0x70: {  	_ =	shalt  }
0x71: {  	_ =	shalt  }
0x72: {  	_ =	shalt  }
0x73: {  	_ =	shalt  }
0x74: {  	_ =	shalt  }
0x75: {  	_ =	shalt  }
0x76: {  	_ =	shalt  }
0x77: {  	_ =	shalt  }
0x78: {  	_ =	shalt  }
0x79: {  	_ =	shalt  }
0x7a: {  	_ =	shalt  }
0x7b: {  	_ =	shalt  }
0x7c: {  	_ =	shalt  }
0x7d: {  	_ =	shalt  }
0x7e: {  	_ =	shalt  }
0x7f: {  	_ =	shalt  }
0x80: {  	_ =	shalt  }
0x81: {  	_ =	shalt  }
0x82: {  	_ =	shalt  }
0x83: {  	_ =	shalt  }
0x84: {  	_ =	shalt  }
0x85: {  	_ =	shalt  }
0x86: {  	_ =	shalt  }
0x87: {  	_ =	shalt  }
.Lfunc_end0:
.L_simem_size_0:
called_computation_lowered:
.L_overlay_start_0:
0x88: {  	s0 =	sld [smem:$0x3FD9]  }
0x89: {  	s1 =	sld [smem:$0x3FFE];
	_ =	sdelay $0x3  }
0x8a: {  	s0 =	sadd.s32 s1, s0  }
0x8b: {  	[smem:$0x3FBB] =	sst s0  }
0x8c: {  	_ = 	snop  }
0x8d: {  	(tm) =	ssettm $0x1  }
0x8e: {  	s15 =	sld [smem:$0x3FFB];
	_ =	sdelay $0x3  }
0x8f: {  	_ =	strace s15  }
0x90: {  	s0 =	sld [smem:$0x3FFC];
	_ =	sdelay $0x3  }
0x91: {  	_ =	strace s0  }
0x92: {  	s0 =	sld [smem:$0x3FFD];
	_ =	sdelay $0x3  }
0x93: {  	_ =	strace s0  }
0x94: {  	_ =	strace $0x8FFFFFFF  }
0x95: {  	s16 =	sld [smem:$0x3FDB];
	_ =	sdelay $0x1  }
0x96: {  	s17 =	simm.s32 $_scs_section_size  }
0x97: {  	s2 =	simm.s32 $_size__tile_overlayer_lowered;
	s3 =	simm.s32 $_tile_overlayer_lowered  }
0x98: {  	s20 =	simm.s32 $0x1BFF;
	s19 =	sshll.u32 s3, $0x1;
	s0 =	sadd.s32 s17, s16  }
0x99: {  	s4 =	simm.s32 $0x0;
	s18 =	sshll.u32 s2, $0x1;
	s2 =	sadd.s32 s19, s0  }
0x9a: {  	[timem:s4], [sflag:s20] =	dma.local [hbm:s2], s18  }
0x9b: {  	_ =	swait.ge [sflag:s20], s18  }
0x9c: {  	s1 =	ssub.s32 $0x0, s18;
	[sflag:s20] =	ssyncset.done $0x0  }
0x9d: {  	[sflag:s20] =	ssyncadd.s32 s1;
	_ =	sdelay $0x1  }
0x9e: {  	s21 =	simm.s32 $0x1B8B  }
0x9f: {  	_ =	swait.ge [sflag:s21], $0x1  }
0xa0: {  	[sflag:s21] =	ssyncset.done $0x0  }
0xa1: {  	s23 =	simm.s32 $0x1B8E;
	s22 =	sld [smem:$0x3FFE];
	[sflag:s21] =	ssyncadd.s32 $0xFFFFFFFF  }
0xa2: {  	s24 =	simm.s32 $execute0_lowered;
	[smem:$0x3FD2] =	sst s23  }
0xa3: {  	s2 =	sshll.u32 s24, $0x1;
	_ =	strace $0x80000046;
	[dreg:$0x1] =	wrdreg $0xFFFFFFFF  }
0xa4: {  	s25 =	simm.s32 $_size_execute0_lowered;
	s0 =	sadd.s32 s0, s2;
	[dreg:$0x0] =	wrdreg $0x0  }
0xa5: {  	s2 =	sshll.u32 s25, $0x1;
	[dreg:$0x2] =	wrdreg s0  }
0xa6: {  	[dreg:$0x3] =	wrdreg s2  }
0xa7: {  	[dreg:$0x4] =	wrdreg $0xC0  }
0xa8: {  	_ =	task [dreg:s4], $0x5FFFF  }
0xa9: {  	[dreg:$0x1] =	wrdreg $0xFFFFFFFF  }
0xaa: {  	[dreg:$0x0] =	wrdreg $0x60  }
0xab: {  	[dreg:$0x2] =	wrdreg s22  }
0xac: {  	[dreg:$0x3] =	wrdreg $0x9  }
0xad: {  	_ =	task.clear_ibuf [dreg:s4], $0x4FFFF;
	_ =	strace $0x90000046  }
0xae: {  	s26 =	simm.s32 $0x9;
	_ =	strace $0x80000048  }
0xaf: {  	_ =	swait.ge [sflag:s26], $0x1  }
0xb0: {  	[sflag:s26] =	ssyncadd.s32 $0xFFFFFFFF  }
0xb1: {  	_ =	strace $0x90000048  }
0xb2: {  	_ =	sfence  }
0xb3: {  	s28 =	sld [smem:$0x0];
	_ =	sdelay $0x1  }
0xb4: {  	s29 =	srdreg.scid  }
0xb5: {  	s30 =	sshll.u32 s29, $0xD;
	s31 =	sshrl.u32 s29, $0x2  }
0xb6: {  	s1 =	sand.u32 $0x1, s29;
	s2 =	sand.u32 $0x4000, s30;
	s0 =	sadd.s32 s31, s28  }
0xb7: {  	s1 =	sor.u32 s2, s1;
	s0 =	sshll.u32 s0, $0x11  }
0xb8: {  	s0 =	sor.u32 s0, s1  }
0xb9: {  	s0 =	sadd.s32 $0x8F2B, s0  }
0xba: {  	[sflag:s0] =	ssyncadd.remote.s32 $0x1  }
0xbb: {  	_ =	sfence.sel $0xFFFF  }
0xbc: {  	[dreg:$0x0] =	wrdreg $0xFFFFFFFF;
	(pc) =	sbr.abs _section_cstart, $3  }
0xbd: {  	[dreg:$0x1] =	wrdreg $0xFFFFFFFF  }
0xbe: {  	_ =	task.clear_ibuf [dreg:s4], $0x2FFFF;
	_ =	strace $0x9FFFFFFF  }
0xbf: {  	(tm) =	ssettm $0x7FFFFFFF  }
tec
execute0_lowered:
.L_overlay_start_1:
0x0: {  	(tag) =	ssettag $0x1  }
0x1: {  	s0 =	stileid.u32  }
0x2: {  	s1 =	sshrl.u32 s0, $0x3  }
0x3: {  	s22 =	sshll.u32 s0, $0x7;
	s4 =	smul.u32 $0x28000, s1  }
0x4: {  	s5 =	sand.u32 $0x380, s22  }
0x5: {  	s2 =	rddreg [dreg:$0x0];
	s3 =	simm.s32 $0x0;
	s4 =	sor.u32 s5, s4  }
0x6: {  	s6 =	simm.s32 $0x80;
	s7 =	simm.s32 $0x400;
	s4 =	sshrl.u32 s4, $0x3  }
0x7: {  	s24 =	simm.s32 $0x1;
	[smem:$0x7FF] =	sst s3;
	s4 =	sadd.s32 s4, s2  }
0x8: {  	s1 =	rddreg [dreg:$0x1];
	_ =	strace $0x80000047;
	s23 =	sadd.s32 $0x3000, s4  }
0x9: {  	[tilespmem:s3], [sflag:$0x1] =	stream.strided.gather [hbm4b:s23+s6], $0x5000, s7, s6, $0x38;
	[tilespmem:$0x14000] =	vst v63  }
0xa: {  	_ =	swait.ge [sflag:s24], $0x5000  }
0xb: {  	[sflag:s24] =	ssyncset.done $0x0  }
0xc: {  	s8 =	simm.s32 $0x5000;
	s4 =	sadd.s32 $0x17000, s4;
	[sflag:s24] =	ssyncadd.s32 $0xFFFFB000  }
0xd: {  	[tilespmem:s8], [sflag:$0x1] =	stream.strided.gather [hbm4b:s4+s6], $0x5000, s7, s6, $0x38;
	[tilespmem:$0x14000] =	vst v63  }
0xe: {  	_ =	swait.ge [sflag:s24], $0x5000  }
0xf: {  	[sflag:s24] =	ssyncset.done $0x0  }
0x10: {  	s25 =	simm.s32 $0x0;
	[sflag:s24] =	ssyncadd.s32 $0xFFFFB000  }
0x11: {  	v0 =	vld [tilespmem:s25+$0x0];
	_ =	sdelay $0x4  }
0x12: {  	vm0 =	vlt.s32 v0, $0xA00;
	vm1 =	vlt.s32 v0, $0x1400  }
0x13: {  	s26 =	simm.s32 $0x10;
	vm1 =	vmxor vm0, vm1;
	v1 =	vmpcnt.ones.xlane vm0  }
0x14: {  	v3 =	vld [tilespmem:s26+$0x0];
	v2 =	vmpcnt.ones.xlane vm1  }
0x15: {  	v1 =	vxor.u32 $0x80000000, v1  }
0x16: {  	v2 =	vxor.u32 $0x80000000, v2;
	(xrf0) =	vmax.scan.msk.u32 $0xffff, v1  }
0x17: {  	s28 =	simm.s32 $0x20;
	v0 =	vadd.s32 $0xFFFFEC00, v0;
	(xrf0) =	vmax.scan.msk.u32 $0xffff, v2  }
0x18: {  	vm15 =	vlt.u32 v0, $0xA00;
	v1 =	vld [tilespmem:s28+$0x0]  }
0x19: {  	vm4 =	vlt.s32 v3, $0xA00;
	vm5 =	vlt.s32 v3, $0x1400;
	v0 =	vmpcnt.ones.xlane vm15  }
0x1a: {  	vm1 =	vmxor vm4, vm5;
	v2 =	vadd.s32 $0xFFFFEC00, v3;
	v3 =	vmpcnt.ones.xlane vm4  }
0x1b: {  	v0 =	vxor.u32 $0x80000000, v0;
	vm6 =	vlt.u32 v2, $0xA00;
	v2 =	vmpcnt.ones.xlane vm1  }
0x1c: {  	v4, _, _ =	vpop (xrf0);
	(xrf0) =	vmax.scan.msk.u32 $0xffff, v0;
	v0 =	vxor.u32 $0x80000000, v3;
	v3 =	vmpcnt.ones.xlane vm6  }
0x1d: {  	v2 =	vxor.u32 $0x80000000, v2;
	vm7 =	vlt.s32 v1, $0xA00;
	(v2sf) =	vpush v4, $0xF;
	v4, _, _ =	vpop (xrf0);
	(xrf0) =	vmax.scan.msk.u32 $0xffff, v0  }
0x1e: {  	s29 =	simm.s32 $0x30;
	vm8 =	vlt.s32 v1, $0x1400;
	v0 =	vxor.u32 $0x80000000, v3;
	(xrf0) =	vmax.scan.msk.u32 $0xffff, v2;
	v3 =	vmpcnt.ones.xlane vm7  }
0x1f: {  	v1 =	vadd.s32 $0xFFFFEC00, v1;
	vm1 =	vmxor vm7, vm8;
	v2 =	vld [tilespmem:s29+$0x0]  }
0x20: {  	vm9 =	vlt.u32 v1, $0xA00;
	(xrf0) =	vmax.scan.msk.u32 $0xffff, v0;
	v0 =	vmpcnt.ones.xlane vm1;
	v1 =	vxor.u32 $0x80000000, v3  }
0x21: {  	v3 =	vmpcnt.ones.xlane vm9  }
0x22: {  	(v2sf) =	vpush v4, $0xF;
	v0 =	vxor.u32 $0x80000000, v0;
	v4, _, _ =	vpop (xrf0);
	(xrf0) =	vmax.scan.msk.u32 $0xffff, v1  }
0x23: {  	v3 =	vxor.u32 $0x80000000, v3;
	(v2sf) =	vpush v4, $0xF;
	v1, _, _ =	vpop (xrf0);
	(xrf0) =	vmax.scan.msk.u32 $0xffff, v0  }
0x24: {  	vm10 =	vlt.s32 v2, $0xA00;
	(v2sf) =	vpush v1, $0xF;
	v1, _, _ =	vpop (xrf0);
	(xrf0) =	vmax.scan.msk.u32 $0xffff, v3  }
0x25: {  	v3 =	vmpcnt.ones.xlane vm10;
	_ =	sdelay $0x1  }
0x26: {  	(v2sf) =	vpush v1, $0xF;
	v1, _, _ =	vpop (xrf0);
	v3 =	vxor.u32 $0x80000000, v3  }
0x27: {  	(v2sf) =	vpush v1, $0xF;
	v4, _, _ =	vpop (xrf0)  }
0x28: {  	s30 =	simm.s32 $0x40;
	(v2sf) =	vpush v4, $0xF;
	v4, _, _ =	vpop (xrf0)  }
0x29: {  	v0 =	vld [tilespmem:s30+$0x0];
	(xrf0) =	vmax.scan.msk.u32 $0xffff, v3;
	(v2sf) =	vpush v4, $0xF;
	v3, _, _ =	vpop (xrf0)  }
0x2a: {  	vm11 =	vlt.s32 v2, $0x1400;
	(v2sf) =	vpush v3, $0xF  }
0x2b: {  	v2 =	vadd.s32 $0xFFFFEC00, v2;
	vm1 =	vmxor vm10, vm11  }
0x2c: {  	vm12 =	vlt.u32 v2, $0xA00;
	v2 =	vmpcnt.ones.xlane vm1  }
0x2d: {  	v1 =	vmpcnt.ones.xlane vm12  }
0x2e: {  	v2 =	vxor.u32 $0x80000000, v2;
	vm13 =	vlt.s32 v0, $0xA00  }
0x2f: {  	s31 =	simm.s32 $0x50;
	v1 =	vxor.u32 $0x80000000, v1;
	vm14 =	vlt.s32 v0, $0x1400;
	v0 =	vadd.s32 $0xFFFFEC00, v0;
	(xrf0) =	vmax.scan.msk.u32 $0xffff, v2  }
0x30: {  	vm15 =	vlt.u32 v0, $0xA00;
	v0 =	vld [tilespmem:s31+$0x0];
	v4 =	vmpcnt.ones.xlane vm13;
	(xrf0) =	vmax.scan.msk.u32 $0xffff, v1  }
0x31: {  	s5 =	simm.s32 $0x0;
	s2 =	sadd.s32 $0x21000, s2;
	vm0 =	vmxor vm13, vm14;
	s6 =	spop (v2sf)  }
0x32: {  	s8 =	simm.s32 $0x180;
	s4 =	simm.s32 $0x0;
	v2 =	vmpcnt.ones.xlane vm0;
	v1 =	vmpcnt.ones.xlane vm15;
	v3 =	vxor.u32 $0x80000000, v4;
	s7 =	spop (v2sf)  }
.LBB2_1:
0x33: {  	s9 =	sshra.s32 s8, $0x2  }
0x34: {  	v4 =	vxor.u32 $0x80000000, v2;
	(xrf0) =	vmax.scan.msk.u32 $0xffff, v3;
	v3, _, _ =	vpop (xrf0);
	s10 =	spop (v2sf);
	s3 =	sadd.s32 s6, s3;
	p0 =	sne.s32 s8, $0x13FC0  }
.Ltmp0:
0x35: {  	s4 =	sadd.s32 s7, s4;
	vm0 =	vlt.s32 v0, $0xA00;
	v5 =	vxor.u32 $0x80000000, v1;
	(xrf0) =	vmax.scan.msk.u32 $0xffff, v4;
	(v2sf) =	vpush v3, $0xF;
	v2, _, _ =	vpop (xrf0);
	s5 =	sadd.s32 s10, s5;
	(pc) =	sbr.rel @p0 .LBB2_1-.Ltmp0, $4  }
0x36: {  	vm1 =	vlt.s32 v0, $0x1400;
	v3 =	vadd.s32 $0xFFFFEC00, v0;
	s3 =	sadd.s32 $0x80000000, s3;
	s4 =	sadd.s32 $0x80000000, s4;
	v0 =	vld [tilespmem:s9+$0x0];
	(xrf0) =	vmax.scan.msk.u32 $0xffff, v5;
	(v2sf) =	vpush v2, $0xF;
	v1, _, _ =	vpop (xrf0);
	s5 =	sadd.s32 $0x80000000, s5  }
0x37: {  	s8 =	sadd.s32 $0x40, s8;
	vm1 =	vmxor vm0, vm1;
	v4 =	vmpcnt.ones.xlane vm0;
	(v2sf) =	vpush v1, $0xF  }
0x38: {  	vm0 =	vlt.u32 v3, $0xA00;
	v2 =	vmpcnt.ones.xlane vm1;
	s6 =	spop (v2sf)  }
0x39: {  	v1 =	vmpcnt.ones.xlane vm0;
	v3 =	vxor.u32 $0x80000000, v4;
	s7 =	spop (v2sf)  }
0x3a: {  	_ = 	snop  }
0x3b: {  	v2 =	vxor.u32 $0x80000000, v2;
	vm0 =	vlt.s32 v0, $0xA00;
	vm1 =	vlt.s32 v0, $0x1400  }
0x3c: {  	(xrf0) =	vmax.scan.msk.u32 $0xffff, v3;
	v0 =	vadd.s32 $0xFFFFEC00, v0;
	vm1 =	vmxor vm0, vm1;
	v3 =	vmpcnt.ones.xlane vm0  }
0x3d: {  	v1 =	vxor.u32 $0x80000000, v1;
	(xrf0) =	vmax.scan.msk.u32 $0xffff, v2;
	vm13 =	vlt.u32 v0, $0xA00;
	v0 =	vmpcnt.ones.xlane vm1  }
0x3e: {  	(xrf0) =	vmax.scan.msk.u32 $0xffff, v1;
	v1 =	vxor.u32 $0x80000000, v3  }
0x3f: {  	v2 =	vmpcnt.ones.xlane vm13;
	v0 =	vxor.u32 $0x80000000, v0  }
0x40: {  	v3, _, _ =	vpop (xrf0);
	(xrf0) =	vmax.scan.msk.u32 $0xffff, v1  }
0x41: {  	v2 =	vxor.u32 $0x80000000, v2;
	(v2sf) =	vpush v3, $0xF;
	v1, _, _ =	vpop (xrf0);
	(xrf0) =	vmax.scan.msk.u32 $0xffff, v0  }
0x42: {  	(v2sf) =	vpush v1, $0xF;
	v0, _, _ =	vpop (xrf0);
	(xrf0) =	vmax.scan.msk.u32 $0xffff, v2  }
0x43: {  	v1, _, _ =	vpop (xrf0);
	(v2sf) =	vpush v0, $0xF  }
0x44: {  	v0, _, _ =	vpop (xrf0);
	(v2sf) =	vpush v1, $0xF  }
0x45: {  	s8 =	spop (v2sf);
	(v2sf) =	vpush v0, $0xF;
	v0, _, _ =	vpop (xrf0)  }
0x46: {  	s9 =	spop (v2sf);
	(v2sf) =	vpush v0, $0xF;
	v0, _, _ =	vpop (xrf0)  }
0x47: {  	s11 =	spop (v2sf);
	(v2sf) =	vpush v0, $0xF;
	v0, _, _ =	vpop (xrf0)  }
0x48: {  	s12 =	spop (v2sf);
	(v2sf) =	vpush v0, $0xF;
	v0, _, _ =	vpop (xrf0)  }
0x49: {  	s13 =	spop (v2sf);
	(v2sf) =	vpush v0, $0xF  }
0x4a: {  	s10 =	simm.s32 $0x0;
	s3 =	sadd.s32 s6, s3  }
0x4b: {  	s4 =	sadd.s32 s7, s4;
	s5 =	sadd.s32 s8, s5;
	s3 =	sadd.s32 $0x80000000, s3;
	v1 =	vld [tilespmem:s10+$0x0]  }
0x4c: {  	s4 =	sadd.s32 $0x80000000, s4;
	s5 =	sadd.s32 $0x80000000, s5;
	s3 =	sadd.s32 s9, s3  }
0x4d: {  	s4 =	sadd.s32 s11, s4;
	s3 =	sadd.s32 $0x80000000, s3;
	s5 =	sadd.s32 s12, s5  }
0x4e: {  	s4 =	sadd.s32 $0x80000000, s4;
	s5 =	sadd.s32 $0x80000000, s5;
	s14 =	spop (v2sf)  }
0x4f: {  	s3 =	sadd.s32 s13, s3;
	s17 =	spop (v2sf);
	s4 =	sadd.s32 s14, s4;
	v0 =	vimm.s32 $0x0  }
0x50: {  	s3 =	sadd.s32 $0x80000000, s3;
	s5 =	sadd.s32 s17, s5;
	vm14 =	vlt.s32 v1, $0xA00;
	vm2 =	vlt.s32 v1, $0x1400;
	vm3 =	vge.s32 v1, $0x1E00;
	s18 =	spop (v2sf)  }
0x51: {  	s4 =	sadd.s32 $0x80000000, s4;
	s5 =	sadd.s32 $0x80000000, s5;
	vm15 =	vmxor vm14, vm2;
	v2 =	vsel vm3, $0x1, v0;
	s19 =	spop (v2sf)  }
0x52: {  	vm4 =	vlt.s32 v1, $0x1E00;
	v3 =	vsel vm15, $0x1, v0;
	(xrf0) =	vadd.scan.msk.s32 $0xffff, v2;
	s3 =	sadd.s32 s18, s3;
	s20 =	spop (v2sf);
	s4 =	sadd.s32 s19, s4  }
0x53: {  	vm2 =	vmxor vm2, vm4;
	(xrf0) =	vadd.scan.msk.s32 $0xffff, v3;
	s3 =	sadd.s32 $0x80000000, s3;
	s5 =	sadd.s32 s20, s5;
	s21 =	spop (v2sf)  }
0x54: {  	v2 =	vsel vm2, $0x1, v0;
	s4 =	sadd.s32 $0x80000000, s4;
	s5 =	sadd.s32 $0x80000000, s5;
	s22 =	spop (v2sf)  }
0x55: {  	(xrf0) =	vadd.scan.msk.s32 $0xffff, v2;
	s3 =	sadd.s32 s21, s3;
	s23 =	spop (v2sf);
	s4 =	sadd.s32 s22, s4  }
0x56: {  	v3 =	vsel vm14, $0x1, v0;
	s3 =	sadd.s32 $0x80000000, s3;
	s5 =	sadd.s32 s23, s5;
	s24 =	spop (v2sf)  }
0x57: {  	(xrf0) =	vadd.scan.msk.s32 $0xffff, v3;
	s4 =	sadd.s32 $0x80000000, s4;
	s5 =	sadd.s32 $0x80000000, s5;
	s25 =	spop (v2sf)  }
0x58: {  	v2, _, _ =	vpop (xrf0);
	s3 =	sadd.s32 s24, s3;
	s26 =	spop (v2sf);
	s4 =	sadd.s32 s25, s4  }
0x59: {  	v3 =	vxor.u32 $0x80000000, v2;
	v4, _, _ =	vpop (xrf0);
	s3 =	sadd.s32 $0x80000000, s3;
	s5 =	sadd.s32 s26, s5;
	s4 =	sadd.s32 $0x80000000, s4  }
0x5a: {  	v5 =	vxor.u32 $0x80000000, v4;
	(xrf0) =	vmax.scan.msk.u32 $0xffff, v3;
	s28 =	sadd.s32 $0x80000000, s5;
	s5 =	sadd.s32 s3, s4  }
0x5b: {  	v6, _, _ =	vpop (xrf0);
	(xrf0) =	vmax.scan.msk.u32 $0xffff, v5;
	s7 =	sadd.s32 s28, s5  }
0x5c: {  	v3 =	vxor.u32 $0x80000000, v6;
	s30 =	sadd.s32 $0x0, s5;
	s29 =	sadd.s32 $0x0, s7  }
0x5d: {  	v7, _, _ =	vpop (xrf0);
	(xrf0) =	vmax.scan.msk.u32 $0xffff, v3;
	s31 =	sadd.s32 $0x0, s3;
	v3 =	vadd.s32 s30, v6;
	v2 =	vadd.s32 s29, v2  }
0x5e: {  	s9 =	simm.s32 $0x0;
	v5 =	vxor.u32 $0x80000000, v7;
	v4 =	vadd.s32 s31, v4;
	v2 =	vsel vm2, v3, v2  }
0x5f: {  	(xrf0) =	vmax.scan.msk.u32 $0xffff, v5;
	v5 =	vadd.s32 s9, v7;
	v2 =	vsel vm15, v4, v2  }
0x60: {  	v3, _, _ =	vpop (xrf0);
	v2 =	vsel vm14, v5, v2  }
0x61: {  	v4, _, _ =	vpop (xrf0);
	(v2sf) =	vpush v3, $0xF;
	v2 =	vadd.s32 $0xFFFFFFFF, v2  }
0x62: {  	(v2sf) =	vpush v4, $0xF;
	v4 =	vld [tilespmem:s10+$0x5000]  }
0x63: {  	s6 =	simm.s32 $0xF000  }
0x64: {  	s8 =	simm.s32 $0x10;
	s11 =	simm.s32 $0x0;
	s12 =	simm.s32 $0x0;
	v5, _, _ =	vpop (xrf0)  }
0x65: {  	s13 =	simm.s32 $0x80;
	s4 =	simm.s32 $0xA000;
	s10 =	simm.s32 $0x0;
	v3, _, _ =	vpop (xrf0);
	(v2sf) =	vpush v5, $0xF  }
.LBB2_3:
0x66: {  	p0 =	sne.s32 s13, $0x13FC0;
	[tilespmem:v2+s4+$0x0] =	vst.idx.msk $0xffff, v1;
	(v2sf) =	vpush v3, $0xF;
	s14 =	smov.u32 s13;
	s13 =	sadd.s32 $0x40, s13  }
0x67: {  	[tilespmem:v2+s6+$0x0] =	vst.idx.msk $0xffff, v4  }
0x68: {  	v1 =	vld [tilespmem:s8+$0x0];
	_ =	sdelay $0x4  }
0x69: {  	vm0 =	vlt.s32 v1, $0xA00;
	vm2 =	vlt.s32 v1, $0x1400;
	vm3 =	vge.s32 v1, $0x1E00  }
0x6a: {  	vm4 =	vlt.s32 v1, $0x1E00;
	vm1 =	vmxor vm0, vm2;
	v2 =	vsel vm3, $0x1, v0  }
0x6b: {  	vm2 =	vmxor vm2, vm4;
	v3 =	vsel vm0, $0x1, v0;
	v4 =	vsel vm1, $0x1, v0;
	(xrf0) =	vadd.scan.msk.s32 $0xffff, v2  }
0x6c: {  	v2 =	vsel vm2, $0x1, v0;
	(xrf0) =	vadd.scan.msk.s32 $0xffff, v4  }
0x6d: {  	(xrf0) =	vadd.scan.msk.s32 $0xffff, v2  }
0x6e: {  	(xrf0) =	vadd.scan.msk.s32 $0xffff, v3;
	s15 =	spop (v2sf)  }
0x6f: {  	s14 =	sshra.s32 s14, $0x2;
	s9 =	sadd.s32 s15, s9;
	s15 =	spop (v2sf)  }
0x70: {  	s11 =	sadd.s32 s15, s11;
	s9 =	sadd.s32 $0x80000000, s9;
	s15 =	spop (v2sf)  }
0x71: {  	v2, _, _ =	vpop (xrf0);
	s11 =	sadd.s32 $0x80000000, s11;
	s12 =	sadd.s32 s15, s12;
	s15 =	spop (v2sf)  }
0x72: {  	s16 =	sadd.s32 s9, s7;
	v3 =	vxor.u32 $0x80000000, v2;
	v4, _, _ =	vpop (xrf0);
	s10 =	sadd.s32 s15, s10;
	s12 =	sadd.s32 $0x80000000, s12  }
0x73: {  	s15 =	sadd.s32 s3, s11;
	v2 =	vadd.s32 s16, v2;
	s17 =	sadd.s32 s5, s12;
	v5 =	vxor.u32 $0x80000000, v4;
	v6, _, _ =	vpop (xrf0);
	(xrf0) =	vmax.scan.msk.u32 $0xffff, v3;
	s10 =	sadd.s32 $0x80000000, s10  }
0x74: {  	v3 =	vadd.s32 s15, v4;
	v4 =	vadd.s32 s17, v6;
	v6 =	vxor.u32 $0x80000000, v6;
	v7, _, _ =	vpop (xrf0);
	(xrf0) =	vmax.scan.msk.u32 $0xffff, v5  }
0x75: {  	v2 =	vsel vm2, v4, v2;
	v4 =	vxor.u32 $0x80000000, v7;
	(xrf0) =	vmax.scan.msk.u32 $0xffff, v6  }
0x76: {  	v5 =	vadd.s32 s10, v7;
	v2 =	vsel vm1, v3, v2;
	(xrf0) =	vmax.scan.msk.u32 $0xffff, v4  }
0x77: {  	v2 =	vsel vm0, v5, v2  }
.Ltmp1:
0x78: {  	v2 =	vadd.s32 $0xFFFFFFFF, v2;
	(pc) =	sbr.rel @p0 .LBB2_3-.Ltmp1, $4  }
0x79: {  	v4 =	vld [tilespmem:s8+$0x5000];
	v3, _, _ =	vpop (xrf0);
	s8 =	smov.u32 s14  }
0x7a: {  	v5, _, _ =	vpop (xrf0);
	(v2sf) =	vpush v3, $0xF  }
0x7b: {  	(v2sf) =	vpush v5, $0xF;
	v5, _, _ =	vpop (xrf0)  }
0x7c: {  	v3, _, _ =	vpop (xrf0);
	(v2sf) =	vpush v5, $0xF  }
0x7d: {  	_ =	sdelay $0x3  }
0x7e: {  	[tilespmem:v2+s4+$0x0] =	vst.idx.msk $0xffff, v1  }
0x7f: {  	[tilespmem:v2+s6+$0x0] =	vst.idx.msk $0xffff, v4  }
0x80: {  	v1 =	vld [tilespmem:s8+$0x0];
	_ =	sdelay $0x4  }
0x81: {  	vm0 =	vlt.s32 v1, $0xA00;
	vm2 =	vlt.s32 v1, $0x1400;
	vm3 =	vge.s32 v1, $0x1E00  }
0x82: {  	vm4 =	vlt.s32 v1, $0x1E00;
	vm1 =	vmxor vm0, vm2;
	v48 =	vsel vm3, $0x1, v0  }
0x83: {  	vm2 =	vmxor vm2, vm4;
	v49 =	vsel vm1, $0x1, v0;
	(xrf0) =	vadd.scan.msk.s32 $0xffff, v48  }
0x84: {  	(v2sf) =	vpush v3, $0xF;
	v50 =	vsel vm2, $0x1, v0;
	(xrf0) =	vadd.scan.msk.s32 $0xffff, v49  }
0x85: {  	v51 =	vsel vm0, $0x1, v0;
	(xrf0) =	vadd.scan.msk.s32 $0xffff, v50  }
0x86: {  	(xrf0) =	vadd.scan.msk.s32 $0xffff, v51;
	_ =	sdelay $0x2  }
0x87: {  	v52, _, _ =	vpop (xrf0)  }
0x88: {  	v53 =	vxor.u32 $0x80000000, v52;
	v54, _, _ =	vpop (xrf0)  }
0x89: {  	v55 =	vxor.u32 $0x80000000, v54;
	v5, _, _ =	vpop (xrf0);
	(xrf0) =	vmax.scan.msk.u32 $0xffff, v53  }
0x8a: {  	v56 =	vxor.u32 $0x80000000, v5;
	(xrf0) =	vmax.scan.msk.u32 $0xffff, v55;
	v57, _, _ =	vpop (xrf0)  }
0x8b: {  	(xrf0) =	vmax.scan.msk.u32 $0xffff, v56;
	v58 =	vxor.u32 $0x80000000, v57  }
0x8c: {  	(xrf0) =	vmax.scan.msk.u32 $0xffff, v58  }
0x8d: {  	s13 =	spop (v2sf)  }
0x8e: {  	s14 =	spop (v2sf)  }
0x8f: {  	s15 =	spop (v2sf);
	v59, _, _ =	vpop (xrf0)  }
0x90: {  	s9 =	sadd.s32 s13, s9;
	s11 =	sadd.s32 s14, s11;
	s12 =	sadd.s32 s15, s12;
	v6, _, _ =	vpop (xrf0);
	(v2sf) =	vpush v59, $0xF  }
0x91: {  	s9 =	sadd.s32 $0x80000000, s9;
	s22 =	spop (v2sf);
	s12 =	sadd.s32 $0x80000000, s12;
	(v2sf) =	vpush v6, $0xF;
	v60, _, _ =	vpop (xrf0)  }
0x92: {  	s11 =	sadd.s32 $0x80000000, s11;
	s7 =	sadd.s32 s9, s7;
	s5 =	sadd.s32 s5, s12;
	(v2sf) =	vpush v60, $0xF;
	v61, _, _ =	vpop (xrf0)  }
0x93: {  	s23 =	sadd.s32 s22, s10;
	s3 =	sadd.s32 s3, s11;
	v0 =	vadd.s32 s7, v52;
	v62 =	vadd.s32 s5, v5;
	(v2sf) =	vpush v61, $0xF  }
0x94: {  	s24 =	sadd.s32 $0x80000000, s23;
	v3 =	vadd.s32 s3, v54;
	v0 =	vsel vm2, v62, v0  }
0x95: {  	v2 =	vadd.s32 s24, v57;
	v0 =	vsel vm1, v3, v0  }
0x96: {  	v0 =	vsel vm0, v2, v0  }
0x97: {  	v0 =	vadd.s32 $0xFFFFFFFF, v0  }
0x98: {  	v63 =	vld [tilespmem:s8+$0x5000];
	_ =	sdelay $0x2  }
0x99: {  	s3 =	smul.u32 $0x1400, s0  }
0x9a: {  	s29 =	simm.s32 $0x80;
	[tilespmem:v0+s4+$0x0] =	vst.idx.msk $0xffff, v1  }
0x9b: {  	s5 =	simm.s32 $0xA000;
	s2 =	sadd.s32 s2, s3;
	s4 =	simm.s32 $0x100;
	[tilespmem:v0+s6+$0x0] =	vst.idx.msk $0xffff, v63  }
0x9c: {  	[hbm4b:s2+s29] =	stream.strided.scatter [tilespmem:s5], [sflag:$0x1], $0x5000, s4, s29, $0x38;
	[tilespmem:$0x14000] =	vst v63  }
0x9d: {  	s25 =	spop (v2sf)  }
0x9e: {  	s26 =	spop (v2sf)  }
0x9f: {  	s28 =	spop (v2sf)  }
0xa0: {  	s5 =	simm.s32 $0x1;
	s30 =	spop (v2sf)  }
0xa1: {  	_ =	swait.ge [sflag:s5], $0x5000  }
0xa2: {  	[sflag:s5] =	ssyncset.done $0x0  }
0xa3: {  	s31 =	simm.s32 $0xF000;
	s2 =	sadd.s32 $0x10, s2;
	[sflag:s5] =	ssyncadd.s32 $0xFFFFB000  }
0xa4: {  	[hbm4b:s2+s29] =	stream.strided.scatter [tilespmem:s31], [sflag:$0x1], $0x5000, s4, s29, $0x38;
	[tilespmem:$0x14000] =	vst v63  }
0xa5: {  	_ =	swait.ge [sflag:s5], $0x5000  }
0xa6: {  	[sflag:s5] =	ssyncset.done $0x0  }
0xa7: {  	[sflag:s5] =	ssyncadd.s32 $0xFFFFB000  }
0xa8: {  	_ =	sfence.sel $0x180000  }
0xa9: {  	[bflag:$0x0] =	sbarrier.arrive $0xFFFF  }
0xaa: {  	p0 =	sne.s32 s0, $0x0;
	_ =	strace $0x90000047  }
0xab: {  	s0 =	sadd.s32 @!p0 $0x100000, s1;
	[bflag:$0x2] =	sbarrier.arrive $0xFFFF  }
0xac: {  	[sflag:s0] =	ssyncadd.tile.s32 @!p0 $0x1;
	_ =	shalt  }
.Lfunc_end2:
_tile_overlayer_lowered:
.L_overlay_start_2:
0xad: {  	(tag) =	ssettag $0x2  }
0xae: {  	s0 =	rddreg [dreg:$0x0];
	s2 =	stileid.u32  }
0xaf: {  	s1 =	rddreg [dreg:$0x1];
	p0 =	sne.s32 s2, $0x0  }
0xb0: {  	s3 =	rddreg [dreg:$0x2];
	[bflag:$0x3] =	sbarrier.arrive $0xFFFF;
	s2 =	simm.s32 @!p0 $0x1C01  }
0xb1: {  	[timem:s3], [sflag:s2] =	dma.local @!p0 [hbm:s0], s1  }
0xb2: {  	s0 =	simm.s32 @!p0 $0x1  }
0xb3: {  	_ =	swait.ge @!p0 [sflag:s0], s1  }
0xb4: {  	s1 =	ssub.s32 @!p0 $0x0, s1;
	[sflag:s0] =	ssyncset.done @!p0 $0x0  }
0xb5: {  	[sflag:s0] =	ssyncadd.s32 @!p0 s1  }
0xb6: {  	[bflag:$0x3] =	sbarrier.arrive $0xFFFF  }
0xb7: {  	_ =	shalt  }

// kernel: kernel.14.cloned.1.call-start
scs
__scs_entry_jumppad:
0x0: {  	(pc) =	sbr.rel $0x88, $3  }
0x1: {  	(tag) =	ssettag $0x0;
	lr =	simm.s32 $0x1  }
0x2: {  	[smem:$0x3F94] =	sst lr;
	_ =	strace $0xD0000000  }
0x3: {  	_ = 	snop  }
0x4: {  	_ = 	snop  }
0x5: {  	_ = 	snop  }
0x6: {  	_ = 	snop  }
0x7: {  	_ = 	snop  }
__scs_overlays_trampoline_lowered:
0x8: {  	[smem:$0x3FA3] =	sst s0  }
0x9: {  	[smem:$0x3FA4] =	sst s1  }
0xa: {  	[smem:$0x3FA5] =	sst s2  }
0xb: {  	[smem:$0x3FA6] =	sst s3  }
0xc: {  	[smem:$0x3FA7] =	sst s4  }
0xd: {  	[smem:$0x3FA8] =	sst s5  }
0xe: {  	[smem:$0x3FA9] =	sst s6  }
0xf: {  	[smem:$0x3FAA] =	sst s7  }
0x10: {  	[smem:$0x3FAB] =	sst s8  }
0x11: {  	[smem:$0x3FAC] =	sst s9;
	s0 =	simm.s32 @!p0 $0x0  }
0x12: {  	s1 =	sld [smem:$0x3F92];
	s0 =	simm.s32 @p0 $0x1  }
0x13: {  	[smem:$0x3FAD] =	sst s0;
	s0 =	simm.s32 @!p1 $0x0  }
0x14: {  	s2 =	sld [smem:$0x3F91];
	s0 =	simm.s32 @p1 $0x1  }
0x15: {  	[smem:$0x3FAE] =	sst s0;
	s0 =	simm.s32 @!p2 $0x0  }
0x16: {  	s3 =	sld [smem:$0x3FDB];
	s0 =	simm.s32 @p2 $0x1  }
0x17: {  	s4 =	simm.s32 $0x1BF5;
	[smem:$0x3FB0] =	sst s0  }
0x18: {  	s0 =	sld [smem:$0x3F93];
	_ =	swait.ge [sflag:s4], $0x0  }
0x19: {  	s7 =	sld [smem:$0x3F94]  }
0x1a: {  	s8 =	sadd.s32 $0xFFFFE003, lr  }
0x1b: {  	s9 =	sadd.s32 $0xFFFFFEF7, lr;
	s5 =	simm.s32 $0xFFFFFFFF;
	p2 =	slt.u32 s8, $0xFFFFF086  }
0x1c: {  	p1 =	slt.u32 s9, $0xF7A;
	s5 =	simm.s32 @!p2 $0x0  }
0x1d: {  	s5 =	simm.s32 @p1 $0x1;
	p0 =	seq.s32 s7, s2  }
0x1e: {  	s7 =	smul.u32 @!p0 $0xF7A, s2;
	p2 =	seq.s32 @!p0 s5, $0x0  }
0x1f: {  	s9 =	smul.u32 $0xF7A, s1;
	s8 =	simm.s32 @!p0 $0x1BF5;
	p2 =	por !p2, p0  }
0x20: {  	[sflag:s8] =	ssyncset.s32 @!p0 $0xFFFFF086;
	s6 =	sadd.s32 @!p0 s3, s7;
	s7 =	simm.s32 @!p0 $0x108  }
0x21: {  	s3 =	sadd.s32 s3, s9;
	s6 =	sadd.s32 @!p0 $0x88, s6;
	s7 =	simm.s32 @p2 $0x1082  }
0x22: {  	[simem:s7], [sflag:s8] =	dma.local @!p0 [hbm:s6], $0xF7A  }
0x23: {  	s9 =	sor.u32 $0xD0000000, s2;
	s6 =	simm.s32 $0x108;
	_ =	swait.ge @!p0 [sflag:s8], $0x0  }
0x24: {  	s3 =	sadd.s32 $0x88, s3;
	s6 =	simm.s32 @!p1 $0x1082;
	[sflag:s4] =	ssyncset.s32 $0xFFFFF086  }
0x25: {  	[simem:s6], [sflag:s4] =	dma.local [hbm:s3], $0xF7A  }
0x26: {  	[smem:$0x3F94] =	sst s1;
	(tag) =	ssettag s2;
	_ =	strace s9  }
0x27: {  	s1 =	sld [smem:$0x3FA4]  }
0x28: {  	s2 =	sld [smem:$0x3FA5]  }
0x29: {  	s4 =	sld [smem:$0x3FA7]  }
0x2a: {  	p0 =	seq.s32 s5, $0x0;
	s5 =	sld [smem:$0x3FA8]  }
0x2b: {  	s6 =	sld [smem:$0x3FA9]  }
0x2c: {  	s7 =	sld [smem:$0x3FAA]  }
0x2d: {  	s3 =	simm.s32 $0x108;
	s8 =	sld [smem:$0x3FAB]  }
0x2e: {  	s3 =	simm.s32 @!p0 $0x1082;
	s9 =	sld [smem:$0x3FAC]  }
0x2f: {  	lr =	sadd.s32 s0, s3;
	s0 =	sld [smem:$0x3FA3]  }
0x30: {  	s3 =	sld [smem:$0x3FA6]  }
0x31: {  	[smem:$0x3FAF] =	sst s10  }
0x32: {  	s10 =	sld [smem:$0x3FAD];
	_ =	sdelay $0x3  }
0x33: {  	p0 =	seq.s32 s10, $0x1;
	s10 =	sld [smem:$0x3FAF];
	_ =	sdelay $0x3  }
0x34: {  	[smem:$0x3FAF] =	sst s10  }
0x35: {  	s10 =	sld [smem:$0x3FAE];
	_ =	sdelay $0x3  }
0x36: {  	p1 =	seq.s32 s10, $0x1;
	s10 =	sld [smem:$0x3FAF];
	_ =	sdelay $0x3  }
0x37: {  	[smem:$0x3FAF] =	sst s10  }
0x38: {  	s10 =	sld [smem:$0x3FB0]  }
0x39: {  	_ = 	snop;
	(pc) =	sbr.ind lr, $3  }
0x3a: {  	_ = 	snop  }
0x3b: {  	_ = 	snop  }
0x3c: {  	p2 =	seq.s32 s10, $0x1;
	s10 =	sld [smem:$0x3FAF]  }
0x3d: {  	_ =	shalt  }
0x3e: {  	_ =	shalt  }
0x3f: {  	_ =	shalt  }
0x40: {  	_ =	shalt  }
0x41: {  	_ =	shalt  }
0x42: {  	_ =	shalt  }
0x43: {  	_ =	shalt  }
0x44: {  	_ =	shalt  }
0x45: {  	_ =	shalt  }
0x46: {  	_ =	shalt  }
0x47: {  	_ =	shalt  }
0x48: {  	_ =	shalt  }
0x49: {  	_ =	shalt  }
0x4a: {  	_ =	shalt  }
0x4b: {  	_ =	shalt  }
0x4c: {  	_ =	shalt  }
0x4d: {  	_ =	shalt  }
0x4e: {  	_ =	shalt  }
0x4f: {  	_ =	shalt  }
0x50: {  	_ =	shalt  }
0x51: {  	_ =	shalt  }
0x52: {  	_ =	shalt  }
0x53: {  	_ =	shalt  }
0x54: {  	_ =	shalt  }
0x55: {  	_ =	shalt  }
0x56: {  	_ =	shalt  }
0x57: {  	_ =	shalt  }
0x58: {  	_ =	shalt  }
0x59: {  	_ =	shalt  }
0x5a: {  	_ =	shalt  }
0x5b: {  	_ =	shalt  }
0x5c: {  	_ =	shalt  }
0x5d: {  	_ =	shalt  }
0x5e: {  	_ =	shalt  }
0x5f: {  	_ =	shalt  }
0x60: {  	_ =	shalt  }
0x61: {  	_ =	shalt  }
0x62: {  	_ =	shalt  }
0x63: {  	_ =	shalt  }
0x64: {  	_ =	shalt  }
0x65: {  	_ =	shalt  }
0x66: {  	_ =	shalt  }
0x67: {  	_ =	shalt  }
0x68: {  	_ =	shalt  }
0x69: {  	_ =	shalt  }
0x6a: {  	_ =	shalt  }
0x6b: {  	_ =	shalt  }
0x6c: {  	_ =	shalt  }
0x6d: {  	_ =	shalt  }
0x6e: {  	_ =	shalt  }
0x6f: {  	_ =	shalt  }
0x70: {  	_ =	shalt  }
0x71: {  	_ =	shalt  }
0x72: {  	_ =	shalt  }
0x73: {  	_ =	shalt  }
0x74: {  	_ =	shalt  }
0x75: {  	_ =	shalt  }
0x76: {  	_ =	shalt  }
0x77: {  	_ =	shalt  }
0x78: {  	_ =	shalt  }
0x79: {  	_ =	shalt  }
0x7a: {  	_ =	shalt  }
0x7b: {  	_ =	shalt  }
0x7c: {  	_ =	shalt  }
0x7d: {  	_ =	shalt  }
0x7e: {  	_ =	shalt  }
0x7f: {  	_ =	shalt  }
0x80: {  	_ =	shalt  }
0x81: {  	_ =	shalt  }
0x82: {  	_ =	shalt  }
0x83: {  	_ =	shalt  }
0x84: {  	_ =	shalt  }
0x85: {  	_ =	shalt  }
0x86: {  	_ =	shalt  }
0x87: {  	_ =	shalt  }
.Lfunc_end0:
.L_simem_size_0:
called_computation.1_lowered:
.L_overlay_start_0:
0x88: {  	s0 =	sld [smem:$0x3FD9]  }
0x89: {  	s1 =	sld [smem:$0x3FFE];
	_ =	sdelay $0x3  }
0x8a: {  	s0 =	sadd.s32 s1, s0  }
0x8b: {  	[smem:$0x3FBB] =	sst s0  }
0x8c: {  	_ = 	snop  }
0x8d: {  	(tm) =	ssettm $0x1  }
0x8e: {  	s15 =	sld [smem:$0x3FFB];
	_ =	sdelay $0x3  }
0x8f: {  	_ =	strace s15  }
0x90: {  	s0 =	sld [smem:$0x3FFC];
	_ =	sdelay $0x3  }
0x91: {  	_ =	strace s0  }
0x92: {  	s0 =	sld [smem:$0x3FFD];
	_ =	sdelay $0x3  }
0x93: {  	_ =	strace s0  }
0x94: {  	_ =	strace $0x8FFFFFFF  }
0x95: {  	s16 =	sld [smem:$0x3FDB];
	_ =	sdelay $0x1  }
0x96: {  	s17 =	simm.s32 $_scs_section_size  }
0x97: {  	s2 =	simm.s32 $_size__tile_overlayer_lowered;
	s3 =	simm.s32 $_tile_overlayer_lowered  }
0x98: {  	s20 =	simm.s32 $0x1BFF;
	s19 =	sshll.u32 s3, $0x1;
	s0 =	sadd.s32 s17, s16  }
0x99: {  	s4 =	simm.s32 $0x0;
	s18 =	sshll.u32 s2, $0x1;
	s2 =	sadd.s32 s19, s0  }
0x9a: {  	[timem:s4], [sflag:s20] =	dma.local [hbm:s2], s18  }
0x9b: {  	_ =	swait.ge [sflag:s20], s18  }
0x9c: {  	s1 =	ssub.s32 $0x0, s18;
	[sflag:s20] =	ssyncset.done $0x0  }
0x9d: {  	[sflag:s20] =	ssyncadd.s32 s1;
	_ =	sdelay $0x1  }
0x9e: {  	s21 =	simm.s32 $0x1B8B  }
0x9f: {  	_ =	swait.ge [sflag:s21], $0x1  }
0xa0: {  	[sflag:s21] =	ssyncset.done $0x0  }
0xa1: {  	s23 =	simm.s32 $0x1B8E;
	s22 =	sld [smem:$0x3FFE];
	[sflag:s21] =	ssyncadd.s32 $0xFFFFFFFF  }
0xa2: {  	s24 =	simm.s32 $execute0_lowered;
	[smem:$0x3FD2] =	sst s23  }
0xa3: {  	s2 =	sshll.u32 s24, $0x1;
	_ =	strace $0x80000049;
	[dreg:$0x1] =	wrdreg $0xFFFFFFFF  }
0xa4: {  	s25 =	simm.s32 $_size_execute0_lowered;
	s0 =	sadd.s32 s0, s2;
	[dreg:$0x0] =	wrdreg $0x0  }
0xa5: {  	s2 =	sshll.u32 s25, $0x1;
	[dreg:$0x2] =	wrdreg s0  }
0xa6: {  	[dreg:$0x3] =	wrdreg s2  }
0xa7: {  	[dreg:$0x4] =	wrdreg $0xC0  }
0xa8: {  	_ =	task [dreg:s4], $0x5FFFF  }
0xa9: {  	[dreg:$0x1] =	wrdreg $0xFFFFFFFF  }
0xaa: {  	[dreg:$0x0] =	wrdreg $0x60  }
0xab: {  	[dreg:$0x2] =	wrdreg s22  }
0xac: {  	[dreg:$0x3] =	wrdreg $0xA  }
0xad: {  	_ =	task.clear_ibuf [dreg:s4], $0x4FFFF;
	_ =	strace $0x90000049  }
0xae: {  	s26 =	simm.s32 $0xA;
	_ =	strace $0x8000004B  }
0xaf: {  	_ =	swait.ge [sflag:s26], $0x1  }
0xb0: {  	[sflag:s26] =	ssyncadd.s32 $0xFFFFFFFF  }
0xb1: {  	_ =	strace $0x9000004B  }
0xb2: {  	_ =	sfence  }
0xb3: {  	s28 =	sld [smem:$0x0];
	_ =	sdelay $0x1  }
0xb4: {  	s29 =	srdreg.scid  }
0xb5: {  	s30 =	sshll.u32 s29, $0xD;
	s31 =	sshrl.u32 s29, $0x2  }
0xb6: {  	s1 =	sand.u32 $0x1, s29;
	s2 =	sand.u32 $0x4000, s30;
	s0 =	sadd.s32 s31, s28  }
0xb7: {  	s1 =	sor.u32 s2, s1;
	s0 =	sshll.u32 s0, $0x11  }
0xb8: {  	s0 =	sor.u32 s0, s1  }
0xb9: {  	s0 =	sadd.s32 $0x8F2B, s0  }
0xba: {  	[sflag:s0] =	ssyncadd.remote.s32 $0x1  }
0xbb: {  	_ =	sfence.sel $0xFFFF  }
0xbc: {  	[dreg:$0x0] =	wrdreg $0xFFFFFFFF;
	(pc) =	sbr.abs _section_cstart, $3  }
0xbd: {  	[dreg:$0x1] =	wrdreg $0xFFFFFFFF  }
0xbe: {  	_ =	task.clear_ibuf [dreg:s4], $0x2FFFF;
	_ =	strace $0x9FFFFFFF  }
0xbf: {  	(tm) =	ssettm $0x7FFFFFFF  }
tec
execute0_lowered:
.L_overlay_start_1:
0x0: {  	(tag) =	ssettag $0x1  }
0x1: {  	s0 =	stileid.u32  }
0x2: {  	s3 =	rddreg [dreg:$0x0];
	s4 =	smul.u32 $0xA00, s0  }
0x3: {  	s1 =	rddreg [dreg:$0x1];
	s2 =	simm.s32 $0x0  }
0x4: {  	[smem:$0x7FF] =	sst s2;
	s4 =	sadd.s32 s4, s3  }
0x5: {  	s5 =	simm.s32 $0x1;
	_ =	strace $0x8000004A;
	s4 =	sadd.s32 $0xD000, s4  }
0x6: {  	[tilespmem:s2], [sflag:$0x1] =	stream.linear.gather [hbm4b:s4+s2], $0x5000, $0x38;
	[tilespmem:$0x7800] =	vst v63  }
0x7: {  	_ =	swait.ge [sflag:s5], $0x5000  }
0x8: {  	[sflag:s5] =	ssyncset.done $0x0  }
0x9: {  	s6 =	sadd.s32 $0x35000, s3;
	s4 =	simm.s32 $0x5000;
	[sflag:s5] =	ssyncadd.s32 $0xFFFFB000  }
0xa: {  	[tilespmem:s4], [sflag:$0x1] =	stream.linear.gather [hbm4b:s6+s2], $0x2800, $0x38;
	[tilespmem:$0x7800] =	vst v63  }
0xb: {  	_ =	swait.ge [sflag:s5], $0x2800  }
0xc: {  	[sflag:s5] =	ssyncset.done $0x0  }
0xd: {  	v0 =	vimm.f32 $1.000000000e+00;
	s3 =	sadd.s32 $0x35600, s3;
	[sflag:s5] =	ssyncadd.s32 $0xFFFFD800  }
.LBB2_1:
0xe: {  	s5 =	sshra.s32 s2, $0x2  }
0xf: {  	v1 =	vld [tilespmem:s5+$0x0];
	_ =	sdelay $0x7  }
0x10: {  	[tilespmem:v1+s4+$0x0] =	vst.idx.add.f32.msk $0xffff, v0  }
0x11: {  	v1 =	vld [tilespmem:s5+$0x10];
	_ =	sdelay $0x7  }
0x12: {  	[tilespmem:v1+s4+$0x0] =	vst.idx.add.f32.msk $0xffff, v0  }
0x13: {  	v1 =	vld [tilespmem:s5+$0x20];
	_ =	sdelay $0x7  }
0x14: {  	[tilespmem:v1+s4+$0x0] =	vst.idx.add.f32.msk $0xffff, v0  }
0x15: {  	v1 =	vld [tilespmem:s5+$0x30];
	_ =	sdelay $0x7  }
0x16: {  	[tilespmem:v1+s4+$0x0] =	vst.idx.add.f32.msk $0xffff, v0  }
0x17: {  	v1 =	vld [tilespmem:s5+$0x40];
	_ =	sdelay $0x7  }
0x18: {  	[tilespmem:v1+s4+$0x0] =	vst.idx.add.f32.msk $0xffff, v0  }
0x19: {  	v1 =	vld [tilespmem:s5+$0x50];
	_ =	sdelay $0x7  }
0x1a: {  	[tilespmem:v1+s4+$0x0] =	vst.idx.add.f32.msk $0xffff, v0  }
0x1b: {  	v1 =	vld [tilespmem:s5+$0x60];
	_ =	sdelay $0x7  }
0x1c: {  	[tilespmem:v1+s4+$0x0] =	vst.idx.add.f32.msk $0xffff, v0  }
0x1d: {  	v1 =	vld [tilespmem:s5+$0x70];
	_ =	sdelay $0x2  }
0x1e: {  	p0 =	sne.s32 s2, $0x13E00  }
.Ltmp0:
0x1f: {  	_ = 	snop;
	(pc) =	sbr.rel @p0 .LBB2_1-.Ltmp0, $2  }
0x20: {  	_ =	sdelay $0x2  }
0x21: {  	s2 =	sadd.s32 $0x200, s2;
	[tilespmem:v1+s4+$0x0] =	vst.idx.add.f32.msk $0xffff, v0  }
0x22: {  	s2 =	sshrl.u32 s0, $0x3  }
0x23: {  	s4 =	sshll.u32 s0, $0x7;
	s2 =	smul.u32 $0x14000, s2  }
0x24: {  	s4 =	sand.u32 $0x380, s4  }
0x25: {  	s2 =	sor.u32 s4, s2  }
0x26: {  	s29 =	simm.s32 $0x80;
	s30 =	simm.s32 $0x400;
	s2 =	sshrl.u32 s2, $0x3  }
0x27: {  	s5 =	simm.s32 $0x5000;
	s31 =	simm.s32 $0x1;
	s2 =	sadd.s32 s3, s2  }
0x28: {  	[hbm4b:s2+s29] =	stream.strided.scatter [tilespmem:s5], [sflag:$0x1], $0x2800, s30, s29, $0x38;
	[tilespmem:$0x7800] =	vst v63  }
0x29: {  	_ =	swait.ge [sflag:s31], $0x2800  }
0x2a: {  	[sflag:s31] =	ssyncset.done $0x0  }
0x2b: {  	[sflag:s31] =	ssyncadd.s32 $0xFFFFD800  }
0x2c: {  	_ =	sfence.sel $0x180000  }
0x2d: {  	[bflag:$0x0] =	sbarrier.arrive $0xFFFF  }
0x2e: {  	p0 =	sne.s32 s0, $0x0;
	_ =	strace $0x9000004A  }
0x2f: {  	s0 =	sadd.s32 @!p0 $0x100000, s1;
	[bflag:$0x2] =	sbarrier.arrive $0xFFFF  }
0x30: {  	[sflag:s0] =	ssyncadd.tile.s32 @!p0 $0x1;
	_ =	shalt  }
.Lfunc_end2:
_tile_overlayer_lowered:
.L_overlay_start_2:
0x31: {  	(tag) =	ssettag $0x2  }
0x32: {  	s0 =	rddreg [dreg:$0x0];
	s2 =	stileid.u32  }
0x33: {  	s1 =	rddreg [dreg:$0x1];
	p0 =	sne.s32 s2, $0x0  }
0x34: {  	s3 =	rddreg [dreg:$0x2];
	[bflag:$0x3] =	sbarrier.arrive $0xFFFF;
	s2 =	simm.s32 @!p0 $0x1C01  }
0x35: {  	[timem:s3], [sflag:s2] =	dma.local @!p0 [hbm:s0], s1  }
0x36: {  	s0 =	simm.s32 @!p0 $0x1  }
0x37: {  	_ =	swait.ge @!p0 [sflag:s0], s1  }
0x38: {  	s1 =	ssub.s32 @!p0 $0x0, s1;
	[sflag:s0] =	ssyncset.done @!p0 $0x0  }
0x39: {  	[sflag:s0] =	ssyncadd.s32 @!p0 s1  }
0x3a: {  	[bflag:$0x3] =	sbarrier.arrive $0xFFFF  }
0x3b: {  	_ =	shalt  }

// kernel: kernel.17.cloned.1.call-start
scs
__scs_entry_jumppad:
0x0: {  	(pc) =	sbr.rel $0x88, $3  }
0x1: {  	(tag) =	ssettag $0x0;
	lr =	simm.s32 $0x1  }
0x2: {  	[smem:$0x3F94] =	sst lr;
	_ =	strace $0xD0000000  }
0x3: {  	_ = 	snop  }
0x4: {  	_ = 	snop  }
0x5: {  	_ = 	snop  }
0x6: {  	_ = 	snop  }
0x7: {  	_ = 	snop  }
__scs_overlays_trampoline_lowered:
0x8: {  	[smem:$0x3FA3] =	sst s0  }
0x9: {  	[smem:$0x3FA4] =	sst s1  }
0xa: {  	[smem:$0x3FA5] =	sst s2  }
0xb: {  	[smem:$0x3FA6] =	sst s3  }
0xc: {  	[smem:$0x3FA7] =	sst s4  }
0xd: {  	[smem:$0x3FA8] =	sst s5  }
0xe: {  	[smem:$0x3FA9] =	sst s6  }
0xf: {  	[smem:$0x3FAA] =	sst s7  }
0x10: {  	[smem:$0x3FAB] =	sst s8  }
0x11: {  	[smem:$0x3FAC] =	sst s9;
	s0 =	simm.s32 @!p0 $0x0  }
0x12: {  	s1 =	sld [smem:$0x3F92];
	s0 =	simm.s32 @p0 $0x1  }
0x13: {  	[smem:$0x3FAD] =	sst s0;
	s0 =	simm.s32 @!p1 $0x0  }
0x14: {  	s2 =	sld [smem:$0x3F91];
	s0 =	simm.s32 @p1 $0x1  }
0x15: {  	[smem:$0x3FAE] =	sst s0;
	s0 =	simm.s32 @!p2 $0x0  }
0x16: {  	s3 =	sld [smem:$0x3FDB];
	s0 =	simm.s32 @p2 $0x1  }
0x17: {  	s4 =	simm.s32 $0x1BF5;
	[smem:$0x3FB0] =	sst s0  }
0x18: {  	s0 =	sld [smem:$0x3F93];
	_ =	swait.ge [sflag:s4], $0x0  }
0x19: {  	s7 =	sld [smem:$0x3F94]  }
0x1a: {  	s8 =	sadd.s32 $0xFFFFE003, lr  }
0x1b: {  	s9 =	sadd.s32 $0xFFFFFEF7, lr;
	s5 =	simm.s32 $0xFFFFFFFF;
	p2 =	slt.u32 s8, $0xFFFFF086  }
0x1c: {  	p1 =	slt.u32 s9, $0xF7A;
	s5 =	simm.s32 @!p2 $0x0  }
0x1d: {  	s5 =	simm.s32 @p1 $0x1;
	p0 =	seq.s32 s7, s2  }
0x1e: {  	s7 =	smul.u32 @!p0 $0xF7A, s2;
	p2 =	seq.s32 @!p0 s5, $0x0  }
0x1f: {  	s9 =	smul.u32 $0xF7A, s1;
	s8 =	simm.s32 @!p0 $0x1BF5;
	p2 =	por !p2, p0  }
0x20: {  	[sflag:s8] =	ssyncset.s32 @!p0 $0xFFFFF086;
	s6 =	sadd.s32 @!p0 s3, s7;
	s7 =	simm.s32 @!p0 $0x108  }
0x21: {  	s3 =	sadd.s32 s3, s9;
	s6 =	sadd.s32 @!p0 $0x88, s6;
	s7 =	simm.s32 @p2 $0x1082  }
0x22: {  	[simem:s7], [sflag:s8] =	dma.local @!p0 [hbm:s6], $0xF7A  }
0x23: {  	s9 =	sor.u32 $0xD0000000, s2;
	s6 =	simm.s32 $0x108;
	_ =	swait.ge @!p0 [sflag:s8], $0x0  }
0x24: {  	s3 =	sadd.s32 $0x88, s3;
	s6 =	simm.s32 @!p1 $0x1082;
	[sflag:s4] =	ssyncset.s32 $0xFFFFF086  }
0x25: {  	[simem:s6], [sflag:s4] =	dma.local [hbm:s3], $0xF7A  }
0x26: {  	[smem:$0x3F94] =	sst s1;
	(tag) =	ssettag s2;
	_ =	strace s9  }
0x27: {  	s1 =	sld [smem:$0x3FA4]  }
0x28: {  	s2 =	sld [smem:$0x3FA5]  }
0x29: {  	s4 =	sld [smem:$0x3FA7]  }
0x2a: {  	p0 =	seq.s32 s5, $0x0;
	s5 =	sld [smem:$0x3FA8]  }
0x2b: {  	s6 =	sld [smem:$0x3FA9]  }
0x2c: {  	s7 =	sld [smem:$0x3FAA]  }
0x2d: {  	s3 =	simm.s32 $0x108;
	s8 =	sld [smem:$0x3FAB]  }
0x2e: {  	s3 =	simm.s32 @!p0 $0x1082;
	s9 =	sld [smem:$0x3FAC]  }
0x2f: {  	lr =	sadd.s32 s0, s3;
	s0 =	sld [smem:$0x3FA3]  }
0x30: {  	s3 =	sld [smem:$0x3FA6]  }
0x31: {  	[smem:$0x3FAF] =	sst s10  }
0x32: {  	s10 =	sld [smem:$0x3FAD];
	_ =	sdelay $0x3  }
0x33: {  	p0 =	seq.s32 s10, $0x1;
	s10 =	sld [smem:$0x3FAF];
	_ =	sdelay $0x3  }
0x34: {  	[smem:$0x3FAF] =	sst s10  }
0x35: {  	s10 =	sld [smem:$0x3FAE];
	_ =	sdelay $0x3  }
0x36: {  	p1 =	seq.s32 s10, $0x1;
	s10 =	sld [smem:$0x3FAF];
	_ =	sdelay $0x3  }
0x37: {  	[smem:$0x3FAF] =	sst s10  }
0x38: {  	s10 =	sld [smem:$0x3FB0]  }
0x39: {  	_ = 	snop;
	(pc) =	sbr.ind lr, $3  }
0x3a: {  	_ = 	snop  }
0x3b: {  	_ = 	snop  }
0x3c: {  	p2 =	seq.s32 s10, $0x1;
	s10 =	sld [smem:$0x3FAF]  }
0x3d: {  	_ =	shalt  }
0x3e: {  	_ =	shalt  }
0x3f: {  	_ =	shalt  }
0x40: {  	_ =	shalt  }
0x41: {  	_ =	shalt  }
0x42: {  	_ =	shalt  }
0x43: {  	_ =	shalt  }
0x44: {  	_ =	shalt  }
0x45: {  	_ =	shalt  }
0x46: {  	_ =	shalt  }
0x47: {  	_ =	shalt  }
0x48: {  	_ =	shalt  }
0x49: {  	_ =	shalt  }
0x4a: {  	_ =	shalt  }
0x4b: {  	_ =	shalt  }
0x4c: {  	_ =	shalt  }
0x4d: {  	_ =	shalt  }
0x4e: {  	_ =	shalt  }
0x4f: {  	_ =	shalt  }
0x50: {  	_ =	shalt  }
0x51: {  	_ =	shalt  }
0x52: {  	_ =	shalt  }
0x53: {  	_ =	shalt  }
0x54: {  	_ =	shalt  }
0x55: {  	_ =	shalt  }
0x56: {  	_ =	shalt  }
0x57: {  	_ =	shalt  }
0x58: {  	_ =	shalt  }
0x59: {  	_ =	shalt  }
0x5a: {  	_ =	shalt  }
0x5b: {  	_ =	shalt  }
0x5c: {  	_ =	shalt  }
0x5d: {  	_ =	shalt  }
0x5e: {  	_ =	shalt  }
0x5f: {  	_ =	shalt  }
0x60: {  	_ =	shalt  }
0x61: {  	_ =	shalt  }
0x62: {  	_ =	shalt  }
0x63: {  	_ =	shalt  }
0x64: {  	_ =	shalt  }
0x65: {  	_ =	shalt  }
0x66: {  	_ =	shalt  }
0x67: {  	_ =	shalt  }
0x68: {  	_ =	shalt  }
0x69: {  	_ =	shalt  }
0x6a: {  	_ =	shalt  }
0x6b: {  	_ =	shalt  }
0x6c: {  	_ =	shalt  }
0x6d: {  	_ =	shalt  }
0x6e: {  	_ =	shalt  }
0x6f: {  	_ =	shalt  }
0x70: {  	_ =	shalt  }
0x71: {  	_ =	shalt  }
0x72: {  	_ =	shalt  }
0x73: {  	_ =	shalt  }
0x74: {  	_ =	shalt  }
0x75: {  	_ =	shalt  }
0x76: {  	_ =	shalt  }
0x77: {  	_ =	shalt  }
0x78: {  	_ =	shalt  }
0x79: {  	_ =	shalt  }
0x7a: {  	_ =	shalt  }
0x7b: {  	_ =	shalt  }
0x7c: {  	_ =	shalt  }
0x7d: {  	_ =	shalt  }
0x7e: {  	_ =	shalt  }
0x7f: {  	_ =	shalt  }
0x80: {  	_ =	shalt  }
0x81: {  	_ =	shalt  }
0x82: {  	_ =	shalt  }
0x83: {  	_ =	shalt  }
0x84: {  	_ =	shalt  }
0x85: {  	_ =	shalt  }
0x86: {  	_ =	shalt  }
0x87: {  	_ =	shalt  }
.Lfunc_end0:
.L_simem_size_0:
called_computation.2_lowered:
.L_overlay_start_0:
0x88: {  	s0 =	sld [smem:$0x3FD9]  }
0x89: {  	s1 =	sld [smem:$0x3FFE];
	_ =	sdelay $0x3  }
0x8a: {  	s0 =	sadd.s32 s1, s0  }
0x8b: {  	[smem:$0x3FBB] =	sst s0  }
0x8c: {  	_ = 	snop  }
0x8d: {  	(tm) =	ssettm $0x1  }
0x8e: {  	s15 =	sld [smem:$0x3FFB];
	_ =	sdelay $0x3  }
0x8f: {  	_ =	strace s15  }
0x90: {  	s0 =	sld [smem:$0x3FFC];
	_ =	sdelay $0x3  }
0x91: {  	_ =	strace s0  }
0x92: {  	s0 =	sld [smem:$0x3FFD];
	_ =	sdelay $0x3  }
0x93: {  	_ =	strace s0  }
0x94: {  	_ =	strace $0x8FFFFFFF  }
0x95: {  	s16 =	sld [smem:$0x3FDB];
	_ =	sdelay $0x1  }
0x96: {  	s17 =	simm.s32 $_scs_section_size  }
0x97: {  	s2 =	simm.s32 $_size__tile_overlayer_lowered;
	s3 =	simm.s32 $_tile_overlayer_lowered  }
0x98: {  	s20 =	simm.s32 $0x1BFF;
	s19 =	sshll.u32 s3, $0x1;
	s0 =	sadd.s32 s17, s16  }
0x99: {  	s4 =	simm.s32 $0x0;
	s18 =	sshll.u32 s2, $0x1;
	s2 =	sadd.s32 s19, s0  }
0x9a: {  	[timem:s4], [sflag:s20] =	dma.local [hbm:s2], s18  }
0x9b: {  	_ =	swait.ge [sflag:s20], s18  }
0x9c: {  	s1 =	ssub.s32 $0x0, s18;
	[sflag:s20] =	ssyncset.done $0x0  }
0x9d: {  	[sflag:s20] =	ssyncadd.s32 s1;
	_ =	sdelay $0x1  }
0x9e: {  	s21 =	simm.s32 $0x1B8B  }
0x9f: {  	_ =	swait.ge [sflag:s21], $0x1  }
0xa0: {  	[sflag:s21] =	ssyncset.done $0x0  }
0xa1: {  	s23 =	simm.s32 $0x1B8E;
	s22 =	sld [smem:$0x3FFE];
	[sflag:s21] =	ssyncadd.s32 $0xFFFFFFFF  }
0xa2: {  	s24 =	simm.s32 $execute0_lowered;
	[smem:$0x3FD2] =	sst s23  }
0xa3: {  	s2 =	sshll.u32 s24, $0x1;
	_ =	strace $0x8000004C;
	[dreg:$0x1] =	wrdreg $0xFFFFFFFF  }
0xa4: {  	s25 =	simm.s32 $_size_execute0_lowered;
	s0 =	sadd.s32 s0, s2;
	[dreg:$0x0] =	wrdreg $0x0  }
0xa5: {  	s2 =	sshll.u32 s25, $0x1;
	[dreg:$0x2] =	wrdreg s0  }
0xa6: {  	[dreg:$0x3] =	wrdreg s2  }
0xa7: {  	[dreg:$0x4] =	wrdreg $0xC0  }
0xa8: {  	_ =	task [dreg:s4], $0x5FFFF  }
0xa9: {  	[dreg:$0x1] =	wrdreg $0xFFFFFFFF  }
0xaa: {  	[dreg:$0x0] =	wrdreg $0x60  }
0xab: {  	[dreg:$0x2] =	wrdreg s22  }
0xac: {  	[dreg:$0x3] =	wrdreg $0xC0000  }
0xad: {  	[dreg:$0x4] =	wrdreg $0x9  }
0xae: {  	_ =	task.clear_ibuf [dreg:s4], $0x5FFFF;
	_ =	strace $0x9000004C  }
0xaf: {  	s26 =	simm.s32 $0x9;
	_ =	strace $0x8000004E  }
0xb0: {  	_ =	swait.ge [sflag:s26], $0x1  }
0xb1: {  	[sflag:s26] =	ssyncadd.s32 $0xFFFFFFFF  }
0xb2: {  	_ =	strace $0x9000004E  }
0xb3: {  	_ =	sfence  }
0xb4: {  	s28 =	sld [smem:$0x0];
	_ =	sdelay $0x1  }
0xb5: {  	s29 =	srdreg.scid  }
0xb6: {  	s30 =	sshll.u32 s29, $0xD;
	s31 =	sshrl.u32 s29, $0x2  }
0xb7: {  	s1 =	sand.u32 $0x1, s29;
	s2 =	sand.u32 $0x4000, s30;
	s0 =	sadd.s32 s31, s28  }
0xb8: {  	s1 =	sor.u32 s2, s1;
	s0 =	sshll.u32 s0, $0x11  }
0xb9: {  	s0 =	sor.u32 s0, s1  }
0xba: {  	s0 =	sadd.s32 $0x8F2B, s0  }
0xbb: {  	[sflag:s0] =	ssyncadd.remote.s32 $0x1  }
0xbc: {  	_ =	sfence.sel $0xFFFF  }
0xbd: {  	[dreg:$0x0] =	wrdreg $0xFFFFFFFF;
	(pc) =	sbr.abs _section_cstart, $3  }
0xbe: {  	[dreg:$0x1] =	wrdreg $0xFFFFFFFF  }
0xbf: {  	_ =	task.clear_ibuf [dreg:s4], $0x2FFFF;
	_ =	strace $0x9FFFFFFF  }
0xc0: {  	(tm) =	ssettm $0x7FFFFFFF  }
0xc1: {  	_ =	shalt  }
tec
execute0_lowered:
.L_overlay_start_1:
0x0: {  	(tag) =	ssettag $0x1  }
0x1: {  	s25 =	rddreg [dreg:$0x0];
	s0 =	stileid.u32  }
0x2: {  	s2 =	rddreg [dreg:$0x1];
	s3 =	smul.u32 $0x50000, s0  }
0x3: {  	s1 =	rddreg [dreg:$0x2];
	s10 =	simm.s32 $0x0  }
0x4: {  	s7 =	simm.s32 $0xD;
	[smem:$0x7FF] =	sst s10;
	s3 =	sshrl.u32 s3, $0x2  }
0x5: {  	s16 =	sshll.u32 s0, $0x6;
	s6 =	sadd.s32 $0x2B000, s25;
	s5 =	sadd.s32 s3, s2  }
0x6: {  	_ =	strace $0x8000004D;
	s3 =	sor.u32 $0x1C0D, s16;
	s4 =	sshrl.u32 s5, $0x3  }
0x7: {  	[spmem:s4], [sflag:s3] =	dma.local [hbm:s6], $0x800  }
0x8: {  	_ =	swait.ge [sflag:s7], $0x800  }
0x9: {  	s8 =	sadd.s32 $0x4000, s5;
	[sflag:s7] =	ssyncset.done $0x0  }
0xa: {  	s8 =	sshrl.u32 s8, $0x3;
	[sflag:s7] =	ssyncadd.s32 $0xFFFFF800  }
0xb: {  	[spmem:s8], [sflag:s3] =	dma.local [hbm:s6], $0x800  }
0xc: {  	_ =	swait.ge [sflag:s7], $0x800  }
0xd: {  	s17 =	sadd.s32 $0x8000, s5;
	[sflag:s7] =	ssyncset.done $0x0  }
0xe: {  	s8 =	sshrl.u32 s17, $0x3;
	[sflag:s7] =	ssyncadd.s32 $0xFFFFF800  }
0xf: {  	[spmem:s8], [sflag:s3] =	dma.local [hbm:s6], $0x800  }
0x10: {  	_ =	swait.ge [sflag:s7], $0x800  }
0x11: {  	s18 =	sadd.s32 $0xC000, s5;
	[sflag:s7] =	ssyncset.done $0x0  }
0x12: {  	s8 =	sshrl.u32 s18, $0x3;
	[sflag:s7] =	ssyncadd.s32 $0xFFFFF800  }
0x13: {  	[spmem:s8], [sflag:s3] =	dma.local [hbm:s6], $0x800  }
0x14: {  	_ =	swait.ge [sflag:s7], $0x800  }
0x15: {  	s5 =	sadd.s32 $0x10000, s5;
	[sflag:s7] =	ssyncset.done $0x0  }
0x16: {  	s5 =	sshrl.u32 s5, $0x3;
	[sflag:s7] =	ssyncadd.s32 $0xFFFFF800  }
0x17: {  	[spmem:s5], [sflag:s3] =	dma.local [hbm:s6], $0x800  }
0x18: {  	s19 =	smul.u32 $0xA000, s0;
	_ =	swait.ge [sflag:s7], $0x800  }
0x19: {  	[sflag:s7] =	ssyncset.done $0x0  }
0x1a: {  	s24 =	sadd.s32 $0x17000, s25;
	s5 =	sshrl.u32 s19, $0x3;
	[sflag:s7] =	ssyncadd.s32 $0xFFFFF800  }
0x1b: {  	s26 =	sadd.s32 $0x3A600, s25;
	s20 =	sadd.s32 s24, s5;
	[bflag:$0x0] =	sbarrier.arrive $0xFFFF  }
0x1c: {  	[tilespmem:s10], [sflag:$0xB] =	stream.linear.gather [hbm4b:s20+s10], $0x800, $0x38;
	v63 =	vld [tilespmem:$0x0]  }
0x1d: {  	s21 =	simm.s32 $0x1000;
	s5 =	sadd.s32 s26, s5  }
0x1e: {  	[tilespmem:s21], [sflag:$0xC] =	stream.linear.gather [hbm4b:s5+s10], $0x800, $0x38;
	v63 =	vld [tilespmem:$0x0]  }
0x1f: {  	s5 =	simm.s32 $0xB  }
0x20: {  	_ =	swait.ge [sflag:s5], $0x800  }
0x21: {  	[sflag:s5] =	ssyncset.done $0x0  }
0x22: {  	s6 =	simm.s32 $0xC;
	[sflag:s5] =	ssyncadd.s32 $0xFFFFF800  }
0x23: {  	_ =	swait.ge [sflag:s6], $0x800  }
0x24: {  	s9 =	simm.s32 $0x2000;
	s28 =	sand.u32 $0x800, s10;
	[sflag:s6] =	ssyncset.done $0x0  }
0x25: {  	s8 =	simm.s32 $0x40;
	s7 =	sadd.s32 $0x4E600, s25;
	[sflag:s6] =	ssyncadd.s32 $0xFFFFF800  }
0x26: {  	[tilespmem:s9], [sflag:$0x1] =	stream.indirect.gather [hbm4b:s7+s8], $0x80, s28, s8, $0xb8;
	v63 =	vld [tilespmem:$0x0]  }
0x27: {  	s11 =	sor.u32 $0x80, s28;
	s10 =	simm.s32 $0x4000  }
0x28: {  	[tilespmem:s10], [sflag:$0x2] =	stream.indirect.gather [hbm4b:s7+s8], $0x80, s11, s8, $0xb8;
	v63 =	vld [tilespmem:$0x0]  }
0x29: {  	s12 =	sor.u32 $0x100, s28;
	s11 =	simm.s32 $0x6000  }
0x2a: {  	[tilespmem:s11], [sflag:$0x3] =	stream.indirect.gather [hbm4b:s7+s8], $0x80, s12, s8, $0xb8;
	v63 =	vld [tilespmem:$0x0]  }
0x2b: {  	s13 =	simm.s32 $0x1;
	s14 =	sor.u32 $0x180, s28;
	s12 =	simm.s32 $0x8000  }
0x2c: {  	[tilespmem:s12], [sflag:$0x4] =	stream.indirect.gather [hbm4b:s7+s8], $0x80, s14, s8, $0xb8;
	v63 =	vld [tilespmem:$0x0]  }
0x2d: {  	_ =	swait.ge [sflag:s13], $0x2000  }
0x2e: {  	[sflag:s13] =	ssyncset.done $0x0  }
0x2f: {  	s22 =	sor.u32 $0x1000, s28;
	[sflag:s13] =	ssyncadd.s32 $0xFFFFE000  }
0x30: {  	[spmem:s2] =	stream.indirect.scatter.add.f32 [tilespmem:s9], [sflag:$0x6], $0x80, s22, s8, $0xb8;
	v63 =	vld [tilespmem:$0x0]  }
0x31: {  	s15 =	simm.s32 $0x2;
	s16 =	sor.u32 $0x200, s28;
	s14 =	simm.s32 $0xA000  }
0x32: {  	[tilespmem:s14], [sflag:$0x5] =	stream.indirect.gather [hbm4b:s7+s8], $0x80, s16, s8, $0xb8;
	v63 =	vld [tilespmem:$0x0]  }
0x33: {  	_ =	swait.ge [sflag:s15], $0x2000  }
0x34: {  	[sflag:s15] =	ssyncset.done $0x0  }
0x35: {  	s17 =	sor.u32 $0x1080, s28;
	s16 =	simm.s32 $0x6;
	[sflag:s15] =	ssyncadd.s32 $0xFFFFE000  }
0x36: {  	[spmem:s2] =	stream.indirect.scatter.add.f32 [tilespmem:s10], [sflag:$0x7], $0x80, s17, s8, $0xb8;
	v63 =	vld [tilespmem:$0x0]  }
0x37: {  	_ =	swait.ge [sflag:s16], $0x2000  }
0x38: {  	[sflag:s16] =	ssyncset.done $0x0  }
0x39: {  	s18 =	sor.u32 $0x280, s28;
	s17 =	simm.s32 $0x3;
	[sflag:s16] =	ssyncadd.s32 $0xFFFFE000  }
0x3a: {  	[tilespmem:s9], [sflag:$0x1] =	stream.indirect.gather [hbm4b:s7+s8], $0x80, s18, s8, $0xb8;
	v63 =	vld [tilespmem:$0x0]  }
0x3b: {  	_ =	swait.ge [sflag:s17], $0x2000  }
0x3c: {  	[sflag:s17] =	ssyncset.done $0x0  }
0x3d: {  	s19 =	sor.u32 $0x1100, s28;
	s18 =	simm.s32 $0x7;
	[sflag:s17] =	ssyncadd.s32 $0xFFFFE000  }
0x3e: {  	[spmem:s2] =	stream.indirect.scatter.add.f32 [tilespmem:s11], [sflag:$0x8], $0x80, s19, s8, $0xb8;
	v63 =	vld [tilespmem:$0x0]  }
0x3f: {  	_ =	swait.ge [sflag:s18], $0x2000  }
0x40: {  	[sflag:s18] =	ssyncset.done $0x0  }
0x41: {  	s20 =	sor.u32 $0x300, s28;
	s19 =	simm.s32 $0x4;
	[sflag:s18] =	ssyncadd.s32 $0xFFFFE000  }
0x42: {  	[tilespmem:s10], [sflag:$0x2] =	stream.indirect.gather [hbm4b:s7+s8], $0x80, s20, s8, $0xb8;
	v63 =	vld [tilespmem:$0x0]  }
0x43: {  	_ =	swait.ge [sflag:s19], $0x2000  }
0x44: {  	[sflag:s19] =	ssyncset.done $0x0  }
0x45: {  	s21 =	sor.u32 $0x1180, s28;
	s20 =	simm.s32 $0x8;
	[sflag:s19] =	ssyncadd.s32 $0xFFFFE000  }
0x46: {  	[spmem:s2] =	stream.indirect.scatter.add.f32 [tilespmem:s12], [sflag:$0x9], $0x80, s21, s8, $0xb8;
	v63 =	vld [tilespmem:$0x0]  }
0x47: {  	_ =	swait.ge [sflag:s20], $0x2000  }
0x48: {  	[sflag:s20] =	ssyncset.done $0x0  }
0x49: {  	s23 =	sor.u32 $0x380, s28;
	s21 =	simm.s32 $0x5;
	[sflag:s20] =	ssyncadd.s32 $0xFFFFE000  }
0x4a: {  	[tilespmem:s11], [sflag:$0x3] =	stream.indirect.gather [hbm4b:s7+s8], $0x80, s23, s8, $0xb8;
	v63 =	vld [tilespmem:$0x0]  }
0x4b: {  	_ =	swait.ge [sflag:s21], $0x2000  }
0x4c: {  	[sflag:s21] =	ssyncset.done $0x0  }
0x4d: {  	s22 =	sor.u32 $0x1200, s28;
	[sflag:s21] =	ssyncadd.s32 $0xFFFFE000  }
0x4e: {  	[spmem:s2] =	stream.indirect.scatter.add.f32 [tilespmem:s14], [sflag:$0xA], $0x80, s22, s8, $0xb8;
	v63 =	vld [tilespmem:$0x0]  }
0x4f: {  	s22 =	simm.s32 $0x9  }
0x50: {  	_ =	swait.ge [sflag:s22], $0x2000  }
0x51: {  	[sflag:s22] =	ssyncset.done $0x0  }
0x52: {  	s23 =	sor.u32 $0x400, s28;
	[sflag:s22] =	ssyncadd.s32 $0xFFFFE000  }
0x53: {  	[tilespmem:s12], [sflag:$0x4] =	stream.indirect.gather [hbm4b:s7+s8], $0x80, s23, s8, $0xb8;
	v63 =	vld [tilespmem:$0x0]  }
0x54: {  	_ =	swait.ge [sflag:s13], $0x2000  }
0x55: {  	[sflag:s13] =	ssyncset.done $0x0  }
0x56: {  	s29 =	sor.u32 $0x1280, s28;
	s23 =	simm.s32 $0xA;
	[sflag:s13] =	ssyncadd.s32 $0xFFFFE000  }
0x57: {  	[spmem:s2] =	stream.indirect.scatter.add.f32 [tilespmem:s9], [sflag:$0x6], $0x80, s29, s8, $0xb8;
	v63 =	vld [tilespmem:$0x0]  }
0x58: {  	_ =	swait.ge [sflag:s23], $0x2000  }
0x59: {  	[sflag:s23] =	ssyncset.done $0x0  }
0x5a: {  	s29 =	sor.u32 $0x480, s28;
	[sflag:s23] =	ssyncadd.s32 $0xFFFFE000  }
0x5b: {  	[tilespmem:s14], [sflag:$0x5] =	stream.indirect.gather [hbm4b:s7+s8], $0x80, s29, s8, $0xb8;
	v63 =	vld [tilespmem:$0x0]  }
0x5c: {  	_ =	swait.ge [sflag:s15], $0x2000  }
0x5d: {  	[sflag:s15] =	ssyncset.done $0x0  }
0x5e: {  	s30 =	sor.u32 $0x1300, s28;
	[sflag:s15] =	ssyncadd.s32 $0xFFFFE000  }
0x5f: {  	[spmem:s2] =	stream.indirect.scatter.add.f32 [tilespmem:s10], [sflag:$0x7], $0x80, s30, s8, $0xb8;
	v63 =	vld [tilespmem:$0x0]  }
0x60: {  	_ =	swait.ge [sflag:s16], $0x2000  }
0x61: {  	[sflag:s16] =	ssyncset.done $0x0  }
0x62: {  	s31 =	sor.u32 $0x500, s28;
	[sflag:s16] =	ssyncadd.s32 $0xFFFFE000  }
0x63: {  	[tilespmem:s9], [sflag:$0x1] =	stream.indirect.gather [hbm4b:s7+s8], $0x80, s31, s8, $0xb8;
	v63 =	vld [tilespmem:$0x0]  }
0x64: {  	_ =	swait.ge [sflag:s17], $0x2000  }
0x65: {  	[sflag:s17] =	ssyncset.done $0x0  }
0x66: {  	s30 =	sor.u32 $0x1380, s28;
	[sflag:s17] =	ssyncadd.s32 $0xFFFFE000  }
0x67: {  	[spmem:s2] =	stream.indirect.scatter.add.f32 [tilespmem:s11], [sflag:$0x8], $0x80, s30, s8, $0xb8;
	v63 =	vld [tilespmem:$0x0]  }
0x68: {  	_ =	swait.ge [sflag:s18], $0x2000  }
0x69: {  	[sflag:s18] =	ssyncset.done $0x0  }
0x6a: {  	s31 =	sor.u32 $0x580, s28;
	[sflag:s18] =	ssyncadd.s32 $0xFFFFE000  }
0x6b: {  	[tilespmem:s10], [sflag:$0x2] =	stream.indirect.gather [hbm4b:s7+s8], $0x80, s31, s8, $0xb8;
	v63 =	vld [tilespmem:$0x0]  }
0x6c: {  	_ =	swait.ge [sflag:s19], $0x2000  }
0x6d: {  	[sflag:s19] =	ssyncset.done $0x0  }
0x6e: {  	s30 =	sor.u32 $0x1400, s28;
	[sflag:s19] =	ssyncadd.s32 $0xFFFFE000  }
0x6f: {  	[spmem:s2] =	stream.indirect.scatter.add.f32 [tilespmem:s12], [sflag:$0x9], $0x80, s30, s8, $0xb8;
	v63 =	vld [tilespmem:$0x0]  }
0x70: {  	_ =	swait.ge [sflag:s20], $0x2000  }
0x71: {  	[sflag:s20] =	ssyncset.done $0x0  }
0x72: {  	s31 =	sor.u32 $0x600, s28;
	[sflag:s20] =	ssyncadd.s32 $0xFFFFE000  }
0x73: {  	[tilespmem:s11], [sflag:$0x3] =	stream.indirect.gather [hbm4b:s7+s8], $0x80, s31, s8, $0xb8;
	v63 =	vld [tilespmem:$0x0]  }
0x74: {  	_ =	swait.ge [sflag:s21], $0x2000  }
0x75: {  	[sflag:s21] =	ssyncset.done $0x0  }
0x76: {  	s30 =	sor.u32 $0x1480, s28;
	[sflag:s21] =	ssyncadd.s32 $0xFFFFE000  }
0x77: {  	[spmem:s2] =	stream.indirect.scatter.add.f32 [tilespmem:s14], [sflag:$0xA], $0x80, s30, s8, $0xb8;
	v63 =	vld [tilespmem:$0x0]  }
0x78: {  	_ =	swait.ge [sflag:s22], $0x2000  }
0x79: {  	[sflag:s22] =	ssyncset.done $0x0  }
0x7a: {  	s31 =	sor.u32 $0x680, s28;
	[sflag:s22] =	ssyncadd.s32 $0xFFFFE000  }
0x7b: {  	[tilespmem:s12], [sflag:$0x4] =	stream.indirect.gather [hbm4b:s7+s8], $0x80, s31, s8, $0xb8;
	v63 =	vld [tilespmem:$0x0]  }
0x7c: {  	_ =	swait.ge [sflag:s13], $0x2000  }
0x7d: {  	[sflag:s13] =	ssyncset.done $0x0  }
0x7e: {  	s30 =	sor.u32 $0x1500, s28;
	[sflag:s13] =	ssyncadd.s32 $0xFFFFE000  }
0x7f: {  	[spmem:s2] =	stream.indirect.scatter.add.f32 [tilespmem:s9], [sflag:$0x6], $0x80, s30, s8, $0xb8;
	v63 =	vld [tilespmem:$0x0]  }
0x80: {  	_ =	swait.ge [sflag:s23], $0x2000  }
0x81: {  	[sflag:s23] =	ssyncset.done $0x0  }
0x82: {  	s31 =	sor.u32 $0x700, s28;
	[sflag:s23] =	ssyncadd.s32 $0xFFFFE000  }
0x83: {  	[tilespmem:s14], [sflag:$0x5] =	stream.indirect.gather [hbm4b:s7+s8], $0x80, s31, s8, $0xb8;
	v63 =	vld [tilespmem:$0x0]  }
0x84: {  	_ =	swait.ge [sflag:s15], $0x2000  }
0x85: {  	[sflag:s15] =	ssyncset.done $0x0  }
0x86: {  	s30 =	sor.u32 $0x1580, s28;
	[sflag:s15] =	ssyncadd.s32 $0xFFFFE000  }
0x87: {  	[spmem:s2] =	stream.indirect.scatter.add.f32 [tilespmem:s10], [sflag:$0x7], $0x80, s30, s8, $0xb8;
	v63 =	vld [tilespmem:$0x0]  }
0x88: {  	_ =	swait.ge [sflag:s16], $0x2000  }
0x89: {  	[sflag:s16] =	ssyncset.done $0x0  }
0x8a: {  	s31 =	sor.u32 $0x780, s28;
	[sflag:s16] =	ssyncadd.s32 $0xFFFFE000  }
0x8b: {  	[tilespmem:s9], [sflag:$0x1] =	stream.indirect.gather [hbm4b:s7+s8], $0x80, s31, s8, $0xb8;
	v63 =	vld [tilespmem:$0x0]  }
0x8c: {  	_ =	swait.ge [sflag:s17], $0x2000  }
0x8d: {  	[sflag:s17] =	ssyncset.done $0x0  }
0x8e: {  	s30 =	sor.u32 $0x1600, s28;
	[sflag:s17] =	ssyncadd.s32 $0xFFFFE000  }
0x8f: {  	[spmem:s2] =	stream.indirect.scatter.add.f32 [tilespmem:s11], [sflag:$0x8], $0x80, s30, s8, $0xb8;
	v63 =	vld [tilespmem:$0x0]  }
0x90: {  	_ =	swait.ge [sflag:s19], $0x2000  }
0x91: {  	[sflag:s19] =	ssyncset.done $0x0  }
0x92: {  	s31 =	sor.u32 $0x1680, s28;
	[sflag:s19] =	ssyncadd.s32 $0xFFFFE000  }
0x93: {  	[spmem:s2] =	stream.indirect.scatter.add.f32 [tilespmem:s12], [sflag:$0x9], $0x80, s31, s8, $0xb8;
	v63 =	vld [tilespmem:$0x0]  }
0x94: {  	_ =	swait.ge [sflag:s21], $0x2000  }
0x95: {  	[sflag:s21] =	ssyncset.done $0x0  }
0x96: {  	s30 =	sor.u32 $0x1700, s28;
	s31 =	smul.u32 $0x1400, s0;
	[sflag:s21] =	ssyncadd.s32 $0xFFFFE000  }
0x97: {  	[spmem:s2] =	stream.indirect.scatter.add.f32 [tilespmem:s14], [sflag:$0xA], $0x80, s30, s8, $0xb8;
	v63 =	vld [tilespmem:$0x0]  }
0x98: {  	_ =	swait.ge [sflag:s13], $0x2000  }
0x99: {  	p0 =	por $0x0, $0x0;
	s26 =	sadd.s32 s31, s26;
	[sflag:s13] =	ssyncset.done $0x0  }
0x9a: {  	s24 =	sadd.s32 s31, s24;
	s30 =	sor.u32 $0x1780, s28;
	[sflag:s13] =	ssyncadd.s32 $0xFFFFE000  }
0x9b: {  	[spmem:s2] =	stream.indirect.scatter.add.f32 [tilespmem:s9], [sflag:$0x6], $0x80, s30, s8, $0xb8;
	v63 =	vld [tilespmem:$0x0]  }
0x9c: {  	s29 =	sadd.s32 $0x100, s24;
	s28 =	sxor.u32 @!p0 $0x800, s28;
	s30 =	simm.s32 @!p0 $0x0  }
0x9d: {  	[tilespmem:s28], [sflag:$0xB] =	stream.linear.gather @!p0 [hbm4b:s29+s30], $0x800, $0x38;
	v63 =	vld [tilespmem:$0x0]  }
0x9e: {  	s24 =	sadd.s32 $0x100, s26;
	s26 =	sor.u32 @!p0 $0x1000, s28  }
0x9f: {  	[tilespmem:s26], [sflag:$0xC] =	stream.linear.gather @!p0 [hbm4b:s24+s30], $0x800, $0x38;
	v63 =	vld [tilespmem:$0x0]  }
0xa0: {  	_ =	swait.ge [sflag:s18], $0x2000  }
0xa1: {  	[sflag:s18] =	ssyncset.done $0x0  }
0xa2: {  	[sflag:s18] =	ssyncadd.s32 $0xFFFFE000  }
0xa3: {  	_ =	swait.ge [sflag:s20], $0x2000  }
0xa4: {  	[sflag:s20] =	ssyncset.done $0x0  }
0xa5: {  	[sflag:s20] =	ssyncadd.s32 $0xFFFFE000  }
0xa6: {  	_ =	swait.ge [sflag:s22], $0x2000  }
0xa7: {  	[sflag:s22] =	ssyncset.done $0x0  }
0xa8: {  	[sflag:s22] =	ssyncadd.s32 $0xFFFFE000  }
0xa9: {  	_ =	swait.ge [sflag:s23], $0x2000  }
0xaa: {  	[sflag:s23] =	ssyncset.done $0x0  }
0xab: {  	[sflag:s23] =	ssyncadd.s32 $0xFFFFE000  }
0xac: {  	s25 =	sadd.s32 $0x76600, s25;
	_ =	swait.ge [sflag:s16], $0x2000  }
0xad: {  	s28 =	simm.s32 $0x800;
	s26 =	sadd.s32 $0x100, s29;
	[sflag:s16] =	ssyncset.done $0x0  }
.LBB2_1:
0xae: {  	[sflag:s16] =	ssyncadd.s32 $0xFFFFE000  }
0xaf: {  	s24 =	sadd.s32 $0x100, s24;
	s29 =	smov.u32 s28;
	s28 =	sadd.s32 $0x800, s28  }
0xb0: {  	_ =	swait.ge [sflag:s5], $0x800;
	p0 =	sne.s32 s28, $0xA000  }
0xb1: {  	[sflag:s5] =	ssyncset.done $0x0  }
0xb2: {  	[sflag:s5] =	ssyncadd.s32 $0xFFFFF800  }
0xb3: {  	_ =	swait.ge [sflag:s6], $0x800  }
0xb4: {  	[sflag:s6] =	ssyncset.done $0x0  }
0xb5: {  	s30 =	sand.u32 $0x800, s29;
	[sflag:s6] =	ssyncadd.s32 $0xFFFFF800  }
0xb6: {  	[tilespmem:s9], [sflag:$0x1] =	stream.indirect.gather [hbm4b:s7+s8], $0x80, s30, s8, $0xb8;
	v63 =	vld [tilespmem:$0x0]  }
0xb7: {  	s31 =	sor.u32 $0x80, s30  }
0xb8: {  	[tilespmem:s10], [sflag:$0x2] =	stream.indirect.gather [hbm4b:s7+s8], $0x80, s31, s8, $0xb8;
	v63 =	vld [tilespmem:$0x0]  }
0xb9: {  	s31 =	sor.u32 $0x100, s30  }
0xba: {  	[tilespmem:s11], [sflag:$0x3] =	stream.indirect.gather [hbm4b:s7+s8], $0x80, s31, s8, $0xb8;
	v63 =	vld [tilespmem:$0x0]  }
0xbb: {  	s31 =	sor.u32 $0x180, s30  }
0xbc: {  	[tilespmem:s12], [sflag:$0x4] =	stream.indirect.gather [hbm4b:s7+s8], $0x80, s31, s8, $0xb8;
	v63 =	vld [tilespmem:$0x0]  }
0xbd: {  	_ =	swait.ge [sflag:s13], $0x2000  }
0xbe: {  	[sflag:s13] =	ssyncset.done $0x0  }
0xbf: {  	s31 =	sor.u32 $0x1000, s30;
	[sflag:s13] =	ssyncadd.s32 $0xFFFFE000  }
0xc0: {  	[spmem:s2] =	stream.indirect.scatter.add.f32 [tilespmem:s9], [sflag:$0x6], $0x80, s31, s8, $0xb8;
	v63 =	vld [tilespmem:$0x0]  }
0xc1: {  	s31 =	sor.u32 $0x200, s30  }
0xc2: {  	[tilespmem:s14], [sflag:$0x5] =	stream.indirect.gather [hbm4b:s7+s8], $0x80, s31, s8, $0xb8;
	v63 =	vld [tilespmem:$0x0]  }
0xc3: {  	_ =	swait.ge [sflag:s15], $0x2000  }
0xc4: {  	[sflag:s15] =	ssyncset.done $0x0  }
0xc5: {  	s31 =	sor.u32 $0x1080, s30;
	[sflag:s15] =	ssyncadd.s32 $0xFFFFE000  }
0xc6: {  	[spmem:s2] =	stream.indirect.scatter.add.f32 [tilespmem:s10], [sflag:$0x7], $0x80, s31, s8, $0xb8;
	v63 =	vld [tilespmem:$0x0]  }
0xc7: {  	_ =	swait.ge [sflag:s16], $0x2000  }
0xc8: {  	[sflag:s16] =	ssyncset.done $0x0  }
0xc9: {  	s31 =	sor.u32 $0x280, s30;
	[sflag:s16] =	ssyncadd.s32 $0xFFFFE000  }
0xca: {  	[tilespmem:s9], [sflag:$0x1] =	stream.indirect.gather [hbm4b:s7+s8], $0x80, s31, s8, $0xb8;
	v63 =	vld [tilespmem:$0x0]  }
0xcb: {  	_ =	swait.ge [sflag:s17], $0x2000  }
0xcc: {  	[sflag:s17] =	ssyncset.done $0x0  }
0xcd: {  	s31 =	sor.u32 $0x1100, s30;
	[sflag:s17] =	ssyncadd.s32 $0xFFFFE000  }
0xce: {  	[spmem:s2] =	stream.indirect.scatter.add.f32 [tilespmem:s11], [sflag:$0x8], $0x80, s31, s8, $0xb8;
	v63 =	vld [tilespmem:$0x0]  }
0xcf: {  	_ =	swait.ge [sflag:s18], $0x2000  }
0xd0: {  	[sflag:s18] =	ssyncset.done $0x0  }
0xd1: {  	s31 =	sor.u32 $0x300, s30;
	[sflag:s18] =	ssyncadd.s32 $0xFFFFE000  }
0xd2: {  	[tilespmem:s10], [sflag:$0x2] =	stream.indirect.gather [hbm4b:s7+s8], $0x80, s31, s8, $0xb8;
	v63 =	vld [tilespmem:$0x0]  }
0xd3: {  	_ =	swait.ge [sflag:s19], $0x2000  }
0xd4: {  	[sflag:s19] =	ssyncset.done $0x0  }
0xd5: {  	s31 =	sor.u32 $0x1180, s30;
	[sflag:s19] =	ssyncadd.s32 $0xFFFFE000  }
0xd6: {  	[spmem:s2] =	stream.indirect.scatter.add.f32 [tilespmem:s12], [sflag:$0x9], $0x80, s31, s8, $0xb8;
	v63 =	vld [tilespmem:$0x0]  }
0xd7: {  	_ =	swait.ge [sflag:s20], $0x2000  }
0xd8: {  	[sflag:s20] =	ssyncset.done $0x0  }
0xd9: {  	s31 =	sor.u32 $0x380, s30;
	[sflag:s20] =	ssyncadd.s32 $0xFFFFE000  }
0xda: {  	[tilespmem:s11], [sflag:$0x3] =	stream.indirect.gather [hbm4b:s7+s8], $0x80, s31, s8, $0xb8;
	v63 =	vld [tilespmem:$0x0]  }
0xdb: {  	_ =	swait.ge [sflag:s21], $0x2000  }
0xdc: {  	[sflag:s21] =	ssyncset.done $0x0  }
0xdd: {  	s31 =	sor.u32 $0x1200, s30;
	[sflag:s21] =	ssyncadd.s32 $0xFFFFE000  }
0xde: {  	[spmem:s2] =	stream.indirect.scatter.add.f32 [tilespmem:s14], [sflag:$0xA], $0x80, s31, s8, $0xb8;
	v63 =	vld [tilespmem:$0x0]  }
0xdf: {  	_ =	swait.ge [sflag:s22], $0x2000  }
0xe0: {  	[sflag:s22] =	ssyncset.done $0x0  }
0xe1: {  	s31 =	sor.u32 $0x400, s30;
	[sflag:s22] =	ssyncadd.s32 $0xFFFFE000  }
0xe2: {  	[tilespmem:s12], [sflag:$0x4] =	stream.indirect.gather [hbm4b:s7+s8], $0x80, s31, s8, $0xb8;
	v63 =	vld [tilespmem:$0x0]  }
0xe3: {  	_ =	swait.ge [sflag:s13], $0x2000  }
0xe4: {  	[sflag:s13] =	ssyncset.done $0x0  }
0xe5: {  	s31 =	sor.u32 $0x1280, s30;
	[sflag:s13] =	ssyncadd.s32 $0xFFFFE000  }
0xe6: {  	[spmem:s2] =	stream.indirect.scatter.add.f32 [tilespmem:s9], [sflag:$0x6], $0x80, s31, s8, $0xb8;
	v63 =	vld [tilespmem:$0x0]  }
0xe7: {  	_ =	swait.ge [sflag:s23], $0x2000  }
0xe8: {  	[sflag:s23] =	ssyncset.done $0x0  }
0xe9: {  	s31 =	sor.u32 $0x480, s30;
	[sflag:s23] =	ssyncadd.s32 $0xFFFFE000  }
0xea: {  	[tilespmem:s14], [sflag:$0x5] =	stream.indirect.gather [hbm4b:s7+s8], $0x80, s31, s8, $0xb8;
	v63 =	vld [tilespmem:$0x0]  }
0xeb: {  	_ =	swait.ge [sflag:s15], $0x2000  }
0xec: {  	[sflag:s15] =	ssyncset.done $0x0  }
0xed: {  	s31 =	sor.u32 $0x1300, s30;
	[sflag:s15] =	ssyncadd.s32 $0xFFFFE000  }
0xee: {  	[spmem:s2] =	stream.indirect.scatter.add.f32 [tilespmem:s10], [sflag:$0x7], $0x80, s31, s8, $0xb8;
	v63 =	vld [tilespmem:$0x0]  }
0xef: {  	_ =	swait.ge [sflag:s16], $0x2000  }
0xf0: {  	[sflag:s16] =	ssyncset.done $0x0  }
0xf1: {  	s31 =	sor.u32 $0x500, s30;
	[sflag:s16] =	ssyncadd.s32 $0xFFFFE000  }
0xf2: {  	[tilespmem:s9], [sflag:$0x1] =	stream.indirect.gather [hbm4b:s7+s8], $0x80, s31, s8, $0xb8;
	v63 =	vld [tilespmem:$0x0]  }
0xf3: {  	_ =	swait.ge [sflag:s17], $0x2000  }
0xf4: {  	[sflag:s17] =	ssyncset.done $0x0  }
0xf5: {  	s31 =	sor.u32 $0x1380, s30;
	[sflag:s17] =	ssyncadd.s32 $0xFFFFE000  }
0xf6: {  	[spmem:s2] =	stream.indirect.scatter.add.f32 [tilespmem:s11], [sflag:$0x8], $0x80, s31, s8, $0xb8;
	v63 =	vld [tilespmem:$0x0]  }
0xf7: {  	_ =	swait.ge [sflag:s18], $0x2000  }
0xf8: {  	[sflag:s18] =	ssyncset.done $0x0  }
0xf9: {  	s31 =	sor.u32 $0x580, s30;
	[sflag:s18] =	ssyncadd.s32 $0xFFFFE000  }
0xfa: {  	[tilespmem:s10], [sflag:$0x2] =	stream.indirect.gather [hbm4b:s7+s8], $0x80, s31, s8, $0xb8;
	v63 =	vld [tilespmem:$0x0]  }
0xfb: {  	_ =	swait.ge [sflag:s19], $0x2000  }
0xfc: {  	[sflag:s19] =	ssyncset.done $0x0  }
0xfd: {  	s31 =	sor.u32 $0x1400, s30;
	[sflag:s19] =	ssyncadd.s32 $0xFFFFE000  }
0xfe: {  	[spmem:s2] =	stream.indirect.scatter.add.f32 [tilespmem:s12], [sflag:$0x9], $0x80, s31, s8, $0xb8;
	v63 =	vld [tilespmem:$0x0]  }
0xff: {  	_ =	swait.ge [sflag:s20], $0x2000  }
0x100: {  	[sflag:s20] =	ssyncset.done $0x0  }
0x101: {  	s31 =	sor.u32 $0x600, s30;
	[sflag:s20] =	ssyncadd.s32 $0xFFFFE000  }
0x102: {  	[tilespmem:s11], [sflag:$0x3] =	stream.indirect.gather [hbm4b:s7+s8], $0x80, s31, s8, $0xb8;
	v63 =	vld [tilespmem:$0x0]  }
0x103: {  	_ =	swait.ge [sflag:s21], $0x2000  }
0x104: {  	[sflag:s21] =	ssyncset.done $0x0  }
0x105: {  	s31 =	sor.u32 $0x1480, s30;
	[sflag:s21] =	ssyncadd.s32 $0xFFFFE000  }
0x106: {  	[spmem:s2] =	stream.indirect.scatter.add.f32 [tilespmem:s14], [sflag:$0xA], $0x80, s31, s8, $0xb8;
	v63 =	vld [tilespmem:$0x0]  }
0x107: {  	_ =	swait.ge [sflag:s22], $0x2000  }
0x108: {  	[sflag:s22] =	ssyncset.done $0x0  }
0x109: {  	s31 =	sor.u32 $0x680, s30;
	[sflag:s22] =	ssyncadd.s32 $0xFFFFE000  }
0x10a: {  	[tilespmem:s12], [sflag:$0x4] =	stream.indirect.gather [hbm4b:s7+s8], $0x80, s31, s8, $0xb8;
	v63 =	vld [tilespmem:$0x0]  }
0x10b: {  	_ =	swait.ge [sflag:s13], $0x2000  }
0x10c: {  	[sflag:s13] =	ssyncset.done $0x0  }
0x10d: {  	s31 =	sor.u32 $0x1500, s30;
	[sflag:s13] =	ssyncadd.s32 $0xFFFFE000  }
0x10e: {  	[spmem:s2] =	stream.indirect.scatter.add.f32 [tilespmem:s9], [sflag:$0x6], $0x80, s31, s8, $0xb8;
	v63 =	vld [tilespmem:$0x0]  }
0x10f: {  	_ =	swait.ge [sflag:s23], $0x2000  }
0x110: {  	[sflag:s23] =	ssyncset.done $0x0  }
0x111: {  	s31 =	sor.u32 $0x700, s30;
	[sflag:s23] =	ssyncadd.s32 $0xFFFFE000  }
0x112: {  	[tilespmem:s14], [sflag:$0x5] =	stream.indirect.gather [hbm4b:s7+s8], $0x80, s31, s8, $0xb8;
	v63 =	vld [tilespmem:$0x0]  }
0x113: {  	_ =	swait.ge [sflag:s15], $0x2000  }
0x114: {  	[sflag:s15] =	ssyncset.done $0x0  }
0x115: {  	s31 =	sor.u32 $0x1580, s30;
	[sflag:s15] =	ssyncadd.s32 $0xFFFFE000  }
0x116: {  	[spmem:s2] =	stream.indirect.scatter.add.f32 [tilespmem:s10], [sflag:$0x7], $0x80, s31, s8, $0xb8;
	v63 =	vld [tilespmem:$0x0]  }
0x117: {  	_ =	swait.ge [sflag:s16], $0x2000  }
0x118: {  	[sflag:s16] =	ssyncset.done $0x0  }
0x119: {  	s31 =	sor.u32 $0x780, s30;
	[sflag:s16] =	ssyncadd.s32 $0xFFFFE000  }
0x11a: {  	[tilespmem:s9], [sflag:$0x1] =	stream.indirect.gather [hbm4b:s7+s8], $0x80, s31, s8, $0xb8;
	v63 =	vld [tilespmem:$0x0]  }
0x11b: {  	_ =	swait.ge [sflag:s17], $0x2000  }
0x11c: {  	[sflag:s17] =	ssyncset.done $0x0  }
0x11d: {  	s31 =	sor.u32 $0x1600, s30;
	[sflag:s17] =	ssyncadd.s32 $0xFFFFE000  }
0x11e: {  	[spmem:s2] =	stream.indirect.scatter.add.f32 [tilespmem:s11], [sflag:$0x8], $0x80, s31, s8, $0xb8;
	v63 =	vld [tilespmem:$0x0]  }
0x11f: {  	_ =	swait.ge [sflag:s19], $0x2000  }
0x120: {  	[sflag:s19] =	ssyncset.done $0x0  }
0x121: {  	s31 =	sor.u32 $0x1680, s30;
	[sflag:s19] =	ssyncadd.s32 $0xFFFFE000  }
0x122: {  	[spmem:s2] =	stream.indirect.scatter.add.f32 [tilespmem:s12], [sflag:$0x9], $0x80, s31, s8, $0xb8;
	v63 =	vld [tilespmem:$0x0]  }
0x123: {  	_ =	swait.ge [sflag:s21], $0x2000  }
0x124: {  	[sflag:s21] =	ssyncset.done $0x0  }
0x125: {  	s31 =	sor.u32 $0x1700, s30;
	[sflag:s21] =	ssyncadd.s32 $0xFFFFE000  }
0x126: {  	[spmem:s2] =	stream.indirect.scatter.add.f32 [tilespmem:s14], [sflag:$0xA], $0x80, s31, s8, $0xb8;
	v63 =	vld [tilespmem:$0x0]  }
0x127: {  	_ =	swait.ge [sflag:s13], $0x2000  }
0x128: {  	[sflag:s13] =	ssyncset.done $0x0  }
0x129: {  	p1 =	seq.s32 s29, $0x9800;
	s31 =	sor.u32 $0x1780, s30;
	[sflag:s13] =	ssyncadd.s32 $0xFFFFE000  }
0x12a: {  	[spmem:s2] =	stream.indirect.scatter.add.f32 [tilespmem:s9], [sflag:$0x6], $0x80, s31, s8, $0xb8;
	v63 =	vld [tilespmem:$0x0]  }
0x12b: {  	s29 =	sxor.u32 @!p1 $0x800, s30;
	s30 =	simm.s32 @!p1 $0x0  }
0x12c: {  	[tilespmem:s29], [sflag:$0xB] =	stream.linear.gather @!p1 [hbm4b:s26+s30], $0x800, $0x38;
	v63 =	vld [tilespmem:$0x0]  }
0x12d: {  	s29 =	sor.u32 @!p1 $0x1000, s29  }
0x12e: {  	[tilespmem:s29], [sflag:$0xC] =	stream.linear.gather @!p1 [hbm4b:s24+s30], $0x800, $0x38;
	v63 =	vld [tilespmem:$0x0]  }
0x12f: {  	_ =	swait.ge [sflag:s18], $0x2000  }
0x130: {  	[sflag:s18] =	ssyncset.done $0x0  }
0x131: {  	[sflag:s18] =	ssyncadd.s32 $0xFFFFE000  }
0x132: {  	_ =	swait.ge [sflag:s20], $0x2000  }
0x133: {  	[sflag:s20] =	ssyncset.done $0x0  }
0x134: {  	[sflag:s20] =	ssyncadd.s32 $0xFFFFE000  }
0x135: {  	_ =	swait.ge [sflag:s22], $0x2000  }
0x136: {  	[sflag:s22] =	ssyncset.done $0x0  }
0x137: {  	[sflag:s22] =	ssyncadd.s32 $0xFFFFE000  }
.Ltmp0:
0x138: {  	_ =	swait.ge [sflag:s23], $0x2000;
	(pc) =	sbr.rel @p0 .LBB2_1-.Ltmp0, $4  }
0x139: {  	[sflag:s23] =	ssyncset.done $0x0  }
0x13a: {  	[sflag:s23] =	ssyncadd.s32 $0xFFFFE000  }
0x13b: {  	_ =	swait.ge [sflag:s16], $0x2000  }
0x13c: {  	s26 =	sadd.s32 $0x100, s26;
	[sflag:s16] =	ssyncset.done $0x0  }
0x13d: {  	s2 =	smul.u32 $0x2800, s0  }
0x13e: {  	[sflag:s16] =	ssyncadd.s32 $0xFFFFE000  }
0x13f: {  	s31 =	simm.s32 $0xD;
	[bflag:$0x0] =	sbarrier.arrive $0xFFFF;
	s2 =	sadd.s32 s25, s2  }
0x140: {  	[hbm:s2], [sflag:s3] =	dma.local [spmem:s4], $0x2800  }
0x141: {  	_ =	swait.ge [sflag:s31], $0x2800  }
0x142: {  	[sflag:s31] =	ssyncset.done $0x0  }
0x143: {  	[sflag:s31] =	ssyncadd.s32 $0xFFFFD800  }
0x144: {  	_ =	sfence.sel $0x180000  }
0x145: {  	[bflag:$0x0] =	sbarrier.arrive $0xFFFF  }
0x146: {  	p0 =	sne.s32 s0, $0x0;
	_ =	strace $0x9000004D  }
0x147: {  	s0 =	sadd.s32 @!p0 $0x100000, s1;
	[bflag:$0x2] =	sbarrier.arrive $0xFFFF  }
0x148: {  	[sflag:s0] =	ssyncadd.tile.s32 @!p0 $0x1;
	_ =	shalt  }
.Lfunc_end2:
_tile_overlayer_lowered:
.L_overlay_start_2:
0x149: {  	(tag) =	ssettag $0x2  }
0x14a: {  	s0 =	rddreg [dreg:$0x0];
	s2 =	stileid.u32  }
0x14b: {  	s1 =	rddreg [dreg:$0x1];
	p0 =	sne.s32 s2, $0x0  }
0x14c: {  	s3 =	rddreg [dreg:$0x2];
	[bflag:$0x3] =	sbarrier.arrive $0xFFFF;
	s2 =	simm.s32 @!p0 $0x1C0D  }
0x14d: {  	[timem:s3], [sflag:s2] =	dma.local @!p0 [hbm:s0], s1  }
0x14e: {  	s0 =	simm.s32 @!p0 $0xD  }
0x14f: {  	_ =	swait.ge @!p0 [sflag:s0], s1  }
0x150: {  	s1 =	ssub.s32 @!p0 $0x0, s1;
	[sflag:s0] =	ssyncset.done @!p0 $0x0  }
0x151: {  	[sflag:s0] =	ssyncadd.s32 @!p0 s1  }
0x152: {  	[bflag:$0x3] =	sbarrier.arrive $0xFFFF  }
0x153: {  	_ =	shalt  }

// kernel: kernel.20.cloned.1.call-start
scs
__scs_entry_jumppad:
0x0: {  	(pc) =	sbr.rel $0x88, $3  }
0x1: {  	(tag) =	ssettag $0x0;
	lr =	simm.s32 $0x1  }
0x2: {  	[smem:$0x3F94] =	sst lr;
	_ =	strace $0xD0000000  }
0x3: {  	_ = 	snop  }
0x4: {  	_ = 	snop  }
0x5: {  	_ = 	snop  }
0x6: {  	_ = 	snop  }
0x7: {  	_ = 	snop  }
__scs_overlays_trampoline_lowered:
0x8: {  	[smem:$0x3FA3] =	sst s0  }
0x9: {  	[smem:$0x3FA4] =	sst s1  }
0xa: {  	[smem:$0x3FA5] =	sst s2  }
0xb: {  	[smem:$0x3FA6] =	sst s3  }
0xc: {  	[smem:$0x3FA7] =	sst s4  }
0xd: {  	[smem:$0x3FA8] =	sst s5  }
0xe: {  	[smem:$0x3FA9] =	sst s6  }
0xf: {  	[smem:$0x3FAA] =	sst s7  }
0x10: {  	[smem:$0x3FAB] =	sst s8  }
0x11: {  	[smem:$0x3FAC] =	sst s9;
	s0 =	simm.s32 @!p0 $0x0  }
0x12: {  	s1 =	sld [smem:$0x3F92];
	s0 =	simm.s32 @p0 $0x1  }
0x13: {  	[smem:$0x3FAD] =	sst s0;
	s0 =	simm.s32 @!p1 $0x0  }
0x14: {  	s2 =	sld [smem:$0x3F91];
	s0 =	simm.s32 @p1 $0x1  }
0x15: {  	[smem:$0x3FAE] =	sst s0;
	s0 =	simm.s32 @!p2 $0x0  }
0x16: {  	s3 =	sld [smem:$0x3FDB];
	s0 =	simm.s32 @p2 $0x1  }
0x17: {  	s4 =	simm.s32 $0x1BF5;
	[smem:$0x3FB0] =	sst s0  }
0x18: {  	s0 =	sld [smem:$0x3F93];
	_ =	swait.ge [sflag:s4], $0x0  }
0x19: {  	s7 =	sld [smem:$0x3F94]  }
0x1a: {  	s8 =	sadd.s32 $0xFFFFE003, lr  }
0x1b: {  	s9 =	sadd.s32 $0xFFFFFEF7, lr;
	s5 =	simm.s32 $0xFFFFFFFF;
	p2 =	slt.u32 s8, $0xFFFFF086  }
0x1c: {  	p1 =	slt.u32 s9, $0xF7A;
	s5 =	simm.s32 @!p2 $0x0  }
0x1d: {  	s5 =	simm.s32 @p1 $0x1;
	p0 =	seq.s32 s7, s2  }
0x1e: {  	s7 =	smul.u32 @!p0 $0xF7A, s2;
	p2 =	seq.s32 @!p0 s5, $0x0  }
0x1f: {  	s9 =	smul.u32 $0xF7A, s1;
	s8 =	simm.s32 @!p0 $0x1BF5;
	p2 =	por !p2, p0  }
0x20: {  	[sflag:s8] =	ssyncset.s32 @!p0 $0xFFFFF086;
	s6 =	sadd.s32 @!p0 s3, s7;
	s7 =	simm.s32 @!p0 $0x108  }
0x21: {  	s3 =	sadd.s32 s3, s9;
	s6 =	sadd.s32 @!p0 $0x88, s6;
	s7 =	simm.s32 @p2 $0x1082  }
0x22: {  	[simem:s7], [sflag:s8] =	dma.local @!p0 [hbm:s6], $0xF7A  }
0x23: {  	s9 =	sor.u32 $0xD0000000, s2;
	s6 =	simm.s32 $0x108;
	_ =	swait.ge @!p0 [sflag:s8], $0x0  }
0x24: {  	s3 =	sadd.s32 $0x88, s3;
	s6 =	simm.s32 @!p1 $0x1082;
	[sflag:s4] =	ssyncset.s32 $0xFFFFF086  }
0x25: {  	[simem:s6], [sflag:s4] =	dma.local [hbm:s3], $0xF7A  }
0x26: {  	[smem:$0x3F94] =	sst s1;
	(tag) =	ssettag s2;
	_ =	strace s9  }
0x27: {  	s1 =	sld [smem:$0x3FA4]  }
0x28: {  	s2 =	sld [smem:$0x3FA5]  }
0x29: {  	s4 =	sld [smem:$0x3FA7]  }
0x2a: {  	p0 =	seq.s32 s5, $0x0;
	s5 =	sld [smem:$0x3FA8]  }
0x2b: {  	s6 =	sld [smem:$0x3FA9]  }
0x2c: {  	s7 =	sld [smem:$0x3FAA]  }
0x2d: {  	s3 =	simm.s32 $0x108;
	s8 =	sld [smem:$0x3FAB]  }
0x2e: {  	s3 =	simm.s32 @!p0 $0x1082;
	s9 =	sld [smem:$0x3FAC]  }
0x2f: {  	lr =	sadd.s32 s0, s3;
	s0 =	sld [smem:$0x3FA3]  }
0x30: {  	s3 =	sld [smem:$0x3FA6]  }
0x31: {  	[smem:$0x3FAF] =	sst s10  }
0x32: {  	s10 =	sld [smem:$0x3FAD];
	_ =	sdelay $0x3  }
0x33: {  	p0 =	seq.s32 s10, $0x1;
	s10 =	sld [smem:$0x3FAF];
	_ =	sdelay $0x3  }
0x34: {  	[smem:$0x3FAF] =	sst s10  }
0x35: {  	s10 =	sld [smem:$0x3FAE];
	_ =	sdelay $0x3  }
0x36: {  	p1 =	seq.s32 s10, $0x1;
	s10 =	sld [smem:$0x3FAF];
	_ =	sdelay $0x3  }
0x37: {  	[smem:$0x3FAF] =	sst s10  }
0x38: {  	s10 =	sld [smem:$0x3FB0]  }
0x39: {  	_ = 	snop;
	(pc) =	sbr.ind lr, $3  }
0x3a: {  	_ = 	snop  }
0x3b: {  	_ = 	snop  }
0x3c: {  	p2 =	seq.s32 s10, $0x1;
	s10 =	sld [smem:$0x3FAF]  }
0x3d: {  	_ =	shalt  }
0x3e: {  	_ =	shalt  }
0x3f: {  	_ =	shalt  }
0x40: {  	_ =	shalt  }
0x41: {  	_ =	shalt  }
0x42: {  	_ =	shalt  }
0x43: {  	_ =	shalt  }
0x44: {  	_ =	shalt  }
0x45: {  	_ =	shalt  }
0x46: {  	_ =	shalt  }
0x47: {  	_ =	shalt  }
0x48: {  	_ =	shalt  }
0x49: {  	_ =	shalt  }
0x4a: {  	_ =	shalt  }
0x4b: {  	_ =	shalt  }
0x4c: {  	_ =	shalt  }
0x4d: {  	_ =	shalt  }
0x4e: {  	_ =	shalt  }
0x4f: {  	_ =	shalt  }
0x50: {  	_ =	shalt  }
0x51: {  	_ =	shalt  }
0x52: {  	_ =	shalt  }
0x53: {  	_ =	shalt  }
0x54: {  	_ =	shalt  }
0x55: {  	_ =	shalt  }
0x56: {  	_ =	shalt  }
0x57: {  	_ =	shalt  }
0x58: {  	_ =	shalt  }
0x59: {  	_ =	shalt  }
0x5a: {  	_ =	shalt  }
0x5b: {  	_ =	shalt  }
0x5c: {  	_ =	shalt  }
0x5d: {  	_ =	shalt  }
0x5e: {  	_ =	shalt  }
0x5f: {  	_ =	shalt  }
0x60: {  	_ =	shalt  }
0x61: {  	_ =	shalt  }
0x62: {  	_ =	shalt  }
0x63: {  	_ =	shalt  }
0x64: {  	_ =	shalt  }
0x65: {  	_ =	shalt  }
0x66: {  	_ =	shalt  }
0x67: {  	_ =	shalt  }
0x68: {  	_ =	shalt  }
0x69: {  	_ =	shalt  }
0x6a: {  	_ =	shalt  }
0x6b: {  	_ =	shalt  }
0x6c: {  	_ =	shalt  }
0x6d: {  	_ =	shalt  }
0x6e: {  	_ =	shalt  }
0x6f: {  	_ =	shalt  }
0x70: {  	_ =	shalt  }
0x71: {  	_ =	shalt  }
0x72: {  	_ =	shalt  }
0x73: {  	_ =	shalt  }
0x74: {  	_ =	shalt  }
0x75: {  	_ =	shalt  }
0x76: {  	_ =	shalt  }
0x77: {  	_ =	shalt  }
0x78: {  	_ =	shalt  }
0x79: {  	_ =	shalt  }
0x7a: {  	_ =	shalt  }
0x7b: {  	_ =	shalt  }
0x7c: {  	_ =	shalt  }
0x7d: {  	_ =	shalt  }
0x7e: {  	_ =	shalt  }
0x7f: {  	_ =	shalt  }
0x80: {  	_ =	shalt  }
0x81: {  	_ =	shalt  }
0x82: {  	_ =	shalt  }
0x83: {  	_ =	shalt  }
0x84: {  	_ =	shalt  }
0x85: {  	_ =	shalt  }
0x86: {  	_ =	shalt  }
0x87: {  	_ =	shalt  }
.Lfunc_end0:
.L_simem_size_0:
called_computation.3_lowered:
.L_overlay_start_0:
0x88: {  	s0 =	sld [smem:$0x3FD9]  }
0x89: {  	s1 =	sld [smem:$0x3FFE];
	_ =	sdelay $0x3  }
0x8a: {  	s0 =	sadd.s32 s1, s0  }
0x8b: {  	[smem:$0x3FBB] =	sst s0  }
0x8c: {  	_ = 	snop  }
0x8d: {  	(tm) =	ssettm $0x1  }
0x8e: {  	s15 =	sld [smem:$0x3FFB];
	_ =	sdelay $0x3  }
0x8f: {  	_ =	strace s15  }
0x90: {  	s0 =	sld [smem:$0x3FFC];
	_ =	sdelay $0x3  }
0x91: {  	_ =	strace s0  }
0x92: {  	s0 =	sld [smem:$0x3FFD];
	_ =	sdelay $0x3  }
0x93: {  	_ =	strace s0  }
0x94: {  	_ =	strace $0x8FFFFFFF  }
0x95: {  	s16 =	sld [smem:$0x3FDB];
	_ =	sdelay $0x1  }
0x96: {  	s17 =	simm.s32 $_scs_section_size  }
0x97: {  	s2 =	simm.s32 $_size__tile_overlayer_lowered;
	s3 =	simm.s32 $_tile_overlayer_lowered  }
0x98: {  	s20 =	simm.s32 $0x1BFF;
	s19 =	sshll.u32 s3, $0x1;
	s0 =	sadd.s32 s17, s16  }
0x99: {  	s4 =	simm.s32 $0x0;
	s18 =	sshll.u32 s2, $0x1;
	s2 =	sadd.s32 s19, s0  }
0x9a: {  	[timem:s4], [sflag:s20] =	dma.local [hbm:s2], s18  }
0x9b: {  	_ =	swait.ge [sflag:s20], s18  }
0x9c: {  	s1 =	ssub.s32 $0x0, s18;
	[sflag:s20] =	ssyncset.done $0x0  }
0x9d: {  	[sflag:s20] =	ssyncadd.s32 s1;
	_ =	sdelay $0x1  }
0x9e: {  	s21 =	simm.s32 $0x1B8B  }
0x9f: {  	_ =	swait.ge [sflag:s21], $0x1  }
0xa0: {  	[sflag:s21] =	ssyncset.done $0x0  }
0xa1: {  	s23 =	simm.s32 $0x1B8E;
	s22 =	sld [smem:$0x3FFE];
	[sflag:s21] =	ssyncadd.s32 $0xFFFFFFFF  }
0xa2: {  	s24 =	simm.s32 $execute0_lowered;
	[smem:$0x3FD2] =	sst s23  }
0xa3: {  	s2 =	sshll.u32 s24, $0x1;
	_ =	strace $0x8000004F;
	[dreg:$0x1] =	wrdreg $0xFFFFFFFF  }
0xa4: {  	s25 =	simm.s32 $_size_execute0_lowered;
	s0 =	sadd.s32 s0, s2;
	[dreg:$0x0] =	wrdreg $0x0  }
0xa5: {  	s2 =	sshll.u32 s25, $0x1;
	[dreg:$0x2] =	wrdreg s0  }
0xa6: {  	[dreg:$0x3] =	wrdreg s2  }
0xa7: {  	[dreg:$0x4] =	wrdreg $0xC0  }
0xa8: {  	_ =	task [dreg:s4], $0x5FFFF  }
0xa9: {  	[dreg:$0x1] =	wrdreg $0xFFFFFFFF  }
0xaa: {  	[dreg:$0x0] =	wrdreg $0x60  }
0xab: {  	[dreg:$0x2] =	wrdreg s22  }
0xac: {  	[dreg:$0x3] =	wrdreg $0xC0000  }
0xad: {  	[dreg:$0x4] =	wrdreg $0x9  }
0xae: {  	_ =	task.clear_ibuf [dreg:s4], $0x5FFFF;
	_ =	strace $0x9000004F  }
0xaf: {  	s26 =	simm.s32 $0x9;
	_ =	strace $0x80000051  }
0xb0: {  	_ =	swait.ge [sflag:s26], $0x1  }
0xb1: {  	[sflag:s26] =	ssyncadd.s32 $0xFFFFFFFF  }
0xb2: {  	_ =	strace $0x90000051  }
0xb3: {  	_ =	sfence  }
0xb4: {  	s28 =	sld [smem:$0x0];
	_ =	sdelay $0x1  }
0xb5: {  	s29 =	srdreg.scid  }
0xb6: {  	s30 =	sshll.u32 s29, $0xD;
	s31 =	sshrl.u32 s29, $0x2  }
0xb7: {  	s1 =	sand.u32 $0x1, s29;
	s2 =	sand.u32 $0x4000, s30;
	s0 =	sadd.s32 s31, s28  }
0xb8: {  	s1 =	sor.u32 s2, s1;
	s0 =	sshll.u32 s0, $0x11  }
0xb9: {  	s0 =	sor.u32 s0, s1  }
0xba: {  	s0 =	sadd.s32 $0x8F2B, s0  }
0xbb: {  	[sflag:s0] =	ssyncadd.remote.s32 $0x1  }
0xbc: {  	_ =	sfence.sel $0xFFFF  }
0xbd: {  	[dreg:$0x0] =	wrdreg $0xFFFFFFFF;
	(pc) =	sbr.abs _section_cstart, $3  }
0xbe: {  	[dreg:$0x1] =	wrdreg $0xFFFFFFFF  }
0xbf: {  	_ =	task.clear_ibuf [dreg:s4], $0x2FFFF;
	_ =	strace $0x9FFFFFFF  }
0xc0: {  	(tm) =	ssettm $0x7FFFFFFF  }
0xc1: {  	_ =	shalt  }
tec
execute0_lowered:
.L_overlay_start_1:
0x0: {  	(tag) =	ssettag $0x1  }
0x1: {  	s25 =	rddreg [dreg:$0x0];
	s0 =	stileid.u32  }
0x2: {  	s2 =	rddreg [dreg:$0x1];
	s3 =	smul.u32 $0x50000, s0  }
0x3: {  	s1 =	rddreg [dreg:$0x2];
	s10 =	simm.s32 $0x0  }
0x4: {  	s7 =	simm.s32 $0xD;
	[smem:$0x7FF] =	sst s10;
	s3 =	sshrl.u32 s3, $0x2  }
0x5: {  	s16 =	sshll.u32 s0, $0x6;
	s6 =	sadd.s32 $0x2B000, s25;
	s5 =	sadd.s32 s3, s2  }
0x6: {  	_ =	strace $0x80000050;
	s3 =	sor.u32 $0x1C0D, s16;
	s4 =	sshrl.u32 s5, $0x3  }
0x7: {  	[spmem:s4], [sflag:s3] =	dma.local [hbm:s6], $0x800  }
0x8: {  	_ =	swait.ge [sflag:s7], $0x800  }
0x9: {  	s8 =	sadd.s32 $0x4000, s5;
	[sflag:s7] =	ssyncset.done $0x0  }
0xa: {  	s8 =	sshrl.u32 s8, $0x3;
	[sflag:s7] =	ssyncadd.s32 $0xFFFFF800  }
0xb: {  	[spmem:s8], [sflag:s3] =	dma.local [hbm:s6], $0x800  }
0xc: {  	_ =	swait.ge [sflag:s7], $0x800  }
0xd: {  	s17 =	sadd.s32 $0x8000, s5;
	[sflag:s7] =	ssyncset.done $0x0  }
0xe: {  	s8 =	sshrl.u32 s17, $0x3;
	[sflag:s7] =	ssyncadd.s32 $0xFFFFF800  }
0xf: {  	[spmem:s8], [sflag:s3] =	dma.local [hbm:s6], $0x800  }
0x10: {  	_ =	swait.ge [sflag:s7], $0x800  }
0x11: {  	s18 =	sadd.s32 $0xC000, s5;
	[sflag:s7] =	ssyncset.done $0x0  }
0x12: {  	s8 =	sshrl.u32 s18, $0x3;
	[sflag:s7] =	ssyncadd.s32 $0xFFFFF800  }
0x13: {  	[spmem:s8], [sflag:s3] =	dma.local [hbm:s6], $0x800  }
0x14: {  	_ =	swait.ge [sflag:s7], $0x800  }
0x15: {  	s5 =	sadd.s32 $0x10000, s5;
	[sflag:s7] =	ssyncset.done $0x0  }
0x16: {  	s5 =	sshrl.u32 s5, $0x3;
	[sflag:s7] =	ssyncadd.s32 $0xFFFFF800  }
0x17: {  	[spmem:s5], [sflag:s3] =	dma.local [hbm:s6], $0x800  }
0x18: {  	s19 =	smul.u32 $0xA000, s0;
	_ =	swait.ge [sflag:s7], $0x800  }
0x19: {  	[sflag:s7] =	ssyncset.done $0x0  }
0x1a: {  	s24 =	sadd.s32 $0x17000, s25;
	s5 =	sshrl.u32 s19, $0x3;
	[sflag:s7] =	ssyncadd.s32 $0xFFFFF800  }
0x1b: {  	s26 =	sadd.s32 $0x3A600, s25;
	s20 =	sadd.s32 s24, s5;
	[bflag:$0x0] =	sbarrier.arrive $0xFFFF  }
0x1c: {  	[tilespmem:s10], [sflag:$0xB] =	stream.linear.gather [hbm4b:s20+s10], $0x800, $0x38;
	v63 =	vld [tilespmem:$0x0]  }
0x1d: {  	s21 =	simm.s32 $0x1000;
	s5 =	sadd.s32 s26, s5  }
0x1e: {  	[tilespmem:s21], [sflag:$0xC] =	stream.linear.gather [hbm4b:s5+s10], $0x800, $0x38;
	v63 =	vld [tilespmem:$0x0]  }
0x1f: {  	s5 =	simm.s32 $0xB  }
0x20: {  	_ =	swait.ge [sflag:s5], $0x800  }
0x21: {  	[sflag:s5] =	ssyncset.done $0x0  }
0x22: {  	s6 =	simm.s32 $0xC;
	[sflag:s5] =	ssyncadd.s32 $0xFFFFF800  }
0x23: {  	_ =	swait.ge [sflag:s6], $0x800  }
0x24: {  	s9 =	simm.s32 $0x2000;
	s28 =	sand.u32 $0x800, s10;
	[sflag:s6] =	ssyncset.done $0x0  }
0x25: {  	s8 =	simm.s32 $0x40;
	s7 =	sadd.s32 $0x4E600, s25;
	[sflag:s6] =	ssyncadd.s32 $0xFFFFF800  }
0x26: {  	[tilespmem:s9], [sflag:$0x1] =	stream.indirect.gather [hbm4b:s7+s8], $0x80, s28, s8, $0xb8;
	v63 =	vld [tilespmem:$0x0]  }
0x27: {  	s11 =	sor.u32 $0x80, s28;
	s10 =	simm.s32 $0x4000  }
0x28: {  	[tilespmem:s10], [sflag:$0x2] =	stream.indirect.gather [hbm4b:s7+s8], $0x80, s11, s8, $0xb8;
	v63 =	vld [tilespmem:$0x0]  }
0x29: {  	s12 =	sor.u32 $0x100, s28;
	s11 =	simm.s32 $0x6000  }
0x2a: {  	[tilespmem:s11], [sflag:$0x3] =	stream.indirect.gather [hbm4b:s7+s8], $0x80, s12, s8, $0xb8;
	v63 =	vld [tilespmem:$0x0]  }
0x2b: {  	s13 =	simm.s32 $0x1;
	s14 =	sor.u32 $0x180, s28;
	s12 =	simm.s32 $0x8000  }
0x2c: {  	[tilespmem:s12], [sflag:$0x4] =	stream.indirect.gather [hbm4b:s7+s8], $0x80, s14, s8, $0xb8;
	v63 =	vld [tilespmem:$0x0]  }
0x2d: {  	_ =	swait.ge [sflag:s13], $0x2000  }
0x2e: {  	[sflag:s13] =	ssyncset.done $0x0  }
0x2f: {  	s22 =	sor.u32 $0x1000, s28;
	[sflag:s13] =	ssyncadd.s32 $0xFFFFE000  }
0x30: {  	[spmem:s2] =	stream.indirect.scatter.add.f32 [tilespmem:s9], [sflag:$0x6], $0x80, s22, s8, $0xb8;
	v63 =	vld [tilespmem:$0x0]  }
0x31: {  	s15 =	simm.s32 $0x2;
	s16 =	sor.u32 $0x200, s28;
	s14 =	simm.s32 $0xA000  }
0x32: {  	[tilespmem:s14], [sflag:$0x5] =	stream.indirect.gather [hbm4b:s7+s8], $0x80, s16, s8, $0xb8;
	v63 =	vld [tilespmem:$0x0]  }
0x33: {  	_ =	swait.ge [sflag:s15], $0x2000  }
0x34: {  	[sflag:s15] =	ssyncset.done $0x0  }
0x35: {  	s17 =	sor.u32 $0x1080, s28;
	s16 =	simm.s32 $0x6;
	[sflag:s15] =	ssyncadd.s32 $0xFFFFE000  }
0x36: {  	[spmem:s2] =	stream.indirect.scatter.add.f32 [tilespmem:s10], [sflag:$0x7], $0x80, s17, s8, $0xb8;
	v63 =	vld [tilespmem:$0x0]  }
0x37: {  	_ =	swait.ge [sflag:s16], $0x2000  }
0x38: {  	[sflag:s16] =	ssyncset.done $0x0  }
0x39: {  	s18 =	sor.u32 $0x280, s28;
	s17 =	simm.s32 $0x3;
	[sflag:s16] =	ssyncadd.s32 $0xFFFFE000  }
0x3a: {  	[tilespmem:s9], [sflag:$0x1] =	stream.indirect.gather [hbm4b:s7+s8], $0x80, s18, s8, $0xb8;
	v63 =	vld [tilespmem:$0x0]  }
0x3b: {  	_ =	swait.ge [sflag:s17], $0x2000  }
0x3c: {  	[sflag:s17] =	ssyncset.done $0x0  }
0x3d: {  	s19 =	sor.u32 $0x1100, s28;
	s18 =	simm.s32 $0x7;
	[sflag:s17] =	ssyncadd.s32 $0xFFFFE000  }
0x3e: {  	[spmem:s2] =	stream.indirect.scatter.add.f32 [tilespmem:s11], [sflag:$0x8], $0x80, s19, s8, $0xb8;
	v63 =	vld [tilespmem:$0x0]  }
0x3f: {  	_ =	swait.ge [sflag:s18], $0x2000  }
0x40: {  	[sflag:s18] =	ssyncset.done $0x0  }
0x41: {  	s20 =	sor.u32 $0x300, s28;
	s19 =	simm.s32 $0x4;
	[sflag:s18] =	ssyncadd.s32 $0xFFFFE000  }
0x42: {  	[tilespmem:s10], [sflag:$0x2] =	stream.indirect.gather [hbm4b:s7+s8], $0x80, s20, s8, $0xb8;
	v63 =	vld [tilespmem:$0x0]  }
0x43: {  	_ =	swait.ge [sflag:s19], $0x2000  }
0x44: {  	[sflag:s19] =	ssyncset.done $0x0  }
0x45: {  	s21 =	sor.u32 $0x1180, s28;
	s20 =	simm.s32 $0x8;
	[sflag:s19] =	ssyncadd.s32 $0xFFFFE000  }
0x46: {  	[spmem:s2] =	stream.indirect.scatter.add.f32 [tilespmem:s12], [sflag:$0x9], $0x80, s21, s8, $0xb8;
	v63 =	vld [tilespmem:$0x0]  }
0x47: {  	_ =	swait.ge [sflag:s20], $0x2000  }
0x48: {  	[sflag:s20] =	ssyncset.done $0x0  }
0x49: {  	s23 =	sor.u32 $0x380, s28;
	s21 =	simm.s32 $0x5;
	[sflag:s20] =	ssyncadd.s32 $0xFFFFE000  }
0x4a: {  	[tilespmem:s11], [sflag:$0x3] =	stream.indirect.gather [hbm4b:s7+s8], $0x80, s23, s8, $0xb8;
	v63 =	vld [tilespmem:$0x0]  }
0x4b: {  	_ =	swait.ge [sflag:s21], $0x2000  }
0x4c: {  	[sflag:s21] =	ssyncset.done $0x0  }
0x4d: {  	s22 =	sor.u32 $0x1200, s28;
	[sflag:s21] =	ssyncadd.s32 $0xFFFFE000  }
0x4e: {  	[spmem:s2] =	stream.indirect.scatter.add.f32 [tilespmem:s14], [sflag:$0xA], $0x80, s22, s8, $0xb8;
	v63 =	vld [tilespmem:$0x0]  }
0x4f: {  	s22 =	simm.s32 $0x9  }
0x50: {  	_ =	swait.ge [sflag:s22], $0x2000  }
0x51: {  	[sflag:s22] =	ssyncset.done $0x0  }
0x52: {  	s23 =	sor.u32 $0x400, s28;
	[sflag:s22] =	ssyncadd.s32 $0xFFFFE000  }
0x53: {  	[tilespmem:s12], [sflag:$0x4] =	stream.indirect.gather [hbm4b:s7+s8], $0x80, s23, s8, $0xb8;
	v63 =	vld [tilespmem:$0x0]  }
0x54: {  	_ =	swait.ge [sflag:s13], $0x2000  }
0x55: {  	[sflag:s13] =	ssyncset.done $0x0  }
0x56: {  	s29 =	sor.u32 $0x1280, s28;
	s23 =	simm.s32 $0xA;
	[sflag:s13] =	ssyncadd.s32 $0xFFFFE000  }
0x57: {  	[spmem:s2] =	stream.indirect.scatter.add.f32 [tilespmem:s9], [sflag:$0x6], $0x80, s29, s8, $0xb8;
	v63 =	vld [tilespmem:$0x0]  }
0x58: {  	_ =	swait.ge [sflag:s23], $0x2000  }
0x59: {  	[sflag:s23] =	ssyncset.done $0x0  }
0x5a: {  	s29 =	sor.u32 $0x480, s28;
	[sflag:s23] =	ssyncadd.s32 $0xFFFFE000  }
0x5b: {  	[tilespmem:s14], [sflag:$0x5] =	stream.indirect.gather [hbm4b:s7+s8], $0x80, s29, s8, $0xb8;
	v63 =	vld [tilespmem:$0x0]  }
0x5c: {  	_ =	swait.ge [sflag:s15], $0x2000  }
0x5d: {  	[sflag:s15] =	ssyncset.done $0x0  }
0x5e: {  	s30 =	sor.u32 $0x1300, s28;
	[sflag:s15] =	ssyncadd.s32 $0xFFFFE000  }
0x5f: {  	[spmem:s2] =	stream.indirect.scatter.add.f32 [tilespmem:s10], [sflag:$0x7], $0x80, s30, s8, $0xb8;
	v63 =	vld [tilespmem:$0x0]  }
0x60: {  	_ =	swait.ge [sflag:s16], $0x2000  }
0x61: {  	[sflag:s16] =	ssyncset.done $0x0  }
0x62: {  	s31 =	sor.u32 $0x500, s28;
	[sflag:s16] =	ssyncadd.s32 $0xFFFFE000  }
0x63: {  	[tilespmem:s9], [sflag:$0x1] =	stream.indirect.gather [hbm4b:s7+s8], $0x80, s31, s8, $0xb8;
	v63 =	vld [tilespmem:$0x0]  }
0x64: {  	_ =	swait.ge [sflag:s17], $0x2000  }
0x65: {  	[sflag:s17] =	ssyncset.done $0x0  }
0x66: {  	s30 =	sor.u32 $0x1380, s28;
	[sflag:s17] =	ssyncadd.s32 $0xFFFFE000  }
0x67: {  	[spmem:s2] =	stream.indirect.scatter.add.f32 [tilespmem:s11], [sflag:$0x8], $0x80, s30, s8, $0xb8;
	v63 =	vld [tilespmem:$0x0]  }
0x68: {  	_ =	swait.ge [sflag:s18], $0x2000  }
0x69: {  	[sflag:s18] =	ssyncset.done $0x0  }
0x6a: {  	s31 =	sor.u32 $0x580, s28;
	[sflag:s18] =	ssyncadd.s32 $0xFFFFE000  }
0x6b: {  	[tilespmem:s10], [sflag:$0x2] =	stream.indirect.gather [hbm4b:s7+s8], $0x80, s31, s8, $0xb8;
	v63 =	vld [tilespmem:$0x0]  }
0x6c: {  	_ =	swait.ge [sflag:s19], $0x2000  }
0x6d: {  	[sflag:s19] =	ssyncset.done $0x0  }
0x6e: {  	s30 =	sor.u32 $0x1400, s28;
	[sflag:s19] =	ssyncadd.s32 $0xFFFFE000  }
0x6f: {  	[spmem:s2] =	stream.indirect.scatter.add.f32 [tilespmem:s12], [sflag:$0x9], $0x80, s30, s8, $0xb8;
	v63 =	vld [tilespmem:$0x0]  }
0x70: {  	_ =	swait.ge [sflag:s20], $0x2000  }
0x71: {  	[sflag:s20] =	ssyncset.done $0x0  }
0x72: {  	s31 =	sor.u32 $0x600, s28;
	[sflag:s20] =	ssyncadd.s32 $0xFFFFE000  }
0x73: {  	[tilespmem:s11], [sflag:$0x3] =	stream.indirect.gather [hbm4b:s7+s8], $0x80, s31, s8, $0xb8;
	v63 =	vld [tilespmem:$0x0]  }
0x74: {  	_ =	swait.ge [sflag:s21], $0x2000  }
0x75: {  	[sflag:s21] =	ssyncset.done $0x0  }
0x76: {  	s30 =	sor.u32 $0x1480, s28;
	[sflag:s21] =	ssyncadd.s32 $0xFFFFE000  }
0x77: {  	[spmem:s2] =	stream.indirect.scatter.add.f32 [tilespmem:s14], [sflag:$0xA], $0x80, s30, s8, $0xb8;
	v63 =	vld [tilespmem:$0x0]  }
0x78: {  	_ =	swait.ge [sflag:s22], $0x2000  }
0x79: {  	[sflag:s22] =	ssyncset.done $0x0  }
0x7a: {  	s31 =	sor.u32 $0x680, s28;
	[sflag:s22] =	ssyncadd.s32 $0xFFFFE000  }
0x7b: {  	[tilespmem:s12], [sflag:$0x4] =	stream.indirect.gather [hbm4b:s7+s8], $0x80, s31, s8, $0xb8;
	v63 =	vld [tilespmem:$0x0]  }
0x7c: {  	_ =	swait.ge [sflag:s13], $0x2000  }
0x7d: {  	[sflag:s13] =	ssyncset.done $0x0  }
0x7e: {  	s30 =	sor.u32 $0x1500, s28;
	[sflag:s13] =	ssyncadd.s32 $0xFFFFE000  }
0x7f: {  	[spmem:s2] =	stream.indirect.scatter.add.f32 [tilespmem:s9], [sflag:$0x6], $0x80, s30, s8, $0xb8;
	v63 =	vld [tilespmem:$0x0]  }
0x80: {  	_ =	swait.ge [sflag:s23], $0x2000  }
0x81: {  	[sflag:s23] =	ssyncset.done $0x0  }
0x82: {  	s31 =	sor.u32 $0x700, s28;
	[sflag:s23] =	ssyncadd.s32 $0xFFFFE000  }
0x83: {  	[tilespmem:s14], [sflag:$0x5] =	stream.indirect.gather [hbm4b:s7+s8], $0x80, s31, s8, $0xb8;
	v63 =	vld [tilespmem:$0x0]  }
0x84: {  	_ =	swait.ge [sflag:s15], $0x2000  }
0x85: {  	[sflag:s15] =	ssyncset.done $0x0  }
0x86: {  	s30 =	sor.u32 $0x1580, s28;
	[sflag:s15] =	ssyncadd.s32 $0xFFFFE000  }
0x87: {  	[spmem:s2] =	stream.indirect.scatter.add.f32 [tilespmem:s10], [sflag:$0x7], $0x80, s30, s8, $0xb8;
	v63 =	vld [tilespmem:$0x0]  }
0x88: {  	_ =	swait.ge [sflag:s16], $0x2000  }
0x89: {  	[sflag:s16] =	ssyncset.done $0x0  }
0x8a: {  	s31 =	sor.u32 $0x780, s28;
	[sflag:s16] =	ssyncadd.s32 $0xFFFFE000  }
0x8b: {  	[tilespmem:s9], [sflag:$0x1] =	stream.indirect.gather [hbm4b:s7+s8], $0x80, s31, s8, $0xb8;
	v63 =	vld [tilespmem:$0x0]  }
0x8c: {  	_ =	swait.ge [sflag:s17], $0x2000  }
0x8d: {  	[sflag:s17] =	ssyncset.done $0x0  }
0x8e: {  	s30 =	sor.u32 $0x1600, s28;
	[sflag:s17] =	ssyncadd.s32 $0xFFFFE000  }
0x8f: {  	[spmem:s2] =	stream.indirect.scatter.add.f32 [tilespmem:s11], [sflag:$0x8], $0x80, s30, s8, $0xb8;
	v63 =	vld [tilespmem:$0x0]  }
0x90: {  	_ =	swait.ge [sflag:s19], $0x2000  }
0x91: {  	[sflag:s19] =	ssyncset.done $0x0  }
0x92: {  	s31 =	sor.u32 $0x1680, s28;
	[sflag:s19] =	ssyncadd.s32 $0xFFFFE000  }
0x93: {  	[spmem:s2] =	stream.indirect.scatter.add.f32 [tilespmem:s12], [sflag:$0x9], $0x80, s31, s8, $0xb8;
	v63 =	vld [tilespmem:$0x0]  }
0x94: {  	_ =	swait.ge [sflag:s21], $0x2000  }
0x95: {  	[sflag:s21] =	ssyncset.done $0x0  }
0x96: {  	s30 =	sor.u32 $0x1700, s28;
	s31 =	smul.u32 $0x1400, s0;
	[sflag:s21] =	ssyncadd.s32 $0xFFFFE000  }
0x97: {  	[spmem:s2] =	stream.indirect.scatter.add.f32 [tilespmem:s14], [sflag:$0xA], $0x80, s30, s8, $0xb8;
	v63 =	vld [tilespmem:$0x0]  }
0x98: {  	_ =	swait.ge [sflag:s13], $0x2000  }
0x99: {  	p0 =	por $0x0, $0x0;
	s26 =	sadd.s32 s31, s26;
	[sflag:s13] =	ssyncset.done $0x0  }
0x9a: {  	s24 =	sadd.s32 s31, s24;
	s30 =	sor.u32 $0x1780, s28;
	[sflag:s13] =	ssyncadd.s32 $0xFFFFE000  }
0x9b: {  	[spmem:s2] =	stream.indirect.scatter.add.f32 [tilespmem:s9], [sflag:$0x6], $0x80, s30, s8, $0xb8;
	v63 =	vld [tilespmem:$0x0]  }
0x9c: {  	s29 =	sadd.s32 $0x100, s24;
	s28 =	sxor.u32 @!p0 $0x800, s28;
	s30 =	simm.s32 @!p0 $0x0  }
0x9d: {  	[tilespmem:s28], [sflag:$0xB] =	stream.linear.gather @!p0 [hbm4b:s29+s30], $0x800, $0x38;
	v63 =	vld [tilespmem:$0x0]  }
0x9e: {  	s24 =	sadd.s32 $0x100, s26;
	s26 =	sor.u32 @!p0 $0x1000, s28  }
0x9f: {  	[tilespmem:s26], [sflag:$0xC] =	stream.linear.gather @!p0 [hbm4b:s24+s30], $0x800, $0x38;
	v63 =	vld [tilespmem:$0x0]  }
0xa0: {  	_ =	swait.ge [sflag:s18], $0x2000  }
0xa1: {  	[sflag:s18] =	ssyncset.done $0x0  }
0xa2: {  	[sflag:s18] =	ssyncadd.s32 $0xFFFFE000  }
0xa3: {  	_ =	swait.ge [sflag:s20], $0x2000  }
0xa4: {  	[sflag:s20] =	ssyncset.done $0x0  }
0xa5: {  	[sflag:s20] =	ssyncadd.s32 $0xFFFFE000  }
0xa6: {  	_ =	swait.ge [sflag:s22], $0x2000  }
0xa7: {  	[sflag:s22] =	ssyncset.done $0x0  }
0xa8: {  	[sflag:s22] =	ssyncadd.s32 $0xFFFFE000  }
0xa9: {  	_ =	swait.ge [sflag:s23], $0x2000  }
0xaa: {  	[sflag:s23] =	ssyncset.done $0x0  }
0xab: {  	[sflag:s23] =	ssyncadd.s32 $0xFFFFE000  }
0xac: {  	s25 =	sadd.s32 $0x76600, s25;
	_ =	swait.ge [sflag:s16], $0x2000  }
0xad: {  	s28 =	simm.s32 $0x800;
	s26 =	sadd.s32 $0x100, s29;
	[sflag:s16] =	ssyncset.done $0x0  }
.LBB2_1:
0xae: {  	[sflag:s16] =	ssyncadd.s32 $0xFFFFE000  }
0xaf: {  	s24 =	sadd.s32 $0x100, s24;
	s29 =	smov.u32 s28;
	s28 =	sadd.s32 $0x800, s28  }
0xb0: {  	_ =	swait.ge [sflag:s5], $0x800;
	p0 =	sne.s32 s28, $0xA000  }
0xb1: {  	[sflag:s5] =	ssyncset.done $0x0  }
0xb2: {  	[sflag:s5] =	ssyncadd.s32 $0xFFFFF800  }
0xb3: {  	_ =	swait.ge [sflag:s6], $0x800  }
0xb4: {  	[sflag:s6] =	ssyncset.done $0x0  }
0xb5: {  	s30 =	sand.u32 $0x800, s29;
	[sflag:s6] =	ssyncadd.s32 $0xFFFFF800  }
0xb6: {  	[tilespmem:s9], [sflag:$0x1] =	stream.indirect.gather [hbm4b:s7+s8], $0x80, s30, s8, $0xb8;
	v63 =	vld [tilespmem:$0x0]  }
0xb7: {  	s31 =	sor.u32 $0x80, s30  }
0xb8: {  	[tilespmem:s10], [sflag:$0x2] =	stream.indirect.gather [hbm4b:s7+s8], $0x80, s31, s8, $0xb8;
	v63 =	vld [tilespmem:$0x0]  }
0xb9: {  	s31 =	sor.u32 $0x100, s30  }
0xba: {  	[tilespmem:s11], [sflag:$0x3] =	stream.indirect.gather [hbm4b:s7+s8], $0x80, s31, s8, $0xb8;
	v63 =	vld [tilespmem:$0x0]  }
0xbb: {  	s31 =	sor.u32 $0x180, s30  }
0xbc: {  	[tilespmem:s12], [sflag:$0x4] =	stream.indirect.gather [hbm4b:s7+s8], $0x80, s31, s8, $0xb8;
	v63 =	vld [tilespmem:$0x0]  }
0xbd: {  	_ =	swait.ge [sflag:s13], $0x2000  }
0xbe: {  	[sflag:s13] =	ssyncset.done $0x0  }
0xbf: {  	s31 =	sor.u32 $0x1000, s30;
	[sflag:s13] =	ssyncadd.s32 $0xFFFFE000  }
0xc0: {  	[spmem:s2] =	stream.indirect.scatter.add.f32 [tilespmem:s9], [sflag:$0x6], $0x80, s31, s8, $0xb8;
	v63 =	vld [tilespmem:$0x0]  }
0xc1: {  	s31 =	sor.u32 $0x200, s30  }
0xc2: {  	[tilespmem:s14], [sflag:$0x5] =	stream.indirect.gather [hbm4b:s7+s8], $0x80, s31, s8, $0xb8;
	v63 =	vld [tilespmem:$0x0]  }
0xc3: {  	_ =	swait.ge [sflag:s15], $0x2000  }
0xc4: {  	[sflag:s15] =	ssyncset.done $0x0  }
0xc5: {  	s31 =	sor.u32 $0x1080, s30;
	[sflag:s15] =	ssyncadd.s32 $0xFFFFE000  }
0xc6: {  	[spmem:s2] =	stream.indirect.scatter.add.f32 [tilespmem:s10], [sflag:$0x7], $0x80, s31, s8, $0xb8;
	v63 =	vld [tilespmem:$0x0]  }
0xc7: {  	_ =	swait.ge [sflag:s16], $0x2000  }
0xc8: {  	[sflag:s16] =	ssyncset.done $0x0  }
0xc9: {  	s31 =	sor.u32 $0x280, s30;
	[sflag:s16] =	ssyncadd.s32 $0xFFFFE000  }
0xca: {  	[tilespmem:s9], [sflag:$0x1] =	stream.indirect.gather [hbm4b:s7+s8], $0x80, s31, s8, $0xb8;
	v63 =	vld [tilespmem:$0x0]  }
0xcb: {  	_ =	swait.ge [sflag:s17], $0x2000  }
0xcc: {  	[sflag:s17] =	ssyncset.done $0x0  }
0xcd: {  	s31 =	sor.u32 $0x1100, s30;
	[sflag:s17] =	ssyncadd.s32 $0xFFFFE000  }
0xce: {  	[spmem:s2] =	stream.indirect.scatter.add.f32 [tilespmem:s11], [sflag:$0x8], $0x80, s31, s8, $0xb8;
	v63 =	vld [tilespmem:$0x0]  }
0xcf: {  	_ =	swait.ge [sflag:s18], $0x2000  }
0xd0: {  	[sflag:s18] =	ssyncset.done $0x0  }
0xd1: {  	s31 =	sor.u32 $0x300, s30;
	[sflag:s18] =	ssyncadd.s32 $0xFFFFE000  }
0xd2: {  	[tilespmem:s10], [sflag:$0x2] =	stream.indirect.gather [hbm4b:s7+s8], $0x80, s31, s8, $0xb8;
	v63 =	vld [tilespmem:$0x0]  }
0xd3: {  	_ =	swait.ge [sflag:s19], $0x2000  }
0xd4: {  	[sflag:s19] =	ssyncset.done $0x0  }
0xd5: {  	s31 =	sor.u32 $0x1180, s30;
	[sflag:s19] =	ssyncadd.s32 $0xFFFFE000  }
0xd6: {  	[spmem:s2] =	stream.indirect.scatter.add.f32 [tilespmem:s12], [sflag:$0x9], $0x80, s31, s8, $0xb8;
	v63 =	vld [tilespmem:$0x0]  }
0xd7: {  	_ =	swait.ge [sflag:s20], $0x2000  }
0xd8: {  	[sflag:s20] =	ssyncset.done $0x0  }
0xd9: {  	s31 =	sor.u32 $0x380, s30;
	[sflag:s20] =	ssyncadd.s32 $0xFFFFE000  }
0xda: {  	[tilespmem:s11], [sflag:$0x3] =	stream.indirect.gather [hbm4b:s7+s8], $0x80, s31, s8, $0xb8;
	v63 =	vld [tilespmem:$0x0]  }
0xdb: {  	_ =	swait.ge [sflag:s21], $0x2000  }
0xdc: {  	[sflag:s21] =	ssyncset.done $0x0  }
0xdd: {  	s31 =	sor.u32 $0x1200, s30;
	[sflag:s21] =	ssyncadd.s32 $0xFFFFE000  }
0xde: {  	[spmem:s2] =	stream.indirect.scatter.add.f32 [tilespmem:s14], [sflag:$0xA], $0x80, s31, s8, $0xb8;
	v63 =	vld [tilespmem:$0x0]  }
0xdf: {  	_ =	swait.ge [sflag:s22], $0x2000  }
0xe0: {  	[sflag:s22] =	ssyncset.done $0x0  }
0xe1: {  	s31 =	sor.u32 $0x400, s30;
	[sflag:s22] =	ssyncadd.s32 $0xFFFFE000  }
0xe2: {  	[tilespmem:s12], [sflag:$0x4] =	stream.indirect.gather [hbm4b:s7+s8], $0x80, s31, s8, $0xb8;
	v63 =	vld [tilespmem:$0x0]  }
0xe3: {  	_ =	swait.ge [sflag:s13], $0x2000  }
0xe4: {  	[sflag:s13] =	ssyncset.done $0x0  }
0xe5: {  	s31 =	sor.u32 $0x1280, s30;
	[sflag:s13] =	ssyncadd.s32 $0xFFFFE000  }
0xe6: {  	[spmem:s2] =	stream.indirect.scatter.add.f32 [tilespmem:s9], [sflag:$0x6], $0x80, s31, s8, $0xb8;
	v63 =	vld [tilespmem:$0x0]  }
0xe7: {  	_ =	swait.ge [sflag:s23], $0x2000  }
0xe8: {  	[sflag:s23] =	ssyncset.done $0x0  }
0xe9: {  	s31 =	sor.u32 $0x480, s30;
	[sflag:s23] =	ssyncadd.s32 $0xFFFFE000  }
0xea: {  	[tilespmem:s14], [sflag:$0x5] =	stream.indirect.gather [hbm4b:s7+s8], $0x80, s31, s8, $0xb8;
	v63 =	vld [tilespmem:$0x0]  }
0xeb: {  	_ =	swait.ge [sflag:s15], $0x2000  }
0xec: {  	[sflag:s15] =	ssyncset.done $0x0  }
0xed: {  	s31 =	sor.u32 $0x1300, s30;
	[sflag:s15] =	ssyncadd.s32 $0xFFFFE000  }
0xee: {  	[spmem:s2] =	stream.indirect.scatter.add.f32 [tilespmem:s10], [sflag:$0x7], $0x80, s31, s8, $0xb8;
	v63 =	vld [tilespmem:$0x0]  }
0xef: {  	_ =	swait.ge [sflag:s16], $0x2000  }
0xf0: {  	[sflag:s16] =	ssyncset.done $0x0  }
0xf1: {  	s31 =	sor.u32 $0x500, s30;
	[sflag:s16] =	ssyncadd.s32 $0xFFFFE000  }
0xf2: {  	[tilespmem:s9], [sflag:$0x1] =	stream.indirect.gather [hbm4b:s7+s8], $0x80, s31, s8, $0xb8;
	v63 =	vld [tilespmem:$0x0]  }
0xf3: {  	_ =	swait.ge [sflag:s17], $0x2000  }
0xf4: {  	[sflag:s17] =	ssyncset.done $0x0  }
0xf5: {  	s31 =	sor.u32 $0x1380, s30;
	[sflag:s17] =	ssyncadd.s32 $0xFFFFE000  }
0xf6: {  	[spmem:s2] =	stream.indirect.scatter.add.f32 [tilespmem:s11], [sflag:$0x8], $0x80, s31, s8, $0xb8;
	v63 =	vld [tilespmem:$0x0]  }
0xf7: {  	_ =	swait.ge [sflag:s18], $0x2000  }
0xf8: {  	[sflag:s18] =	ssyncset.done $0x0  }
0xf9: {  	s31 =	sor.u32 $0x580, s30;
	[sflag:s18] =	ssyncadd.s32 $0xFFFFE000  }
0xfa: {  	[tilespmem:s10], [sflag:$0x2] =	stream.indirect.gather [hbm4b:s7+s8], $0x80, s31, s8, $0xb8;
	v63 =	vld [tilespmem:$0x0]  }
0xfb: {  	_ =	swait.ge [sflag:s19], $0x2000  }
0xfc: {  	[sflag:s19] =	ssyncset.done $0x0  }
0xfd: {  	s31 =	sor.u32 $0x1400, s30;
	[sflag:s19] =	ssyncadd.s32 $0xFFFFE000  }
0xfe: {  	[spmem:s2] =	stream.indirect.scatter.add.f32 [tilespmem:s12], [sflag:$0x9], $0x80, s31, s8, $0xb8;
	v63 =	vld [tilespmem:$0x0]  }
0xff: {  	_ =	swait.ge [sflag:s20], $0x2000  }
0x100: {  	[sflag:s20] =	ssyncset.done $0x0  }
0x101: {  	s31 =	sor.u32 $0x600, s30;
	[sflag:s20] =	ssyncadd.s32 $0xFFFFE000  }
0x102: {  	[tilespmem:s11], [sflag:$0x3] =	stream.indirect.gather [hbm4b:s7+s8], $0x80, s31, s8, $0xb8;
	v63 =	vld [tilespmem:$0x0]  }
0x103: {  	_ =	swait.ge [sflag:s21], $0x2000  }
0x104: {  	[sflag:s21] =	ssyncset.done $0x0  }
0x105: {  	s31 =	sor.u32 $0x1480, s30;
	[sflag:s21] =	ssyncadd.s32 $0xFFFFE000  }
0x106: {  	[spmem:s2] =	stream.indirect.scatter.add.f32 [tilespmem:s14], [sflag:$0xA], $0x80, s31, s8, $0xb8;
	v63 =	vld [tilespmem:$0x0]  }
0x107: {  	_ =	swait.ge [sflag:s22], $0x2000  }
0x108: {  	[sflag:s22] =	ssyncset.done $0x0  }
0x109: {  	s31 =	sor.u32 $0x680, s30;
	[sflag:s22] =	ssyncadd.s32 $0xFFFFE000  }
0x10a: {  	[tilespmem:s12], [sflag:$0x4] =	stream.indirect.gather [hbm4b:s7+s8], $0x80, s31, s8, $0xb8;
	v63 =	vld [tilespmem:$0x0]  }
0x10b: {  	_ =	swait.ge [sflag:s13], $0x2000  }
0x10c: {  	[sflag:s13] =	ssyncset.done $0x0  }
0x10d: {  	s31 =	sor.u32 $0x1500, s30;
	[sflag:s13] =	ssyncadd.s32 $0xFFFFE000  }
0x10e: {  	[spmem:s2] =	stream.indirect.scatter.add.f32 [tilespmem:s9], [sflag:$0x6], $0x80, s31, s8, $0xb8;
	v63 =	vld [tilespmem:$0x0]  }
0x10f: {  	_ =	swait.ge [sflag:s23], $0x2000  }
0x110: {  	[sflag:s23] =	ssyncset.done $0x0  }
0x111: {  	s31 =	sor.u32 $0x700, s30;
	[sflag:s23] =	ssyncadd.s32 $0xFFFFE000  }
0x112: {  	[tilespmem:s14], [sflag:$0x5] =	stream.indirect.gather [hbm4b:s7+s8], $0x80, s31, s8, $0xb8;
	v63 =	vld [tilespmem:$0x0]  }
0x113: {  	_ =	swait.ge [sflag:s15], $0x2000  }
0x114: {  	[sflag:s15] =	ssyncset.done $0x0  }
0x115: {  	s31 =	sor.u32 $0x1580, s30;
	[sflag:s15] =	ssyncadd.s32 $0xFFFFE000  }
0x116: {  	[spmem:s2] =	stream.indirect.scatter.add.f32 [tilespmem:s10], [sflag:$0x7], $0x80, s31, s8, $0xb8;
	v63 =	vld [tilespmem:$0x0]  }
0x117: {  	_ =	swait.ge [sflag:s16], $0x2000  }
0x118: {  	[sflag:s16] =	ssyncset.done $0x0  }
0x119: {  	s31 =	sor.u32 $0x780, s30;
	[sflag:s16] =	ssyncadd.s32 $0xFFFFE000  }
0x11a: {  	[tilespmem:s9], [sflag:$0x1] =	stream.indirect.gather [hbm4b:s7+s8], $0x80, s31, s8, $0xb8;
	v63 =	vld [tilespmem:$0x0]  }
0x11b: {  	_ =	swait.ge [sflag:s17], $0x2000  }
0x11c: {  	[sflag:s17] =	ssyncset.done $0x0  }
0x11d: {  	s31 =	sor.u32 $0x1600, s30;
	[sflag:s17] =	ssyncadd.s32 $0xFFFFE000  }
0x11e: {  	[spmem:s2] =	stream.indirect.scatter.add.f32 [tilespmem:s11], [sflag:$0x8], $0x80, s31, s8, $0xb8;
	v63 =	vld [tilespmem:$0x0]  }
0x11f: {  	_ =	swait.ge [sflag:s19], $0x2000  }
0x120: {  	[sflag:s19] =	ssyncset.done $0x0  }
0x121: {  	s31 =	sor.u32 $0x1680, s30;
	[sflag:s19] =	ssyncadd.s32 $0xFFFFE000  }
0x122: {  	[spmem:s2] =	stream.indirect.scatter.add.f32 [tilespmem:s12], [sflag:$0x9], $0x80, s31, s8, $0xb8;
	v63 =	vld [tilespmem:$0x0]  }
0x123: {  	_ =	swait.ge [sflag:s21], $0x2000  }
0x124: {  	[sflag:s21] =	ssyncset.done $0x0  }
0x125: {  	s31 =	sor.u32 $0x1700, s30;
	[sflag:s21] =	ssyncadd.s32 $0xFFFFE000  }
0x126: {  	[spmem:s2] =	stream.indirect.scatter.add.f32 [tilespmem:s14], [sflag:$0xA], $0x80, s31, s8, $0xb8;
	v63 =	vld [tilespmem:$0x0]  }
0x127: {  	_ =	swait.ge [sflag:s13], $0x2000  }
0x128: {  	[sflag:s13] =	ssyncset.done $0x0  }
0x129: {  	p1 =	seq.s32 s29, $0x9800;
	s31 =	sor.u32 $0x1780, s30;
	[sflag:s13] =	ssyncadd.s32 $0xFFFFE000  }
0x12a: {  	[spmem:s2] =	stream.indirect.scatter.add.f32 [tilespmem:s9], [sflag:$0x6], $0x80, s31, s8, $0xb8;
	v63 =	vld [tilespmem:$0x0]  }
0x12b: {  	s29 =	sxor.u32 @!p1 $0x800, s30;
	s30 =	simm.s32 @!p1 $0x0  }
0x12c: {  	[tilespmem:s29], [sflag:$0xB] =	stream.linear.gather @!p1 [hbm4b:s26+s30], $0x800, $0x38;
	v63 =	vld [tilespmem:$0x0]  }
0x12d: {  	s29 =	sor.u32 @!p1 $0x1000, s29  }
0x12e: {  	[tilespmem:s29], [sflag:$0xC] =	stream.linear.gather @!p1 [hbm4b:s24+s30], $0x800, $0x38;
	v63 =	vld [tilespmem:$0x0]  }
0x12f: {  	_ =	swait.ge [sflag:s18], $0x2000  }
0x130: {  	[sflag:s18] =	ssyncset.done $0x0  }
0x131: {  	[sflag:s18] =	ssyncadd.s32 $0xFFFFE000  }
0x132: {  	_ =	swait.ge [sflag:s20], $0x2000  }
0x133: {  	[sflag:s20] =	ssyncset.done $0x0  }
0x134: {  	[sflag:s20] =	ssyncadd.s32 $0xFFFFE000  }
0x135: {  	_ =	swait.ge [sflag:s22], $0x2000  }
0x136: {  	[sflag:s22] =	ssyncset.done $0x0  }
0x137: {  	[sflag:s22] =	ssyncadd.s32 $0xFFFFE000  }
.Ltmp0:
0x138: {  	_ =	swait.ge [sflag:s23], $0x2000;
	(pc) =	sbr.rel @p0 .LBB2_1-.Ltmp0, $4  }
0x139: {  	[sflag:s23] =	ssyncset.done $0x0  }
0x13a: {  	[sflag:s23] =	ssyncadd.s32 $0xFFFFE000  }
0x13b: {  	_ =	swait.ge [sflag:s16], $0x2000  }
0x13c: {  	s26 =	sadd.s32 $0x100, s26;
	[sflag:s16] =	ssyncset.done $0x0  }
0x13d: {  	s2 =	smul.u32 $0x2800, s0  }
0x13e: {  	[sflag:s16] =	ssyncadd.s32 $0xFFFFE000  }
0x13f: {  	s31 =	simm.s32 $0xD;
	[bflag:$0x0] =	sbarrier.arrive $0xFFFF;
	s2 =	sadd.s32 s25, s2  }
0x140: {  	[hbm:s2], [sflag:s3] =	dma.local [spmem:s4], $0x2800  }
0x141: {  	_ =	swait.ge [sflag:s31], $0x2800  }
0x142: {  	[sflag:s31] =	ssyncset.done $0x0  }
0x143: {  	[sflag:s31] =	ssyncadd.s32 $0xFFFFD800  }
0x144: {  	_ =	sfence.sel $0x180000  }
0x145: {  	[bflag:$0x0] =	sbarrier.arrive $0xFFFF  }
0x146: {  	p0 =	sne.s32 s0, $0x0;
	_ =	strace $0x90000050  }
0x147: {  	s0 =	sadd.s32 @!p0 $0x100000, s1;
	[bflag:$0x2] =	sbarrier.arrive $0xFFFF  }
0x148: {  	[sflag:s0] =	ssyncadd.tile.s32 @!p0 $0x1;
	_ =	shalt  }
.Lfunc_end2:
_tile_overlayer_lowered:
.L_overlay_start_2:
0x149: {  	(tag) =	ssettag $0x2  }
0x14a: {  	s0 =	rddreg [dreg:$0x0];
	s2 =	stileid.u32  }
0x14b: {  	s1 =	rddreg [dreg:$0x1];
	p0 =	sne.s32 s2, $0x0  }
0x14c: {  	s3 =	rddreg [dreg:$0x2];
	[bflag:$0x3] =	sbarrier.arrive $0xFFFF;
	s2 =	simm.s32 @!p0 $0x1C0D  }
0x14d: {  	[timem:s3], [sflag:s2] =	dma.local @!p0 [hbm:s0], s1  }
0x14e: {  	s0 =	simm.s32 @!p0 $0xD  }
0x14f: {  	_ =	swait.ge @!p0 [sflag:s0], s1  }
0x150: {  	s1 =	ssub.s32 @!p0 $0x0, s1;
	[sflag:s0] =	ssyncset.done @!p0 $0x0  }
0x151: {  	[sflag:s0] =	ssyncadd.s32 @!p0 s1  }
0x152: {  	[bflag:$0x3] =	sbarrier.arrive $0xFFFF  }
0x153: {  	_ =	shalt  }

// kernel: kernel.23.cloned.1.call-start
scs
__scs_entry_jumppad:
0x0: {  	(pc) =	sbr.rel $0x88, $3  }
0x1: {  	(tag) =	ssettag $0x0;
	lr =	simm.s32 $0x1  }
0x2: {  	[smem:$0x3F94] =	sst lr;
	_ =	strace $0xD0000000  }
0x3: {  	_ = 	snop  }
0x4: {  	_ = 	snop  }
0x5: {  	_ = 	snop  }
0x6: {  	_ = 	snop  }
0x7: {  	_ = 	snop  }
__scs_overlays_trampoline_lowered:
0x8: {  	[smem:$0x3FA3] =	sst s0  }
0x9: {  	[smem:$0x3FA4] =	sst s1  }
0xa: {  	[smem:$0x3FA5] =	sst s2  }
0xb: {  	[smem:$0x3FA6] =	sst s3  }
0xc: {  	[smem:$0x3FA7] =	sst s4  }
0xd: {  	[smem:$0x3FA8] =	sst s5  }
0xe: {  	[smem:$0x3FA9] =	sst s6  }
0xf: {  	[smem:$0x3FAA] =	sst s7  }
0x10: {  	[smem:$0x3FAB] =	sst s8  }
0x11: {  	[smem:$0x3FAC] =	sst s9;
	s0 =	simm.s32 @!p0 $0x0  }
0x12: {  	s1 =	sld [smem:$0x3F92];
	s0 =	simm.s32 @p0 $0x1  }
0x13: {  	[smem:$0x3FAD] =	sst s0;
	s0 =	simm.s32 @!p1 $0x0  }
0x14: {  	s2 =	sld [smem:$0x3F91];
	s0 =	simm.s32 @p1 $0x1  }
0x15: {  	[smem:$0x3FAE] =	sst s0;
	s0 =	simm.s32 @!p2 $0x0  }
0x16: {  	s3 =	sld [smem:$0x3FDB];
	s0 =	simm.s32 @p2 $0x1  }
0x17: {  	s4 =	simm.s32 $0x1BF5;
	[smem:$0x3FB0] =	sst s0  }
0x18: {  	s0 =	sld [smem:$0x3F93];
	_ =	swait.ge [sflag:s4], $0x0  }
0x19: {  	s7 =	sld [smem:$0x3F94]  }
0x1a: {  	s8 =	sadd.s32 $0xFFFFE003, lr  }
0x1b: {  	s9 =	sadd.s32 $0xFFFFFEF7, lr;
	s5 =	simm.s32 $0xFFFFFFFF;
	p2 =	slt.u32 s8, $0xFFFFF086  }
0x1c: {  	p1 =	slt.u32 s9, $0xF7A;
	s5 =	simm.s32 @!p2 $0x0  }
0x1d: {  	s5 =	simm.s32 @p1 $0x1;
	p0 =	seq.s32 s7, s2  }
0x1e: {  	s7 =	smul.u32 @!p0 $0xF7A, s2;
	p2 =	seq.s32 @!p0 s5, $0x0  }
0x1f: {  	s9 =	smul.u32 $0xF7A, s1;
	s8 =	simm.s32 @!p0 $0x1BF5;
	p2 =	por !p2, p0  }
0x20: {  	[sflag:s8] =	ssyncset.s32 @!p0 $0xFFFFF086;
	s6 =	sadd.s32 @!p0 s3, s7;
	s7 =	simm.s32 @!p0 $0x108  }
0x21: {  	s3 =	sadd.s32 s3, s9;
	s6 =	sadd.s32 @!p0 $0x88, s6;
	s7 =	simm.s32 @p2 $0x1082  }
0x22: {  	[simem:s7], [sflag:s8] =	dma.local @!p0 [hbm:s6], $0xF7A  }
0x23: {  	s9 =	sor.u32 $0xD0000000, s2;
	s6 =	simm.s32 $0x108;
	_ =	swait.ge @!p0 [sflag:s8], $0x0  }
0x24: {  	s3 =	sadd.s32 $0x88, s3;
	s6 =	simm.s32 @!p1 $0x1082;
	[sflag:s4] =	ssyncset.s32 $0xFFFFF086  }
0x25: {  	[simem:s6], [sflag:s4] =	dma.local [hbm:s3], $0xF7A  }
0x26: {  	[smem:$0x3F94] =	sst s1;
	(tag) =	ssettag s2;
	_ =	strace s9  }
0x27: {  	s1 =	sld [smem:$0x3FA4]  }
0x28: {  	s2 =	sld [smem:$0x3FA5]  }
0x29: {  	s4 =	sld [smem:$0x3FA7]  }
0x2a: {  	p0 =	seq.s32 s5, $0x0;
	s5 =	sld [smem:$0x3FA8]  }
0x2b: {  	s6 =	sld [smem:$0x3FA9]  }
0x2c: {  	s7 =	sld [smem:$0x3FAA]  }
0x2d: {  	s3 =	simm.s32 $0x108;
	s8 =	sld [smem:$0x3FAB]  }
0x2e: {  	s3 =	simm.s32 @!p0 $0x1082;
	s9 =	sld [smem:$0x3FAC]  }
0x2f: {  	lr =	sadd.s32 s0, s3;
	s0 =	sld [smem:$0x3FA3]  }
0x30: {  	s3 =	sld [smem:$0x3FA6]  }
0x31: {  	[smem:$0x3FAF] =	sst s10  }
0x32: {  	s10 =	sld [smem:$0x3FAD];
	_ =	sdelay $0x3  }
0x33: {  	p0 =	seq.s32 s10, $0x1;
	s10 =	sld [smem:$0x3FAF];
	_ =	sdelay $0x3  }
0x34: {  	[smem:$0x3FAF] =	sst s10  }
0x35: {  	s10 =	sld [smem:$0x3FAE];
	_ =	sdelay $0x3  }
0x36: {  	p1 =	seq.s32 s10, $0x1;
	s10 =	sld [smem:$0x3FAF];
	_ =	sdelay $0x3  }
0x37: {  	[smem:$0x3FAF] =	sst s10  }
0x38: {  	s10 =	sld [smem:$0x3FB0]  }
0x39: {  	_ = 	snop;
	(pc) =	sbr.ind lr, $3  }
0x3a: {  	_ = 	snop  }
0x3b: {  	_ = 	snop  }
0x3c: {  	p2 =	seq.s32 s10, $0x1;
	s10 =	sld [smem:$0x3FAF]  }
0x3d: {  	_ =	shalt  }
0x3e: {  	_ =	shalt  }
0x3f: {  	_ =	shalt  }
0x40: {  	_ =	shalt  }
0x41: {  	_ =	shalt  }
0x42: {  	_ =	shalt  }
0x43: {  	_ =	shalt  }
0x44: {  	_ =	shalt  }
0x45: {  	_ =	shalt  }
0x46: {  	_ =	shalt  }
0x47: {  	_ =	shalt  }
0x48: {  	_ =	shalt  }
0x49: {  	_ =	shalt  }
0x4a: {  	_ =	shalt  }
0x4b: {  	_ =	shalt  }
0x4c: {  	_ =	shalt  }
0x4d: {  	_ =	shalt  }
0x4e: {  	_ =	shalt  }
0x4f: {  	_ =	shalt  }
0x50: {  	_ =	shalt  }
0x51: {  	_ =	shalt  }
0x52: {  	_ =	shalt  }
0x53: {  	_ =	shalt  }
0x54: {  	_ =	shalt  }
0x55: {  	_ =	shalt  }
0x56: {  	_ =	shalt  }
0x57: {  	_ =	shalt  }
0x58: {  	_ =	shalt  }
0x59: {  	_ =	shalt  }
0x5a: {  	_ =	shalt  }
0x5b: {  	_ =	shalt  }
0x5c: {  	_ =	shalt  }
0x5d: {  	_ =	shalt  }
0x5e: {  	_ =	shalt  }
0x5f: {  	_ =	shalt  }
0x60: {  	_ =	shalt  }
0x61: {  	_ =	shalt  }
0x62: {  	_ =	shalt  }
0x63: {  	_ =	shalt  }
0x64: {  	_ =	shalt  }
0x65: {  	_ =	shalt  }
0x66: {  	_ =	shalt  }
0x67: {  	_ =	shalt  }
0x68: {  	_ =	shalt  }
0x69: {  	_ =	shalt  }
0x6a: {  	_ =	shalt  }
0x6b: {  	_ =	shalt  }
0x6c: {  	_ =	shalt  }
0x6d: {  	_ =	shalt  }
0x6e: {  	_ =	shalt  }
0x6f: {  	_ =	shalt  }
0x70: {  	_ =	shalt  }
0x71: {  	_ =	shalt  }
0x72: {  	_ =	shalt  }
0x73: {  	_ =	shalt  }
0x74: {  	_ =	shalt  }
0x75: {  	_ =	shalt  }
0x76: {  	_ =	shalt  }
0x77: {  	_ =	shalt  }
0x78: {  	_ =	shalt  }
0x79: {  	_ =	shalt  }
0x7a: {  	_ =	shalt  }
0x7b: {  	_ =	shalt  }
0x7c: {  	_ =	shalt  }
0x7d: {  	_ =	shalt  }
0x7e: {  	_ =	shalt  }
0x7f: {  	_ =	shalt  }
0x80: {  	_ =	shalt  }
0x81: {  	_ =	shalt  }
0x82: {  	_ =	shalt  }
0x83: {  	_ =	shalt  }
0x84: {  	_ =	shalt  }
0x85: {  	_ =	shalt  }
0x86: {  	_ =	shalt  }
0x87: {  	_ =	shalt  }
.Lfunc_end0:
.L_simem_size_0:
called_computation.4_lowered:
.L_overlay_start_0:
0x88: {  	s0 =	sld [smem:$0x3FD9]  }
0x89: {  	s1 =	sld [smem:$0x3FFE];
	_ =	sdelay $0x3  }
0x8a: {  	s0 =	sadd.s32 s1, s0  }
0x8b: {  	[smem:$0x3FBB] =	sst s0  }
0x8c: {  	_ = 	snop  }
0x8d: {  	(tm) =	ssettm $0x1  }
0x8e: {  	s15 =	sld [smem:$0x3FFB];
	_ =	sdelay $0x3  }
0x8f: {  	_ =	strace s15  }
0x90: {  	s0 =	sld [smem:$0x3FFC];
	_ =	sdelay $0x3  }
0x91: {  	_ =	strace s0  }
0x92: {  	s0 =	sld [smem:$0x3FFD];
	_ =	sdelay $0x3  }
0x93: {  	_ =	strace s0  }
0x94: {  	_ =	strace $0x8FFFFFFF  }
0x95: {  	s16 =	sld [smem:$0x3FDB];
	_ =	sdelay $0x1  }
0x96: {  	s17 =	simm.s32 $_scs_section_size  }
0x97: {  	s2 =	simm.s32 $_size__tile_overlayer_lowered;
	s3 =	simm.s32 $_tile_overlayer_lowered  }
0x98: {  	s20 =	simm.s32 $0x1BFF;
	s19 =	sshll.u32 s3, $0x1;
	s0 =	sadd.s32 s17, s16  }
0x99: {  	s4 =	simm.s32 $0x0;
	s18 =	sshll.u32 s2, $0x1;
	s2 =	sadd.s32 s19, s0  }
0x9a: {  	[timem:s4], [sflag:s20] =	dma.local [hbm:s2], s18  }
0x9b: {  	_ =	swait.ge [sflag:s20], s18  }
0x9c: {  	s1 =	ssub.s32 $0x0, s18;
	[sflag:s20] =	ssyncset.done $0x0  }
0x9d: {  	[sflag:s20] =	ssyncadd.s32 s1;
	_ =	sdelay $0x1  }
0x9e: {  	s21 =	simm.s32 $0x1B8B  }
0x9f: {  	_ =	swait.ge [sflag:s21], $0x1  }
0xa0: {  	[sflag:s21] =	ssyncset.done $0x0  }
0xa1: {  	s23 =	simm.s32 $0x1B8E;
	s22 =	sld [smem:$0x3FFE];
	[sflag:s21] =	ssyncadd.s32 $0xFFFFFFFF  }
0xa2: {  	s24 =	simm.s32 $execute0_lowered;
	[smem:$0x3FD2] =	sst s23  }
0xa3: {  	s2 =	sshll.u32 s24, $0x1;
	_ =	strace $0x80000052;
	[dreg:$0x1] =	wrdreg $0xFFFFFFFF  }
0xa4: {  	s25 =	simm.s32 $_size_execute0_lowered;
	s0 =	sadd.s32 s0, s2;
	[dreg:$0x0] =	wrdreg $0x0  }
0xa5: {  	s2 =	sshll.u32 s25, $0x1;
	[dreg:$0x2] =	wrdreg s0  }
0xa6: {  	[dreg:$0x3] =	wrdreg s2  }
0xa7: {  	[dreg:$0x4] =	wrdreg $0xC0  }
0xa8: {  	_ =	task [dreg:s4], $0x5FFFF  }
0xa9: {  	[dreg:$0x1] =	wrdreg $0xFFFFFFFF  }
0xaa: {  	[dreg:$0x0] =	wrdreg $0x60  }
0xab: {  	[dreg:$0x2] =	wrdreg s22  }
0xac: {  	[dreg:$0x3] =	wrdreg $0xC0000  }
0xad: {  	[dreg:$0x4] =	wrdreg $0x9  }
0xae: {  	_ =	task.clear_ibuf [dreg:s4], $0x5FFFF;
	_ =	strace $0x90000052  }
0xaf: {  	s26 =	simm.s32 $0x9;
	_ =	strace $0x80000054  }
0xb0: {  	_ =	swait.ge [sflag:s26], $0x1  }
0xb1: {  	[sflag:s26] =	ssyncadd.s32 $0xFFFFFFFF  }
0xb2: {  	_ =	strace $0x90000054  }
0xb3: {  	_ =	sfence  }
0xb4: {  	s28 =	sld [smem:$0x0];
	_ =	sdelay $0x1  }
0xb5: {  	s29 =	srdreg.scid  }
0xb6: {  	s30 =	sshll.u32 s29, $0xD;
	s31 =	sshrl.u32 s29, $0x2  }
0xb7: {  	s1 =	sand.u32 $0x1, s29;
	s2 =	sand.u32 $0x4000, s30;
	s0 =	sadd.s32 s31, s28  }
0xb8: {  	s1 =	sor.u32 s2, s1;
	s0 =	sshll.u32 s0, $0x11  }
0xb9: {  	s0 =	sor.u32 s0, s1  }
0xba: {  	s0 =	sadd.s32 $0x8F2B, s0  }
0xbb: {  	[sflag:s0] =	ssyncadd.remote.s32 $0x1  }
0xbc: {  	_ =	sfence.sel $0xFFFF  }
0xbd: {  	[dreg:$0x0] =	wrdreg $0xFFFFFFFF;
	(pc) =	sbr.abs _section_cstart, $3  }
0xbe: {  	[dreg:$0x1] =	wrdreg $0xFFFFFFFF  }
0xbf: {  	_ =	task.clear_ibuf [dreg:s4], $0x2FFFF;
	_ =	strace $0x9FFFFFFF  }
0xc0: {  	(tm) =	ssettm $0x7FFFFFFF  }
0xc1: {  	_ =	shalt  }
tec
execute0_lowered:
.L_overlay_start_1:
0x0: {  	(tag) =	ssettag $0x1  }
0x1: {  	s25 =	rddreg [dreg:$0x0];
	s0 =	stileid.u32  }
0x2: {  	s2 =	rddreg [dreg:$0x1];
	s3 =	smul.u32 $0x50000, s0  }
0x3: {  	s1 =	rddreg [dreg:$0x2];
	s10 =	simm.s32 $0x0  }
0x4: {  	s7 =	simm.s32 $0xD;
	[smem:$0x7FF] =	sst s10;
	s3 =	sshrl.u32 s3, $0x2  }
0x5: {  	s16 =	sshll.u32 s0, $0x6;
	s6 =	sadd.s32 $0x2B000, s25;
	s5 =	sadd.s32 s3, s2  }
0x6: {  	_ =	strace $0x80000053;
	s3 =	sor.u32 $0x1C0D, s16;
	s4 =	sshrl.u32 s5, $0x3  }
0x7: {  	[spmem:s4], [sflag:s3] =	dma.local [hbm:s6], $0x800  }
0x8: {  	_ =	swait.ge [sflag:s7], $0x800  }
0x9: {  	s8 =	sadd.s32 $0x4000, s5;
	[sflag:s7] =	ssyncset.done $0x0  }
0xa: {  	s8 =	sshrl.u32 s8, $0x3;
	[sflag:s7] =	ssyncadd.s32 $0xFFFFF800  }
0xb: {  	[spmem:s8], [sflag:s3] =	dma.local [hbm:s6], $0x800  }
0xc: {  	_ =	swait.ge [sflag:s7], $0x800  }
0xd: {  	s17 =	sadd.s32 $0x8000, s5;
	[sflag:s7] =	ssyncset.done $0x0  }
0xe: {  	s8 =	sshrl.u32 s17, $0x3;
	[sflag:s7] =	ssyncadd.s32 $0xFFFFF800  }
0xf: {  	[spmem:s8], [sflag:s3] =	dma.local [hbm:s6], $0x800  }
0x10: {  	_ =	swait.ge [sflag:s7], $0x800  }
0x11: {  	s18 =	sadd.s32 $0xC000, s5;
	[sflag:s7] =	ssyncset.done $0x0  }
0x12: {  	s8 =	sshrl.u32 s18, $0x3;
	[sflag:s7] =	ssyncadd.s32 $0xFFFFF800  }
0x13: {  	[spmem:s8], [sflag:s3] =	dma.local [hbm:s6], $0x800  }
0x14: {  	_ =	swait.ge [sflag:s7], $0x800  }
0x15: {  	s5 =	sadd.s32 $0x10000, s5;
	[sflag:s7] =	ssyncset.done $0x0  }
0x16: {  	s5 =	sshrl.u32 s5, $0x3;
	[sflag:s7] =	ssyncadd.s32 $0xFFFFF800  }
0x17: {  	[spmem:s5], [sflag:s3] =	dma.local [hbm:s6], $0x800  }
0x18: {  	s19 =	smul.u32 $0xA000, s0;
	_ =	swait.ge [sflag:s7], $0x800  }
0x19: {  	[sflag:s7] =	ssyncset.done $0x0  }
0x1a: {  	s24 =	sadd.s32 $0x17000, s25;
	s5 =	sshrl.u32 s19, $0x3;
	[sflag:s7] =	ssyncadd.s32 $0xFFFFF800  }
0x1b: {  	s26 =	sadd.s32 $0x3A600, s25;
	s20 =	sadd.s32 s24, s5;
	[bflag:$0x0] =	sbarrier.arrive $0xFFFF  }
0x1c: {  	[tilespmem:s10], [sflag:$0xB] =	stream.linear.gather [hbm4b:s20+s10], $0x800, $0x38;
	v63 =	vld [tilespmem:$0x0]  }
0x1d: {  	s21 =	simm.s32 $0x1000;
	s5 =	sadd.s32 s26, s5  }
0x1e: {  	[tilespmem:s21], [sflag:$0xC] =	stream.linear.gather [hbm4b:s5+s10], $0x800, $0x38;
	v63 =	vld [tilespmem:$0x0]  }
0x1f: {  	s5 =	simm.s32 $0xB  }
0x20: {  	_ =	swait.ge [sflag:s5], $0x800  }
0x21: {  	[sflag:s5] =	ssyncset.done $0x0  }
0x22: {  	s6 =	simm.s32 $0xC;
	[sflag:s5] =	ssyncadd.s32 $0xFFFFF800  }
0x23: {  	_ =	swait.ge [sflag:s6], $0x800  }
0x24: {  	s9 =	simm.s32 $0x2000;
	s28 =	sand.u32 $0x800, s10;
	[sflag:s6] =	ssyncset.done $0x0  }
0x25: {  	s8 =	simm.s32 $0x40;
	s7 =	sadd.s32 $0x4E600, s25;
	[sflag:s6] =	ssyncadd.s32 $0xFFFFF800  }
0x26: {  	[tilespmem:s9], [sflag:$0x1] =	stream.indirect.gather [hbm4b:s7+s8], $0x80, s28, s8, $0xb8;
	v63 =	vld [tilespmem:$0x0]  }
0x27: {  	s11 =	sor.u32 $0x80, s28;
	s10 =	simm.s32 $0x4000  }
0x28: {  	[tilespmem:s10], [sflag:$0x2] =	stream.indirect.gather [hbm4b:s7+s8], $0x80, s11, s8, $0xb8;
	v63 =	vld [tilespmem:$0x0]  }
0x29: {  	s12 =	sor.u32 $0x100, s28;
	s11 =	simm.s32 $0x6000  }
0x2a: {  	[tilespmem:s11], [sflag:$0x3] =	stream.indirect.gather [hbm4b:s7+s8], $0x80, s12, s8, $0xb8;
	v63 =	vld [tilespmem:$0x0]  }
0x2b: {  	s13 =	simm.s32 $0x1;
	s14 =	sor.u32 $0x180, s28;
	s12 =	simm.s32 $0x8000  }
0x2c: {  	[tilespmem:s12], [sflag:$0x4] =	stream.indirect.gather [hbm4b:s7+s8], $0x80, s14, s8, $0xb8;
	v63 =	vld [tilespmem:$0x0]  }
0x2d: {  	_ =	swait.ge [sflag:s13], $0x2000  }
0x2e: {  	[sflag:s13] =	ssyncset.done $0x0  }
0x2f: {  	s22 =	sor.u32 $0x1000, s28;
	[sflag:s13] =	ssyncadd.s32 $0xFFFFE000  }
0x30: {  	[spmem:s2] =	stream.indirect.scatter.add.f32 [tilespmem:s9], [sflag:$0x6], $0x80, s22, s8, $0xb8;
	v63 =	vld [tilespmem:$0x0]  }
0x31: {  	s15 =	simm.s32 $0x2;
	s16 =	sor.u32 $0x200, s28;
	s14 =	simm.s32 $0xA000  }
0x32: {  	[tilespmem:s14], [sflag:$0x5] =	stream.indirect.gather [hbm4b:s7+s8], $0x80, s16, s8, $0xb8;
	v63 =	vld [tilespmem:$0x0]  }
0x33: {  	_ =	swait.ge [sflag:s15], $0x2000  }
0x34: {  	[sflag:s15] =	ssyncset.done $0x0  }
0x35: {  	s17 =	sor.u32 $0x1080, s28;
	s16 =	simm.s32 $0x6;
	[sflag:s15] =	ssyncadd.s32 $0xFFFFE000  }
0x36: {  	[spmem:s2] =	stream.indirect.scatter.add.f32 [tilespmem:s10], [sflag:$0x7], $0x80, s17, s8, $0xb8;
	v63 =	vld [tilespmem:$0x0]  }
0x37: {  	_ =	swait.ge [sflag:s16], $0x2000  }
0x38: {  	[sflag:s16] =	ssyncset.done $0x0  }
0x39: {  	s18 =	sor.u32 $0x280, s28;
	s17 =	simm.s32 $0x3;
	[sflag:s16] =	ssyncadd.s32 $0xFFFFE000  }
0x3a: {  	[tilespmem:s9], [sflag:$0x1] =	stream.indirect.gather [hbm4b:s7+s8], $0x80, s18, s8, $0xb8;
	v63 =	vld [tilespmem:$0x0]  }
0x3b: {  	_ =	swait.ge [sflag:s17], $0x2000  }
0x3c: {  	[sflag:s17] =	ssyncset.done $0x0  }
0x3d: {  	s19 =	sor.u32 $0x1100, s28;
	s18 =	simm.s32 $0x7;
	[sflag:s17] =	ssyncadd.s32 $0xFFFFE000  }
0x3e: {  	[spmem:s2] =	stream.indirect.scatter.add.f32 [tilespmem:s11], [sflag:$0x8], $0x80, s19, s8, $0xb8;
	v63 =	vld [tilespmem:$0x0]  }
0x3f: {  	_ =	swait.ge [sflag:s18], $0x2000  }
0x40: {  	[sflag:s18] =	ssyncset.done $0x0  }
0x41: {  	s20 =	sor.u32 $0x300, s28;
	s19 =	simm.s32 $0x4;
	[sflag:s18] =	ssyncadd.s32 $0xFFFFE000  }
0x42: {  	[tilespmem:s10], [sflag:$0x2] =	stream.indirect.gather [hbm4b:s7+s8], $0x80, s20, s8, $0xb8;
	v63 =	vld [tilespmem:$0x0]  }
0x43: {  	_ =	swait.ge [sflag:s19], $0x2000  }
0x44: {  	[sflag:s19] =	ssyncset.done $0x0  }
0x45: {  	s21 =	sor.u32 $0x1180, s28;
	s20 =	simm.s32 $0x8;
	[sflag:s19] =	ssyncadd.s32 $0xFFFFE000  }
0x46: {  	[spmem:s2] =	stream.indirect.scatter.add.f32 [tilespmem:s12], [sflag:$0x9], $0x80, s21, s8, $0xb8;
	v63 =	vld [tilespmem:$0x0]  }
0x47: {  	_ =	swait.ge [sflag:s20], $0x2000  }
0x48: {  	[sflag:s20] =	ssyncset.done $0x0  }
0x49: {  	s23 =	sor.u32 $0x380, s28;
	s21 =	simm.s32 $0x5;
	[sflag:s20] =	ssyncadd.s32 $0xFFFFE000  }
0x4a: {  	[tilespmem:s11], [sflag:$0x3] =	stream.indirect.gather [hbm4b:s7+s8], $0x80, s23, s8, $0xb8;
	v63 =	vld [tilespmem:$0x0]  }
0x4b: {  	_ =	swait.ge [sflag:s21], $0x2000  }
0x4c: {  	[sflag:s21] =	ssyncset.done $0x0  }
0x4d: {  	s22 =	sor.u32 $0x1200, s28;
	[sflag:s21] =	ssyncadd.s32 $0xFFFFE000  }
0x4e: {  	[spmem:s2] =	stream.indirect.scatter.add.f32 [tilespmem:s14], [sflag:$0xA], $0x80, s22, s8, $0xb8;
	v63 =	vld [tilespmem:$0x0]  }
0x4f: {  	s22 =	simm.s32 $0x9  }
0x50: {  	_ =	swait.ge [sflag:s22], $0x2000  }
0x51: {  	[sflag:s22] =	ssyncset.done $0x0  }
0x52: {  	s23 =	sor.u32 $0x400, s28;
	[sflag:s22] =	ssyncadd.s32 $0xFFFFE000  }
0x53: {  	[tilespmem:s12], [sflag:$0x4] =	stream.indirect.gather [hbm4b:s7+s8], $0x80, s23, s8, $0xb8;
	v63 =	vld [tilespmem:$0x0]  }
0x54: {  	_ =	swait.ge [sflag:s13], $0x2000  }
0x55: {  	[sflag:s13] =	ssyncset.done $0x0  }
0x56: {  	s29 =	sor.u32 $0x1280, s28;
	s23 =	simm.s32 $0xA;
	[sflag:s13] =	ssyncadd.s32 $0xFFFFE000  }
0x57: {  	[spmem:s2] =	stream.indirect.scatter.add.f32 [tilespmem:s9], [sflag:$0x6], $0x80, s29, s8, $0xb8;
	v63 =	vld [tilespmem:$0x0]  }
0x58: {  	_ =	swait.ge [sflag:s23], $0x2000  }
0x59: {  	[sflag:s23] =	ssyncset.done $0x0  }
0x5a: {  	s29 =	sor.u32 $0x480, s28;
	[sflag:s23] =	ssyncadd.s32 $0xFFFFE000  }
0x5b: {  	[tilespmem:s14], [sflag:$0x5] =	stream.indirect.gather [hbm4b:s7+s8], $0x80, s29, s8, $0xb8;
	v63 =	vld [tilespmem:$0x0]  }
0x5c: {  	_ =	swait.ge [sflag:s15], $0x2000  }
0x5d: {  	[sflag:s15] =	ssyncset.done $0x0  }
0x5e: {  	s30 =	sor.u32 $0x1300, s28;
	[sflag:s15] =	ssyncadd.s32 $0xFFFFE000  }
0x5f: {  	[spmem:s2] =	stream.indirect.scatter.add.f32 [tilespmem:s10], [sflag:$0x7], $0x80, s30, s8, $0xb8;
	v63 =	vld [tilespmem:$0x0]  }
0x60: {  	_ =	swait.ge [sflag:s16], $0x2000  }
0x61: {  	[sflag:s16] =	ssyncset.done $0x0  }
0x62: {  	s31 =	sor.u32 $0x500, s28;
	[sflag:s16] =	ssyncadd.s32 $0xFFFFE000  }
0x63: {  	[tilespmem:s9], [sflag:$0x1] =	stream.indirect.gather [hbm4b:s7+s8], $0x80, s31, s8, $0xb8;
	v63 =	vld [tilespmem:$0x0]  }
0x64: {  	_ =	swait.ge [sflag:s17], $0x2000  }
0x65: {  	[sflag:s17] =	ssyncset.done $0x0  }
0x66: {  	s30 =	sor.u32 $0x1380, s28;
	[sflag:s17] =	ssyncadd.s32 $0xFFFFE000  }
0x67: {  	[spmem:s2] =	stream.indirect.scatter.add.f32 [tilespmem:s11], [sflag:$0x8], $0x80, s30, s8, $0xb8;
	v63 =	vld [tilespmem:$0x0]  }
0x68: {  	_ =	swait.ge [sflag:s18], $0x2000  }
0x69: {  	[sflag:s18] =	ssyncset.done $0x0  }
0x6a: {  	s31 =	sor.u32 $0x580, s28;
	[sflag:s18] =	ssyncadd.s32 $0xFFFFE000  }
0x6b: {  	[tilespmem:s10], [sflag:$0x2] =	stream.indirect.gather [hbm4b:s7+s8], $0x80, s31, s8, $0xb8;
	v63 =	vld [tilespmem:$0x0]  }
0x6c: {  	_ =	swait.ge [sflag:s19], $0x2000  }
0x6d: {  	[sflag:s19] =	ssyncset.done $0x0  }
0x6e: {  	s30 =	sor.u32 $0x1400, s28;
	[sflag:s19] =	ssyncadd.s32 $0xFFFFE000  }
0x6f: {  	[spmem:s2] =	stream.indirect.scatter.add.f32 [tilespmem:s12], [sflag:$0x9], $0x80, s30, s8, $0xb8;
	v63 =	vld [tilespmem:$0x0]  }
0x70: {  	_ =	swait.ge [sflag:s20], $0x2000  }
0x71: {  	[sflag:s20] =	ssyncset.done $0x0  }
0x72: {  	s31 =	sor.u32 $0x600, s28;
	[sflag:s20] =	ssyncadd.s32 $0xFFFFE000  }
0x73: {  	[tilespmem:s11], [sflag:$0x3] =	stream.indirect.gather [hbm4b:s7+s8], $0x80, s31, s8, $0xb8;
	v63 =	vld [tilespmem:$0x0]  }
0x74: {  	_ =	swait.ge [sflag:s21], $0x2000  }
0x75: {  	[sflag:s21] =	ssyncset.done $0x0  }
0x76: {  	s30 =	sor.u32 $0x1480, s28;
	[sflag:s21] =	ssyncadd.s32 $0xFFFFE000  }
0x77: {  	[spmem:s2] =	stream.indirect.scatter.add.f32 [tilespmem:s14], [sflag:$0xA], $0x80, s30, s8, $0xb8;
	v63 =	vld [tilespmem:$0x0]  }
0x78: {  	_ =	swait.ge [sflag:s22], $0x2000  }
0x79: {  	[sflag:s22] =	ssyncset.done $0x0  }
0x7a: {  	s31 =	sor.u32 $0x680, s28;
	[sflag:s22] =	ssyncadd.s32 $0xFFFFE000  }
0x7b: {  	[tilespmem:s12], [sflag:$0x4] =	stream.indirect.gather [hbm4b:s7+s8], $0x80, s31, s8, $0xb8;
	v63 =	vld [tilespmem:$0x0]  }
0x7c: {  	_ =	swait.ge [sflag:s13], $0x2000  }
0x7d: {  	[sflag:s13] =	ssyncset.done $0x0  }
0x7e: {  	s30 =	sor.u32 $0x1500, s28;
	[sflag:s13] =	ssyncadd.s32 $0xFFFFE000  }
0x7f: {  	[spmem:s2] =	stream.indirect.scatter.add.f32 [tilespmem:s9], [sflag:$0x6], $0x80, s30, s8, $0xb8;
	v63 =	vld [tilespmem:$0x0]  }
0x80: {  	_ =	swait.ge [sflag:s23], $0x2000  }
0x81: {  	[sflag:s23] =	ssyncset.done $0x0  }
0x82: {  	s31 =	sor.u32 $0x700, s28;
	[sflag:s23] =	ssyncadd.s32 $0xFFFFE000  }
0x83: {  	[tilespmem:s14], [sflag:$0x5] =	stream.indirect.gather [hbm4b:s7+s8], $0x80, s31, s8, $0xb8;
	v63 =	vld [tilespmem:$0x0]  }
0x84: {  	_ =	swait.ge [sflag:s15], $0x2000  }
0x85: {  	[sflag:s15] =	ssyncset.done $0x0  }
0x86: {  	s30 =	sor.u32 $0x1580, s28;
	[sflag:s15] =	ssyncadd.s32 $0xFFFFE000  }
0x87: {  	[spmem:s2] =	stream.indirect.scatter.add.f32 [tilespmem:s10], [sflag:$0x7], $0x80, s30, s8, $0xb8;
	v63 =	vld [tilespmem:$0x0]  }
0x88: {  	_ =	swait.ge [sflag:s16], $0x2000  }
0x89: {  	[sflag:s16] =	ssyncset.done $0x0  }
0x8a: {  	s31 =	sor.u32 $0x780, s28;
	[sflag:s16] =	ssyncadd.s32 $0xFFFFE000  }
0x8b: {  	[tilespmem:s9], [sflag:$0x1] =	stream.indirect.gather [hbm4b:s7+s8], $0x80, s31, s8, $0xb8;
	v63 =	vld [tilespmem:$0x0]  }
0x8c: {  	_ =	swait.ge [sflag:s17], $0x2000  }
0x8d: {  	[sflag:s17] =	ssyncset.done $0x0  }
0x8e: {  	s30 =	sor.u32 $0x1600, s28;
	[sflag:s17] =	ssyncadd.s32 $0xFFFFE000  }
0x8f: {  	[spmem:s2] =	stream.indirect.scatter.add.f32 [tilespmem:s11], [sflag:$0x8], $0x80, s30, s8, $0xb8;
	v63 =	vld [tilespmem:$0x0]  }
0x90: {  	_ =	swait.ge [sflag:s19], $0x2000  }
0x91: {  	[sflag:s19] =	ssyncset.done $0x0  }
0x92: {  	s31 =	sor.u32 $0x1680, s28;
	[sflag:s19] =	ssyncadd.s32 $0xFFFFE000  }
0x93: {  	[spmem:s2] =	stream.indirect.scatter.add.f32 [tilespmem:s12], [sflag:$0x9], $0x80, s31, s8, $0xb8;
	v63 =	vld [tilespmem:$0x0]  }
0x94: {  	_ =	swait.ge [sflag:s21], $0x2000  }
0x95: {  	[sflag:s21] =	ssyncset.done $0x0  }
0x96: {  	s30 =	sor.u32 $0x1700, s28;
	s31 =	smul.u32 $0x1400, s0;
	[sflag:s21] =	ssyncadd.s32 $0xFFFFE000  }
0x97: {  	[spmem:s2] =	stream.indirect.scatter.add.f32 [tilespmem:s14], [sflag:$0xA], $0x80, s30, s8, $0xb8;
	v63 =	vld [tilespmem:$0x0]  }
0x98: {  	_ =	swait.ge [sflag:s13], $0x2000  }
0x99: {  	p0 =	por $0x0, $0x0;
	s26 =	sadd.s32 s31, s26;
	[sflag:s13] =	ssyncset.done $0x0  }
0x9a: {  	s24 =	sadd.s32 s31, s24;
	s30 =	sor.u32 $0x1780, s28;
	[sflag:s13] =	ssyncadd.s32 $0xFFFFE000  }
0x9b: {  	[spmem:s2] =	stream.indirect.scatter.add.f32 [tilespmem:s9], [sflag:$0x6], $0x80, s30, s8, $0xb8;
	v63 =	vld [tilespmem:$0x0]  }
0x9c: {  	s29 =	sadd.s32 $0x100, s24;
	s28 =	sxor.u32 @!p0 $0x800, s28;
	s30 =	simm.s32 @!p0 $0x0  }
0x9d: {  	[tilespmem:s28], [sflag:$0xB] =	stream.linear.gather @!p0 [hbm4b:s29+s30], $0x800, $0x38;
	v63 =	vld [tilespmem:$0x0]  }
0x9e: {  	s24 =	sadd.s32 $0x100, s26;
	s26 =	sor.u32 @!p0 $0x1000, s28  }
0x9f: {  	[tilespmem:s26], [sflag:$0xC] =	stream.linear.gather @!p0 [hbm4b:s24+s30], $0x800, $0x38;
	v63 =	vld [tilespmem:$0x0]  }
0xa0: {  	_ =	swait.ge [sflag:s18], $0x2000  }
0xa1: {  	[sflag:s18] =	ssyncset.done $0x0  }
0xa2: {  	[sflag:s18] =	ssyncadd.s32 $0xFFFFE000  }
0xa3: {  	_ =	swait.ge [sflag:s20], $0x2000  }
0xa4: {  	[sflag:s20] =	ssyncset.done $0x0  }
0xa5: {  	[sflag:s20] =	ssyncadd.s32 $0xFFFFE000  }
0xa6: {  	_ =	swait.ge [sflag:s22], $0x2000  }
0xa7: {  	[sflag:s22] =	ssyncset.done $0x0  }
0xa8: {  	[sflag:s22] =	ssyncadd.s32 $0xFFFFE000  }
0xa9: {  	_ =	swait.ge [sflag:s23], $0x2000  }
0xaa: {  	[sflag:s23] =	ssyncset.done $0x0  }
0xab: {  	[sflag:s23] =	ssyncadd.s32 $0xFFFFE000  }
0xac: {  	s25 =	sadd.s32 $0x76600, s25;
	_ =	swait.ge [sflag:s16], $0x2000  }
0xad: {  	s28 =	simm.s32 $0x800;
	s26 =	sadd.s32 $0x100, s29;
	[sflag:s16] =	ssyncset.done $0x0  }
.LBB2_1:
0xae: {  	[sflag:s16] =	ssyncadd.s32 $0xFFFFE000  }
0xaf: {  	s24 =	sadd.s32 $0x100, s24;
	s29 =	smov.u32 s28;
	s28 =	sadd.s32 $0x800, s28  }
0xb0: {  	_ =	swait.ge [sflag:s5], $0x800;
	p0 =	sne.s32 s28, $0xA000  }
0xb1: {  	[sflag:s5] =	ssyncset.done $0x0  }
0xb2: {  	[sflag:s5] =	ssyncadd.s32 $0xFFFFF800  }
0xb3: {  	_ =	swait.ge [sflag:s6], $0x800  }
0xb4: {  	[sflag:s6] =	ssyncset.done $0x0  }
0xb5: {  	s30 =	sand.u32 $0x800, s29;
	[sflag:s6] =	ssyncadd.s32 $0xFFFFF800  }
0xb6: {  	[tilespmem:s9], [sflag:$0x1] =	stream.indirect.gather [hbm4b:s7+s8], $0x80, s30, s8, $0xb8;
	v63 =	vld [tilespmem:$0x0]  }
0xb7: {  	s31 =	sor.u32 $0x80, s30  }
0xb8: {  	[tilespmem:s10], [sflag:$0x2] =	stream.indirect.gather [hbm4b:s7+s8], $0x80, s31, s8, $0xb8;
	v63 =	vld [tilespmem:$0x0]  }
0xb9: {  	s31 =	sor.u32 $0x100, s30  }
0xba: {  	[tilespmem:s11], [sflag:$0x3] =	stream.indirect.gather [hbm4b:s7+s8], $0x80, s31, s8, $0xb8;
	v63 =	vld [tilespmem:$0x0]  }
0xbb: {  	s31 =	sor.u32 $0x180, s30  }
0xbc: {  	[tilespmem:s12], [sflag:$0x4] =	stream.indirect.gather [hbm4b:s7+s8], $0x80, s31, s8, $0xb8;
	v63 =	vld [tilespmem:$0x0]  }
0xbd: {  	_ =	swait.ge [sflag:s13], $0x2000  }
0xbe: {  	[sflag:s13] =	ssyncset.done $0x0  }
0xbf: {  	s31 =	sor.u32 $0x1000, s30;
	[sflag:s13] =	ssyncadd.s32 $0xFFFFE000  }
0xc0: {  	[spmem:s2] =	stream.indirect.scatter.add.f32 [tilespmem:s9], [sflag:$0x6], $0x80, s31, s8, $0xb8;
	v63 =	vld [tilespmem:$0x0]  }
0xc1: {  	s31 =	sor.u32 $0x200, s30  }
0xc2: {  	[tilespmem:s14], [sflag:$0x5] =	stream.indirect.gather [hbm4b:s7+s8], $0x80, s31, s8, $0xb8;
	v63 =	vld [tilespmem:$0x0]  }
0xc3: {  	_ =	swait.ge [sflag:s15], $0x2000  }
0xc4: {  	[sflag:s15] =	ssyncset.done $0x0  }
0xc5: {  	s31 =	sor.u32 $0x1080, s30;
	[sflag:s15] =	ssyncadd.s32 $0xFFFFE000  }
0xc6: {  	[spmem:s2] =	stream.indirect.scatter.add.f32 [tilespmem:s10], [sflag:$0x7], $0x80, s31, s8, $0xb8;
	v63 =	vld [tilespmem:$0x0]  }
0xc7: {  	_ =	swait.ge [sflag:s16], $0x2000  }
0xc8: {  	[sflag:s16] =	ssyncset.done $0x0  }
0xc9: {  	s31 =	sor.u32 $0x280, s30;
	[sflag:s16] =	ssyncadd.s32 $0xFFFFE000  }
0xca: {  	[tilespmem:s9], [sflag:$0x1] =	stream.indirect.gather [hbm4b:s7+s8], $0x80, s31, s8, $0xb8;
	v63 =	vld [tilespmem:$0x0]  }
0xcb: {  	_ =	swait.ge [sflag:s17], $0x2000  }
0xcc: {  	[sflag:s17] =	ssyncset.done $0x0  }
0xcd: {  	s31 =	sor.u32 $0x1100, s30;
	[sflag:s17] =	ssyncadd.s32 $0xFFFFE000  }
0xce: {  	[spmem:s2] =	stream.indirect.scatter.add.f32 [tilespmem:s11], [sflag:$0x8], $0x80, s31, s8, $0xb8;
	v63 =	vld [tilespmem:$0x0]  }
0xcf: {  	_ =	swait.ge [sflag:s18], $0x2000  }
0xd0: {  	[sflag:s18] =	ssyncset.done $0x0  }
0xd1: {  	s31 =	sor.u32 $0x300, s30;
	[sflag:s18] =	ssyncadd.s32 $0xFFFFE000  }
0xd2: {  	[tilespmem:s10], [sflag:$0x2] =	stream.indirect.gather [hbm4b:s7+s8], $0x80, s31, s8, $0xb8;
	v63 =	vld [tilespmem:$0x0]  }
0xd3: {  	_ =	swait.ge [sflag:s19], $0x2000  }
0xd4: {  	[sflag:s19] =	ssyncset.done $0x0  }
0xd5: {  	s31 =	sor.u32 $0x1180, s30;
	[sflag:s19] =	ssyncadd.s32 $0xFFFFE000  }
0xd6: {  	[spmem:s2] =	stream.indirect.scatter.add.f32 [tilespmem:s12], [sflag:$0x9], $0x80, s31, s8, $0xb8;
	v63 =	vld [tilespmem:$0x0]  }
0xd7: {  	_ =	swait.ge [sflag:s20], $0x2000  }
0xd8: {  	[sflag:s20] =	ssyncset.done $0x0  }
0xd9: {  	s31 =	sor.u32 $0x380, s30;
	[sflag:s20] =	ssyncadd.s32 $0xFFFFE000  }
0xda: {  	[tilespmem:s11], [sflag:$0x3] =	stream.indirect.gather [hbm4b:s7+s8], $0x80, s31, s8, $0xb8;
	v63 =	vld [tilespmem:$0x0]  }
0xdb: {  	_ =	swait.ge [sflag:s21], $0x2000  }
0xdc: {  	[sflag:s21] =	ssyncset.done $0x0  }
0xdd: {  	s31 =	sor.u32 $0x1200, s30;
	[sflag:s21] =	ssyncadd.s32 $0xFFFFE000  }
0xde: {  	[spmem:s2] =	stream.indirect.scatter.add.f32 [tilespmem:s14], [sflag:$0xA], $0x80, s31, s8, $0xb8;
	v63 =	vld [tilespmem:$0x0]  }
0xdf: {  	_ =	swait.ge [sflag:s22], $0x2000  }
0xe0: {  	[sflag:s22] =	ssyncset.done $0x0  }
0xe1: {  	s31 =	sor.u32 $0x400, s30;
	[sflag:s22] =	ssyncadd.s32 $0xFFFFE000  }
0xe2: {  	[tilespmem:s12], [sflag:$0x4] =	stream.indirect.gather [hbm4b:s7+s8], $0x80, s31, s8, $0xb8;
	v63 =	vld [tilespmem:$0x0]  }
0xe3: {  	_ =	swait.ge [sflag:s13], $0x2000  }
0xe4: {  	[sflag:s13] =	ssyncset.done $0x0  }
0xe5: {  	s31 =	sor.u32 $0x1280, s30;
	[sflag:s13] =	ssyncadd.s32 $0xFFFFE000  }
0xe6: {  	[spmem:s2] =	stream.indirect.scatter.add.f32 [tilespmem:s9], [sflag:$0x6], $0x80, s31, s8, $0xb8;
	v63 =	vld [tilespmem:$0x0]  }
0xe7: {  	_ =	swait.ge [sflag:s23], $0x2000  }
0xe8: {  	[sflag:s23] =	ssyncset.done $0x0  }
0xe9: {  	s31 =	sor.u32 $0x480, s30;
	[sflag:s23] =	ssyncadd.s32 $0xFFFFE000  }
0xea: {  	[tilespmem:s14], [sflag:$0x5] =	stream.indirect.gather [hbm4b:s7+s8], $0x80, s31, s8, $0xb8;
	v63 =	vld [tilespmem:$0x0]  }
0xeb: {  	_ =	swait.ge [sflag:s15], $0x2000  }
0xec: {  	[sflag:s15] =	ssyncset.done $0x0  }
0xed: {  	s31 =	sor.u32 $0x1300, s30;
	[sflag:s15] =	ssyncadd.s32 $0xFFFFE000  }
0xee: {  	[spmem:s2] =	stream.indirect.scatter.add.f32 [tilespmem:s10], [sflag:$0x7], $0x80, s31, s8, $0xb8;
	v63 =	vld [tilespmem:$0x0]  }
0xef: {  	_ =	swait.ge [sflag:s16], $0x2000  }
0xf0: {  	[sflag:s16] =	ssyncset.done $0x0  }
0xf1: {  	s31 =	sor.u32 $0x500, s30;
	[sflag:s16] =	ssyncadd.s32 $0xFFFFE000  }
0xf2: {  	[tilespmem:s9], [sflag:$0x1] =	stream.indirect.gather [hbm4b:s7+s8], $0x80, s31, s8, $0xb8;
	v63 =	vld [tilespmem:$0x0]  }
0xf3: {  	_ =	swait.ge [sflag:s17], $0x2000  }
0xf4: {  	[sflag:s17] =	ssyncset.done $0x0  }
0xf5: {  	s31 =	sor.u32 $0x1380, s30;
	[sflag:s17] =	ssyncadd.s32 $0xFFFFE000  }
0xf6: {  	[spmem:s2] =	stream.indirect.scatter.add.f32 [tilespmem:s11], [sflag:$0x8], $0x80, s31, s8, $0xb8;
	v63 =	vld [tilespmem:$0x0]  }
0xf7: {  	_ =	swait.ge [sflag:s18], $0x2000  }
0xf8: {  	[sflag:s18] =	ssyncset.done $0x0  }
0xf9: {  	s31 =	sor.u32 $0x580, s30;
	[sflag:s18] =	ssyncadd.s32 $0xFFFFE000  }
0xfa: {  	[tilespmem:s10], [sflag:$0x2] =	stream.indirect.gather [hbm4b:s7+s8], $0x80, s31, s8, $0xb8;
	v63 =	vld [tilespmem:$0x0]  }
0xfb: {  	_ =	swait.ge [sflag:s19], $0x2000  }
0xfc: {  	[sflag:s19] =	ssyncset.done $0x0  }
0xfd: {  	s31 =	sor.u32 $0x1400, s30;
	[sflag:s19] =	ssyncadd.s32 $0xFFFFE000  }
0xfe: {  	[spmem:s2] =	stream.indirect.scatter.add.f32 [tilespmem:s12], [sflag:$0x9], $0x80, s31, s8, $0xb8;
	v63 =	vld [tilespmem:$0x0]  }
0xff: {  	_ =	swait.ge [sflag:s20], $0x2000  }
0x100: {  	[sflag:s20] =	ssyncset.done $0x0  }
0x101: {  	s31 =	sor.u32 $0x600, s30;
	[sflag:s20] =	ssyncadd.s32 $0xFFFFE000  }
0x102: {  	[tilespmem:s11], [sflag:$0x3] =	stream.indirect.gather [hbm4b:s7+s8], $0x80, s31, s8, $0xb8;
	v63 =	vld [tilespmem:$0x0]  }
0x103: {  	_ =	swait.ge [sflag:s21], $0x2000  }
0x104: {  	[sflag:s21] =	ssyncset.done $0x0  }
0x105: {  	s31 =	sor.u32 $0x1480, s30;
	[sflag:s21] =	ssyncadd.s32 $0xFFFFE000  }
0x106: {  	[spmem:s2] =	stream.indirect.scatter.add.f32 [tilespmem:s14], [sflag:$0xA], $0x80, s31, s8, $0xb8;
	v63 =	vld [tilespmem:$0x0]  }
0x107: {  	_ =	swait.ge [sflag:s22], $0x2000  }
0x108: {  	[sflag:s22] =	ssyncset.done $0x0  }
0x109: {  	s31 =	sor.u32 $0x680, s30;
	[sflag:s22] =	ssyncadd.s32 $0xFFFFE000  }
0x10a: {  	[tilespmem:s12], [sflag:$0x4] =	stream.indirect.gather [hbm4b:s7+s8], $0x80, s31, s8, $0xb8;
	v63 =	vld [tilespmem:$0x0]  }
0x10b: {  	_ =	swait.ge [sflag:s13], $0x2000  }
0x10c: {  	[sflag:s13] =	ssyncset.done $0x0  }
0x10d: {  	s31 =	sor.u32 $0x1500, s30;
	[sflag:s13] =	ssyncadd.s32 $0xFFFFE000  }
0x10e: {  	[spmem:s2] =	stream.indirect.scatter.add.f32 [tilespmem:s9], [sflag:$0x6], $0x80, s31, s8, $0xb8;
	v63 =	vld [tilespmem:$0x0]  }
0x10f: {  	_ =	swait.ge [sflag:s23], $0x2000  }
0x110: {  	[sflag:s23] =	ssyncset.done $0x0  }
0x111: {  	s31 =	sor.u32 $0x700, s30;
	[sflag:s23] =	ssyncadd.s32 $0xFFFFE000  }
0x112: {  	[tilespmem:s14], [sflag:$0x5] =	stream.indirect.gather [hbm4b:s7+s8], $0x80, s31, s8, $0xb8;
	v63 =	vld [tilespmem:$0x0]  }
0x113: {  	_ =	swait.ge [sflag:s15], $0x2000  }
0x114: {  	[sflag:s15] =	ssyncset.done $0x0  }
0x115: {  	s31 =	sor.u32 $0x1580, s30;
	[sflag:s15] =	ssyncadd.s32 $0xFFFFE000  }
0x116: {  	[spmem:s2] =	stream.indirect.scatter.add.f32 [tilespmem:s10], [sflag:$0x7], $0x80, s31, s8, $0xb8;
	v63 =	vld [tilespmem:$0x0]  }
0x117: {  	_ =	swait.ge [sflag:s16], $0x2000  }
0x118: {  	[sflag:s16] =	ssyncset.done $0x0  }
0x119: {  	s31 =	sor.u32 $0x780, s30;
	[sflag:s16] =	ssyncadd.s32 $0xFFFFE000  }
0x11a: {  	[tilespmem:s9], [sflag:$0x1] =	stream.indirect.gather [hbm4b:s7+s8], $0x80, s31, s8, $0xb8;
	v63 =	vld [tilespmem:$0x0]  }
0x11b: {  	_ =	swait.ge [sflag:s17], $0x2000  }
0x11c: {  	[sflag:s17] =	ssyncset.done $0x0  }
0x11d: {  	s31 =	sor.u32 $0x1600, s30;
	[sflag:s17] =	ssyncadd.s32 $0xFFFFE000  }
0x11e: {  	[spmem:s2] =	stream.indirect.scatter.add.f32 [tilespmem:s11], [sflag:$0x8], $0x80, s31, s8, $0xb8;
	v63 =	vld [tilespmem:$0x0]  }
0x11f: {  	_ =	swait.ge [sflag:s19], $0x2000  }
0x120: {  	[sflag:s19] =	ssyncset.done $0x0  }
0x121: {  	s31 =	sor.u32 $0x1680, s30;
	[sflag:s19] =	ssyncadd.s32 $0xFFFFE000  }
0x122: {  	[spmem:s2] =	stream.indirect.scatter.add.f32 [tilespmem:s12], [sflag:$0x9], $0x80, s31, s8, $0xb8;
	v63 =	vld [tilespmem:$0x0]  }
0x123: {  	_ =	swait.ge [sflag:s21], $0x2000  }
0x124: {  	[sflag:s21] =	ssyncset.done $0x0  }
0x125: {  	s31 =	sor.u32 $0x1700, s30;
	[sflag:s21] =	ssyncadd.s32 $0xFFFFE000  }
0x126: {  	[spmem:s2] =	stream.indirect.scatter.add.f32 [tilespmem:s14], [sflag:$0xA], $0x80, s31, s8, $0xb8;
	v63 =	vld [tilespmem:$0x0]  }
0x127: {  	_ =	swait.ge [sflag:s13], $0x2000  }
0x128: {  	[sflag:s13] =	ssyncset.done $0x0  }
0x129: {  	p1 =	seq.s32 s29, $0x9800;
	s31 =	sor.u32 $0x1780, s30;
	[sflag:s13] =	ssyncadd.s32 $0xFFFFE000  }
0x12a: {  	[spmem:s2] =	stream.indirect.scatter.add.f32 [tilespmem:s9], [sflag:$0x6], $0x80, s31, s8, $0xb8;
	v63 =	vld [tilespmem:$0x0]  }
0x12b: {  	s29 =	sxor.u32 @!p1 $0x800, s30;
	s30 =	simm.s32 @!p1 $0x0  }
0x12c: {  	[tilespmem:s29], [sflag:$0xB] =	stream.linear.gather @!p1 [hbm4b:s26+s30], $0x800, $0x38;
	v63 =	vld [tilespmem:$0x0]  }
0x12d: {  	s29 =	sor.u32 @!p1 $0x1000, s29  }
0x12e: {  	[tilespmem:s29], [sflag:$0xC] =	stream.linear.gather @!p1 [hbm4b:s24+s30], $0x800, $0x38;
	v63 =	vld [tilespmem:$0x0]  }
0x12f: {  	_ =	swait.ge [sflag:s18], $0x2000  }
0x130: {  	[sflag:s18] =	ssyncset.done $0x0  }
0x131: {  	[sflag:s18] =	ssyncadd.s32 $0xFFFFE000  }
0x132: {  	_ =	swait.ge [sflag:s20], $0x2000  }
0x133: {  	[sflag:s20] =	ssyncset.done $0x0  }
0x134: {  	[sflag:s20] =	ssyncadd.s32 $0xFFFFE000  }
0x135: {  	_ =	swait.ge [sflag:s22], $0x2000  }
0x136: {  	[sflag:s22] =	ssyncset.done $0x0  }
0x137: {  	[sflag:s22] =	ssyncadd.s32 $0xFFFFE000  }
.Ltmp0:
0x138: {  	_ =	swait.ge [sflag:s23], $0x2000;
	(pc) =	sbr.rel @p0 .LBB2_1-.Ltmp0, $4  }
0x139: {  	[sflag:s23] =	ssyncset.done $0x0  }
0x13a: {  	[sflag:s23] =	ssyncadd.s32 $0xFFFFE000  }
0x13b: {  	_ =	swait.ge [sflag:s16], $0x2000  }
0x13c: {  	s26 =	sadd.s32 $0x100, s26;
	[sflag:s16] =	ssyncset.done $0x0  }
0x13d: {  	s2 =	smul.u32 $0x2800, s0  }
0x13e: {  	[sflag:s16] =	ssyncadd.s32 $0xFFFFE000  }
0x13f: {  	s31 =	simm.s32 $0xD;
	[bflag:$0x0] =	sbarrier.arrive $0xFFFF;
	s2 =	sadd.s32 s25, s2  }
0x140: {  	[hbm:s2], [sflag:s3] =	dma.local [spmem:s4], $0x2800  }
0x141: {  	_ =	swait.ge [sflag:s31], $0x2800  }
0x142: {  	[sflag:s31] =	ssyncset.done $0x0  }
0x143: {  	[sflag:s31] =	ssyncadd.s32 $0xFFFFD800  }
0x144: {  	_ =	sfence.sel $0x180000  }
0x145: {  	[bflag:$0x0] =	sbarrier.arrive $0xFFFF  }
0x146: {  	p0 =	sne.s32 s0, $0x0;
	_ =	strace $0x90000053  }
0x147: {  	s0 =	sadd.s32 @!p0 $0x100000, s1;
	[bflag:$0x2] =	sbarrier.arrive $0xFFFF  }
0x148: {  	[sflag:s0] =	ssyncadd.tile.s32 @!p0 $0x1;
	_ =	shalt  }
.Lfunc_end2:
_tile_overlayer_lowered:
.L_overlay_start_2:
0x149: {  	(tag) =	ssettag $0x2  }
0x14a: {  	s0 =	rddreg [dreg:$0x0];
	s2 =	stileid.u32  }
0x14b: {  	s1 =	rddreg [dreg:$0x1];
	p0 =	sne.s32 s2, $0x0  }
0x14c: {  	s3 =	rddreg [dreg:$0x2];
	[bflag:$0x3] =	sbarrier.arrive $0xFFFF;
	s2 =	simm.s32 @!p0 $0x1C0D  }
0x14d: {  	[timem:s3], [sflag:s2] =	dma.local @!p0 [hbm:s0], s1  }
0x14e: {  	s0 =	simm.s32 @!p0 $0xD  }
0x14f: {  	_ =	swait.ge @!p0 [sflag:s0], s1  }
0x150: {  	s1 =	ssub.s32 @!p0 $0x0, s1;
	[sflag:s0] =	ssyncset.done @!p0 $0x0  }
0x151: {  	[sflag:s0] =	ssyncadd.s32 @!p0 s1  }
0x152: {  	[bflag:$0x3] =	sbarrier.arrive $0xFFFF  }
0x153: {  	_ =	shalt  }

</sc_bundles>
